<compile_context>
chip_gen: v7x
topology: tpu7x:2x2x1
jax: 0.10.2.dev20260603
libtpu: 0.0.44.dev20260713+nightly
codegen_flags: <defaults>
</compile_context>

<pallas_src>
import functools

import jax
import jax.numpy as jnp
from jax import lax
from jax.experimental import pallas as pl
from jax.experimental.pallas import tpu as pltpu
from jax.experimental.pallas import tpu_sc as plsc

N = 10000
E = 320000
H = 128
HH = H // 2
NC = 2
NS = 16
NPAD = 10240
RPT = NPAD // NS
CHUNK = 128
NCHUNK = 160
EPAD = NS * NCHUNK * CHUNK - E
DEGC = NCHUNK // NC
NBUF = 5

_MESH = dict(core_axis_name="c", subcore_axis_name="s")

_DOT = functools.partial(jnp.dot, preferred_element_type=jnp.float32)



def _deg_body(dst_hbm, out_hbm, dst_v, ones_v, zfill, deg_sh, _sem):
    c = lax.axis_index("c")
    s = lax.axis_index("s")
    pltpu.sync_copy(dst_hbm.at[s], dst_v)
    one16 = jnp.ones((16,), jnp.float32)
    zero16 = jnp.zeros((16,), jnp.float32)
    for i in range(CHUNK // 16):
        ones_v[pl.ds(i * 16, 16)] = one16

    def zb(i, _):
        zfill[pl.ds(i * 16, 16)] = zero16
        return 0
    lax.fori_loop(0, RPT // 16, zb, 0)
    pltpu.sync_copy(zfill, deg_sh.at[pl.ds(s * RPT, RPT)])
    plsc.subcore_barrier()

    def chunk(j, _):
        pltpu.sync_copy(ones_v.at[pl.ds(0, CHUNK)],
                        deg_sh.at[dst_v.at[c * DEGC + j]], add=True)
        return 0
    lax.fori_loop(0, DEGC, chunk, 0)
    plsc.subcore_barrier()
    pltpu.sync_copy(deg_sh.at[pl.ds(s * RPT, RPT)],
                    out_hbm.at[pl.ds(c * NPAD + s * RPT, RPT)])


@functools.lru_cache(None)
def _deg_kernel():
    return functools.partial(
        pl.kernel,
        out_type=jax.ShapeDtypeStruct((NC * NPAD,), jnp.float32),
        mesh=plsc.VectorSubcoreMesh(**_MESH),
        scratch_types=[
            pltpu.VMEM((NCHUNK, CHUNK), jnp.int32),
            pltpu.VMEM((CHUNK,), jnp.float32),
            pltpu.VMEM((RPT,), jnp.float32),
            pltpu.VMEM_SHARED((NPAD,), jnp.float32),
            pltpu.SemaphoreType.DMA,
        ],
    )(_deg_body)


def _edge_body(src_hbm, dst_hbm, z_hbm, out_hbm,
               src_v, dst_v, bufs, zfill, acc_sh, gsems, ssems):
    c = lax.axis_index("c")
    s = lax.axis_index("s")
    pltpu.sync_copy(src_hbm.at[s], src_v)
    pltpu.sync_copy(dst_hbm.at[s], dst_v)
    zero16 = jnp.zeros((16,), jnp.float32)

    def zb(i, _):
        zfill[i // 4, pl.ds((i % 4) * 16, 16)] = zero16
        return 0
    lax.fori_loop(0, CHUNK * (HH // 16), zb, 0)

    @pl.when(s < NS - 1)
    def _():
        pltpu.sync_copy(z_hbm.at[c].at[pl.ds(s * RPT, RPT)],
                        acc_sh.at[pl.ds(s * RPT, RPT)])

    @pl.when(s == NS - 1)
    def _():
        last = (NS - 1) * RPT
        pltpu.sync_copy(z_hbm.at[c].at[pl.ds(last, N - last)],
                        acc_sh.at[pl.ds(last, N - last)])
        pltpu.sync_copy(zfill, acc_sh.at[pl.ds(N, CHUNK)])
        pltpu.sync_copy(zfill.at[pl.ds(0, NPAD - N - CHUNK)],
                        acc_sh.at[pl.ds(N + CHUNK, NPAD - N - CHUNK)])
    plsc.subcore_barrier()

    def fire_gather(j, b):
        pltpu.async_copy(z_hbm.at[c].at[src_v.at[j]], bufs[b], gsems[b])

    def wait_gather(j, b):
        pltpu.make_async_copy(z_hbm.at[c].at[src_v.at[j]], bufs[b],
                              gsems[b]).wait()

    def fire_scatter(j, b):
        pltpu.async_copy(bufs[b], acc_sh.at[dst_v.at[j]], ssems[b], add=True)

    def wait_scatter(j, b):
        pltpu.make_async_copy(bufs[b], acc_sh.at[dst_v.at[j]],
                              ssems[b]).wait()

    for b in range(NBUF):
        fire_gather(b, b)

    def ring(g, _):
        j = g * NBUF
        for b in range(NBUF):
            wait_gather(j + b, b)
            fire_scatter(j + b, b)
        for b in range(NBUF):
            wait_scatter(j + b, b)
            fire_gather(j + NBUF + b, b)
        return 0
    lax.fori_loop(0, NCHUNK // NBUF - 1, ring, 0)
    j_last = NCHUNK - NBUF
    for b in range(NBUF):
        wait_gather(j_last + b, b)
        fire_scatter(j_last + b, b)
    for b in range(NBUF):
        wait_scatter(j_last + b, b)
    plsc.subcore_barrier()
    pltpu.sync_copy(acc_sh.at[pl.ds(s * RPT, RPT)],
                    out_hbm.at[pl.ds(c * NPAD + s * RPT, RPT)])


@functools.lru_cache(None)
def _edge_kernel():
    return functools.partial(
        pl.kernel,
        out_type=jax.ShapeDtypeStruct((NC * NPAD, HH), jnp.float32),
        mesh=plsc.VectorSubcoreMesh(**_MESH),
        compiler_params=pltpu.CompilerParams(use_tc_tiling_on_sc=False),
        scratch_types=[
            pltpu.VMEM((NCHUNK, CHUNK), jnp.int32),
            pltpu.VMEM((NCHUNK, CHUNK), jnp.int32),
            [pltpu.VMEM((CHUNK, HH), jnp.float32) for _ in range(NBUF)],
            pltpu.VMEM((CHUNK, HH), jnp.float32),
            pltpu.VMEM_SHARED((NPAD, HH), jnp.float32),
            [pltpu.SemaphoreType.DMA for _ in range(NBUF)],
            [pltpu.SemaphoreType.DMA for _ in range(NBUF)],
        ],
    )(_edge_body)



BLK = 2048
GRID = NPAD // BLK

_row_spec = pl.BlockSpec((BLK, H), lambda i: (i, 0))
_col_spec = pl.BlockSpec((BLK, 1), lambda i: (i, 0))
_half_spec = pl.BlockSpec((2, BLK, HH), lambda i: (0, i, 0))
_full_spec = pl.BlockSpec((H, H), lambda i: (0, 0))
_vec_spec = pl.BlockSpec((1, H), lambda i: (0, 0))

_z_shape = jax.ShapeDtypeStruct((NC, N, HH), jnp.float32)
_h_shape = jax.ShapeDtypeStruct((N, H), jnp.float32)


def _split_z(z_ref, z):
    z_ref[0] = z[:, :HH]
    z_ref[1] = z[:, HH:]


_parts_spec = pl.BlockSpec((2, BLK, 1), lambda i: (0, i, 0))


def _h0_body(x_ref, w_ref, b_ref, h_ref):
    h_ref[...] = _DOT(x_ref[...], w_ref[...]) + b_ref[...]


def _tc_h0(x, in_W, in_b1):
    return pl.pallas_call(
        _h0_body,
        grid=(GRID,),
        in_specs=[_row_spec, _full_spec, _vec_spec],
        out_specs=_row_spec,
        out_shape=_h_shape,
    )(x, in_W, in_b1)


def _z0_body(parts_ref, h_ref, gw_ref, z_ref, dinv_ref):
    dinv = lax.rsqrt(parts_ref[0] + parts_ref[1] + 1.0)
    dinv_ref[...] = dinv
    _split_z(z_ref, dinv * _DOT(h_ref[...], gw_ref[...]))


def _tc_z0(parts3, h, gW0):
    return pl.pallas_call(
        _z0_body,
        grid=(GRID,),
        in_specs=[_parts_spec, _row_spec, _full_spec],
        out_specs=[_half_spec, _col_spec],
        out_shape=[_z_shape,
                   jax.ShapeDtypeStruct((NPAD, 1), jnp.float32)],
    )(parts3, h, gW0)


def _post_conv(acc_ref, h_ref, dinv_ref, gb_ref, lg_ref, lb_ref):
    a = jnp.concatenate([acc_ref[0], acc_ref[1]], axis=-1)
    conv = dinv_ref[...] * a + gb_ref[...]
    mu = jnp.mean(conv, axis=-1, keepdims=True)
    d = conv - mu
    var = jnp.mean(d * d, axis=-1, keepdims=True)
    y = d * lax.rsqrt(var + 1e-5) * lg_ref[...] + lb_ref[...]
    return h_ref[...] + jnp.maximum(y, 0.0)


def _mid_body(acc_ref, h_ref, dinv_ref, gb_ref, lg_ref, lb_ref, gw_ref,
              hn_ref, zn_ref):
    h_new = _post_conv(acc_ref, h_ref, dinv_ref, gb_ref, lg_ref, lb_ref)
    hn_ref[...] = h_new
    _split_z(zn_ref, dinv_ref[...] * _DOT(h_new, gw_ref[...]))


def _tc_mid(acc, h, dinv2, gb1, lg1, lb1, gWn):
    return pl.pallas_call(
        _mid_body,
        grid=(GRID,),
        in_specs=[_half_spec, _row_spec, _col_spec,
                  _vec_spec, _vec_spec, _vec_spec, _full_spec],
        out_specs=[_row_spec, _half_spec],
        out_shape=[_h_shape, _z_shape],
    )(acc, h, dinv2, gb1, lg1, lb1, gWn)


def _final_body(acc_ref, h_ref, dinv_ref, gb_ref, lg_ref, lb_ref,
                ow_ref, ob_ref, out_ref):
    h_new = _post_conv(acc_ref, h_ref, dinv_ref, gb_ref, lg_ref, lb_ref)
    out_ref[...] = _DOT(h_new, ow_ref[...]) + ob_ref[...]


def _tc_final(acc, h, dinv2, gb1, lg1, lb1, out_W, out_b1):
    return pl.pallas_call(
        _final_body,
        grid=(GRID,),
        in_specs=[_half_spec, _row_spec, _col_spec,
                  _vec_spec, _vec_spec, _vec_spec, _full_spec, _vec_spec],
        out_specs=pl.BlockSpec((BLK, H), lambda i: (i, 0)),
        out_shape=_h_shape,
    )(acc, h, dinv2, gb1, lg1, lb1, out_W, out_b1)



def kernel(x, edge_index, in_W, in_b,
           gcn_W0, gcn_b0, ln_g0, ln_b0,
           gcn_W1, gcn_b1, ln_g1, ln_b1,
           gcn_W2, gcn_b2, ln_g2, ln_b2,
           out_W, out_b):
    pad_i = jnp.arange(EPAD, dtype=jnp.int32)
    src3 = jnp.concatenate(
        [edge_index[0].astype(jnp.int32), pad_i % N]).reshape(NS, NCHUNK, CHUNK)
    dst3 = jnp.concatenate(
        [edge_index[1].astype(jnp.int32),
         N + pad_i % (NPAD - N)]).reshape(NS, NCHUNK, CHUNK)

    degp = _deg_kernel()(dst3)
    h = _tc_h0(x, in_W, in_b.reshape(1, H))
    z, dinv2 = _tc_z0(degp.reshape(NC, NPAD, 1), h, gcn_W0)

    layers = [(gcn_b0, ln_g0, ln_b0, gcn_W1),
              (gcn_b1, ln_g1, ln_b1, gcn_W2)]
    for gb, lg, lb, gWn in layers:
        acc = _edge_kernel()(src3, dst3, z).reshape(NC, NPAD, HH)
        h, z = _tc_mid(acc, h, dinv2, gb.reshape(1, H),
                       lg.reshape(1, H), lb.reshape(1, H), gWn)

    acc = _edge_kernel()(src3, dst3, z).reshape(NC, NPAD, HH)
    return _tc_final(acc, h, dinv2, gcn_b2.reshape(1, H),
                     ln_g2.reshape(1, H), ln_b2.reshape(1, H),
                     out_W, out_b.reshape(1, H))

# --- scband reference (transcript-rebuilt; emitter-appended) ---
"""Pipeline reference for scband-graph-model-21062519619885 (READ-ONLY COPY).

The authoritative reference and input builder live on the scoring server;
editing this copy changes nothing except your own understanding.
"""

import jax, jax.numpy as jnp
import numpy as np

N = 10000
E = 320000
D = 128
H = 128
N_LAYERS = 3


def setup_inputs(seed: int = 0) -> dict:
    key = jax.random.key(seed)
    ks = jax.random.split(key, 2 + 2 + 4 * N_LAYERS)
    inp = {}
    inp['x'] = jax.random.normal(ks[0], (N, D), dtype=jnp.float32)
    inp['edge_index'] = jax.random.randint(ks[1], (2, E), 0, N)
    inp['in_W'] = jax.random.normal(ks[2], (D, H), dtype=jnp.float32) * 0.05
    inp['in_b'] = jnp.zeros((H,), dtype=jnp.float32)
    for i in range(N_LAYERS):
        inp[f'gcn_W{i}'] = jax.random.normal(ks[4 + 4 * i], (H, H), dtype=jnp.float32) * 0.05
        inp[f'gcn_b{i}'] = jnp.zeros((H,), dtype=jnp.float32)
        inp[f'ln_g{i}'] = jnp.ones((H,), dtype=jnp.float32)
        inp[f'ln_b{i}'] = jnp.zeros((H,), dtype=jnp.float32)
    inp['out_W'] = jax.random.normal(ks[3], (H, D), dtype=jnp.float32) * 0.05
    inp['out_b'] = jnp.zeros((D,), dtype=jnp.float32)
    return inp


def _gcn_conv(x, edge_index, W, b):
    # PyG GCNConv: x' = D^{-1/2} (A + I) D^{-1/2} X W + b
    x = x @ W
    loops = jnp.arange(N, dtype=edge_index.dtype)
    src = jnp.concatenate([edge_index[0], loops])
    dst = jnp.concatenate([edge_index[1], loops])
    deg = jax.ops.segment_sum(jnp.ones_like(dst, dtype=x.dtype), dst, num_segments=N)
    dinv = jnp.where(deg > 0, deg ** -0.5, 0.0)
    norm = dinv[src] * dinv[dst]
    out = jax.ops.segment_sum(x[src] * norm[:, None], dst, num_segments=N)
    return out + b


def _layernorm(x, g, b):
    mu = jnp.mean(x, axis=-1, keepdims=True)
    var = jnp.var(x, axis=-1, keepdims=True)
    return (x - mu) / jnp.sqrt(var + 1e-5) * g + b


def reference(x, edge_index, in_W, in_b,
              gcn_W0, gcn_b0, ln_g0, ln_b0,
              gcn_W1, gcn_b1, ln_g1, ln_b1,
              gcn_W2, gcn_b2, ln_g2, ln_b2,
              out_W, out_b):
    h = x @ in_W + in_b
    blocks = [(gcn_W0, gcn_b0, ln_g0, ln_b0),
              (gcn_W1, gcn_b1, ln_g1, ln_b1),
              (gcn_W2, gcn_b2, ln_g2, ln_b2)]
    for (gW, gb, lg, lb) in blocks:
        y = _gcn_conv(h, edge_index, gW, gb)
        y = _layernorm(y, lg, lb)
        y = jax.nn.relu(y)
        # dropout_prob = 0.0 -> identity
        h = h + y
    return h @ out_W + out_b

if __name__ == "__main__":
    import jax
    _d = setup_inputs()
    print(jax.jit(kernel)(*tuple(_d.values())))

</pallas_src>

<mosaic_0001>
#map = affine_map<(d0, d1) -> (0, 0, 0)>
#map1 = affine_map<(d0, d1) -> (0)>
module attributes {stable_mosaic.version = 14 : i64} {
  func.func @_deg_body(%arg0: i32, %arg1: i32, %arg2: memref<16x160x128xi32, #tpu.memory_space<hbm>>, %arg3: memref<20480xf32, #tpu.memory_space<hbm>>, %arg4: memref<160x128xi32, #tpu.memory_space<vmem>>, %arg5: memref<128xf32, #tpu.memory_space<vmem>>, %arg6: memref<640xf32, #tpu.memory_space<vmem>>, %arg7: memref<10240xf32, #tpu.memory_space<vmem_shared>>, %arg8: memref<!tpu.dma_semaphore, #tpu.memory_space<semaphore_mem>>) attributes {dimension_semantics = [#tpu.dimension_semantics<core_parallel>, #tpu.dimension_semantics<subcore_parallel>], iteration_bounds = array<i64: 2, 16>, scalar_prefetch = 0 : i64, scratch_operands = 5 : i64, tpu.core_type = #tpu.core_type<sc_vector_subcore>, window_params = [{transform_indices = #map}, {transform_indices = #map1}]} {
    "tpu.region"() ({
      %run_scoped3A = tpu.sem_alloc : memref<!tpu.dma_semaphore, #tpu.memory_space<semaphore_mem>>
      %dma_start3A = arith.constant 0 : i32
      %dma_start3A_55 = arith.constant 0 : i32
      %dma_start3A_56 = tpu.memref_slice %arg2[%arg1, %dma_start3A, %dma_start3A_55] : memref<16x160x128xi32, #tpu.memory_space<hbm>> -> memref<1x160x128xi32, #tpu.memory_space<hbm>>
      %dma_start3A_57 = tpu.memref_squeeze %dma_start3A_56 : memref<1x160x128xi32, #tpu.memory_space<hbm>> -> memref<160x128xi32, #tpu.memory_space<hbm>>
      %dma_start3A_58 = arith.constant 0 : i32
      %dma_start3A_59 = arith.constant 0 : i32
      %dma_start3A_60 = tpu.memref_slice %arg2[%arg1, %dma_start3A_58, %dma_start3A_59] : memref<16x160x128xi32, #tpu.memory_space<hbm>> -> memref<1x160x128xi32, #tpu.memory_space<hbm>>
      %dma_start3A_61 = tpu.memref_squeeze %dma_start3A_60 : memref<1x160x128xi32, #tpu.memory_space<hbm>> -> memref<160x128xi32, #tpu.memory_space<hbm>>
      tpu.enqueue_dma source(%dma_start3A_61 : memref<160x128xi32, #tpu.memory_space<hbm>>) target(%arg4 : memref<160x128xi32, #tpu.memory_space<vmem>>) target_semaphore(%run_scoped3A : memref<!tpu.dma_semaphore, #tpu.memory_space<semaphore_mem>>)
      %dma_wait3A = arith.constant 0 : i32
      %dma_wait3A_62 = arith.constant 0 : i32
      %dma_wait3A_63 = tpu.memref_slice %arg2[%arg1, %dma_wait3A, %dma_wait3A_62] : memref<16x160x128xi32, #tpu.memory_space<hbm>> -> memref<1x160x128xi32, #tpu.memory_space<hbm>>
      %dma_wait3A_64 = tpu.memref_squeeze %dma_wait3A_63 : memref<1x160x128xi32, #tpu.memory_space<hbm>> -> memref<160x128xi32, #tpu.memory_space<hbm>>
      %dma_wait3A_65 = arith.constant 0 : i32
      %dma_wait3A_66 = arith.constant 0 : i32
      %dma_wait3A_67 = tpu.memref_slice %arg2[%arg1, %dma_wait3A_65, %dma_wait3A_66] : memref<16x160x128xi32, #tpu.memory_space<hbm>> -> memref<1x160x128xi32, #tpu.memory_space<hbm>>
      %dma_wait3A_68 = tpu.memref_squeeze %dma_wait3A_67 : memref<1x160x128xi32, #tpu.memory_space<hbm>> -> memref<160x128xi32, #tpu.memory_space<hbm>>
      tpu.wait_dma2 semaphore(%run_scoped3A : memref<!tpu.dma_semaphore, #tpu.memory_space<semaphore_mem>>) src(%dma_wait3A_68 : memref<160x128xi32, #tpu.memory_space<hbm>>) dst(%arg4 : memref<160x128xi32, #tpu.memory_space<vmem>>)
      tpu.yield
    }) : () -> ()
    %broadcast_in_dim3A = arith.constant 1.000000e+00 : f32
    %broadcast_in_dim3A_0 = vector.broadcast %broadcast_in_dim3A : f32 to vector<16xf32>
    %broadcast_in_dim3A_1 = arith.constant 0.000000e+00 : f32
    %broadcast_in_dim3A_2 = vector.broadcast %broadcast_in_dim3A_1 : f32 to vector<16xf32>
    %swap3A = arith.constant 0 : index
    %swap3A_3 = tpu.vector_load %arg5[%swap3A] {strides = array<i32>} : memref<128xf32, #tpu.memory_space<vmem>>, vector<16xf32>,
    %swap3A_4 = vector.shape_cast %swap3A_3 : vector<16xf32> to vector<16xf32>
    %swap3A_5 = vector.shape_cast %broadcast_in_dim3A_0 : vector<16xf32> to vector<16xf32>
    tpu.vector_store %arg5[%swap3A], %swap3A_5 {strides = array<i32>} : memref<128xf32, #tpu.memory_space<vmem>>, vector<16xf32>,
    %swap3A_6 = arith.constant 16 : index
    %swap3A_7 = tpu.vector_load %arg5[%swap3A_6] {strides = array<i32>} : memref<128xf32, #tpu.memory_space<vmem>>, vector<16xf32>,
    %swap3A_8 = vector.shape_cast %swap3A_7 : vector<16xf32> to vector<16xf32>
    %swap3A_9 = vector.shape_cast %broadcast_in_dim3A_0 : vector<16xf32> to vector<16xf32>
    tpu.vector_store %arg5[%swap3A_6], %swap3A_9 {strides = array<i32>} : memref<128xf32, #tpu.memory_space<vmem>>, vector<16xf32>,
    %swap3A_10 = arith.constant 32 : index
    %swap3A_11 = tpu.vector_load %arg5[%swap3A_10] {strides = array<i32>} : memref<128xf32, #tpu.memory_space<vmem>>, vector<16xf32>,
    %swap3A_12 = vector.shape_cast %swap3A_11 : vector<16xf32> to vector<16xf32>
    %swap3A_13 = vector.shape_cast %broadcast_in_dim3A_0 : vector<16xf32> to vector<16xf32>
    tpu.vector_store %arg5[%swap3A_10], %swap3A_13 {strides = array<i32>} : memref<128xf32, #tpu.memory_space<vmem>>, vector<16xf32>,
    %swap3A_14 = arith.constant 48 : index
    %swap3A_15 = tpu.vector_load %arg5[%swap3A_14] {strides = array<i32>} : memref<128xf32, #tpu.memory_space<vmem>>, vector<16xf32>,
    %swap3A_16 = vector.shape_cast %swap3A_15 : vector<16xf32> to vector<16xf32>
    %swap3A_17 = vector.shape_cast %broadcast_in_dim3A_0 : vector<16xf32> to vector<16xf32>
    tpu.vector_store %arg5[%swap3A_14], %swap3A_17 {strides = array<i32>} : memref<128xf32, #tpu.memory_space<vmem>>, vector<16xf32>,
    %swap3A_18 = arith.constant 64 : index
    %swap3A_19 = tpu.vector_load %arg5[%swap3A_18] {strides = array<i32>} : memref<128xf32, #tpu.memory_space<vmem>>, vector<16xf32>,
    %swap3A_20 = vector.shape_cast %swap3A_19 : vector<16xf32> to vector<16xf32>
    %swap3A_21 = vector.shape_cast %broadcast_in_dim3A_0 : vector<16xf32> to vector<16xf32>
    tpu.vector_store %arg5[%swap3A_18], %swap3A_21 {strides = array<i32>} : memref<128xf32, #tpu.memory_space<vmem>>, vector<16xf32>,
    %swap3A_22 = arith.constant 80 : index
    %swap3A_23 = tpu.vector_load %arg5[%swap3A_22] {strides = array<i32>} : memref<128xf32, #tpu.memory_space<vmem>>, vector<16xf32>,
    %swap3A_24 = vector.shape_cast %swap3A_23 : vector<16xf32> to vector<16xf32>
    %swap3A_25 = vector.shape_cast %broadcast_in_dim3A_0 : vector<16xf32> to vector<16xf32>
    tpu.vector_store %arg5[%swap3A_22], %swap3A_25 {strides = array<i32>} : memref<128xf32, #tpu.memory_space<vmem>>, vector<16xf32>,
    %swap3A_26 = arith.constant 96 : index
    %swap3A_27 = tpu.vector_load %arg5[%swap3A_26] {strides = array<i32>} : memref<128xf32, #tpu.memory_space<vmem>>, vector<16xf32>,
    %swap3A_28 = vector.shape_cast %swap3A_27 : vector<16xf32> to vector<16xf32>
    %swap3A_29 = vector.shape_cast %broadcast_in_dim3A_0 : vector<16xf32> to vector<16xf32>
    tpu.vector_store %arg5[%swap3A_26], %swap3A_29 {strides = array<i32>} : memref<128xf32, #tpu.memory_space<vmem>>, vector<16xf32>,
    %swap3A_30 = arith.constant 112 : index
    %swap3A_31 = tpu.vector_load %arg5[%swap3A_30] {strides = array<i32>} : memref<128xf32, #tpu.memory_space<vmem>>, vector<16xf32>,
    %swap3A_32 = vector.shape_cast %swap3A_31 : vector<16xf32> to vector<16xf32>
    %swap3A_33 = vector.shape_cast %broadcast_in_dim3A_0 : vector<16xf32> to vector<16xf32>
    tpu.vector_store %arg5[%swap3A_30], %swap3A_33 {strides = array<i32>} : memref<128xf32, #tpu.memory_space<vmem>>, vector<16xf32>,
    %scan3A = arith.constant 0 : i32
    %scan3A_34 = arith.constant 0 : i32
    %scan3A_35 = arith.constant 40 : i32
    %scan3A_36 = arith.addi %scan3A_34, %scan3A_35 : i32
    %scan3A_37 = arith.constant 1 : i32
    %scan3A_38 = scf.for %scan3A_55 = %scan3A_34 to %scan3A_36 step %scan3A_37 iter_args(%scan3A_56 = %scan3A) -> (i32)  : i32 {
      %mul3A_57 = arith.constant 16 : i32
      %mul3A_58 = arith.muli %scan3A_55, %mul3A_57 : i32
      %swap3A_59 = arith.index_cast %mul3A_58 : i32 to index
      %swap3A_60 = tpu.vector_load %arg6[%swap3A_59] {strides = array<i32>} : memref<640xf32, #tpu.memory_space<vmem>>, vector<16xf32>,
      %swap3A_61 = vector.shape_cast %swap3A_60 : vector<16xf32> to vector<16xf32>
      %swap3A_62 = vector.shape_cast %broadcast_in_dim3A_2 : vector<16xf32> to vector<16xf32>
      tpu.vector_store %arg6[%swap3A_59], %swap3A_62 {strides = array<i32>} : memref<640xf32, #tpu.memory_space<vmem>>, vector<16xf32>,
      %scan3A_63 = arith.constant 0 : i32
      scf.yield %scan3A_63 : i32
    }
    %scan3A_39 = arith.constant 40 : i32
    %mul3A = arith.constant 640 : i32
    %mul3A_40 = arith.muli %arg1, %mul3A : i32
    "tpu.region"() ({
      %run_scoped3A = tpu.sem_alloc : memref<!tpu.dma_semaphore, #tpu.memory_space<semaphore_mem>>
      %dma_start3A = tpu.memref_slice %arg7[%mul3A_40] : memref<10240xf32, #tpu.memory_space<vmem_shared>> -> memref<640xf32, #tpu.memory_space<vmem_shared>>
      %dma_start3A_55 = tpu.memref_slice %arg7[%mul3A_40] : memref<10240xf32, #tpu.memory_space<vmem_shared>> -> memref<640xf32, #tpu.memory_space<vmem_shared>>
      tpu.enqueue_dma source(%arg6 : memref<640xf32, #tpu.memory_space<vmem>>) target(%dma_start3A_55 : memref<640xf32, #tpu.memory_space<vmem_shared>>) target_semaphore(%run_scoped3A : memref<!tpu.dma_semaphore, #tpu.memory_space<semaphore_mem>>)
      %dma_wait3A = tpu.memref_slice %arg7[%mul3A_40] : memref<10240xf32, #tpu.memory_space<vmem_shared>> -> memref<640xf32, #tpu.memory_space<vmem_shared>>
      %dma_wait3A_56 = tpu.memref_slice %arg7[%mul3A_40] : memref<10240xf32, #tpu.memory_space<vmem_shared>> -> memref<640xf32, #tpu.memory_space<vmem_shared>>
      tpu.wait_dma2 semaphore(%run_scoped3A : memref<!tpu.dma_semaphore, #tpu.memory_space<semaphore_mem>>) src(%arg6 : memref<640xf32, #tpu.memory_space<vmem>>) dst(%dma_wait3A_56 : memref<640xf32, #tpu.memory_space<vmem_shared>>)
      tpu.yield
    }) : () -> ()
    %barrier3A = arith.constant 0 : index
    tpu.barrier barrier_id(%barrier3A)
    %scan3A_41 = arith.constant 0 : i32
    %scan3A_42 = arith.constant 0 : i32
    %scan3A_43 = arith.constant 80 : i32
    %scan3A_44 = arith.addi %scan3A_42, %scan3A_43 : i32
    %scan3A_45 = arith.constant 1 : i32
    %scan3A_46 = scf.for %scan3A_55 = %scan3A_42 to %scan3A_44 step %scan3A_45 iter_args(%scan3A_56 = %scan3A_41) -> (i32)  : i32 {
      %mul3A_57 = arith.constant 80 : i32
      %mul3A_58 = arith.muli %arg0, %mul3A_57 : i32
      %add3A_59 = arith.addi %mul3A_58, %scan3A_55 : i32
      "tpu.region"() ({
        %run_scoped3A = tpu.sem_alloc : memref<!tpu.dma_semaphore, #tpu.memory_space<semaphore_mem>>
        %dma_start3A = arith.constant 0 : i32
        %dma_start3A_61 = tpu.memref_slice %arg5[%dma_start3A] : memref<128xf32, #tpu.memory_space<vmem>> -> memref<128xf32, #tpu.memory_space<vmem>>
        %dma_start3A_62 = arith.constant 0 : i32
        %dma_start3A_63 = tpu.memref_slice %arg4[%add3A_59, %dma_start3A_62] : memref<160x128xi32, #tpu.memory_space<vmem>> -> memref<1x128xi32, #tpu.memory_space<vmem>>
        %dma_start3A_64 = tpu.memref_squeeze %dma_start3A_63 : memref<1x128xi32, #tpu.memory_space<vmem>> -> memref<128xi32, #tpu.memory_space<vmem>>
        %dma_start3A_65 = arith.constant 0 : i32
        %dma_start3A_66 = tpu.memref_slice %arg7[%dma_start3A_65] : memref<10240xf32, #tpu.memory_space<vmem_shared>> -> memref<10240xf32, #tpu.memory_space<vmem_shared>>
        tpu.enqueue_indirect_dma source(%dma_start3A_61 : memref<128xf32, #tpu.memory_space<vmem>>) target(%dma_start3A_66 : memref<10240xf32, #tpu.memory_space<vmem_shared>>) offsets(%dma_start3A_64 : memref<128xi32, #tpu.memory_space<vmem>>) semaphore(%run_scoped3A : memref<!tpu.dma_semaphore, #tpu.memory_space<semaphore_mem>>) {add = true}
        %dma_wait3A = arith.constant 0 : i32
        %dma_wait3A_67 = tpu.memref_slice %arg5[%dma_wait3A] : memref<128xf32, #tpu.memory_space<vmem>> -> memref<128xf32, #tpu.memory_space<vmem>>
        %dma_wait3A_68 = arith.constant 0 : i32
        %dma_wait3A_69 = tpu.memref_slice %arg4[%add3A_59, %dma_wait3A_68] : memref<160x128xi32, #tpu.memory_space<vmem>> -> memref<1x128xi32, #tpu.memory_space<vmem>>
        %dma_wait3A_70 = tpu.memref_squeeze %dma_wait3A_69 : memref<1x128xi32, #tpu.memory_space<vmem>> -> memref<128xi32, #tpu.memory_space<vmem>>
        %dma_wait3A_71 = arith.constant 0 : i32
        %dma_wait3A_72 = tpu.memref_slice %arg7[%dma_wait3A_71] : memref<10240xf32, #tpu.memory_space<vmem_shared>> -> memref<10240xf32, #tpu.memory_space<vmem_shared>>
        tpu.wait_indirect_dma semaphore(%run_scoped3A : memref<!tpu.dma_semaphore, #tpu.memory_space<semaphore_mem>>) src(%dma_wait3A_67 : memref<128xf32, #tpu.memory_space<vmem>>) dst(%dma_wait3A_72 : memref<10240xf32, #tpu.memory_space<vmem_shared>>)
        tpu.yield
      }) : () -> ()
      %scan3A_60 = arith.constant 0 : i32
      scf.yield %scan3A_60 : i32
    }
    %scan3A_47 = arith.constant 80 : i32
    %barrier3A_48 = arith.constant 0 : index
    tpu.barrier barrier_id(%barrier3A_48)
    %mul3A_49 = arith.constant 640 : i32
    %mul3A_50 = arith.muli %arg1, %mul3A_49 : i32
    %mul3A_51 = arith.constant 10240 : i32
    %mul3A_52 = arith.muli %arg0, %mul3A_51 : i32
    %mul3A_53 = arith.constant 640 : i32
    %mul3A_54 = arith.muli %arg1, %mul3A_53 : i32
    %add3A = arith.addi %mul3A_52, %mul3A_54 : i32
    "tpu.region"() ({
      %run_scoped3A = tpu.sem_alloc : memref<!tpu.dma_semaphore, #tpu.memory_space<semaphore_mem>>
      %dma_start3A = tpu.memref_slice %arg3[%add3A] : memref<20480xf32, #tpu.memory_space<hbm>> -> memref<640xf32, #tpu.memory_space<hbm>>
      %dma_start3A_55 = tpu.memref_slice %arg7[%mul3A_50] : memref<10240xf32, #tpu.memory_space<vmem_shared>> -> memref<640xf32, #tpu.memory_space<vmem_shared>>
      tpu.enqueue_dma source(%dma_start3A_55 : memref<640xf32, #tpu.memory_space<vmem_shared>>) target(%dma_start3A : memref<640xf32, #tpu.memory_space<hbm>>) target_semaphore(%run_scoped3A : memref<!tpu.dma_semaphore, #tpu.memory_space<semaphore_mem>>)
      %dma_wait3A = tpu.memref_slice %arg3[%add3A] : memref<20480xf32, #tpu.memory_space<hbm>> -> memref<640xf32, #tpu.memory_space<hbm>>
      %dma_wait3A_56 = tpu.memref_slice %arg7[%mul3A_50] : memref<10240xf32, #tpu.memory_space<vmem_shared>> -> memref<640xf32, #tpu.memory_space<vmem_shared>>
      tpu.wait_dma2 semaphore(%run_scoped3A : memref<!tpu.dma_semaphore, #tpu.memory_space<semaphore_mem>>) src(%dma_wait3A_56 : memref<640xf32, #tpu.memory_space<vmem_shared>>) dst(%dma_wait3A : memref<640xf32, #tpu.memory_space<hbm>>)
      tpu.yield
    }) : () -> ()
    return
  }
}

#map = affine_map<(d0, d1) -> (0, 0, 0)>
#map1 = affine_map<(d0, d1) -> (0, 0)>
module attributes {stable_mosaic.version = 14 : i64} {
  func.func @_edge_body(%arg0: i32, %arg1: i32, %arg2: memref<16x160x128xi32, #tpu.memory_space<hbm>>, %arg3: memref<16x160x128xi32, #tpu.memory_space<hbm>>, %arg4: memref<2x10000x64xf32, #tpu.memory_space<hbm>>, %arg5: memref<20480x64xf32, #tpu.memory_space<hbm>>, %arg6: memref<160x128xi32, #tpu.memory_space<vmem>>, %arg7: memref<160x128xi32, #tpu.memory_space<vmem>>, %arg8: memref<128x64xf32, #tpu.memory_space<vmem>>, %arg9: memref<128x64xf32, #tpu.memory_space<vmem>>, %arg10: memref<128x64xf32, #tpu.memory_space<vmem>>, %arg11: memref<128x64xf32, #tpu.memory_space<vmem>>, %arg12: memref<128x64xf32, #tpu.memory_space<vmem>>, %arg13: memref<128x64xf32, #tpu.memory_space<vmem>>, %arg14: memref<10240x64xf32, #tpu.memory_space<vmem_shared>>, %arg15: memref<!tpu.dma_semaphore, #tpu.memory_space<semaphore_mem>>, %arg16: memref<!tpu.dma_semaphore, #tpu.memory_space<semaphore_mem>>, %arg17: memref<!tpu.dma_semaphore, #tpu.memory_space<semaphore_mem>>, %arg18: memref<!tpu.dma_semaphore, #tpu.memory_space<semaphore_mem>>, %arg19: memref<!tpu.dma_semaphore, #tpu.memory_space<semaphore_mem>>, %arg20: memref<!tpu.dma_semaphore, #tpu.memory_space<semaphore_mem>>, %arg21: memref<!tpu.dma_semaphore, #tpu.memory_space<semaphore_mem>>, %arg22: memref<!tpu.dma_semaphore, #tpu.memory_space<semaphore_mem>>, %arg23: memref<!tpu.dma_semaphore, #tpu.memory_space<semaphore_mem>>, %arg24: memref<!tpu.dma_semaphore, #tpu.memory_space<semaphore_mem>>) attributes {dimension_semantics = [#tpu.dimension_semantics<core_parallel>, #tpu.dimension_semantics<subcore_parallel>], iteration_bounds = array<i64: 2, 16>, scalar_prefetch = 0 : i64, scratch_operands = 19 : i64, tpu.core_type = #tpu.core_type<sc_vector_subcore>, window_params = [{transform_indices = #map}, {transform_indices = #map}, {transform_indices = #map}, {transform_indices = #map1}]} {
    "tpu.region"() ({
      %run_scoped3A = tpu.sem_alloc : memref<!tpu.dma_semaphore, #tpu.memory_space<semaphore_mem>>
      %dma_start3A_204 = arith.constant 0 : i32
      %dma_start3A_205 = arith.constant 0 : i32
      %dma_start3A_206 = tpu.memref_slice %arg2[%arg1, %dma_start3A_204, %dma_start3A_205] : memref<16x160x128xi32, #tpu.memory_space<hbm>> -> memref<1x160x128xi32, #tpu.memory_space<hbm>>
      %dma_start3A_207 = tpu.memref_squeeze %dma_start3A_206 : memref<1x160x128xi32, #tpu.memory_space<hbm>> -> memref<160x128xi32, #tpu.memory_space<hbm>>
      %dma_start3A_208 = arith.constant 0 : i32
      %dma_start3A_209 = arith.constant 0 : i32
      %dma_start3A_210 = tpu.memref_slice %arg2[%arg1, %dma_start3A_208, %dma_start3A_209] : memref<16x160x128xi32, #tpu.memory_space<hbm>> -> memref<1x160x128xi32, #tpu.memory_space<hbm>>
      %dma_start3A_211 = tpu.memref_squeeze %dma_start3A_210 : memref<1x160x128xi32, #tpu.memory_space<hbm>> -> memref<160x128xi32, #tpu.memory_space<hbm>>
      tpu.enqueue_dma source(%dma_start3A_211 : memref<160x128xi32, #tpu.memory_space<hbm>>) target(%arg6 : memref<160x128xi32, #tpu.memory_space<vmem>>) target_semaphore(%run_scoped3A : memref<!tpu.dma_semaphore, #tpu.memory_space<semaphore_mem>>)
      %dma_wait3A_212 = arith.constant 0 : i32
      %dma_wait3A_213 = arith.constant 0 : i32
      %dma_wait3A_214 = tpu.memref_slice %arg2[%arg1, %dma_wait3A_212, %dma_wait3A_213] : memref<16x160x128xi32, #tpu.memory_space<hbm>> -> memref<1x160x128xi32, #tpu.memory_space<hbm>>
      %dma_wait3A_215 = tpu.memref_squeeze %dma_wait3A_214 : memref<1x160x128xi32, #tpu.memory_space<hbm>> -> memref<160x128xi32, #tpu.memory_space<hbm>>
      %dma_wait3A_216 = arith.constant 0 : i32
      %dma_wait3A_217 = arith.constant 0 : i32
      %dma_wait3A_218 = tpu.memref_slice %arg2[%arg1, %dma_wait3A_216, %dma_wait3A_217] : memref<16x160x128xi32, #tpu.memory_space<hbm>> -> memref<1x160x128xi32, #tpu.memory_space<hbm>>
      %dma_wait3A_219 = tpu.memref_squeeze %dma_wait3A_218 : memref<1x160x128xi32, #tpu.memory_space<hbm>> -> memref<160x128xi32, #tpu.memory_space<hbm>>
      tpu.wait_dma2 semaphore(%run_scoped3A : memref<!tpu.dma_semaphore, #tpu.memory_space<semaphore_mem>>) src(%dma_wait3A_219 : memref<160x128xi32, #tpu.memory_space<hbm>>) dst(%arg6 : memref<160x128xi32, #tpu.memory_space<vmem>>)
      tpu.yield
    }) : () -> ()
    "tpu.region"() ({
      %run_scoped3A = tpu.sem_alloc : memref<!tpu.dma_semaphore, #tpu.memory_space<semaphore_mem>>
      %dma_start3A_204 = arith.constant 0 : i32
      %dma_start3A_205 = arith.constant 0 : i32
      %dma_start3A_206 = tpu.memref_slice %arg3[%arg1, %dma_start3A_204, %dma_start3A_205] : memref<16x160x128xi32, #tpu.memory_space<hbm>> -> memref<1x160x128xi32, #tpu.memory_space<hbm>>
      %dma_start3A_207 = tpu.memref_squeeze %dma_start3A_206 : memref<1x160x128xi32, #tpu.memory_space<hbm>> -> memref<160x128xi32, #tpu.memory_space<hbm>>
      %dma_start3A_208 = arith.constant 0 : i32
      %dma_start3A_209 = arith.constant 0 : i32
      %dma_start3A_210 = tpu.memref_slice %arg3[%arg1, %dma_start3A_208, %dma_start3A_209] : memref<16x160x128xi32, #tpu.memory_space<hbm>> -> memref<1x160x128xi32, #tpu.memory_space<hbm>>
      %dma_start3A_211 = tpu.memref_squeeze %dma_start3A_210 : memref<1x160x128xi32, #tpu.memory_space<hbm>> -> memref<160x128xi32, #tpu.memory_space<hbm>>
      tpu.enqueue_dma source(%dma_start3A_211 : memref<160x128xi32, #tpu.memory_space<hbm>>) target(%arg7 : memref<160x128xi32, #tpu.memory_space<vmem>>) target_semaphore(%run_scoped3A : memref<!tpu.dma_semaphore, #tpu.memory_space<semaphore_mem>>)
      %dma_wait3A_212 = arith.constant 0 : i32
      %dma_wait3A_213 = arith.constant 0 : i32
      %dma_wait3A_214 = tpu.memref_slice %arg3[%arg1, %dma_wait3A_212, %dma_wait3A_213] : memref<16x160x128xi32, #tpu.memory_space<hbm>> -> memref<1x160x128xi32, #tpu.memory_space<hbm>>
      %dma_wait3A_215 = tpu.memref_squeeze %dma_wait3A_214 : memref<1x160x128xi32, #tpu.memory_space<hbm>> -> memref<160x128xi32, #tpu.memory_space<hbm>>
      %dma_wait3A_216 = arith.constant 0 : i32
      %dma_wait3A_217 = arith.constant 0 : i32
      %dma_wait3A_218 = tpu.memref_slice %arg3[%arg1, %dma_wait3A_216, %dma_wait3A_217] : memref<16x160x128xi32, #tpu.memory_space<hbm>> -> memref<1x160x128xi32, #tpu.memory_space<hbm>>
      %dma_wait3A_219 = tpu.memref_squeeze %dma_wait3A_218 : memref<1x160x128xi32, #tpu.memory_space<hbm>> -> memref<160x128xi32, #tpu.memory_space<hbm>>
      tpu.wait_dma2 semaphore(%run_scoped3A : memref<!tpu.dma_semaphore, #tpu.memory_space<semaphore_mem>>) src(%dma_wait3A_219 : memref<160x128xi32, #tpu.memory_space<hbm>>) dst(%arg7 : memref<160x128xi32, #tpu.memory_space<vmem>>)
      tpu.yield
    }) : () -> ()
    %broadcast_in_dim3A = arith.constant 0.000000e+00 : f32
    %broadcast_in_dim3A_0 = vector.broadcast %broadcast_in_dim3A : f32 to vector<16xf32>
    %scan3A = arith.constant 0 : i32
    %scan3A_1 = arith.constant 0 : i32
    %scan3A_2 = arith.constant 512 : i32
    %scan3A_3 = arith.addi %scan3A_1, %scan3A_2 : i32
    %scan3A_4 = arith.constant 1 : i32
    %scan3A_5 = scf.for %scan3A_204 = %scan3A_1 to %scan3A_3 step %scan3A_4 iter_args(%scan3A_205 = %scan3A) -> (i32)  : i32 {
      %jit3A = arith.constant 4 : i32
      %div3A = arith.divsi %scan3A_204, %jit3A : i32
      %sign3A = arith.constant 0 : i32
      %sign3A_206 = arith.cmpi sgt, %scan3A_204, %sign3A : i32
      %sign3A_207 = arith.extui %sign3A_206 : i1 to i32
      %sign3A_208 = arith.constant 0 : i32
      %sign3A_209 = arith.cmpi slt, %scan3A_204, %sign3A_208 : i32
      %sign3A_210 = arith.extui %sign3A_209 : i1 to i32
      %sign3A_211 = arith.subi %sign3A_207, %sign3A_210 : i32
      %sign3A_212 = arith.constant 0 : i32
      %sign3A_213 = arith.cmpi sgt, %jit3A, %sign3A_212 : i32
      %sign3A_214 = arith.extui %sign3A_213 : i1 to i32
      %sign3A_215 = arith.constant 0 : i32
      %sign3A_216 = arith.cmpi slt, %jit3A, %sign3A_215 : i32
      %sign3A_217 = arith.extui %sign3A_216 : i1 to i32
      %sign3A_218 = arith.subi %sign3A_214, %sign3A_217 : i32
      %ne3A = arith.cmpi ne, %sign3A_211, %sign3A_218 : i32
      %rem3A = arith.remsi %scan3A_204, %jit3A : i32
      %ne3A_219 = arith.constant 0 : i32
      %ne3A_220 = arith.cmpi ne, %rem3A, %ne3A_219 : i32
      %and3A = arith.andi %ne3A, %ne3A_220 : i1
      %sub3A = arith.constant 1 : i32
      %sub3A_221 = arith.subi %div3A, %sub3A : i32
      %select_n3A = arith.select %and3A, %sub3A_221, %div3A : i32
      %jit3A_222 = arith.constant 4 : i32
      %eq3A_223 = arith.constant 0 : i32
      %eq3A_224 = arith.cmpi eq, %jit3A_222, %eq3A_223 : i32
      %jit3A_225 = arith.constant 1 : i32
      %select_n3A_226 = arith.select %eq3A_224, %jit3A_225, %jit3A_222 : i32
      %rem3A_227 = arith.remsi %scan3A_204, %select_n3A_226 : i32
      %ne3A_228 = arith.constant 0 : i32
      %ne3A_229 = arith.cmpi ne, %rem3A_227, %ne3A_228 : i32
      %lt3A_230 = arith.constant 0 : i32
      %lt3A_231 = arith.cmpi slt, %rem3A_227, %lt3A_230 : i32
      %lt3A_232 = arith.constant 0 : i32
      %lt3A_233 = arith.cmpi slt, %select_n3A_226, %lt3A_232 : i32
      %ne3A_234 = arith.xori %lt3A_231, %lt3A_233 : i1
      %and3A_235 = arith.andi %ne3A_234, %ne3A_229 : i1
      %add3A_236 = arith.addi %rem3A_227, %select_n3A_226 : i32
      %select_n3A_237 = arith.select %and3A_235, %add3A_236, %rem3A_227 : i32
      %mul3A_238 = arith.constant 16 : i32
      %mul3A_239 = arith.muli %select_n3A_237, %mul3A_238 : i32
      %swap3A = arith.index_cast %select_n3A : i32 to index
      %swap3A_240 = arith.index_cast %mul3A_239 : i32 to index
      %swap3A_241 = tpu.vector_load %arg13[%swap3A, %swap3A_240] {strides = array<i32>} : memref<128x64xf32, #tpu.memory_space<vmem>>, vector<1x16xf32>,
      %swap3A_242 = vector.shape_cast %swap3A_241 : vector<1x16xf32> to vector<16xf32>
      %swap3A_243 = vector.shape_cast %broadcast_in_dim3A_0 : vector<16xf32> to vector<1x16xf32>
      tpu.vector_store %arg13[%swap3A, %swap3A_240], %swap3A_243 {strides = array<i32>} : memref<128x64xf32, #tpu.memory_space<vmem>>, vector<1x16xf32>,
      %scan3A_244 = arith.constant 0 : i32
      scf.yield %scan3A_244 : i32
    }
    %scan3A_6 = arith.constant 512 : i32
    %lt3A = arith.constant 15 : i32
    %lt3A_7 = arith.cmpi slt, %arg1, %lt3A : i32
    %convert_element_type3A = arith.extui %lt3A_7 : i1 to i32
    %cond3A = arith.constant 0 : i32
    %cond3A_8 = arith.cmpi ne, %convert_element_type3A, %cond3A : i32
    scf.if %cond3A_8 {
      %mul3A_204 = arith.constant 640 : i32
      %mul3A_205 = arith.muli %arg1, %mul3A_204 : i32
      %mul3A_206 = arith.constant 640 : i32
      %mul3A_207 = arith.muli %arg1, %mul3A_206 : i32
      "tpu.region"() ({
        %run_scoped3A = tpu.sem_alloc : memref<!tpu.dma_semaphore, #tpu.memory_space<semaphore_mem>>
        %dma_start3A_208 = arith.constant 0 : i32
        %dma_start3A_209 = tpu.memref_slice %arg14[%mul3A_207, %dma_start3A_208] : memref<10240x64xf32, #tpu.memory_space<vmem_shared>> -> memref<640x64xf32, #tpu.memory_space<vmem_shared>>
        %dma_start3A_210 = arith.constant 0 : i32
        %dma_start3A_211 = arith.constant 0 : i32
        %dma_start3A_212 = tpu.memref_slice %arg4[%arg0, %dma_start3A_210, %dma_start3A_211] : memref<2x10000x64xf32, #tpu.memory_space<hbm>> -> memref<1x10000x64xf32, #tpu.memory_space<hbm>>
        %dma_start3A_213 = tpu.memref_squeeze %dma_start3A_212 : memref<1x10000x64xf32, #tpu.memory_space<hbm>> -> memref<10000x64xf32, #tpu.memory_space<hbm>>
        %dma_start3A_214 = arith.constant 0 : i32
        %dma_start3A_215 = tpu.memref_slice %dma_start3A_213[%mul3A_205, %dma_start3A_214] : memref<10000x64xf32, #tpu.memory_space<hbm>> -> memref<640x64xf32, #tpu.memory_space<hbm>>
        tpu.enqueue_dma source(%dma_start3A_215 : memref<640x64xf32, #tpu.memory_space<hbm>>) target(%dma_start3A_209 : memref<640x64xf32, #tpu.memory_space<vmem_shared>>) target_semaphore(%run_scoped3A : memref<!tpu.dma_semaphore, #tpu.memory_space<semaphore_mem>>)
        %dma_wait3A_216 = arith.constant 0 : i32
        %dma_wait3A_217 = tpu.memref_slice %arg14[%mul3A_207, %dma_wait3A_216] : memref<10240x64xf32, #tpu.memory_space<vmem_shared>> -> memref<640x64xf32, #tpu.memory_space<vmem_shared>>
        %dma_wait3A_218 = arith.constant 0 : i32
        %dma_wait3A_219 = arith.constant 0 : i32
        %dma_wait3A_220 = tpu.memref_slice %arg4[%arg0, %dma_wait3A_218, %dma_wait3A_219] : memref<2x10000x64xf32, #tpu.memory_space<hbm>> -> memref<1x10000x64xf32, #tpu.memory_space<hbm>>
        %dma_wait3A_221 = tpu.memref_squeeze %dma_wait3A_220 : memref<1x10000x64xf32, #tpu.memory_space<hbm>> -> memref<10000x64xf32, #tpu.memory_space<hbm>>
        %dma_wait3A_222 = arith.constant 0 : i32
        %dma_wait3A_223 = tpu.memref_slice %dma_wait3A_221[%mul3A_205, %dma_wait3A_222] : memref<10000x64xf32, #tpu.memory_space<hbm>> -> memref<640x64xf32, #tpu.memory_space<hbm>>
        tpu.wait_dma2 semaphore(%run_scoped3A : memref<!tpu.dma_semaphore, #tpu.memory_space<semaphore_mem>>) src(%dma_wait3A_223 : memref<640x64xf32, #tpu.memory_space<hbm>>) dst(%dma_wait3A_217 : memref<640x64xf32, #tpu.memory_space<vmem_shared>>)
        tpu.yield
      }) : () -> ()
    } else {
    }
    %eq3A = arith.constant 15 : i32
    %eq3A_9 = arith.cmpi eq, %arg1, %eq3A : i32
    %convert_element_type3A_10 = arith.extui %eq3A_9 : i1 to i32
    %cond3A_11 = arith.constant 0 : i32
    %cond3A_12 = arith.cmpi ne, %convert_element_type3A_10, %cond3A_11 : i32
    scf.if %cond3A_12 {
      "tpu.region"() ({
        %run_scoped3A = tpu.sem_alloc : memref<!tpu.dma_semaphore, #tpu.memory_space<semaphore_mem>>
        %dma_start3A_204 = arith.constant 9600 : i32
        %dma_start3A_205 = arith.constant 0 : i32
        %dma_start3A_206 = tpu.memref_slice %arg14[%dma_start3A_204, %dma_start3A_205] : memref<10240x64xf32, #tpu.memory_space<vmem_shared>> -> memref<400x64xf32, #tpu.memory_space<vmem_shared>>
        %dma_start3A_207 = arith.constant 0 : i32
        %dma_start3A_208 = arith.constant 0 : i32
        %dma_start3A_209 = tpu.memref_slice %arg4[%arg0, %dma_start3A_207, %dma_start3A_208] : memref<2x10000x64xf32, #tpu.memory_space<hbm>> -> memref<1x10000x64xf32, #tpu.memory_space<hbm>>
        %dma_start3A_210 = tpu.memref_squeeze %dma_start3A_209 : memref<1x10000x64xf32, #tpu.memory_space<hbm>> -> memref<10000x64xf32, #tpu.memory_space<hbm>>
        %dma_start3A_211 = arith.constant 9600 : i32
        %dma_start3A_212 = arith.constant 0 : i32
        %dma_start3A_213 = tpu.memref_slice %dma_start3A_210[%dma_start3A_211, %dma_start3A_212] : memref<10000x64xf32, #tpu.memory_space<hbm>> -> memref<400x64xf32, #tpu.memory_space<hbm>>
        tpu.enqueue_dma source(%dma_start3A_213 : memref<400x64xf32, #tpu.memory_space<hbm>>) target(%dma_start3A_206 : memref<400x64xf32, #tpu.memory_space<vmem_shared>>) target_semaphore(%run_scoped3A : memref<!tpu.dma_semaphore, #tpu.memory_space<semaphore_mem>>)
        %dma_wait3A_214 = arith.constant 9600 : i32
        %dma_wait3A_215 = arith.constant 0 : i32
        %dma_wait3A_216 = tpu.memref_slice %arg14[%dma_wait3A_214, %dma_wait3A_215] : memref<10240x64xf32, #tpu.memory_space<vmem_shared>> -> memref<400x64xf32, #tpu.memory_space<vmem_shared>>
        %dma_wait3A_217 = arith.constant 0 : i32
        %dma_wait3A_218 = arith.constant 0 : i32
        %dma_wait3A_219 = tpu.memref_slice %arg4[%arg0, %dma_wait3A_217, %dma_wait3A_218] : memref<2x10000x64xf32, #tpu.memory_space<hbm>> -> memref<1x10000x64xf32, #tpu.memory_space<hbm>>
        %dma_wait3A_220 = tpu.memref_squeeze %dma_wait3A_219 : memref<1x10000x64xf32, #tpu.memory_space<hbm>> -> memref<10000x64xf32, #tpu.memory_space<hbm>>
        %dma_wait3A_221 = arith.constant 9600 : i32
        %dma_wait3A_222 = arith.constant 0 : i32
        %dma_wait3A_223 = tpu.memref_slice %dma_wait3A_220[%dma_wait3A_221, %dma_wait3A_222] : memref<10000x64xf32, #tpu.memory_space<hbm>> -> memref<400x64xf32, #tpu.memory_space<hbm>>
        tpu.wait_dma2 semaphore(%run_scoped3A : memref<!tpu.dma_semaphore, #tpu.memory_space<semaphore_mem>>) src(%dma_wait3A_223 : memref<400x64xf32, #tpu.memory_space<hbm>>) dst(%dma_wait3A_216 : memref<400x64xf32, #tpu.memory_space<vmem_shared>>)
        tpu.yield
      }) : () -> ()
      "tpu.region"() ({
        %run_scoped3A = tpu.sem_alloc : memref<!tpu.dma_semaphore, #tpu.memory_space<semaphore_mem>>
        %dma_start3A_204 = arith.constant 10000 : i32
        %dma_start3A_205 = arith.constant 0 : i32
        %dma_start3A_206 = tpu.memref_slice %arg14[%dma_start3A_204, %dma_start3A_205] : memref<10240x64xf32, #tpu.memory_space<vmem_shared>> -> memref<128x64xf32, #tpu.memory_space<vmem_shared>>
        %dma_start3A_207 = arith.constant 10000 : i32
        %dma_start3A_208 = arith.constant 0 : i32
        %dma_start3A_209 = tpu.memref_slice %arg14[%dma_start3A_207, %dma_start3A_208] : memref<10240x64xf32, #tpu.memory_space<vmem_shared>> -> memref<128x64xf32, #tpu.memory_space<vmem_shared>>
        tpu.enqueue_dma source(%arg13 : memref<128x64xf32, #tpu.memory_space<vmem>>) target(%dma_start3A_209 : memref<128x64xf32, #tpu.memory_space<vmem_shared>>) target_semaphore(%run_scoped3A : memref<!tpu.dma_semaphore, #tpu.memory_space<semaphore_mem>>)
        %dma_wait3A_210 = arith.constant 10000 : i32
        %dma_wait3A_211 = arith.constant 0 : i32
        %dma_wait3A_212 = tpu.memref_slice %arg14[%dma_wait3A_210, %dma_wait3A_211] : memref<10240x64xf32, #tpu.memory_space<vmem_shared>> -> memref<128x64xf32, #tpu.memory_space<vmem_shared>>
        %dma_wait3A_213 = arith.constant 10000 : i32
        %dma_wait3A_214 = arith.constant 0 : i32
        %dma_wait3A_215 = tpu.memref_slice %arg14[%dma_wait3A_213, %dma_wait3A_214] : memref<10240x64xf32, #tpu.memory_space<vmem_shared>> -> memref<128x64xf32, #tpu.memory_space<vmem_shared>>
        tpu.wait_dma2 semaphore(%run_scoped3A : memref<!tpu.dma_semaphore, #tpu.memory_space<semaphore_mem>>) src(%arg13 : memref<128x64xf32, #tpu.memory_space<vmem>>) dst(%dma_wait3A_215 : memref<128x64xf32, #tpu.memory_space<vmem_shared>>)
        tpu.yield
      }) : () -> ()
      "tpu.region"() ({
        %run_scoped3A = tpu.sem_alloc : memref<!tpu.dma_semaphore, #tpu.memory_space<semaphore_mem>>
        %dma_start3A_204 = arith.constant 0 : i32
        %dma_start3A_205 = arith.constant 0 : i32
        %dma_start3A_206 = tpu.memref_slice %arg13[%dma_start3A_204, %dma_start3A_205] : memref<128x64xf32, #tpu.memory_space<vmem>> -> memref<112x64xf32, #tpu.memory_space<vmem>>
        %dma_start3A_207 = arith.constant 10128 : i32
        %dma_start3A_208 = arith.constant 0 : i32
        %dma_start3A_209 = tpu.memref_slice %arg14[%dma_start3A_207, %dma_start3A_208] : memref<10240x64xf32, #tpu.memory_space<vmem_shared>> -> memref<112x64xf32, #tpu.memory_space<vmem_shared>>
        %dma_start3A_210 = arith.constant 10128 : i32
        %dma_start3A_211 = arith.constant 0 : i32
        %dma_start3A_212 = tpu.memref_slice %arg14[%dma_start3A_210, %dma_start3A_211] : memref<10240x64xf32, #tpu.memory_space<vmem_shared>> -> memref<112x64xf32, #tpu.memory_space<vmem_shared>>
        %dma_start3A_213 = arith.constant 0 : i32
        %dma_start3A_214 = arith.constant 0 : i32
        %dma_start3A_215 = tpu.memref_slice %arg13[%dma_start3A_213, %dma_start3A_214] : memref<128x64xf32, #tpu.memory_space<vmem>> -> memref<112x64xf32, #tpu.memory_space<vmem>>
        tpu.enqueue_dma source(%dma_start3A_215 : memref<112x64xf32, #tpu.memory_space<vmem>>) target(%dma_start3A_212 : memref<112x64xf32, #tpu.memory_space<vmem_shared>>) target_semaphore(%run_scoped3A : memref<!tpu.dma_semaphore, #tpu.memory_space<semaphore_mem>>)
        %dma_wait3A_216 = arith.constant 0 : i32
        %dma_wait3A_217 = arith.constant 0 : i32
        %dma_wait3A_218 = tpu.memref_slice %arg13[%dma_wait3A_216, %dma_wait3A_217] : memref<128x64xf32, #tpu.memory_space<vmem>> -> memref<112x64xf32, #tpu.memory_space<vmem>>
        %dma_wait3A_219 = arith.constant 10128 : i32
        %dma_wait3A_220 = arith.constant 0 : i32
        %dma_wait3A_221 = tpu.memref_slice %arg14[%dma_wait3A_219, %dma_wait3A_220] : memref<10240x64xf32, #tpu.memory_space<vmem_shared>> -> memref<112x64xf32, #tpu.memory_space<vmem_shared>>
        %dma_wait3A_222 = arith.constant 10128 : i32
        %dma_wait3A_223 = arith.constant 0 : i32
        %dma_wait3A_224 = tpu.memref_slice %arg14[%dma_wait3A_222, %dma_wait3A_223] : memref<10240x64xf32, #tpu.memory_space<vmem_shared>> -> memref<112x64xf32, #tpu.memory_space<vmem_shared>>
        %dma_wait3A_225 = arith.constant 0 : i32
        %dma_wait3A_226 = arith.constant 0 : i32
        %dma_wait3A_227 = tpu.memref_slice %arg13[%dma_wait3A_225, %dma_wait3A_226] : memref<128x64xf32, #tpu.memory_space<vmem>> -> memref<112x64xf32, #tpu.memory_space<vmem>>
        tpu.wait_dma2 semaphore(%run_scoped3A : memref<!tpu.dma_semaphore, #tpu.memory_space<semaphore_mem>>) src(%dma_wait3A_227 : memref<112x64xf32, #tpu.memory_space<vmem>>) dst(%dma_wait3A_224 : memref<112x64xf32, #tpu.memory_space<vmem_shared>>)
        tpu.yield
      }) : () -> ()
    } else {
    }
    %barrier3A = arith.constant 0 : index
    tpu.barrier barrier_id(%barrier3A)
    %dma_start3A = arith.constant 0 : i32
    %dma_start3A_13 = arith.constant 0 : i32
    %dma_start3A_14 = tpu.memref_slice %arg6[%dma_start3A, %dma_start3A_13] : memref<160x128xi32, #tpu.memory_space<vmem>> -> memref<1x128xi32, #tpu.memory_space<vmem>>
    %dma_start3A_15 = tpu.memref_squeeze %dma_start3A_14 : memref<1x128xi32, #tpu.memory_space<vmem>> -> memref<128xi32, #tpu.memory_space<vmem>>
    %dma_start3A_16 = arith.constant 0 : i32
    %dma_start3A_17 = arith.constant 0 : i32
    %dma_start3A_18 = tpu.memref_slice %arg4[%arg0, %dma_start3A_16, %dma_start3A_17] : memref<2x10000x64xf32, #tpu.memory_space<hbm>> -> memref<1x10000x64xf32, #tpu.memory_space<hbm>>
    %dma_start3A_19 = tpu.memref_squeeze %dma_start3A_18 : memref<1x10000x64xf32, #tpu.memory_space<hbm>> -> memref<10000x64xf32, #tpu.memory_space<hbm>>
    %dma_start3A_20 = arith.constant 0 : i32
    %dma_start3A_21 = arith.constant 0 : i32
    %dma_start3A_22 = tpu.memref_slice %dma_start3A_19[%dma_start3A_20, %dma_start3A_21] : memref<10000x64xf32, #tpu.memory_space<hbm>> -> memref<10000x64xf32, #tpu.memory_space<hbm>>
    tpu.enqueue_indirect_dma source(%dma_start3A_22 : memref<10000x64xf32, #tpu.memory_space<hbm>>) target(%arg8 : memref<128x64xf32, #tpu.memory_space<vmem>>) offsets(%dma_start3A_15 : memref<128xi32, #tpu.memory_space<vmem>>) semaphore(%arg15 : memref<!tpu.dma_semaphore, #tpu.memory_space<semaphore_mem>>)
    %dma_start3A_23 = arith.constant 1 : i32
    %dma_start3A_24 = arith.constant 0 : i32
    %dma_start3A_25 = tpu.memref_slice %arg6[%dma_start3A_23, %dma_start3A_24] : memref<160x128xi32, #tpu.memory_space<vmem>> -> memref<1x128xi32, #tpu.memory_space<vmem>>
    %dma_start3A_26 = tpu.memref_squeeze %dma_start3A_25 : memref<1x128xi32, #tpu.memory_space<vmem>> -> memref<128xi32, #tpu.memory_space<vmem>>
    %dma_start3A_27 = arith.constant 0 : i32
    %dma_start3A_28 = arith.constant 0 : i32
    %dma_start3A_29 = tpu.memref_slice %arg4[%arg0, %dma_start3A_27, %dma_start3A_28] : memref<2x10000x64xf32, #tpu.memory_space<hbm>> -> memref<1x10000x64xf32, #tpu.memory_space<hbm>>
    %dma_start3A_30 = tpu.memref_squeeze %dma_start3A_29 : memref<1x10000x64xf32, #tpu.memory_space<hbm>> -> memref<10000x64xf32, #tpu.memory_space<hbm>>
    %dma_start3A_31 = arith.constant 0 : i32
    %dma_start3A_32 = arith.constant 0 : i32
    %dma_start3A_33 = tpu.memref_slice %dma_start3A_30[%dma_start3A_31, %dma_start3A_32] : memref<10000x64xf32, #tpu.memory_space<hbm>> -> memref<10000x64xf32, #tpu.memory_space<hbm>>
    tpu.enqueue_indirect_dma source(%dma_start3A_33 : memref<10000x64xf32, #tpu.memory_space<hbm>>) target(%arg9 : memref<128x64xf32, #tpu.memory_space<vmem>>) offsets(%dma_start3A_26 : memref<128xi32, #tpu.memory_space<vmem>>) semaphore(%arg16 : memref<!tpu.dma_semaphore, #tpu.memory_space<semaphore_mem>>)
    %dma_start3A_34 = arith.constant 2 : i32
    %dma_start3A_35 = arith.constant 0 : i32
    %dma_start3A_36 = tpu.memref_slice %arg6[%dma_start3A_34, %dma_start3A_35] : memref<160x128xi32, #tpu.memory_space<vmem>> -> memref<1x128xi32, #tpu.memory_space<vmem>>
    %dma_start3A_37 = tpu.memref_squeeze %dma_start3A_36 : memref<1x128xi32, #tpu.memory_space<vmem>> -> memref<128xi32, #tpu.memory_space<vmem>>
    %dma_start3A_38 = arith.constant 0 : i32
    %dma_start3A_39 = arith.constant 0 : i32
    %dma_start3A_40 = tpu.memref_slice %arg4[%arg0, %dma_start3A_38, %dma_start3A_39] : memref<2x10000x64xf32, #tpu.memory_space<hbm>> -> memref<1x10000x64xf32, #tpu.memory_space<hbm>>
    %dma_start3A_41 = tpu.memref_squeeze %dma_start3A_40 : memref<1x10000x64xf32, #tpu.memory_space<hbm>> -> memref<10000x64xf32, #tpu.memory_space<hbm>>
    %dma_start3A_42 = arith.constant 0 : i32
    %dma_start3A_43 = arith.constant 0 : i32
    %dma_start3A_44 = tpu.memref_slice %dma_start3A_41[%dma_start3A_42, %dma_start3A_43] : memref<10000x64xf32, #tpu.memory_space<hbm>> -> memref<10000x64xf32, #tpu.memory_space<hbm>>
    tpu.enqueue_indirect_dma source(%dma_start3A_44 : memref<10000x64xf32, #tpu.memory_space<hbm>>) target(%arg10 : memref<128x64xf32, #tpu.memory_space<vmem>>) offsets(%dma_start3A_37 : memref<128xi32, #tpu.memory_space<vmem>>) semaphore(%arg17 : memref<!tpu.dma_semaphore, #tpu.memory_space<semaphore_mem>>)
    %dma_start3A_45 = arith.constant 3 : i32
    %dma_start3A_46 = arith.constant 0 : i32
    %dma_start3A_47 = tpu.memref_slice %arg6[%dma_start3A_45, %dma_start3A_46] : memref<160x128xi32, #tpu.memory_space<vmem>> -> memref<1x128xi32, #tpu.memory_space<vmem>>
    %dma_start3A_48 = tpu.memref_squeeze %dma_start3A_47 : memref<1x128xi32, #tpu.memory_space<vmem>> -> memref<128xi32, #tpu.memory_space<vmem>>
    %dma_start3A_49 = arith.constant 0 : i32
    %dma_start3A_50 = arith.constant 0 : i32
    %dma_start3A_51 = tpu.memref_slice %arg4[%arg0, %dma_start3A_49, %dma_start3A_50] : memref<2x10000x64xf32, #tpu.memory_space<hbm>> -> memref<1x10000x64xf32, #tpu.memory_space<hbm>>
    %dma_start3A_52 = tpu.memref_squeeze %dma_start3A_51 : memref<1x10000x64xf32, #tpu.memory_space<hbm>> -> memref<10000x64xf32, #tpu.memory_space<hbm>>
    %dma_start3A_53 = arith.constant 0 : i32
    %dma_start3A_54 = arith.constant 0 : i32
    %dma_start3A_55 = tpu.memref_slice %dma_start3A_52[%dma_start3A_53, %dma_start3A_54] : memref<10000x64xf32, #tpu.memory_space<hbm>> -> memref<10000x64xf32, #tpu.memory_space<hbm>>
    tpu.enqueue_indirect_dma source(%dma_start3A_55 : memref<10000x64xf32, #tpu.memory_space<hbm>>) target(%arg11 : memref<128x64xf32, #tpu.memory_space<vmem>>) offsets(%dma_start3A_48 : memref<128xi32, #tpu.memory_space<vmem>>) semaphore(%arg18 : memref<!tpu.dma_semaphore, #tpu.memory_space<semaphore_mem>>)
    %dma_start3A_56 = arith.constant 4 : i32
    %dma_start3A_57 = arith.constant 0 : i32
    %dma_start3A_58 = tpu.memref_slice %arg6[%dma_start3A_56, %dma_start3A_57] : memref<160x128xi32, #tpu.memory_space<vmem>> -> memref<1x128xi32, #tpu.memory_space<vmem>>
    %dma_start3A_59 = tpu.memref_squeeze %dma_start3A_58 : memref<1x128xi32, #tpu.memory_space<vmem>> -> memref<128xi32, #tpu.memory_space<vmem>>
    %dma_start3A_60 = arith.constant 0 : i32
    %dma_start3A_61 = arith.constant 0 : i32
    %dma_start3A_62 = tpu.memref_slice %arg4[%arg0, %dma_start3A_60, %dma_start3A_61] : memref<2x10000x64xf32, #tpu.memory_space<hbm>> -> memref<1x10000x64xf32, #tpu.memory_space<hbm>>
    %dma_start3A_63 = tpu.memref_squeeze %dma_start3A_62 : memref<1x10000x64xf32, #tpu.memory_space<hbm>> -> memref<10000x64xf32, #tpu.memory_space<hbm>>
    %dma_start3A_64 = arith.constant 0 : i32
    %dma_start3A_65 = arith.constant 0 : i32
    %dma_start3A_66 = tpu.memref_slice %dma_start3A_63[%dma_start3A_64, %dma_start3A_65] : memref<10000x64xf32, #tpu.memory_space<hbm>> -> memref<10000x64xf32, #tpu.memory_space<hbm>>
    tpu.enqueue_indirect_dma source(%dma_start3A_66 : memref<10000x64xf32, #tpu.memory_space<hbm>>) target(%arg12 : memref<128x64xf32, #tpu.memory_space<vmem>>) offsets(%dma_start3A_59 : memref<128xi32, #tpu.memory_space<vmem>>) semaphore(%arg19 : memref<!tpu.dma_semaphore, #tpu.memory_space<semaphore_mem>>)
    %scan3A_67 = arith.constant 0 : i32
    %scan3A_68 = arith.constant 0 : i32
    %scan3A_69 = arith.constant 31 : i32
    %scan3A_70 = arith.addi %scan3A_68, %scan3A_69 : i32
    %scan3A_71 = arith.constant 1 : i32
    %scan3A_72 = scf.for %scan3A_204 = %scan3A_68 to %scan3A_70 step %scan3A_71 iter_args(%scan3A_205 = %scan3A_67) -> (i32)  : i32 {
      %mul3A_206 = arith.constant 5 : i32
      %mul3A_207 = arith.muli %scan3A_204, %mul3A_206 : i32
      %add3A_208 = arith.constant 0 : i32
      %add3A_209 = arith.addi %mul3A_207, %add3A_208 : i32
      %dma_wait3A_210 = arith.constant 0 : i32
      %dma_wait3A_211 = tpu.memref_slice %arg6[%add3A_209, %dma_wait3A_210] : memref<160x128xi32, #tpu.memory_space<vmem>> -> memref<1x128xi32, #tpu.memory_space<vmem>>
      %dma_wait3A_212 = tpu.memref_squeeze %dma_wait3A_211 : memref<1x128xi32, #tpu.memory_space<vmem>> -> memref<128xi32, #tpu.memory_space<vmem>>
      %dma_wait3A_213 = arith.constant 0 : i32
      %dma_wait3A_214 = arith.constant 0 : i32
      %dma_wait3A_215 = tpu.memref_slice %arg4[%arg0, %dma_wait3A_213, %dma_wait3A_214] : memref<2x10000x64xf32, #tpu.memory_space<hbm>> -> memref<1x10000x64xf32, #tpu.memory_space<hbm>>
      %dma_wait3A_216 = tpu.memref_squeeze %dma_wait3A_215 : memref<1x10000x64xf32, #tpu.memory_space<hbm>> -> memref<10000x64xf32, #tpu.memory_space<hbm>>
      %dma_wait3A_217 = arith.constant 0 : i32
      %dma_wait3A_218 = arith.constant 0 : i32
      %dma_wait3A_219 = tpu.memref_slice %dma_wait3A_216[%dma_wait3A_217, %dma_wait3A_218] : memref<10000x64xf32, #tpu.memory_space<hbm>> -> memref<10000x64xf32, #tpu.memory_space<hbm>>
      tpu.wait_indirect_dma semaphore(%arg15 : memref<!tpu.dma_semaphore, #tpu.memory_space<semaphore_mem>>) src(%dma_wait3A_219 : memref<10000x64xf32, #tpu.memory_space<hbm>>) dst(%arg8 : memref<128x64xf32, #tpu.memory_space<vmem>>)
      %add3A_220 = arith.constant 0 : i32
      %add3A_221 = arith.addi %mul3A_207, %add3A_220 : i32
      %dma_start3A_222 = arith.constant 0 : i32
      %dma_start3A_223 = tpu.memref_slice %arg7[%add3A_221, %dma_start3A_222] : memref<160x128xi32, #tpu.memory_space<vmem>> -> memref<1x128xi32, #tpu.memory_space<vmem>>
      %dma_start3A_224 = tpu.memref_squeeze %dma_start3A_223 : memref<1x128xi32, #tpu.memory_space<vmem>> -> memref<128xi32, #tpu.memory_space<vmem>>
      %dma_start3A_225 = arith.constant 0 : i32
      %dma_start3A_226 = arith.constant 0 : i32
      %dma_start3A_227 = tpu.memref_slice %arg14[%dma_start3A_225, %dma_start3A_226] : memref<10240x64xf32, #tpu.memory_space<vmem_shared>> -> memref<10240x64xf32, #tpu.memory_space<vmem_shared>>
      tpu.enqueue_indirect_dma source(%arg8 : memref<128x64xf32, #tpu.memory_space<vmem>>) target(%dma_start3A_227 : memref<10240x64xf32, #tpu.memory_space<vmem_shared>>) offsets(%dma_start3A_224 : memref<128xi32, #tpu.memory_space<vmem>>) semaphore(%arg20 : memref<!tpu.dma_semaphore, #tpu.memory_space<semaphore_mem>>) {add = true}
      %add3A_228 = arith.constant 1 : i32
      %add3A_229 = arith.addi %mul3A_207, %add3A_228 : i32
      %dma_wait3A_230 = arith.constant 0 : i32
      %dma_wait3A_231 = tpu.memref_slice %arg6[%add3A_229, %dma_wait3A_230] : memref<160x128xi32, #tpu.memory_space<vmem>> -> memref<1x128xi32, #tpu.memory_space<vmem>>
      %dma_wait3A_232 = tpu.memref_squeeze %dma_wait3A_231 : memref<1x128xi32, #tpu.memory_space<vmem>> -> memref<128xi32, #tpu.memory_space<vmem>>
      %dma_wait3A_233 = arith.constant 0 : i32
      %dma_wait3A_234 = arith.constant 0 : i32
      %dma_wait3A_235 = tpu.memref_slice %arg4[%arg0, %dma_wait3A_233, %dma_wait3A_234] : memref<2x10000x64xf32, #tpu.memory_space<hbm>> -> memref<1x10000x64xf32, #tpu.memory_space<hbm>>
      %dma_wait3A_236 = tpu.memref_squeeze %dma_wait3A_235 : memref<1x10000x64xf32, #tpu.memory_space<hbm>> -> memref<10000x64xf32, #tpu.memory_space<hbm>>
      %dma_wait3A_237 = arith.constant 0 : i32
      %dma_wait3A_238 = arith.constant 0 : i32
      %dma_wait3A_239 = tpu.memref_slice %dma_wait3A_236[%dma_wait3A_237, %dma_wait3A_238] : memref<10000x64xf32, #tpu.memory_space<hbm>> -> memref<10000x64xf32, #tpu.memory_space<hbm>>
      tpu.wait_indirect_dma semaphore(%arg16 : memref<!tpu.dma_semaphore, #tpu.memory_space<semaphore_mem>>) src(%dma_wait3A_239 : memref<10000x64xf32, #tpu.memory_space<hbm>>) dst(%arg9 : memref<128x64xf32, #tpu.memory_space<vmem>>)
      %add3A_240 = arith.constant 1 : i32
      %add3A_241 = arith.addi %mul3A_207, %add3A_240 : i32
      %dma_start3A_242 = arith.constant 0 : i32
      %dma_start3A_243 = tpu.memref_slice %arg7[%add3A_241, %dma_start3A_242] : memref<160x128xi32, #tpu.memory_space<vmem>> -> memref<1x128xi32, #tpu.memory_space<vmem>>
      %dma_start3A_244 = tpu.memref_squeeze %dma_start3A_243 : memref<1x128xi32, #tpu.memory_space<vmem>> -> memref<128xi32, #tpu.memory_space<vmem>>
      %dma_start3A_245 = arith.constant 0 : i32
      %dma_start3A_246 = arith.constant 0 : i32
      %dma_start3A_247 = tpu.memref_slice %arg14[%dma_start3A_245, %dma_start3A_246] : memref<10240x64xf32, #tpu.memory_space<vmem_shared>> -> memref<10240x64xf32, #tpu.memory_space<vmem_shared>>
      tpu.enqueue_indirect_dma source(%arg9 : memref<128x64xf32, #tpu.memory_space<vmem>>) target(%dma_start3A_247 : memref<10240x64xf32, #tpu.memory_space<vmem_shared>>) offsets(%dma_start3A_244 : memref<128xi32, #tpu.memory_space<vmem>>) semaphore(%arg21 : memref<!tpu.dma_semaphore, #tpu.memory_space<semaphore_mem>>) {add = true}
      %add3A_248 = arith.constant 2 : i32
      %add3A_249 = arith.addi %mul3A_207, %add3A_248 : i32
      %dma_wait3A_250 = arith.constant 0 : i32
      %dma_wait3A_251 = tpu.memref_slice %arg6[%add3A_249, %dma_wait3A_250] : memref<160x128xi32, #tpu.memory_space<vmem>> -> memref<1x128xi32, #tpu.memory_space<vmem>>
      %dma_wait3A_252 = tpu.memref_squeeze %dma_wait3A_251 : memref<1x128xi32, #tpu.memory_space<vmem>> -> memref<128xi32, #tpu.memory_space<vmem>>
      %dma_wait3A_253 = arith.constant 0 : i32
      %dma_wait3A_254 = arith.constant 0 : i32
      %dma_wait3A_255 = tpu.memref_slice %arg4[%arg0, %dma_wait3A_253, %dma_wait3A_254] : memref<2x10000x64xf32, #tpu.memory_space<hbm>> -> memref<1x10000x64xf32, #tpu.memory_space<hbm>>
      %dma_wait3A_256 = tpu.memref_squeeze %dma_wait3A_255 : memref<1x10000x64xf32, #tpu.memory_space<hbm>> -> memref<10000x64xf32, #tpu.memory_space<hbm>>
      %dma_wait3A_257 = arith.constant 0 : i32
      %dma_wait3A_258 = arith.constant 0 : i32
      %dma_wait3A_259 = tpu.memref_slice %dma_wait3A_256[%dma_wait3A_257, %dma_wait3A_258] : memref<10000x64xf32, #tpu.memory_space<hbm>> -> memref<10000x64xf32, #tpu.memory_space<hbm>>
      tpu.wait_indirect_dma semaphore(%arg17 : memref<!tpu.dma_semaphore, #tpu.memory_space<semaphore_mem>>) src(%dma_wait3A_259 : memref<10000x64xf32, #tpu.memory_space<hbm>>) dst(%arg10 : memref<128x64xf32, #tpu.memory_space<vmem>>)
      %add3A_260 = arith.constant 2 : i32
      %add3A_261 = arith.addi %mul3A_207, %add3A_260 : i32
      %dma_start3A_262 = arith.constant 0 : i32
      %dma_start3A_263 = tpu.memref_slice %arg7[%add3A_261, %dma_start3A_262] : memref<160x128xi32, #tpu.memory_space<vmem>> -> memref<1x128xi32, #tpu.memory_space<vmem>>
      %dma_start3A_264 = tpu.memref_squeeze %dma_start3A_263 : memref<1x128xi32, #tpu.memory_space<vmem>> -> memref<128xi32, #tpu.memory_space<vmem>>
      %dma_start3A_265 = arith.constant 0 : i32
      %dma_start3A_266 = arith.constant 0 : i32
      %dma_start3A_267 = tpu.memref_slice %arg14[%dma_start3A_265, %dma_start3A_266] : memref<10240x64xf32, #tpu.memory_space<vmem_shared>> -> memref<10240x64xf32, #tpu.memory_space<vmem_shared>>
      tpu.enqueue_indirect_dma source(%arg10 : memref<128x64xf32, #tpu.memory_space<vmem>>) target(%dma_start3A_267 : memref<10240x64xf32, #tpu.memory_space<vmem_shared>>) offsets(%dma_start3A_264 : memref<128xi32, #tpu.memory_space<vmem>>) semaphore(%arg22 : memref<!tpu.dma_semaphore, #tpu.memory_space<semaphore_mem>>) {add = true}
      %add3A_268 = arith.constant 3 : i32
      %add3A_269 = arith.addi %mul3A_207, %add3A_268 : i32
      %dma_wait3A_270 = arith.constant 0 : i32
      %dma_wait3A_271 = tpu.memref_slice %arg6[%add3A_269, %dma_wait3A_270] : memref<160x128xi32, #tpu.memory_space<vmem>> -> memref<1x128xi32, #tpu.memory_space<vmem>>
      %dma_wait3A_272 = tpu.memref_squeeze %dma_wait3A_271 : memref<1x128xi32, #tpu.memory_space<vmem>> -> memref<128xi32, #tpu.memory_space<vmem>>
      %dma_wait3A_273 = arith.constant 0 : i32
      %dma_wait3A_274 = arith.constant 0 : i32
      %dma_wait3A_275 = tpu.memref_slice %arg4[%arg0, %dma_wait3A_273, %dma_wait3A_274] : memref<2x10000x64xf32, #tpu.memory_space<hbm>> -> memref<1x10000x64xf32, #tpu.memory_space<hbm>>
      %dma_wait3A_276 = tpu.memref_squeeze %dma_wait3A_275 : memref<1x10000x64xf32, #tpu.memory_space<hbm>> -> memref<10000x64xf32, #tpu.memory_space<hbm>>
      %dma_wait3A_277 = arith.constant 0 : i32
      %dma_wait3A_278 = arith.constant 0 : i32
      %dma_wait3A_279 = tpu.memref_slice %dma_wait3A_276[%dma_wait3A_277, %dma_wait3A_278] : memref<10000x64xf32, #tpu.memory_space<hbm>> -> memref<10000x64xf32, #tpu.memory_space<hbm>>
      tpu.wait_indirect_dma semaphore(%arg18 : memref<!tpu.dma_semaphore, #tpu.memory_space<semaphore_mem>>) src(%dma_wait3A_279 : memref<10000x64xf32, #tpu.memory_space<hbm>>) dst(%arg11 : memref<128x64xf32, #tpu.memory_space<vmem>>)
      %add3A_280 = arith.constant 3 : i32
      %add3A_281 = arith.addi %mul3A_207, %add3A_280 : i32
      %dma_start3A_282 = arith.constant 0 : i32
      %dma_start3A_283 = tpu.memref_slice %arg7[%add3A_281, %dma_start3A_282] : memref<160x128xi32, #tpu.memory_space<vmem>> -> memref<1x128xi32, #tpu.memory_space<vmem>>
      %dma_start3A_284 = tpu.memref_squeeze %dma_start3A_283 : memref<1x128xi32, #tpu.memory_space<vmem>> -> memref<128xi32, #tpu.memory_space<vmem>>
      %dma_start3A_285 = arith.constant 0 : i32
      %dma_start3A_286 = arith.constant 0 : i32
      %dma_start3A_287 = tpu.memref_slice %arg14[%dma_start3A_285, %dma_start3A_286] : memref<10240x64xf32, #tpu.memory_space<vmem_shared>> -> memref<10240x64xf32, #tpu.memory_space<vmem_shared>>
      tpu.enqueue_indirect_dma source(%arg11 : memref<128x64xf32, #tpu.memory_space<vmem>>) target(%dma_start3A_287 : memref<10240x64xf32, #tpu.memory_space<vmem_shared>>) offsets(%dma_start3A_284 : memref<128xi32, #tpu.memory_space<vmem>>) semaphore(%arg23 : memref<!tpu.dma_semaphore, #tpu.memory_space<semaphore_mem>>) {add = true}
      %add3A_288 = arith.constant 4 : i32
      %add3A_289 = arith.addi %mul3A_207, %add3A_288 : i32
      %dma_wait3A_290 = arith.constant 0 : i32
      %dma_wait3A_291 = tpu.memref_slice %arg6[%add3A_289, %dma_wait3A_290] : memref<160x128xi32, #tpu.memory_space<vmem>> -> memref<1x128xi32, #tpu.memory_space<vmem>>
      %dma_wait3A_292 = tpu.memref_squeeze %dma_wait3A_291 : memref<1x128xi32, #tpu.memory_space<vmem>> -> memref<128xi32, #tpu.memory_space<vmem>>
      %dma_wait3A_293 = arith.constant 0 : i32
      %dma_wait3A_294 = arith.constant 0 : i32
      %dma_wait3A_295 = tpu.memref_slice %arg4[%arg0, %dma_wait3A_293, %dma_wait3A_294] : memref<2x10000x64xf32, #tpu.memory_space<hbm>> -> memref<1x10000x64xf32, #tpu.memory_space<hbm>>
      %dma_wait3A_296 = tpu.memref_squeeze %dma_wait3A_295 : memref<1x10000x64xf32, #tpu.memory_space<hbm>> -> memref<10000x64xf32, #tpu.memory_space<hbm>>
      %dma_wait3A_297 = arith.constant 0 : i32
      %dma_wait3A_298 = arith.constant 0 : i32
      %dma_wait3A_299 = tpu.memref_slice %dma_wait3A_296[%dma_wait3A_297, %dma_wait3A_298] : memref<10000x64xf32, #tpu.memory_space<hbm>> -> memref<10000x64xf32, #tpu.memory_space<hbm>>
      tpu.wait_indirect_dma semaphore(%arg19 : memref<!tpu.dma_semaphore, #tpu.memory_space<semaphore_mem>>) src(%dma_wait3A_299 : memref<10000x64xf32, #tpu.memory_space<hbm>>) dst(%arg12 : memref<128x64xf32, #tpu.memory_space<vmem>>)
      %add3A_300 = arith.constant 4 : i32
      %add3A_301 = arith.addi %mul3A_207, %add3A_300 : i32
      %dma_start3A_302 = arith.constant 0 : i32
      %dma_start3A_303 = tpu.memref_slice %arg7[%add3A_301, %dma_start3A_302] : memref<160x128xi32, #tpu.memory_space<vmem>> -> memref<1x128xi32, #tpu.memory_space<vmem>>
      %dma_start3A_304 = tpu.memref_squeeze %dma_start3A_303 : memref<1x128xi32, #tpu.memory_space<vmem>> -> memref<128xi32, #tpu.memory_space<vmem>>
      %dma_start3A_305 = arith.constant 0 : i32
      %dma_start3A_306 = arith.constant 0 : i32
      %dma_start3A_307 = tpu.memref_slice %arg14[%dma_start3A_305, %dma_start3A_306] : memref<10240x64xf32, #tpu.memory_space<vmem_shared>> -> memref<10240x64xf32, #tpu.memory_space<vmem_shared>>
      tpu.enqueue_indirect_dma source(%arg12 : memref<128x64xf32, #tpu.memory_space<vmem>>) target(%dma_start3A_307 : memref<10240x64xf32, #tpu.memory_space<vmem_shared>>) offsets(%dma_start3A_304 : memref<128xi32, #tpu.memory_space<vmem>>) semaphore(%arg24 : memref<!tpu.dma_semaphore, #tpu.memory_space<semaphore_mem>>) {add = true}
      %add3A_308 = arith.constant 0 : i32
      %add3A_309 = arith.addi %mul3A_207, %add3A_308 : i32
      %dma_wait3A_310 = arith.constant 0 : i32
      %dma_wait3A_311 = tpu.memref_slice %arg7[%add3A_309, %dma_wait3A_310] : memref<160x128xi32, #tpu.memory_space<vmem>> -> memref<1x128xi32, #tpu.memory_space<vmem>>
      %dma_wait3A_312 = tpu.memref_squeeze %dma_wait3A_311 : memref<1x128xi32, #tpu.memory_space<vmem>> -> memref<128xi32, #tpu.memory_space<vmem>>
      %dma_wait3A_313 = arith.constant 0 : i32
      %dma_wait3A_314 = arith.constant 0 : i32
      %dma_wait3A_315 = tpu.memref_slice %arg14[%dma_wait3A_313, %dma_wait3A_314] : memref<10240x64xf32, #tpu.memory_space<vmem_shared>> -> memref<10240x64xf32, #tpu.memory_space<vmem_shared>>
      tpu.wait_indirect_dma semaphore(%arg20 : memref<!tpu.dma_semaphore, #tpu.memory_space<semaphore_mem>>) src(%arg8 : memref<128x64xf32, #tpu.memory_space<vmem>>) dst(%dma_wait3A_315 : memref<10240x64xf32, #tpu.memory_space<vmem_shared>>)
      %add3A_316 = arith.constant 5 : i32
      %add3A_317 = arith.addi %mul3A_207, %add3A_316 : i32
      %add3A_318 = arith.constant 0 : i32
      %add3A_319 = arith.addi %add3A_317, %add3A_318 : i32
      %dma_start3A_320 = arith.constant 0 : i32
      %dma_start3A_321 = tpu.memref_slice %arg6[%add3A_319, %dma_start3A_320] : memref<160x128xi32, #tpu.memory_space<vmem>> -> memref<1x128xi32, #tpu.memory_space<vmem>>
      %dma_start3A_322 = tpu.memref_squeeze %dma_start3A_321 : memref<1x128xi32, #tpu.memory_space<vmem>> -> memref<128xi32, #tpu.memory_space<vmem>>
      %dma_start3A_323 = arith.constant 0 : i32
      %dma_start3A_324 = arith.constant 0 : i32
      %dma_start3A_325 = tpu.memref_slice %arg4[%arg0, %dma_start3A_323, %dma_start3A_324] : memref<2x10000x64xf32, #tpu.memory_space<hbm>> -> memref<1x10000x64xf32, #tpu.memory_space<hbm>>
      %dma_start3A_326 = tpu.memref_squeeze %dma_start3A_325 : memref<1x10000x64xf32, #tpu.memory_space<hbm>> -> memref<10000x64xf32, #tpu.memory_space<hbm>>
      %dma_start3A_327 = arith.constant 0 : i32
      %dma_start3A_328 = arith.constant 0 : i32
      %dma_start3A_329 = tpu.memref_slice %dma_start3A_326[%dma_start3A_327, %dma_start3A_328] : memref<10000x64xf32, #tpu.memory_space<hbm>> -> memref<10000x64xf32, #tpu.memory_space<hbm>>
      tpu.enqueue_indirect_dma source(%dma_start3A_329 : memref<10000x64xf32, #tpu.memory_space<hbm>>) target(%arg8 : memref<128x64xf32, #tpu.memory_space<vmem>>) offsets(%dma_start3A_322 : memref<128xi32, #tpu.memory_space<vmem>>) semaphore(%arg15 : memref<!tpu.dma_semaphore, #tpu.memory_space<semaphore_mem>>)
      %add3A_330 = arith.constant 1 : i32
      %add3A_331 = arith.addi %mul3A_207, %add3A_330 : i32
      %dma_wait3A_332 = arith.constant 0 : i32
      %dma_wait3A_333 = tpu.memref_slice %arg7[%add3A_331, %dma_wait3A_332] : memref<160x128xi32, #tpu.memory_space<vmem>> -> memref<1x128xi32, #tpu.memory_space<vmem>>
      %dma_wait3A_334 = tpu.memref_squeeze %dma_wait3A_333 : memref<1x128xi32, #tpu.memory_space<vmem>> -> memref<128xi32, #tpu.memory_space<vmem>>
      %dma_wait3A_335 = arith.constant 0 : i32
      %dma_wait3A_336 = arith.constant 0 : i32
      %dma_wait3A_337 = tpu.memref_slice %arg14[%dma_wait3A_335, %dma_wait3A_336] : memref<10240x64xf32, #tpu.memory_space<vmem_shared>> -> memref<10240x64xf32, #tpu.memory_space<vmem_shared>>
      tpu.wait_indirect_dma semaphore(%arg21 : memref<!tpu.dma_semaphore, #tpu.memory_space<semaphore_mem>>) src(%arg9 : memref<128x64xf32, #tpu.memory_space<vmem>>) dst(%dma_wait3A_337 : memref<10240x64xf32, #tpu.memory_space<vmem_shared>>)
      %add3A_338 = arith.constant 5 : i32
      %add3A_339 = arith.addi %mul3A_207, %add3A_338 : i32
      %add3A_340 = arith.constant 1 : i32
      %add3A_341 = arith.addi %add3A_339, %add3A_340 : i32
      %dma_start3A_342 = arith.constant 0 : i32
      %dma_start3A_343 = tpu.memref_slice %arg6[%add3A_341, %dma_start3A_342] : memref<160x128xi32, #tpu.memory_space<vmem>> -> memref<1x128xi32, #tpu.memory_space<vmem>>
      %dma_start3A_344 = tpu.memref_squeeze %dma_start3A_343 : memref<1x128xi32, #tpu.memory_space<vmem>> -> memref<128xi32, #tpu.memory_space<vmem>>
      %dma_start3A_345 = arith.constant 0 : i32
      %dma_start3A_346 = arith.constant 0 : i32
      %dma_start3A_347 = tpu.memref_slice %arg4[%arg0, %dma_start3A_345, %dma_start3A_346] : memref<2x10000x64xf32, #tpu.memory_space<hbm>> -> memref<1x10000x64xf32, #tpu.memory_space<hbm>>
      %dma_start3A_348 = tpu.memref_squeeze %dma_start3A_347 : memref<1x10000x64xf32, #tpu.memory_space<hbm>> -> memref<10000x64xf32, #tpu.memory_space<hbm>>
      %dma_start3A_349 = arith.constant 0 : i32
      %dma_start3A_350 = arith.constant 0 : i32
      %dma_start3A_351 = tpu.memref_slice %dma_start3A_348[%dma_start3A_349, %dma_start3A_350] : memref<10000x64xf32, #tpu.memory_space<hbm>> -> memref<10000x64xf32, #tpu.memory_space<hbm>>
      tpu.enqueue_indirect_dma source(%dma_start3A_351 : memref<10000x64xf32, #tpu.memory_space<hbm>>) target(%arg9 : memref<128x64xf32, #tpu.memory_space<vmem>>) offsets(%dma_start3A_344 : memref<128xi32, #tpu.memory_space<vmem>>) semaphore(%arg16 : memref<!tpu.dma_semaphore, #tpu.memory_space<semaphore_mem>>)
      %add3A_352 = arith.constant 2 : i32
      %add3A_353 = arith.addi %mul3A_207, %add3A_352 : i32
      %dma_wait3A_354 = arith.constant 0 : i32
      %dma_wait3A_355 = tpu.memref_slice %arg7[%add3A_353, %dma_wait3A_354] : memref<160x128xi32, #tpu.memory_space<vmem>> -> memref<1x128xi32, #tpu.memory_space<vmem>>
      %dma_wait3A_356 = tpu.memref_squeeze %dma_wait3A_355 : memref<1x128xi32, #tpu.memory_space<vmem>> -> memref<128xi32, #tpu.memory_space<vmem>>
      %dma_wait3A_357 = arith.constant 0 : i32
      %dma_wait3A_358 = arith.constant 0 : i32
      %dma_wait3A_359 = tpu.memref_slice %arg14[%dma_wait3A_357, %dma_wait3A_358] : memref<10240x64xf32, #tpu.memory_space<vmem_shared>> -> memref<10240x64xf32, #tpu.memory_space<vmem_shared>>
      tpu.wait_indirect_dma semaphore(%arg22 : memref<!tpu.dma_semaphore, #tpu.memory_space<semaphore_mem>>) src(%arg10 : memref<128x64xf32, #tpu.memory_space<vmem>>) dst(%dma_wait3A_359 : memref<10240x64xf32, #tpu.memory_space<vmem_shared>>)
      %add3A_360 = arith.constant 5 : i32
      %add3A_361 = arith.addi %mul3A_207, %add3A_360 : i32
      %add3A_362 = arith.constant 2 : i32
      %add3A_363 = arith.addi %add3A_361, %add3A_362 : i32
      %dma_start3A_364 = arith.constant 0 : i32
      %dma_start3A_365 = tpu.memref_slice %arg6[%add3A_363, %dma_start3A_364] : memref<160x128xi32, #tpu.memory_space<vmem>> -> memref<1x128xi32, #tpu.memory_space<vmem>>
      %dma_start3A_366 = tpu.memref_squeeze %dma_start3A_365 : memref<1x128xi32, #tpu.memory_space<vmem>> -> memref<128xi32, #tpu.memory_space<vmem>>
      %dma_start3A_367 = arith.constant 0 : i32
      %dma_start3A_368 = arith.constant 0 : i32
      %dma_start3A_369 = tpu.memref_slice %arg4[%arg0, %dma_start3A_367, %dma_start3A_368] : memref<2x10000x64xf32, #tpu.memory_space<hbm>> -> memref<1x10000x64xf32, #tpu.memory_space<hbm>>
      %dma_start3A_370 = tpu.memref_squeeze %dma_start3A_369 : memref<1x10000x64xf32, #tpu.memory_space<hbm>> -> memref<10000x64xf32, #tpu.memory_space<hbm>>
      %dma_start3A_371 = arith.constant 0 : i32
      %dma_start3A_372 = arith.constant 0 : i32
      %dma_start3A_373 = tpu.memref_slice %dma_start3A_370[%dma_start3A_371, %dma_start3A_372] : memref<10000x64xf32, #tpu.memory_space<hbm>> -> memref<10000x64xf32, #tpu.memory_space<hbm>>
      tpu.enqueue_indirect_dma source(%dma_start3A_373 : memref<10000x64xf32, #tpu.memory_space<hbm>>) target(%arg10 : memref<128x64xf32, #tpu.memory_space<vmem>>) offsets(%dma_start3A_366 : memref<128xi32, #tpu.memory_space<vmem>>) semaphore(%arg17 : memref<!tpu.dma_semaphore, #tpu.memory_space<semaphore_mem>>)
      %add3A_374 = arith.constant 3 : i32
      %add3A_375 = arith.addi %mul3A_207, %add3A_374 : i32
      %dma_wait3A_376 = arith.constant 0 : i32
      %dma_wait3A_377 = tpu.memref_slice %arg7[%add3A_375, %dma_wait3A_376] : memref<160x128xi32, #tpu.memory_space<vmem>> -> memref<1x128xi32, #tpu.memory_space<vmem>>
      %dma_wait3A_378 = tpu.memref_squeeze %dma_wait3A_377 : memref<1x128xi32, #tpu.memory_space<vmem>> -> memref<128xi32, #tpu.memory_space<vmem>>
      %dma_wait3A_379 = arith.constant 0 : i32
      %dma_wait3A_380 = arith.constant 0 : i32
      %dma_wait3A_381 = tpu.memref_slice %arg14[%dma_wait3A_379, %dma_wait3A_380] : memref<10240x64xf32, #tpu.memory_space<vmem_shared>> -> memref<10240x64xf32, #tpu.memory_space<vmem_shared>>
      tpu.wait_indirect_dma semaphore(%arg23 : memref<!tpu.dma_semaphore, #tpu.memory_space<semaphore_mem>>) src(%arg11 : memref<128x64xf32, #tpu.memory_space<vmem>>) dst(%dma_wait3A_381 : memref<10240x64xf32, #tpu.memory_space<vmem_shared>>)
      %add3A_382 = arith.constant 5 : i32
      %add3A_383 = arith.addi %mul3A_207, %add3A_382 : i32
      %add3A_384 = arith.constant 3 : i32
      %add3A_385 = arith.addi %add3A_383, %add3A_384 : i32
      %dma_start3A_386 = arith.constant 0 : i32
      %dma_start3A_387 = tpu.memref_slice %arg6[%add3A_385, %dma_start3A_386] : memref<160x128xi32, #tpu.memory_space<vmem>> -> memref<1x128xi32, #tpu.memory_space<vmem>>
      %dma_start3A_388 = tpu.memref_squeeze %dma_start3A_387 : memref<1x128xi32, #tpu.memory_space<vmem>> -> memref<128xi32, #tpu.memory_space<vmem>>
      %dma_start3A_389 = arith.constant 0 : i32
      %dma_start3A_390 = arith.constant 0 : i32
      %dma_start3A_391 = tpu.memref_slice %arg4[%arg0, %dma_start3A_389, %dma_start3A_390] : memref<2x10000x64xf32, #tpu.memory_space<hbm>> -> memref<1x10000x64xf32, #tpu.memory_space<hbm>>
      %dma_start3A_392 = tpu.memref_squeeze %dma_start3A_391 : memref<1x10000x64xf32, #tpu.memory_space<hbm>> -> memref<10000x64xf32, #tpu.memory_space<hbm>>
      %dma_start3A_393 = arith.constant 0 : i32
      %dma_start3A_394 = arith.constant 0 : i32
      %dma_start3A_395 = tpu.memref_slice %dma_start3A_392[%dma_start3A_393, %dma_start3A_394] : memref<10000x64xf32, #tpu.memory_space<hbm>> -> memref<10000x64xf32, #tpu.memory_space<hbm>>
      tpu.enqueue_indirect_dma source(%dma_start3A_395 : memref<10000x64xf32, #tpu.memory_space<hbm>>) target(%arg11 : memref<128x64xf32, #tpu.memory_space<vmem>>) offsets(%dma_start3A_388 : memref<128xi32, #tpu.memory_space<vmem>>) semaphore(%arg18 : memref<!tpu.dma_semaphore, #tpu.memory_space<semaphore_mem>>)
      %add3A_396 = arith.constant 4 : i32
      %add3A_397 = arith.addi %mul3A_207, %add3A_396 : i32
      %dma_wait3A_398 = arith.constant 0 : i32
      %dma_wait3A_399 = tpu.memref_slice %arg7[%add3A_397, %dma_wait3A_398] : memref<160x128xi32, #tpu.memory_space<vmem>> -> memref<1x128xi32, #tpu.memory_space<vmem>>
      %dma_wait3A_400 = tpu.memref_squeeze %dma_wait3A_399 : memref<1x128xi32, #tpu.memory_space<vmem>> -> memref<128xi32, #tpu.memory_space<vmem>>
      %dma_wait3A_401 = arith.constant 0 : i32
      %dma_wait3A_402 = arith.constant 0 : i32
      %dma_wait3A_403 = tpu.memref_slice %arg14[%dma_wait3A_401, %dma_wait3A_402] : memref<10240x64xf32, #tpu.memory_space<vmem_shared>> -> memref<10240x64xf32, #tpu.memory_space<vmem_shared>>
      tpu.wait_indirect_dma semaphore(%arg24 : memref<!tpu.dma_semaphore, #tpu.memory_space<semaphore_mem>>) src(%arg12 : memref<128x64xf32, #tpu.memory_space<vmem>>) dst(%dma_wait3A_403 : memref<10240x64xf32, #tpu.memory_space<vmem_shared>>)
      %add3A_404 = arith.constant 5 : i32
      %add3A_405 = arith.addi %mul3A_207, %add3A_404 : i32
      %add3A_406 = arith.constant 4 : i32
      %add3A_407 = arith.addi %add3A_405, %add3A_406 : i32
      %dma_start3A_408 = arith.constant 0 : i32
      %dma_start3A_409 = tpu.memref_slice %arg6[%add3A_407, %dma_start3A_408] : memref<160x128xi32, #tpu.memory_space<vmem>> -> memref<1x128xi32, #tpu.memory_space<vmem>>
      %dma_start3A_410 = tpu.memref_squeeze %dma_start3A_409 : memref<1x128xi32, #tpu.memory_space<vmem>> -> memref<128xi32, #tpu.memory_space<vmem>>
      %dma_start3A_411 = arith.constant 0 : i32
      %dma_start3A_412 = arith.constant 0 : i32
      %dma_start3A_413 = tpu.memref_slice %arg4[%arg0, %dma_start3A_411, %dma_start3A_412] : memref<2x10000x64xf32, #tpu.memory_space<hbm>> -> memref<1x10000x64xf32, #tpu.memory_space<hbm>>
      %dma_start3A_414 = tpu.memref_squeeze %dma_start3A_413 : memref<1x10000x64xf32, #tpu.memory_space<hbm>> -> memref<10000x64xf32, #tpu.memory_space<hbm>>
      %dma_start3A_415 = arith.constant 0 : i32
      %dma_start3A_416 = arith.constant 0 : i32
      %dma_start3A_417 = tpu.memref_slice %dma_start3A_414[%dma_start3A_415, %dma_start3A_416] : memref<10000x64xf32, #tpu.memory_space<hbm>> -> memref<10000x64xf32, #tpu.memory_space<hbm>>
      tpu.enqueue_indirect_dma source(%dma_start3A_417 : memref<10000x64xf32, #tpu.memory_space<hbm>>) target(%arg12 : memref<128x64xf32, #tpu.memory_space<vmem>>) offsets(%dma_start3A_410 : memref<128xi32, #tpu.memory_space<vmem>>) semaphore(%arg19 : memref<!tpu.dma_semaphore, #tpu.memory_space<semaphore_mem>>)
      %scan3A_418 = arith.constant 0 : i32
      scf.yield %scan3A_418 : i32
    }
    %scan3A_73 = arith.constant 31 : i32
    %dma_wait3A = arith.constant 155 : i32
    %dma_wait3A_74 = arith.constant 0 : i32
    %dma_wait3A_75 = tpu.memref_slice %arg6[%dma_wait3A, %dma_wait3A_74] : memref<160x128xi32, #tpu.memory_space<vmem>> -> memref<1x128xi32, #tpu.memory_space<vmem>>
    %dma_wait3A_76 = tpu.memref_squeeze %dma_wait3A_75 : memref<1x128xi32, #tpu.memory_space<vmem>> -> memref<128xi32, #tpu.memory_space<vmem>>
    %dma_wait3A_77 = arith.constant 0 : i32
    %dma_wait3A_78 = arith.constant 0 : i32
    %dma_wait3A_79 = tpu.memref_slice %arg4[%arg0, %dma_wait3A_77, %dma_wait3A_78] : memref<2x10000x64xf32, #tpu.memory_space<hbm>> -> memref<1x10000x64xf32, #tpu.memory_space<hbm>>
    %dma_wait3A_80 = tpu.memref_squeeze %dma_wait3A_79 : memref<1x10000x64xf32, #tpu.memory_space<hbm>> -> memref<10000x64xf32, #tpu.memory_space<hbm>>
    %dma_wait3A_81 = arith.constant 0 : i32
    %dma_wait3A_82 = arith.constant 0 : i32
    %dma_wait3A_83 = tpu.memref_slice %dma_wait3A_80[%dma_wait3A_81, %dma_wait3A_82] : memref<10000x64xf32, #tpu.memory_space<hbm>> -> memref<10000x64xf32, #tpu.memory_space<hbm>>
    tpu.wait_indirect_dma semaphore(%arg15 : memref<!tpu.dma_semaphore, #tpu.memory_space<semaphore_mem>>) src(%dma_wait3A_83 : memref<10000x64xf32, #tpu.memory_space<hbm>>) dst(%arg8 : memref<128x64xf32, #tpu.memory_space<vmem>>)
    %dma_start3A_84 = arith.constant 155 : i32
    %dma_start3A_85 = arith.constant 0 : i32
    %dma_start3A_86 = tpu.memref_slice %arg7[%dma_start3A_84, %dma_start3A_85] : memref<160x128xi32, #tpu.memory_space<vmem>> -> memref<1x128xi32, #tpu.memory_space<vmem>>
    %dma_start3A_87 = tpu.memref_squeeze %dma_start3A_86 : memref<1x128xi32, #tpu.memory_space<vmem>> -> memref<128xi32, #tpu.memory_space<vmem>>
    %dma_start3A_88 = arith.constant 0 : i32
    %dma_start3A_89 = arith.constant 0 : i32
    %dma_start3A_90 = tpu.memref_slice %arg14[%dma_start3A_88, %dma_start3A_89] : memref<10240x64xf32, #tpu.memory_space<vmem_shared>> -> memref<10240x64xf32, #tpu.memory_space<vmem_shared>>
    tpu.enqueue_indirect_dma source(%arg8 : memref<128x64xf32, #tpu.memory_space<vmem>>) target(%dma_start3A_90 : memref<10240x64xf32, #tpu.memory_space<vmem_shared>>) offsets(%dma_start3A_87 : memref<128xi32, #tpu.memory_space<vmem>>) semaphore(%arg20 : memref<!tpu.dma_semaphore, #tpu.memory_space<semaphore_mem>>) {add = true}
    %dma_wait3A_91 = arith.constant 156 : i32
    %dma_wait3A_92 = arith.constant 0 : i32
    %dma_wait3A_93 = tpu.memref_slice %arg6[%dma_wait3A_91, %dma_wait3A_92] : memref<160x128xi32, #tpu.memory_space<vmem>> -> memref<1x128xi32, #tpu.memory_space<vmem>>
    %dma_wait3A_94 = tpu.memref_squeeze %dma_wait3A_93 : memref<1x128xi32, #tpu.memory_space<vmem>> -> memref<128xi32, #tpu.memory_space<vmem>>
    %dma_wait3A_95 = arith.constant 0 : i32
    %dma_wait3A_96 = arith.constant 0 : i32
    %dma_wait3A_97 = tpu.memref_slice %arg4[%arg0, %dma_wait3A_95, %dma_wait3A_96] : memref<2x10000x64xf32, #tpu.memory_space<hbm>> -> memref<1x10000x64xf32, #tpu.memory_space<hbm>>
    %dma_wait3A_98 = tpu.memref_squeeze %dma_wait3A_97 : memref<1x10000x64xf32, #tpu.memory_space<hbm>> -> memref<10000x64xf32, #tpu.memory_space<hbm>>
    %dma_wait3A_99 = arith.constant 0 : i32
    %dma_wait3A_100 = arith.constant 0 : i32
    %dma_wait3A_101 = tpu.memref_slice %dma_wait3A_98[%dma_wait3A_99, %dma_wait3A_100] : memref<10000x64xf32, #tpu.memory_space<hbm>> -> memref<10000x64xf32, #tpu.memory_space<hbm>>
    tpu.wait_indirect_dma semaphore(%arg16 : memref<!tpu.dma_semaphore, #tpu.memory_space<semaphore_mem>>) src(%dma_wait3A_101 : memref<10000x64xf32, #tpu.memory_space<hbm>>) dst(%arg9 : memref<128x64xf32, #tpu.memory_space<vmem>>)
    %dma_start3A_102 = arith.constant 156 : i32
    %dma_start3A_103 = arith.constant 0 : i32
    %dma_start3A_104 = tpu.memref_slice %arg7[%dma_start3A_102, %dma_start3A_103] : memref<160x128xi32, #tpu.memory_space<vmem>> -> memref<1x128xi32, #tpu.memory_space<vmem>>
    %dma_start3A_105 = tpu.memref_squeeze %dma_start3A_104 : memref<1x128xi32, #tpu.memory_space<vmem>> -> memref<128xi32, #tpu.memory_space<vmem>>
    %dma_start3A_106 = arith.constant 0 : i32
    %dma_start3A_107 = arith.constant 0 : i32
    %dma_start3A_108 = tpu.memref_slice %arg14[%dma_start3A_106, %dma_start3A_107] : memref<10240x64xf32, #tpu.memory_space<vmem_shared>> -> memref<10240x64xf32, #tpu.memory_space<vmem_shared>>
    tpu.enqueue_indirect_dma source(%arg9 : memref<128x64xf32, #tpu.memory_space<vmem>>) target(%dma_start3A_108 : memref<10240x64xf32, #tpu.memory_space<vmem_shared>>) offsets(%dma_start3A_105 : memref<128xi32, #tpu.memory_space<vmem>>) semaphore(%arg21 : memref<!tpu.dma_semaphore, #tpu.memory_space<semaphore_mem>>) {add = true}
    %dma_wait3A_109 = arith.constant 157 : i32
    %dma_wait3A_110 = arith.constant 0 : i32
    %dma_wait3A_111 = tpu.memref_slice %arg6[%dma_wait3A_109, %dma_wait3A_110] : memref<160x128xi32, #tpu.memory_space<vmem>> -> memref<1x128xi32, #tpu.memory_space<vmem>>
    %dma_wait3A_112 = tpu.memref_squeeze %dma_wait3A_111 : memref<1x128xi32, #tpu.memory_space<vmem>> -> memref<128xi32, #tpu.memory_space<vmem>>
    %dma_wait3A_113 = arith.constant 0 : i32
    %dma_wait3A_114 = arith.constant 0 : i32
    %dma_wait3A_115 = tpu.memref_slice %arg4[%arg0, %dma_wait3A_113, %dma_wait3A_114] : memref<2x10000x64xf32, #tpu.memory_space<hbm>> -> memref<1x10000x64xf32, #tpu.memory_space<hbm>>
    %dma_wait3A_116 = tpu.memref_squeeze %dma_wait3A_115 : memref<1x10000x64xf32, #tpu.memory_space<hbm>> -> memref<10000x64xf32, #tpu.memory_space<hbm>>
    %dma_wait3A_117 = arith.constant 0 : i32
    %dma_wait3A_118 = arith.constant 0 : i32
    %dma_wait3A_119 = tpu.memref_slice %dma_wait3A_116[%dma_wait3A_117, %dma_wait3A_118] : memref<10000x64xf32, #tpu.memory_space<hbm>> -> memref<10000x64xf32, #tpu.memory_space<hbm>>
    tpu.wait_indirect_dma semaphore(%arg17 : memref<!tpu.dma_semaphore, #tpu.memory_space<semaphore_mem>>) src(%dma_wait3A_119 : memref<10000x64xf32, #tpu.memory_space<hbm>>) dst(%arg10 : memref<128x64xf32, #tpu.memory_space<vmem>>)
    %dma_start3A_120 = arith.constant 157 : i32
    %dma_start3A_121 = arith.constant 0 : i32
    %dma_start3A_122 = tpu.memref_slice %arg7[%dma_start3A_120, %dma_start3A_121] : memref<160x128xi32, #tpu.memory_space<vmem>> -> memref<1x128xi32, #tpu.memory_space<vmem>>
    %dma_start3A_123 = tpu.memref_squeeze %dma_start3A_122 : memref<1x128xi32, #tpu.memory_space<vmem>> -> memref<128xi32, #tpu.memory_space<vmem>>
    %dma_start3A_124 = arith.constant 0 : i32
    %dma_start3A_125 = arith.constant 0 : i32
    %dma_start3A_126 = tpu.memref_slice %arg14[%dma_start3A_124, %dma_start3A_125] : memref<10240x64xf32, #tpu.memory_space<vmem_shared>> -> memref<10240x64xf32, #tpu.memory_space<vmem_shared>>
    tpu.enqueue_indirect_dma source(%arg10 : memref<128x64xf32, #tpu.memory_space<vmem>>) target(%dma_start3A_126 : memref<10240x64xf32, #tpu.memory_space<vmem_shared>>) offsets(%dma_start3A_123 : memref<128xi32, #tpu.memory_space<vmem>>) semaphore(%arg22 : memref<!tpu.dma_semaphore, #tpu.memory_space<semaphore_mem>>) {add = true}
    %dma_wait3A_127 = arith.constant 158 : i32
    %dma_wait3A_128 = arith.constant 0 : i32
    %dma_wait3A_129 = tpu.memref_slice %arg6[%dma_wait3A_127, %dma_wait3A_128] : memref<160x128xi32, #tpu.memory_space<vmem>> -> memref<1x128xi32, #tpu.memory_space<vmem>>
    %dma_wait3A_130 = tpu.memref_squeeze %dma_wait3A_129 : memref<1x128xi32, #tpu.memory_space<vmem>> -> memref<128xi32, #tpu.memory_space<vmem>>
    %dma_wait3A_131 = arith.constant 0 : i32
    %dma_wait3A_132 = arith.constant 0 : i32
    %dma_wait3A_133 = tpu.memref_slice %arg4[%arg0, %dma_wait3A_131, %dma_wait3A_132] : memref<2x10000x64xf32, #tpu.memory_space<hbm>> -> memref<1x10000x64xf32, #tpu.memory_space<hbm>>
    %dma_wait3A_134 = tpu.memref_squeeze %dma_wait3A_133 : memref<1x10000x64xf32, #tpu.memory_space<hbm>> -> memref<10000x64xf32, #tpu.memory_space<hbm>>
    %dma_wait3A_135 = arith.constant 0 : i32
    %dma_wait3A_136 = arith.constant 0 : i32
    %dma_wait3A_137 = tpu.memref_slice %dma_wait3A_134[%dma_wait3A_135, %dma_wait3A_136] : memref<10000x64xf32, #tpu.memory_space<hbm>> -> memref<10000x64xf32, #tpu.memory_space<hbm>>
    tpu.wait_indirect_dma semaphore(%arg18 : memref<!tpu.dma_semaphore, #tpu.memory_space<semaphore_mem>>) src(%dma_wait3A_137 : memref<10000x64xf32, #tpu.memory_space<hbm>>) dst(%arg11 : memref<128x64xf32, #tpu.memory_space<vmem>>)
    %dma_start3A_138 = arith.constant 158 : i32
    %dma_start3A_139 = arith.constant 0 : i32
    %dma_start3A_140 = tpu.memref_slice %arg7[%dma_start3A_138, %dma_start3A_139] : memref<160x128xi32, #tpu.memory_space<vmem>> -> memref<1x128xi32, #tpu.memory_space<vmem>>
    %dma_start3A_141 = tpu.memref_squeeze %dma_start3A_140 : memref<1x128xi32, #tpu.memory_space<vmem>> -> memref<128xi32, #tpu.memory_space<vmem>>
    %dma_start3A_142 = arith.constant 0 : i32
    %dma_start3A_143 = arith.constant 0 : i32
    %dma_start3A_144 = tpu.memref_slice %arg14[%dma_start3A_142, %dma_start3A_143] : memref<10240x64xf32, #tpu.memory_space<vmem_shared>> -> memref<10240x64xf32, #tpu.memory_space<vmem_shared>>
    tpu.enqueue_indirect_dma source(%arg11 : memref<128x64xf32, #tpu.memory_space<vmem>>) target(%dma_start3A_144 : memref<10240x64xf32, #tpu.memory_space<vmem_shared>>) offsets(%dma_start3A_141 : memref<128xi32, #tpu.memory_space<vmem>>) semaphore(%arg23 : memref<!tpu.dma_semaphore, #tpu.memory_space<semaphore_mem>>) {add = true}
    %dma_wait3A_145 = arith.constant 159 : i32
    %dma_wait3A_146 = arith.constant 0 : i32
    %dma_wait3A_147 = tpu.memref_slice %arg6[%dma_wait3A_145, %dma_wait3A_146] : memref<160x128xi32, #tpu.memory_space<vmem>> -> memref<1x128xi32, #tpu.memory_space<vmem>>
    %dma_wait3A_148 = tpu.memref_squeeze %dma_wait3A_147 : memref<1x128xi32, #tpu.memory_space<vmem>> -> memref<128xi32, #tpu.memory_space<vmem>>
    %dma_wait3A_149 = arith.constant 0 : i32
    %dma_wait3A_150 = arith.constant 0 : i32
    %dma_wait3A_151 = tpu.memref_slice %arg4[%arg0, %dma_wait3A_149, %dma_wait3A_150] : memref<2x10000x64xf32, #tpu.memory_space<hbm>> -> memref<1x10000x64xf32, #tpu.memory_space<hbm>>
    %dma_wait3A_152 = tpu.memref_squeeze %dma_wait3A_151 : memref<1x10000x64xf32, #tpu.memory_space<hbm>> -> memref<10000x64xf32, #tpu.memory_space<hbm>>
    %dma_wait3A_153 = arith.constant 0 : i32
    %dma_wait3A_154 = arith.constant 0 : i32
    %dma_wait3A_155 = tpu.memref_slice %dma_wait3A_152[%dma_wait3A_153, %dma_wait3A_154] : memref<10000x64xf32, #tpu.memory_space<hbm>> -> memref<10000x64xf32, #tpu.memory_space<hbm>>
    tpu.wait_indirect_dma semaphore(%arg19 : memref<!tpu.dma_semaphore, #tpu.memory_space<semaphore_mem>>) src(%dma_wait3A_155 : memref<10000x64xf32, #tpu.memory_space<hbm>>) dst(%arg12 : memref<128x64xf32, #tpu.memory_space<vmem>>)
    %dma_start3A_156 = arith.constant 159 : i32
    %dma_start3A_157 = arith.constant 0 : i32
    %dma_start3A_158 = tpu.memref_slice %arg7[%dma_start3A_156, %dma_start3A_157] : memref<160x128xi32, #tpu.memory_space<vmem>> -> memref<1x128xi32, #tpu.memory_space<vmem>>
    %dma_start3A_159 = tpu.memref_squeeze %dma_start3A_158 : memref<1x128xi32, #tpu.memory_space<vmem>> -> memref<128xi32, #tpu.memory_space<vmem>>
    %dma_start3A_160 = arith.constant 0 : i32
    %dma_start3A_161 = arith.constant 0 : i32
    %dma_start3A_162 = tpu.memref_slice %arg14[%dma_start3A_160, %dma_start3A_161] : memref<10240x64xf32, #tpu.memory_space<vmem_shared>> -> memref<10240x64xf32, #tpu.memory_space<vmem_shared>>
    tpu.enqueue_indirect_dma source(%arg12 : memref<128x64xf32, #tpu.memory_space<vmem>>) target(%dma_start3A_162 : memref<10240x64xf32, #tpu.memory_space<vmem_shared>>) offsets(%dma_start3A_159 : memref<128xi32, #tpu.memory_space<vmem>>) semaphore(%arg24 : memref<!tpu.dma_semaphore, #tpu.memory_space<semaphore_mem>>) {add = true}
    %dma_wait3A_163 = arith.constant 155 : i32
    %dma_wait3A_164 = arith.constant 0 : i32
    %dma_wait3A_165 = tpu.memref_slice %arg7[%dma_wait3A_163, %dma_wait3A_164] : memref<160x128xi32, #tpu.memory_space<vmem>> -> memref<1x128xi32, #tpu.memory_space<vmem>>
    %dma_wait3A_166 = tpu.memref_squeeze %dma_wait3A_165 : memref<1x128xi32, #tpu.memory_space<vmem>> -> memref<128xi32, #tpu.memory_space<vmem>>
    %dma_wait3A_167 = arith.constant 0 : i32
    %dma_wait3A_168 = arith.constant 0 : i32
    %dma_wait3A_169 = tpu.memref_slice %arg14[%dma_wait3A_167, %dma_wait3A_168] : memref<10240x64xf32, #tpu.memory_space<vmem_shared>> -> memref<10240x64xf32, #tpu.memory_space<vmem_shared>>
    tpu.wait_indirect_dma semaphore(%arg20 : memref<!tpu.dma_semaphore, #tpu.memory_space<semaphore_mem>>) src(%arg8 : memref<128x64xf32, #tpu.memory_space<vmem>>) dst(%dma_wait3A_169 : memref<10240x64xf32, #tpu.memory_space<vmem_shared>>)
    %dma_wait3A_170 = arith.constant 156 : i32
    %dma_wait3A_171 = arith.constant 0 : i32
    %dma_wait3A_172 = tpu.memref_slice %arg7[%dma_wait3A_170, %dma_wait3A_171] : memref<160x128xi32, #tpu.memory_space<vmem>> -> memref<1x128xi32, #tpu.memory_space<vmem>>
    %dma_wait3A_173 = tpu.memref_squeeze %dma_wait3A_172 : memref<1x128xi32, #tpu.memory_space<vmem>> -> memref<128xi32, #tpu.memory_space<vmem>>
    %dma_wait3A_174 = arith.constant 0 : i32
    %dma_wait3A_175 = arith.constant 0 : i32
    %dma_wait3A_176 = tpu.memref_slice %arg14[%dma_wait3A_174, %dma_wait3A_175] : memref<10240x64xf32, #tpu.memory_space<vmem_shared>> -> memref<10240x64xf32, #tpu.memory_space<vmem_shared>>
    tpu.wait_indirect_dma semaphore(%arg21 : memref<!tpu.dma_semaphore, #tpu.memory_space<semaphore_mem>>) src(%arg9 : memref<128x64xf32, #tpu.memory_space<vmem>>) dst(%dma_wait3A_176 : memref<10240x64xf32, #tpu.memory_space<vmem_shared>>)
    %dma_wait3A_177 = arith.constant 157 : i32
    %dma_wait3A_178 = arith.constant 0 : i32
    %dma_wait3A_179 = tpu.memref_slice %arg7[%dma_wait3A_177, %dma_wait3A_178] : memref<160x128xi32, #tpu.memory_space<vmem>> -> memref<1x128xi32, #tpu.memory_space<vmem>>
    %dma_wait3A_180 = tpu.memref_squeeze %dma_wait3A_179 : memref<1x128xi32, #tpu.memory_space<vmem>> -> memref<128xi32, #tpu.memory_space<vmem>>
    %dma_wait3A_181 = arith.constant 0 : i32
    %dma_wait3A_182 = arith.constant 0 : i32
    %dma_wait3A_183 = tpu.memref_slice %arg14[%dma_wait3A_181, %dma_wait3A_182] : memref<10240x64xf32, #tpu.memory_space<vmem_shared>> -> memref<10240x64xf32, #tpu.memory_space<vmem_shared>>
    tpu.wait_indirect_dma semaphore(%arg22 : memref<!tpu.dma_semaphore, #tpu.memory_space<semaphore_mem>>) src(%arg10 : memref<128x64xf32, #tpu.memory_space<vmem>>) dst(%dma_wait3A_183 : memref<10240x64xf32, #tpu.memory_space<vmem_shared>>)
    %dma_wait3A_184 = arith.constant 158 : i32
    %dma_wait3A_185 = arith.constant 0 : i32
    %dma_wait3A_186 = tpu.memref_slice %arg7[%dma_wait3A_184, %dma_wait3A_185] : memref<160x128xi32, #tpu.memory_space<vmem>> -> memref<1x128xi32, #tpu.memory_space<vmem>>
    %dma_wait3A_187 = tpu.memref_squeeze %dma_wait3A_186 : memref<1x128xi32, #tpu.memory_space<vmem>> -> memref<128xi32, #tpu.memory_space<vmem>>
    %dma_wait3A_188 = arith.constant 0 : i32
    %dma_wait3A_189 = arith.constant 0 : i32
    %dma_wait3A_190 = tpu.memref_slice %arg14[%dma_wait3A_188, %dma_wait3A_189] : memref<10240x64xf32, #tpu.memory_space<vmem_shared>> -> memref<10240x64xf32, #tpu.memory_space<vmem_shared>>
    tpu.wait_indirect_dma semaphore(%arg23 : memref<!tpu.dma_semaphore, #tpu.memory_space<semaphore_mem>>) src(%arg11 : memref<128x64xf32, #tpu.memory_space<vmem>>) dst(%dma_wait3A_190 : memref<10240x64xf32, #tpu.memory_space<vmem_shared>>)
    %dma_wait3A_191 = arith.constant 159 : i32
    %dma_wait3A_192 = arith.constant 0 : i32
    %dma_wait3A_193 = tpu.memref_slice %arg7[%dma_wait3A_191, %dma_wait3A_192] : memref<160x128xi32, #tpu.memory_space<vmem>> -> memref<1x128xi32, #tpu.memory_space<vmem>>
    %dma_wait3A_194 = tpu.memref_squeeze %dma_wait3A_193 : memref<1x128xi32, #tpu.memory_space<vmem>> -> memref<128xi32, #tpu.memory_space<vmem>>
    %dma_wait3A_195 = arith.constant 0 : i32
    %dma_wait3A_196 = arith.constant 0 : i32
    %dma_wait3A_197 = tpu.memref_slice %arg14[%dma_wait3A_195, %dma_wait3A_196] : memref<10240x64xf32, #tpu.memory_space<vmem_shared>> -> memref<10240x64xf32, #tpu.memory_space<vmem_shared>>
    tpu.wait_indirect_dma semaphore(%arg24 : memref<!tpu.dma_semaphore, #tpu.memory_space<semaphore_mem>>) src(%arg12 : memref<128x64xf32, #tpu.memory_space<vmem>>) dst(%dma_wait3A_197 : memref<10240x64xf32, #tpu.memory_space<vmem_shared>>)
    %barrier3A_198 = arith.constant 0 : index
    tpu.barrier barrier_id(%barrier3A_198)
    %mul3A = arith.constant 640 : i32
    %mul3A_199 = arith.muli %arg1, %mul3A : i32
    %mul3A_200 = arith.constant 10240 : i32
    %mul3A_201 = arith.muli %arg0, %mul3A_200 : i32
    %mul3A_202 = arith.constant 640 : i32
    %mul3A_203 = arith.muli %arg1, %mul3A_202 : i32
    %add3A = arith.addi %mul3A_201, %mul3A_203 : i32
    "tpu.region"() ({
      %run_scoped3A = tpu.sem_alloc : memref<!tpu.dma_semaphore, #tpu.memory_space<semaphore_mem>>
      %dma_start3A_204 = arith.constant 0 : i32
      %dma_start3A_205 = tpu.memref_slice %arg5[%add3A, %dma_start3A_204] : memref<20480x64xf32, #tpu.memory_space<hbm>> -> memref<640x64xf32, #tpu.memory_space<hbm>>
      %dma_start3A_206 = arith.constant 0 : i32
      %dma_start3A_207 = tpu.memref_slice %arg14[%mul3A_199, %dma_start3A_206] : memref<10240x64xf32, #tpu.memory_space<vmem_shared>> -> memref<640x64xf32, #tpu.memory_space<vmem_shared>>
      tpu.enqueue_dma source(%dma_start3A_207 : memref<640x64xf32, #tpu.memory_space<vmem_shared>>) target(%dma_start3A_205 : memref<640x64xf32, #tpu.memory_space<hbm>>) target_semaphore(%run_scoped3A : memref<!tpu.dma_semaphore, #tpu.memory_space<semaphore_mem>>)
      %dma_wait3A_208 = arith.constant 0 : i32
      %dma_wait3A_209 = tpu.memref_slice %arg5[%add3A, %dma_wait3A_208] : memref<20480x64xf32, #tpu.memory_space<hbm>> -> memref<640x64xf32, #tpu.memory_space<hbm>>
      %dma_wait3A_210 = arith.constant 0 : i32
      %dma_wait3A_211 = tpu.memref_slice %arg14[%mul3A_199, %dma_wait3A_210] : memref<10240x64xf32, #tpu.memory_space<vmem_shared>> -> memref<640x64xf32, #tpu.memory_space<vmem_shared>>
      tpu.wait_dma2 semaphore(%run_scoped3A : memref<!tpu.dma_semaphore, #tpu.memory_space<semaphore_mem>>) src(%dma_wait3A_211 : memref<640x64xf32, #tpu.memory_space<vmem_shared>>) dst(%dma_wait3A_209 : memref<640x64xf32, #tpu.memory_space<hbm>>)
      tpu.yield
    }) : () -> ()
    return
  }
}

#map = affine_map<(d0, d1) -> (0, 0, 0)>
#map1 = affine_map<(d0, d1) -> (0, 0)>
module attributes {stable_mosaic.version = 14 : i64} {
  func.func @_edge_body(%arg0: i32, %arg1: i32, %arg2: memref<16x160x128xi32, #tpu.memory_space<hbm>>, %arg3: memref<16x160x128xi32, #tpu.memory_space<hbm>>, %arg4: memref<2x10000x64xf32, #tpu.memory_space<hbm>>, %arg5: memref<20480x64xf32, #tpu.memory_space<hbm>>, %arg6: memref<160x128xi32, #tpu.memory_space<vmem>>, %arg7: memref<160x128xi32, #tpu.memory_space<vmem>>, %arg8: memref<128x64xf32, #tpu.memory_space<vmem>>, %arg9: memref<128x64xf32, #tpu.memory_space<vmem>>, %arg10: memref<128x64xf32, #tpu.memory_space<vmem>>, %arg11: memref<128x64xf32, #tpu.memory_space<vmem>>, %arg12: memref<128x64xf32, #tpu.memory_space<vmem>>, %arg13: memref<128x64xf32, #tpu.memory_space<vmem>>, %arg14: memref<10240x64xf32, #tpu.memory_space<vmem_shared>>, %arg15: memref<!tpu.dma_semaphore, #tpu.memory_space<semaphore_mem>>, %arg16: memref<!tpu.dma_semaphore, #tpu.memory_space<semaphore_mem>>, %arg17: memref<!tpu.dma_semaphore, #tpu.memory_space<semaphore_mem>>, %arg18: memref<!tpu.dma_semaphore, #tpu.memory_space<semaphore_mem>>, %arg19: memref<!tpu.dma_semaphore, #tpu.memory_space<semaphore_mem>>, %arg20: memref<!tpu.dma_semaphore, #tpu.memory_space<semaphore_mem>>, %arg21: memref<!tpu.dma_semaphore, #tpu.memory_space<semaphore_mem>>, %arg22: memref<!tpu.dma_semaphore, #tpu.memory_space<semaphore_mem>>, %arg23: memref<!tpu.dma_semaphore, #tpu.memory_space<semaphore_mem>>, %arg24: memref<!tpu.dma_semaphore, #tpu.memory_space<semaphore_mem>>) attributes {dimension_semantics = [#tpu.dimension_semantics<core_parallel>, #tpu.dimension_semantics<subcore_parallel>], iteration_bounds = array<i64: 2, 16>, scalar_prefetch = 0 : i64, scratch_operands = 19 : i64, tpu.core_type = #tpu.core_type<sc_vector_subcore>, window_params = [{transform_indices = #map}, {transform_indices = #map}, {transform_indices = #map}, {transform_indices = #map1}]} {
    "tpu.region"() ({
      %run_scoped3A = tpu.sem_alloc : memref<!tpu.dma_semaphore, #tpu.memory_space<semaphore_mem>>
      %dma_start3A_204 = arith.constant 0 : i32
      %dma_start3A_205 = arith.constant 0 : i32
      %dma_start3A_206 = tpu.memref_slice %arg2[%arg1, %dma_start3A_204, %dma_start3A_205] : memref<16x160x128xi32, #tpu.memory_space<hbm>> -> memref<1x160x128xi32, #tpu.memory_space<hbm>>
      %dma_start3A_207 = tpu.memref_squeeze %dma_start3A_206 : memref<1x160x128xi32, #tpu.memory_space<hbm>> -> memref<160x128xi32, #tpu.memory_space<hbm>>
      %dma_start3A_208 = arith.constant 0 : i32
      %dma_start3A_209 = arith.constant 0 : i32
      %dma_start3A_210 = tpu.memref_slice %arg2[%arg1, %dma_start3A_208, %dma_start3A_209] : memref<16x160x128xi32, #tpu.memory_space<hbm>> -> memref<1x160x128xi32, #tpu.memory_space<hbm>>
      %dma_start3A_211 = tpu.memref_squeeze %dma_start3A_210 : memref<1x160x128xi32, #tpu.memory_space<hbm>> -> memref<160x128xi32, #tpu.memory_space<hbm>>
      tpu.enqueue_dma source(%dma_start3A_211 : memref<160x128xi32, #tpu.memory_space<hbm>>) target(%arg6 : memref<160x128xi32, #tpu.memory_space<vmem>>) target_semaphore(%run_scoped3A : memref<!tpu.dma_semaphore, #tpu.memory_space<semaphore_mem>>)
      %dma_wait3A_212 = arith.constant 0 : i32
      %dma_wait3A_213 = arith.constant 0 : i32
      %dma_wait3A_214 = tpu.memref_slice %arg2[%arg1, %dma_wait3A_212, %dma_wait3A_213] : memref<16x160x128xi32, #tpu.memory_space<hbm>> -> memref<1x160x128xi32, #tpu.memory_space<hbm>>
      %dma_wait3A_215 = tpu.memref_squeeze %dma_wait3A_214 : memref<1x160x128xi32, #tpu.memory_space<hbm>> -> memref<160x128xi32, #tpu.memory_space<hbm>>
      %dma_wait3A_216 = arith.constant 0 : i32
      %dma_wait3A_217 = arith.constant 0 : i32
      %dma_wait3A_218 = tpu.memref_slice %arg2[%arg1, %dma_wait3A_216, %dma_wait3A_217] : memref<16x160x128xi32, #tpu.memory_space<hbm>> -> memref<1x160x128xi32, #tpu.memory_space<hbm>>
      %dma_wait3A_219 = tpu.memref_squeeze %dma_wait3A_218 : memref<1x160x128xi32, #tpu.memory_space<hbm>> -> memref<160x128xi32, #tpu.memory_space<hbm>>
      tpu.wait_dma2 semaphore(%run_scoped3A : memref<!tpu.dma_semaphore, #tpu.memory_space<semaphore_mem>>) src(%dma_wait3A_219 : memref<160x128xi32, #tpu.memory_space<hbm>>) dst(%arg6 : memref<160x128xi32, #tpu.memory_space<vmem>>)
      tpu.yield
    }) : () -> ()
    "tpu.region"() ({
      %run_scoped3A = tpu.sem_alloc : memref<!tpu.dma_semaphore, #tpu.memory_space<semaphore_mem>>
      %dma_start3A_204 = arith.constant 0 : i32
      %dma_start3A_205 = arith.constant 0 : i32
      %dma_start3A_206 = tpu.memref_slice %arg3[%arg1, %dma_start3A_204, %dma_start3A_205] : memref<16x160x128xi32, #tpu.memory_space<hbm>> -> memref<1x160x128xi32, #tpu.memory_space<hbm>>
      %dma_start3A_207 = tpu.memref_squeeze %dma_start3A_206 : memref<1x160x128xi32, #tpu.memory_space<hbm>> -> memref<160x128xi32, #tpu.memory_space<hbm>>
      %dma_start3A_208 = arith.constant 0 : i32
      %dma_start3A_209 = arith.constant 0 : i32
      %dma_start3A_210 = tpu.memref_slice %arg3[%arg1, %dma_start3A_208, %dma_start3A_209] : memref<16x160x128xi32, #tpu.memory_space<hbm>> -> memref<1x160x128xi32, #tpu.memory_space<hbm>>
      %dma_start3A_211 = tpu.memref_squeeze %dma_start3A_210 : memref<1x160x128xi32, #tpu.memory_space<hbm>> -> memref<160x128xi32, #tpu.memory_space<hbm>>
      tpu.enqueue_dma source(%dma_start3A_211 : memref<160x128xi32, #tpu.memory_space<hbm>>) target(%arg7 : memref<160x128xi32, #tpu.memory_space<vmem>>) target_semaphore(%run_scoped3A : memref<!tpu.dma_semaphore, #tpu.memory_space<semaphore_mem>>)
      %dma_wait3A_212 = arith.constant 0 : i32
      %dma_wait3A_213 = arith.constant 0 : i32
      %dma_wait3A_214 = tpu.memref_slice %arg3[%arg1, %dma_wait3A_212, %dma_wait3A_213] : memref<16x160x128xi32, #tpu.memory_space<hbm>> -> memref<1x160x128xi32, #tpu.memory_space<hbm>>
      %dma_wait3A_215 = tpu.memref_squeeze %dma_wait3A_214 : memref<1x160x128xi32, #tpu.memory_space<hbm>> -> memref<160x128xi32, #tpu.memory_space<hbm>>
      %dma_wait3A_216 = arith.constant 0 : i32
      %dma_wait3A_217 = arith.constant 0 : i32
      %dma_wait3A_218 = tpu.memref_slice %arg3[%arg1, %dma_wait3A_216, %dma_wait3A_217] : memref<16x160x128xi32, #tpu.memory_space<hbm>> -> memref<1x160x128xi32, #tpu.memory_space<hbm>>
      %dma_wait3A_219 = tpu.memref_squeeze %dma_wait3A_218 : memref<1x160x128xi32, #tpu.memory_space<hbm>> -> memref<160x128xi32, #tpu.memory_space<hbm>>
      tpu.wait_dma2 semaphore(%run_scoped3A : memref<!tpu.dma_semaphore, #tpu.memory_space<semaphore_mem>>) src(%dma_wait3A_219 : memref<160x128xi32, #tpu.memory_space<hbm>>) dst(%arg7 : memref<160x128xi32, #tpu.memory_space<vmem>>)
      tpu.yield
    }) : () -> ()
    %broadcast_in_dim3A = arith.constant 0.000000e+00 : f32
    %broadcast_in_dim3A_0 = vector.broadcast %broadcast_in_dim3A : f32 to vector<16xf32>
    %scan3A = arith.constant 0 : i32
    %scan3A_1 = arith.constant 0 : i32
    %scan3A_2 = arith.constant 512 : i32
    %scan3A_3 = arith.addi %scan3A_1, %scan3A_2 : i32
    %scan3A_4 = arith.constant 1 : i32
    %scan3A_5 = scf.for %scan3A_204 = %scan3A_1 to %scan3A_3 step %scan3A_4 iter_args(%scan3A_205 = %scan3A) -> (i32)  : i32 {
      %jit3A = arith.constant 4 : i32
      %div3A = arith.divsi %scan3A_204, %jit3A : i32
      %sign3A = arith.constant 0 : i32
      %sign3A_206 = arith.cmpi sgt, %scan3A_204, %sign3A : i32
      %sign3A_207 = arith.extui %sign3A_206 : i1 to i32
      %sign3A_208 = arith.constant 0 : i32
      %sign3A_209 = arith.cmpi slt, %scan3A_204, %sign3A_208 : i32
      %sign3A_210 = arith.extui %sign3A_209 : i1 to i32
      %sign3A_211 = arith.subi %sign3A_207, %sign3A_210 : i32
      %sign3A_212 = arith.constant 0 : i32
      %sign3A_213 = arith.cmpi sgt, %jit3A, %sign3A_212 : i32
      %sign3A_214 = arith.extui %sign3A_213 : i1 to i32
      %sign3A_215 = arith.constant 0 : i32
      %sign3A_216 = arith.cmpi slt, %jit3A, %sign3A_215 : i32
      %sign3A_217 = arith.extui %sign3A_216 : i1 to i32
      %sign3A_218 = arith.subi %sign3A_214, %sign3A_217 : i32
      %ne3A = arith.cmpi ne, %sign3A_211, %sign3A_218 : i32
      %rem3A = arith.remsi %scan3A_204, %jit3A : i32
      %ne3A_219 = arith.constant 0 : i32
      %ne3A_220 = arith.cmpi ne, %rem3A, %ne3A_219 : i32
      %and3A = arith.andi %ne3A, %ne3A_220 : i1
      %sub3A = arith.constant 1 : i32
      %sub3A_221 = arith.subi %div3A, %sub3A : i32
      %select_n3A = arith.select %and3A, %sub3A_221, %div3A : i32
      %jit3A_222 = arith.constant 4 : i32
      %eq3A_223 = arith.constant 0 : i32
      %eq3A_224 = arith.cmpi eq, %jit3A_222, %eq3A_223 : i32
      %jit3A_225 = arith.constant 1 : i32
      %select_n3A_226 = arith.select %eq3A_224, %jit3A_225, %jit3A_222 : i32
      %rem3A_227 = arith.remsi %scan3A_204, %select_n3A_226 : i32
      %ne3A_228 = arith.constant 0 : i32
      %ne3A_229 = arith.cmpi ne, %rem3A_227, %ne3A_228 : i32
      %lt3A_230 = arith.constant 0 : i32
      %lt3A_231 = arith.cmpi slt, %rem3A_227, %lt3A_230 : i32
      %lt3A_232 = arith.constant 0 : i32
      %lt3A_233 = arith.cmpi slt, %select_n3A_226, %lt3A_232 : i32
      %ne3A_234 = arith.xori %lt3A_231, %lt3A_233 : i1
      %and3A_235 = arith.andi %ne3A_234, %ne3A_229 : i1
      %add3A_236 = arith.addi %rem3A_227, %select_n3A_226 : i32
      %select_n3A_237 = arith.select %and3A_235, %add3A_236, %rem3A_227 : i32
      %mul3A_238 = arith.constant 16 : i32
      %mul3A_239 = arith.muli %select_n3A_237, %mul3A_238 : i32
      %swap3A = arith.index_cast %select_n3A : i32 to index
      %swap3A_240 = arith.index_cast %mul3A_239 : i32 to index
      %swap3A_241 = tpu.vector_load %arg13[%swap3A, %swap3A_240] {strides = array<i32>} : memref<128x64xf32, #tpu.memory_space<vmem>>, vector<1x16xf32>,
      %swap3A_242 = vector.shape_cast %swap3A_241 : vector<1x16xf32> to vector<16xf32>
      %swap3A_243 = vector.shape_cast %broadcast_in_dim3A_0 : vector<16xf32> to vector<1x16xf32>
      tpu.vector_store %arg13[%swap3A, %swap3A_240], %swap3A_243 {strides = array<i32>} : memref<128x64xf32, #tpu.memory_space<vmem>>, vector<1x16xf32>,
      %scan3A_244 = arith.constant 0 : i32
      scf.yield %scan3A_244 : i32
    }
    %scan3A_6 = arith.constant 512 : i32
    %lt3A = arith.constant 15 : i32
    %lt3A_7 = arith.cmpi slt, %arg1, %lt3A : i32
    %convert_element_type3A = arith.extui %lt3A_7 : i1 to i32
    %cond3A = arith.constant 0 : i32
    %cond3A_8 = arith.cmpi ne, %convert_element_type3A, %cond3A : i32
    scf.if %cond3A_8 {
      %mul3A_204 = arith.constant 640 : i32
      %mul3A_205 = arith.muli %arg1, %mul3A_204 : i32
      %mul3A_206 = arith.constant 640 : i32
      %mul3A_207 = arith.muli %arg1, %mul3A_206 : i32
      "tpu.region"() ({
        %run_scoped3A = tpu.sem_alloc : memref<!tpu.dma_semaphore, #tpu.memory_space<semaphore_mem>>
        %dma_start3A_208 = arith.constant 0 : i32
        %dma_start3A_209 = tpu.memref_slice %arg14[%mul3A_207, %dma_start3A_208] : memref<10240x64xf32, #tpu.memory_space<vmem_shared>> -> memref<640x64xf32, #tpu.memory_space<vmem_shared>>
        %dma_start3A_210 = arith.constant 0 : i32
        %dma_start3A_211 = arith.constant 0 : i32
        %dma_start3A_212 = tpu.memref_slice %arg4[%arg0, %dma_start3A_210, %dma_start3A_211] : memref<2x10000x64xf32, #tpu.memory_space<hbm>> -> memref<1x10000x64xf32, #tpu.memory_space<hbm>>
        %dma_start3A_213 = tpu.memref_squeeze %dma_start3A_212 : memref<1x10000x64xf32, #tpu.memory_space<hbm>> -> memref<10000x64xf32, #tpu.memory_space<hbm>>
        %dma_start3A_214 = arith.constant 0 : i32
        %dma_start3A_215 = tpu.memref_slice %dma_start3A_213[%mul3A_205, %dma_start3A_214] : memref<10000x64xf32, #tpu.memory_space<hbm>> -> memref<640x64xf32, #tpu.memory_space<hbm>>
        tpu.enqueue_dma source(%dma_start3A_215 : memref<640x64xf32, #tpu.memory_space<hbm>>) target(%dma_start3A_209 : memref<640x64xf32, #tpu.memory_space<vmem_shared>>) target_semaphore(%run_scoped3A : memref<!tpu.dma_semaphore, #tpu.memory_space<semaphore_mem>>)
        %dma_wait3A_216 = arith.constant 0 : i32
        %dma_wait3A_217 = tpu.memref_slice %arg14[%mul3A_207, %dma_wait3A_216] : memref<10240x64xf32, #tpu.memory_space<vmem_shared>> -> memref<640x64xf32, #tpu.memory_space<vmem_shared>>
        %dma_wait3A_218 = arith.constant 0 : i32
        %dma_wait3A_219 = arith.constant 0 : i32
        %dma_wait3A_220 = tpu.memref_slice %arg4[%arg0, %dma_wait3A_218, %dma_wait3A_219] : memref<2x10000x64xf32, #tpu.memory_space<hbm>> -> memref<1x10000x64xf32, #tpu.memory_space<hbm>>
        %dma_wait3A_221 = tpu.memref_squeeze %dma_wait3A_220 : memref<1x10000x64xf32, #tpu.memory_space<hbm>> -> memref<10000x64xf32, #tpu.memory_space<hbm>>
        %dma_wait3A_222 = arith.constant 0 : i32
        %dma_wait3A_223 = tpu.memref_slice %dma_wait3A_221[%mul3A_205, %dma_wait3A_222] : memref<10000x64xf32, #tpu.memory_space<hbm>> -> memref<640x64xf32, #tpu.memory_space<hbm>>
        tpu.wait_dma2 semaphore(%run_scoped3A : memref<!tpu.dma_semaphore, #tpu.memory_space<semaphore_mem>>) src(%dma_wait3A_223 : memref<640x64xf32, #tpu.memory_space<hbm>>) dst(%dma_wait3A_217 : memref<640x64xf32, #tpu.memory_space<vmem_shared>>)
        tpu.yield
      }) : () -> ()
    } else {
    }
    %eq3A = arith.constant 15 : i32
    %eq3A_9 = arith.cmpi eq, %arg1, %eq3A : i32
    %convert_element_type3A_10 = arith.extui %eq3A_9 : i1 to i32
    %cond3A_11 = arith.constant 0 : i32
    %cond3A_12 = arith.cmpi ne, %convert_element_type3A_10, %cond3A_11 : i32
    scf.if %cond3A_12 {
      "tpu.region"() ({
        %run_scoped3A = tpu.sem_alloc : memref<!tpu.dma_semaphore, #tpu.memory_space<semaphore_mem>>
        %dma_start3A_204 = arith.constant 9600 : i32
        %dma_start3A_205 = arith.constant 0 : i32
        %dma_start3A_206 = tpu.memref_slice %arg14[%dma_start3A_204, %dma_start3A_205] : memref<10240x64xf32, #tpu.memory_space<vmem_shared>> -> memref<400x64xf32, #tpu.memory_space<vmem_shared>>
        %dma_start3A_207 = arith.constant 0 : i32
        %dma_start3A_208 = arith.constant 0 : i32
        %dma_start3A_209 = tpu.memref_slice %arg4[%arg0, %dma_start3A_207, %dma_start3A_208] : memref<2x10000x64xf32, #tpu.memory_space<hbm>> -> memref<1x10000x64xf32, #tpu.memory_space<hbm>>
        %dma_start3A_210 = tpu.memref_squeeze %dma_start3A_209 : memref<1x10000x64xf32, #tpu.memory_space<hbm>> -> memref<10000x64xf32, #tpu.memory_space<hbm>>
        %dma_start3A_211 = arith.constant 9600 : i32
        %dma_start3A_212 = arith.constant 0 : i32
        %dma_start3A_213 = tpu.memref_slice %dma_start3A_210[%dma_start3A_211, %dma_start3A_212] : memref<10000x64xf32, #tpu.memory_space<hbm>> -> memref<400x64xf32, #tpu.memory_space<hbm>>
        tpu.enqueue_dma source(%dma_start3A_213 : memref<400x64xf32, #tpu.memory_space<hbm>>) target(%dma_start3A_206 : memref<400x64xf32, #tpu.memory_space<vmem_shared>>) target_semaphore(%run_scoped3A : memref<!tpu.dma_semaphore, #tpu.memory_space<semaphore_mem>>)
        %dma_wait3A_214 = arith.constant 9600 : i32
        %dma_wait3A_215 = arith.constant 0 : i32
        %dma_wait3A_216 = tpu.memref_slice %arg14[%dma_wait3A_214, %dma_wait3A_215] : memref<10240x64xf32, #tpu.memory_space<vmem_shared>> -> memref<400x64xf32, #tpu.memory_space<vmem_shared>>
        %dma_wait3A_217 = arith.constant 0 : i32
        %dma_wait3A_218 = arith.constant 0 : i32
        %dma_wait3A_219 = tpu.memref_slice %arg4[%arg0, %dma_wait3A_217, %dma_wait3A_218] : memref<2x10000x64xf32, #tpu.memory_space<hbm>> -> memref<1x10000x64xf32, #tpu.memory_space<hbm>>
        %dma_wait3A_220 = tpu.memref_squeeze %dma_wait3A_219 : memref<1x10000x64xf32, #tpu.memory_space<hbm>> -> memref<10000x64xf32, #tpu.memory_space<hbm>>
        %dma_wait3A_221 = arith.constant 9600 : i32
        %dma_wait3A_222 = arith.constant 0 : i32
        %dma_wait3A_223 = tpu.memref_slice %dma_wait3A_220[%dma_wait3A_221, %dma_wait3A_222] : memref<10000x64xf32, #tpu.memory_space<hbm>> -> memref<400x64xf32, #tpu.memory_space<hbm>>
        tpu.wait_dma2 semaphore(%run_scoped3A : memref<!tpu.dma_semaphore, #tpu.memory_space<semaphore_mem>>) src(%dma_wait3A_223 : memref<400x64xf32, #tpu.memory_space<hbm>>) dst(%dma_wait3A_216 : memref<400x64xf32, #tpu.memory_space<vmem_shared>>)
        tpu.yield
      }) : () -> ()
      "tpu.region"() ({
        %run_scoped3A = tpu.sem_alloc : memref<!tpu.dma_semaphore, #tpu.memory_space<semaphore_mem>>
        %dma_start3A_204 = arith.constant 10000 : i32
        %dma_start3A_205 = arith.constant 0 : i32
        %dma_start3A_206 = tpu.memref_slice %arg14[%dma_start3A_204, %dma_start3A_205] : memref<10240x64xf32, #tpu.memory_space<vmem_shared>> -> memref<128x64xf32, #tpu.memory_space<vmem_shared>>
        %dma_start3A_207 = arith.constant 10000 : i32
        %dma_start3A_208 = arith.constant 0 : i32
        %dma_start3A_209 = tpu.memref_slice %arg14[%dma_start3A_207, %dma_start3A_208] : memref<10240x64xf32, #tpu.memory_space<vmem_shared>> -> memref<128x64xf32, #tpu.memory_space<vmem_shared>>
        tpu.enqueue_dma source(%arg13 : memref<128x64xf32, #tpu.memory_space<vmem>>) target(%dma_start3A_209 : memref<128x64xf32, #tpu.memory_space<vmem_shared>>) target_semaphore(%run_scoped3A : memref<!tpu.dma_semaphore, #tpu.memory_space<semaphore_mem>>)
        %dma_wait3A_210 = arith.constant 10000 : i32
        %dma_wait3A_211 = arith.constant 0 : i32
        %dma_wait3A_212 = tpu.memref_slice %arg14[%dma_wait3A_210, %dma_wait3A_211] : memref<10240x64xf32, #tpu.memory_space<vmem_shared>> -> memref<128x64xf32, #tpu.memory_space<vmem_shared>>
        %dma_wait3A_213 = arith.constant 10000 : i32
        %dma_wait3A_214 = arith.constant 0 : i32
        %dma_wait3A_215 = tpu.memref_slice %arg14[%dma_wait3A_213, %dma_wait3A_214] : memref<10240x64xf32, #tpu.memory_space<vmem_shared>> -> memref<128x64xf32, #tpu.memory_space<vmem_shared>>
        tpu.wait_dma2 semaphore(%run_scoped3A : memref<!tpu.dma_semaphore, #tpu.memory_space<semaphore_mem>>) src(%arg13 : memref<128x64xf32, #tpu.memory_space<vmem>>) dst(%dma_wait3A_215 : memref<128x64xf32, #tpu.memory_space<vmem_shared>>)
        tpu.yield
      }) : () -> ()
      "tpu.region"() ({
        %run_scoped3A = tpu.sem_alloc : memref<!tpu.dma_semaphore, #tpu.memory_space<semaphore_mem>>
        %dma_start3A_204 = arith.constant 0 : i32
        %dma_start3A_205 = arith.constant 0 : i32
        %dma_start3A_206 = tpu.memref_slice %arg13[%dma_start3A_204, %dma_start3A_205] : memref<128x64xf32, #tpu.memory_space<vmem>> -> memref<112x64xf32, #tpu.memory_space<vmem>>
        %dma_start3A_207 = arith.constant 10128 : i32
        %dma_start3A_208 = arith.constant 0 : i32
        %dma_start3A_209 = tpu.memref_slice %arg14[%dma_start3A_207, %dma_start3A_208] : memref<10240x64xf32, #tpu.memory_space<vmem_shared>> -> memref<112x64xf32, #tpu.memory_space<vmem_shared>>
        %dma_start3A_210 = arith.constant 10128 : i32
        %dma_start3A_211 = arith.constant 0 : i32
        %dma_start3A_212 = tpu.memref_slice %arg14[%dma_start3A_210, %dma_start3A_211] : memref<10240x64xf32, #tpu.memory_space<vmem_shared>> -> memref<112x64xf32, #tpu.memory_space<vmem_shared>>
        %dma_start3A_213 = arith.constant 0 : i32
        %dma_start3A_214 = arith.constant 0 : i32
        %dma_start3A_215 = tpu.memref_slice %arg13[%dma_start3A_213, %dma_start3A_214] : memref<128x64xf32, #tpu.memory_space<vmem>> -> memref<112x64xf32, #tpu.memory_space<vmem>>
        tpu.enqueue_dma source(%dma_start3A_215 : memref<112x64xf32, #tpu.memory_space<vmem>>) target(%dma_start3A_212 : memref<112x64xf32, #tpu.memory_space<vmem_shared>>) target_semaphore(%run_scoped3A : memref<!tpu.dma_semaphore, #tpu.memory_space<semaphore_mem>>)
        %dma_wait3A_216 = arith.constant 0 : i32
        %dma_wait3A_217 = arith.constant 0 : i32
        %dma_wait3A_218 = tpu.memref_slice %arg13[%dma_wait3A_216, %dma_wait3A_217] : memref<128x64xf32, #tpu.memory_space<vmem>> -> memref<112x64xf32, #tpu.memory_space<vmem>>
        %dma_wait3A_219 = arith.constant 10128 : i32
        %dma_wait3A_220 = arith.constant 0 : i32
        %dma_wait3A_221 = tpu.memref_slice %arg14[%dma_wait3A_219, %dma_wait3A_220] : memref<10240x64xf32, #tpu.memory_space<vmem_shared>> -> memref<112x64xf32, #tpu.memory_space<vmem_shared>>
        %dma_wait3A_222 = arith.constant 10128 : i32
        %dma_wait3A_223 = arith.constant 0 : i32
        %dma_wait3A_224 = tpu.memref_slice %arg14[%dma_wait3A_222, %dma_wait3A_223] : memref<10240x64xf32, #tpu.memory_space<vmem_shared>> -> memref<112x64xf32, #tpu.memory_space<vmem_shared>>
        %dma_wait3A_225 = arith.constant 0 : i32
        %dma_wait3A_226 = arith.constant 0 : i32
        %dma_wait3A_227 = tpu.memref_slice %arg13[%dma_wait3A_225, %dma_wait3A_226] : memref<128x64xf32, #tpu.memory_space<vmem>> -> memref<112x64xf32, #tpu.memory_space<vmem>>
        tpu.wait_dma2 semaphore(%run_scoped3A : memref<!tpu.dma_semaphore, #tpu.memory_space<semaphore_mem>>) src(%dma_wait3A_227 : memref<112x64xf32, #tpu.memory_space<vmem>>) dst(%dma_wait3A_224 : memref<112x64xf32, #tpu.memory_space<vmem_shared>>)
        tpu.yield
      }) : () -> ()
    } else {
    }
    %barrier3A = arith.constant 0 : index
    tpu.barrier barrier_id(%barrier3A)
    %dma_start3A = arith.constant 0 : i32
    %dma_start3A_13 = arith.constant 0 : i32
    %dma_start3A_14 = tpu.memref_slice %arg6[%dma_start3A, %dma_start3A_13] : memref<160x128xi32, #tpu.memory_space<vmem>> -> memref<1x128xi32, #tpu.memory_space<vmem>>
    %dma_start3A_15 = tpu.memref_squeeze %dma_start3A_14 : memref<1x128xi32, #tpu.memory_space<vmem>> -> memref<128xi32, #tpu.memory_space<vmem>>
    %dma_start3A_16 = arith.constant 0 : i32
    %dma_start3A_17 = arith.constant 0 : i32
    %dma_start3A_18 = tpu.memref_slice %arg4[%arg0, %dma_start3A_16, %dma_start3A_17] : memref<2x10000x64xf32, #tpu.memory_space<hbm>> -> memref<1x10000x64xf32, #tpu.memory_space<hbm>>
    %dma_start3A_19 = tpu.memref_squeeze %dma_start3A_18 : memref<1x10000x64xf32, #tpu.memory_space<hbm>> -> memref<10000x64xf32, #tpu.memory_space<hbm>>
    %dma_start3A_20 = arith.constant 0 : i32
    %dma_start3A_21 = arith.constant 0 : i32
    %dma_start3A_22 = tpu.memref_slice %dma_start3A_19[%dma_start3A_20, %dma_start3A_21] : memref<10000x64xf32, #tpu.memory_space<hbm>> -> memref<10000x64xf32, #tpu.memory_space<hbm>>
    tpu.enqueue_indirect_dma source(%dma_start3A_22 : memref<10000x64xf32, #tpu.memory_space<hbm>>) target(%arg8 : memref<128x64xf32, #tpu.memory_space<vmem>>) offsets(%dma_start3A_15 : memref<128xi32, #tpu.memory_space<vmem>>) semaphore(%arg15 : memref<!tpu.dma_semaphore, #tpu.memory_space<semaphore_mem>>)
    %dma_start3A_23 = arith.constant 1 : i32
    %dma_start3A_24 = arith.constant 0 : i32
    %dma_start3A_25 = tpu.memref_slice %arg6[%dma_start3A_23, %dma_start3A_24] : memref<160x128xi32, #tpu.memory_space<vmem>> -> memref<1x128xi32, #tpu.memory_space<vmem>>
    %dma_start3A_26 = tpu.memref_squeeze %dma_start3A_25 : memref<1x128xi32, #tpu.memory_space<vmem>> -> memref<128xi32, #tpu.memory_space<vmem>>
    %dma_start3A_27 = arith.constant 0 : i32
    %dma_start3A_28 = arith.constant 0 : i32
    %dma_start3A_29 = tpu.memref_slice %arg4[%arg0, %dma_start3A_27, %dma_start3A_28] : memref<2x10000x64xf32, #tpu.memory_space<hbm>> -> memref<1x10000x64xf32, #tpu.memory_space<hbm>>
    %dma_start3A_30 = tpu.memref_squeeze %dma_start3A_29 : memref<1x10000x64xf32, #tpu.memory_space<hbm>> -> memref<10000x64xf32, #tpu.memory_space<hbm>>
    %dma_start3A_31 = arith.constant 0 : i32
    %dma_start3A_32 = arith.constant 0 : i32
    %dma_start3A_33 = tpu.memref_slice %dma_start3A_30[%dma_start3A_31, %dma_start3A_32] : memref<10000x64xf32, #tpu.memory_space<hbm>> -> memref<10000x64xf32, #tpu.memory_space<hbm>>
    tpu.enqueue_indirect_dma source(%dma_start3A_33 : memref<10000x64xf32, #tpu.memory_space<hbm>>) target(%arg9 : memref<128x64xf32, #tpu.memory_space<vmem>>) offsets(%dma_start3A_26 : memref<128xi32, #tpu.memory_space<vmem>>) semaphore(%arg16 : memref<!tpu.dma_semaphore, #tpu.memory_space<semaphore_mem>>)
    %dma_start3A_34 = arith.constant 2 : i32
    %dma_start3A_35 = arith.constant 0 : i32
    %dma_start3A_36 = tpu.memref_slice %arg6[%dma_start3A_34, %dma_start3A_35] : memref<160x128xi32, #tpu.memory_space<vmem>> -> memref<1x128xi32, #tpu.memory_space<vmem>>
    %dma_start3A_37 = tpu.memref_squeeze %dma_start3A_36 : memref<1x128xi32, #tpu.memory_space<vmem>> -> memref<128xi32, #tpu.memory_space<vmem>>
    %dma_start3A_38 = arith.constant 0 : i32
    %dma_start3A_39 = arith.constant 0 : i32
    %dma_start3A_40 = tpu.memref_slice %arg4[%arg0, %dma_start3A_38, %dma_start3A_39] : memref<2x10000x64xf32, #tpu.memory_space<hbm>> -> memref<1x10000x64xf32, #tpu.memory_space<hbm>>
    %dma_start3A_41 = tpu.memref_squeeze %dma_start3A_40 : memref<1x10000x64xf32, #tpu.memory_space<hbm>> -> memref<10000x64xf32, #tpu.memory_space<hbm>>
    %dma_start3A_42 = arith.constant 0 : i32
    %dma_start3A_43 = arith.constant 0 : i32
    %dma_start3A_44 = tpu.memref_slice %dma_start3A_41[%dma_start3A_42, %dma_start3A_43] : memref<10000x64xf32, #tpu.memory_space<hbm>> -> memref<10000x64xf32, #tpu.memory_space<hbm>>
    tpu.enqueue_indirect_dma source(%dma_start3A_44 : memref<10000x64xf32, #tpu.memory_space<hbm>>) target(%arg10 : memref<128x64xf32, #tpu.memory_space<vmem>>) offsets(%dma_start3A_37 : memref<128xi32, #tpu.memory_space<vmem>>) semaphore(%arg17 : memref<!tpu.dma_semaphore, #tpu.memory_space<semaphore_mem>>)
    %dma_start3A_45 = arith.constant 3 : i32
    %dma_start3A_46 = arith.constant 0 : i32
    %dma_start3A_47 = tpu.memref_slice %arg6[%dma_start3A_45, %dma_start3A_46] : memref<160x128xi32, #tpu.memory_space<vmem>> -> memref<1x128xi32, #tpu.memory_space<vmem>>
    %dma_start3A_48 = tpu.memref_squeeze %dma_start3A_47 : memref<1x128xi32, #tpu.memory_space<vmem>> -> memref<128xi32, #tpu.memory_space<vmem>>
    %dma_start3A_49 = arith.constant 0 : i32
    %dma_start3A_50 = arith.constant 0 : i32
    %dma_start3A_51 = tpu.memref_slice %arg4[%arg0, %dma_start3A_49, %dma_start3A_50] : memref<2x10000x64xf32, #tpu.memory_space<hbm>> -> memref<1x10000x64xf32, #tpu.memory_space<hbm>>
    %dma_start3A_52 = tpu.memref_squeeze %dma_start3A_51 : memref<1x10000x64xf32, #tpu.memory_space<hbm>> -> memref<10000x64xf32, #tpu.memory_space<hbm>>
    %dma_start3A_53 = arith.constant 0 : i32
    %dma_start3A_54 = arith.constant 0 : i32
    %dma_start3A_55 = tpu.memref_slice %dma_start3A_52[%dma_start3A_53, %dma_start3A_54] : memref<10000x64xf32, #tpu.memory_space<hbm>> -> memref<10000x64xf32, #tpu.memory_space<hbm>>
    tpu.enqueue_indirect_dma source(%dma_start3A_55 : memref<10000x64xf32, #tpu.memory_space<hbm>>) target(%arg11 : memref<128x64xf32, #tpu.memory_space<vmem>>) offsets(%dma_start3A_48 : memref<128xi32, #tpu.memory_space<vmem>>) semaphore(%arg18 : memref<!tpu.dma_semaphore, #tpu.memory_space<semaphore_mem>>)
    %dma_start3A_56 = arith.constant 4 : i32
    %dma_start3A_57 = arith.constant 0 : i32
    %dma_start3A_58 = tpu.memref_slice %arg6[%dma_start3A_56, %dma_start3A_57] : memref<160x128xi32, #tpu.memory_space<vmem>> -> memref<1x128xi32, #tpu.memory_space<vmem>>
    %dma_start3A_59 = tpu.memref_squeeze %dma_start3A_58 : memref<1x128xi32, #tpu.memory_space<vmem>> -> memref<128xi32, #tpu.memory_space<vmem>>
    %dma_start3A_60 = arith.constant 0 : i32
    %dma_start3A_61 = arith.constant 0 : i32
    %dma_start3A_62 = tpu.memref_slice %arg4[%arg0, %dma_start3A_60, %dma_start3A_61] : memref<2x10000x64xf32, #tpu.memory_space<hbm>> -> memref<1x10000x64xf32, #tpu.memory_space<hbm>>
    %dma_start3A_63 = tpu.memref_squeeze %dma_start3A_62 : memref<1x10000x64xf32, #tpu.memory_space<hbm>> -> memref<10000x64xf32, #tpu.memory_space<hbm>>
    %dma_start3A_64 = arith.constant 0 : i32
    %dma_start3A_65 = arith.constant 0 : i32
    %dma_start3A_66 = tpu.memref_slice %dma_start3A_63[%dma_start3A_64, %dma_start3A_65] : memref<10000x64xf32, #tpu.memory_space<hbm>> -> memref<10000x64xf32, #tpu.memory_space<hbm>>
    tpu.enqueue_indirect_dma source(%dma_start3A_66 : memref<10000x64xf32, #tpu.memory_space<hbm>>) target(%arg12 : memref<128x64xf32, #tpu.memory_space<vmem>>) offsets(%dma_start3A_59 : memref<128xi32, #tpu.memory_space<vmem>>) semaphore(%arg19 : memref<!tpu.dma_semaphore, #tpu.memory_space<semaphore_mem>>)
    %scan3A_67 = arith.constant 0 : i32
    %scan3A_68 = arith.constant 0 : i32
    %scan3A_69 = arith.constant 31 : i32
    %scan3A_70 = arith.addi %scan3A_68, %scan3A_69 : i32
    %scan3A_71 = arith.constant 1 : i32
    %scan3A_72 = scf.for %scan3A_204 = %scan3A_68 to %scan3A_70 step %scan3A_71 iter_args(%scan3A_205 = %scan3A_67) -> (i32)  : i32 {
      %mul3A_206 = arith.constant 5 : i32
      %mul3A_207 = arith.muli %scan3A_204, %mul3A_206 : i32
      %add3A_208 = arith.constant 0 : i32
      %add3A_209 = arith.addi %mul3A_207, %add3A_208 : i32
      %dma_wait3A_210 = arith.constant 0 : i32
      %dma_wait3A_211 = tpu.memref_slice %arg6[%add3A_209, %dma_wait3A_210] : memref<160x128xi32, #tpu.memory_space<vmem>> -> memref<1x128xi32, #tpu.memory_space<vmem>>
      %dma_wait3A_212 = tpu.memref_squeeze %dma_wait3A_211 : memref<1x128xi32, #tpu.memory_space<vmem>> -> memref<128xi32, #tpu.memory_space<vmem>>
      %dma_wait3A_213 = arith.constant 0 : i32
      %dma_wait3A_214 = arith.constant 0 : i32
      %dma_wait3A_215 = tpu.memref_slice %arg4[%arg0, %dma_wait3A_213, %dma_wait3A_214] : memref<2x10000x64xf32, #tpu.memory_space<hbm>> -> memref<1x10000x64xf32, #tpu.memory_space<hbm>>
      %dma_wait3A_216 = tpu.memref_squeeze %dma_wait3A_215 : memref<1x10000x64xf32, #tpu.memory_space<hbm>> -> memref<10000x64xf32, #tpu.memory_space<hbm>>
      %dma_wait3A_217 = arith.constant 0 : i32
      %dma_wait3A_218 = arith.constant 0 : i32
      %dma_wait3A_219 = tpu.memref_slice %dma_wait3A_216[%dma_wait3A_217, %dma_wait3A_218] : memref<10000x64xf32, #tpu.memory_space<hbm>> -> memref<10000x64xf32, #tpu.memory_space<hbm>>
      tpu.wait_indirect_dma semaphore(%arg15 : memref<!tpu.dma_semaphore, #tpu.memory_space<semaphore_mem>>) src(%dma_wait3A_219 : memref<10000x64xf32, #tpu.memory_space<hbm>>) dst(%arg8 : memref<128x64xf32, #tpu.memory_space<vmem>>)
      %add3A_220 = arith.constant 0 : i32
      %add3A_221 = arith.addi %mul3A_207, %add3A_220 : i32
      %dma_start3A_222 = arith.constant 0 : i32
      %dma_start3A_223 = tpu.memref_slice %arg7[%add3A_221, %dma_start3A_222] : memref<160x128xi32, #tpu.memory_space<vmem>> -> memref<1x128xi32, #tpu.memory_space<vmem>>
      %dma_start3A_224 = tpu.memref_squeeze %dma_start3A_223 : memref<1x128xi32, #tpu.memory_space<vmem>> -> memref<128xi32, #tpu.memory_space<vmem>>
      %dma_start3A_225 = arith.constant 0 : i32
      %dma_start3A_226 = arith.constant 0 : i32
      %dma_start3A_227 = tpu.memref_slice %arg14[%dma_start3A_225, %dma_start3A_226] : memref<10240x64xf32, #tpu.memory_space<vmem_shared>> -> memref<10240x64xf32, #tpu.memory_space<vmem_shared>>
      tpu.enqueue_indirect_dma source(%arg8 : memref<128x64xf32, #tpu.memory_space<vmem>>) target(%dma_start3A_227 : memref<10240x64xf32, #tpu.memory_space<vmem_shared>>) offsets(%dma_start3A_224 : memref<128xi32, #tpu.memory_space<vmem>>) semaphore(%arg20 : memref<!tpu.dma_semaphore, #tpu.memory_space<semaphore_mem>>) {add = true}
      %add3A_228 = arith.constant 1 : i32
      %add3A_229 = arith.addi %mul3A_207, %add3A_228 : i32
      %dma_wait3A_230 = arith.constant 0 : i32
      %dma_wait3A_231 = tpu.memref_slice %arg6[%add3A_229, %dma_wait3A_230] : memref<160x128xi32, #tpu.memory_space<vmem>> -> memref<1x128xi32, #tpu.memory_space<vmem>>
      %dma_wait3A_232 = tpu.memref_squeeze %dma_wait3A_231 : memref<1x128xi32, #tpu.memory_space<vmem>> -> memref<128xi32, #tpu.memory_space<vmem>>
      %dma_wait3A_233 = arith.constant 0 : i32
      %dma_wait3A_234 = arith.constant 0 : i32
      %dma_wait3A_235 = tpu.memref_slice %arg4[%arg0, %dma_wait3A_233, %dma_wait3A_234] : memref<2x10000x64xf32, #tpu.memory_space<hbm>> -> memref<1x10000x64xf32, #tpu.memory_space<hbm>>
      %dma_wait3A_236 = tpu.memref_squeeze %dma_wait3A_235 : memref<1x10000x64xf32, #tpu.memory_space<hbm>> -> memref<10000x64xf32, #tpu.memory_space<hbm>>
      %dma_wait3A_237 = arith.constant 0 : i32
      %dma_wait3A_238 = arith.constant 0 : i32
      %dma_wait3A_239 = tpu.memref_slice %dma_wait3A_236[%dma_wait3A_237, %dma_wait3A_238] : memref<10000x64xf32, #tpu.memory_space<hbm>> -> memref<10000x64xf32, #tpu.memory_space<hbm>>
      tpu.wait_indirect_dma semaphore(%arg16 : memref<!tpu.dma_semaphore, #tpu.memory_space<semaphore_mem>>) src(%dma_wait3A_239 : memref<10000x64xf32, #tpu.memory_space<hbm>>) dst(%arg9 : memref<128x64xf32, #tpu.memory_space<vmem>>)
      %add3A_240 = arith.constant 1 : i32
      %add3A_241 = arith.addi %mul3A_207, %add3A_240 : i32
      %dma_start3A_242 = arith.constant 0 : i32
      %dma_start3A_243 = tpu.memref_slice %arg7[%add3A_241, %dma_start3A_242] : memref<160x128xi32, #tpu.memory_space<vmem>> -> memref<1x128xi32, #tpu.memory_space<vmem>>
      %dma_start3A_244 = tpu.memref_squeeze %dma_start3A_243 : memref<1x128xi32, #tpu.memory_space<vmem>> -> memref<128xi32, #tpu.memory_space<vmem>>
      %dma_start3A_245 = arith.constant 0 : i32
      %dma_start3A_246 = arith.constant 0 : i32
      %dma_start3A_247 = tpu.memref_slice %arg14[%dma_start3A_245, %dma_start3A_246] : memref<10240x64xf32, #tpu.memory_space<vmem_shared>> -> memref<10240x64xf32, #tpu.memory_space<vmem_shared>>
      tpu.enqueue_indirect_dma source(%arg9 : memref<128x64xf32, #tpu.memory_space<vmem>>) target(%dma_start3A_247 : memref<10240x64xf32, #tpu.memory_space<vmem_shared>>) offsets(%dma_start3A_244 : memref<128xi32, #tpu.memory_space<vmem>>) semaphore(%arg21 : memref<!tpu.dma_semaphore, #tpu.memory_space<semaphore_mem>>) {add = true}
      %add3A_248 = arith.constant 2 : i32
      %add3A_249 = arith.addi %mul3A_207, %add3A_248 : i32
      %dma_wait3A_250 = arith.constant 0 : i32
      %dma_wait3A_251 = tpu.memref_slice %arg6[%add3A_249, %dma_wait3A_250] : memref<160x128xi32, #tpu.memory_space<vmem>> -> memref<1x128xi32, #tpu.memory_space<vmem>>
      %dma_wait3A_252 = tpu.memref_squeeze %dma_wait3A_251 : memref<1x128xi32, #tpu.memory_space<vmem>> -> memref<128xi32, #tpu.memory_space<vmem>>
      %dma_wait3A_253 = arith.constant 0 : i32
      %dma_wait3A_254 = arith.constant 0 : i32
      %dma_wait3A_255 = tpu.memref_slice %arg4[%arg0, %dma_wait3A_253, %dma_wait3A_254] : memref<2x10000x64xf32, #tpu.memory_space<hbm>> -> memref<1x10000x64xf32, #tpu.memory_space<hbm>>
      %dma_wait3A_256 = tpu.memref_squeeze %dma_wait3A_255 : memref<1x10000x64xf32, #tpu.memory_space<hbm>> -> memref<10000x64xf32, #tpu.memory_space<hbm>>
      %dma_wait3A_257 = arith.constant 0 : i32
      %dma_wait3A_258 = arith.constant 0 : i32
      %dma_wait3A_259 = tpu.memref_slice %dma_wait3A_256[%dma_wait3A_257, %dma_wait3A_258] : memref<10000x64xf32, #tpu.memory_space<hbm>> -> memref<10000x64xf32, #tpu.memory_space<hbm>>
      tpu.wait_indirect_dma semaphore(%arg17 : memref<!tpu.dma_semaphore, #tpu.memory_space<semaphore_mem>>) src(%dma_wait3A_259 : memref<10000x64xf32, #tpu.memory_space<hbm>>) dst(%arg10 : memref<128x64xf32, #tpu.memory_space<vmem>>)
      %add3A_260 = arith.constant 2 : i32
      %add3A_261 = arith.addi %mul3A_207, %add3A_260 : i32
      %dma_start3A_262 = arith.constant 0 : i32
      %dma_start3A_263 = tpu.memref_slice %arg7[%add3A_261, %dma_start3A_262] : memref<160x128xi32, #tpu.memory_space<vmem>> -> memref<1x128xi32, #tpu.memory_space<vmem>>
      %dma_start3A_264 = tpu.memref_squeeze %dma_start3A_263 : memref<1x128xi32, #tpu.memory_space<vmem>> -> memref<128xi32, #tpu.memory_space<vmem>>
      %dma_start3A_265 = arith.constant 0 : i32
      %dma_start3A_266 = arith.constant 0 : i32
      %dma_start3A_267 = tpu.memref_slice %arg14[%dma_start3A_265, %dma_start3A_266] : memref<10240x64xf32, #tpu.memory_space<vmem_shared>> -> memref<10240x64xf32, #tpu.memory_space<vmem_shared>>
      tpu.enqueue_indirect_dma source(%arg10 : memref<128x64xf32, #tpu.memory_space<vmem>>) target(%dma_start3A_267 : memref<10240x64xf32, #tpu.memory_space<vmem_shared>>) offsets(%dma_start3A_264 : memref<128xi32, #tpu.memory_space<vmem>>) semaphore(%arg22 : memref<!tpu.dma_semaphore, #tpu.memory_space<semaphore_mem>>) {add = true}
      %add3A_268 = arith.constant 3 : i32
      %add3A_269 = arith.addi %mul3A_207, %add3A_268 : i32
      %dma_wait3A_270 = arith.constant 0 : i32
      %dma_wait3A_271 = tpu.memref_slice %arg6[%add3A_269, %dma_wait3A_270] : memref<160x128xi32, #tpu.memory_space<vmem>> -> memref<1x128xi32, #tpu.memory_space<vmem>>
      %dma_wait3A_272 = tpu.memref_squeeze %dma_wait3A_271 : memref<1x128xi32, #tpu.memory_space<vmem>> -> memref<128xi32, #tpu.memory_space<vmem>>
      %dma_wait3A_273 = arith.constant 0 : i32
      %dma_wait3A_274 = arith.constant 0 : i32
      %dma_wait3A_275 = tpu.memref_slice %arg4[%arg0, %dma_wait3A_273, %dma_wait3A_274] : memref<2x10000x64xf32, #tpu.memory_space<hbm>> -> memref<1x10000x64xf32, #tpu.memory_space<hbm>>
      %dma_wait3A_276 = tpu.memref_squeeze %dma_wait3A_275 : memref<1x10000x64xf32, #tpu.memory_space<hbm>> -> memref<10000x64xf32, #tpu.memory_space<hbm>>
      %dma_wait3A_277 = arith.constant 0 : i32
      %dma_wait3A_278 = arith.constant 0 : i32
      %dma_wait3A_279 = tpu.memref_slice %dma_wait3A_276[%dma_wait3A_277, %dma_wait3A_278] : memref<10000x64xf32, #tpu.memory_space<hbm>> -> memref<10000x64xf32, #tpu.memory_space<hbm>>
      tpu.wait_indirect_dma semaphore(%arg18 : memref<!tpu.dma_semaphore, #tpu.memory_space<semaphore_mem>>) src(%dma_wait3A_279 : memref<10000x64xf32, #tpu.memory_space<hbm>>) dst(%arg11 : memref<128x64xf32, #tpu.memory_space<vmem>>)
      %add3A_280 = arith.constant 3 : i32
      %add3A_281 = arith.addi %mul3A_207, %add3A_280 : i32
      %dma_start3A_282 = arith.constant 0 : i32
      %dma_start3A_283 = tpu.memref_slice %arg7[%add3A_281, %dma_start3A_282] : memref<160x128xi32, #tpu.memory_space<vmem>> -> memref<1x128xi32, #tpu.memory_space<vmem>>
      %dma_start3A_284 = tpu.memref_squeeze %dma_start3A_283 : memref<1x128xi32, #tpu.memory_space<vmem>> -> memref<128xi32, #tpu.memory_space<vmem>>
      %dma_start3A_285 = arith.constant 0 : i32
      %dma_start3A_286 = arith.constant 0 : i32
      %dma_start3A_287 = tpu.memref_slice %arg14[%dma_start3A_285, %dma_start3A_286] : memref<10240x64xf32, #tpu.memory_space<vmem_shared>> -> memref<10240x64xf32, #tpu.memory_space<vmem_shared>>
      tpu.enqueue_indirect_dma source(%arg11 : memref<128x64xf32, #tpu.memory_space<vmem>>) target(%dma_start3A_287 : memref<10240x64xf32, #tpu.memory_space<vmem_shared>>) offsets(%dma_start3A_284 : memref<128xi32, #tpu.memory_space<vmem>>) semaphore(%arg23 : memref<!tpu.dma_semaphore, #tpu.memory_space<semaphore_mem>>) {add = true}
      %add3A_288 = arith.constant 4 : i32
      %add3A_289 = arith.addi %mul3A_207, %add3A_288 : i32
      %dma_wait3A_290 = arith.constant 0 : i32
      %dma_wait3A_291 = tpu.memref_slice %arg6[%add3A_289, %dma_wait3A_290] : memref<160x128xi32, #tpu.memory_space<vmem>> -> memref<1x128xi32, #tpu.memory_space<vmem>>
      %dma_wait3A_292 = tpu.memref_squeeze %dma_wait3A_291 : memref<1x128xi32, #tpu.memory_space<vmem>> -> memref<128xi32, #tpu.memory_space<vmem>>
      %dma_wait3A_293 = arith.constant 0 : i32
      %dma_wait3A_294 = arith.constant 0 : i32
      %dma_wait3A_295 = tpu.memref_slice %arg4[%arg0, %dma_wait3A_293, %dma_wait3A_294] : memref<2x10000x64xf32, #tpu.memory_space<hbm>> -> memref<1x10000x64xf32, #tpu.memory_space<hbm>>
      %dma_wait3A_296 = tpu.memref_squeeze %dma_wait3A_295 : memref<1x10000x64xf32, #tpu.memory_space<hbm>> -> memref<10000x64xf32, #tpu.memory_space<hbm>>
      %dma_wait3A_297 = arith.constant 0 : i32
      %dma_wait3A_298 = arith.constant 0 : i32
      %dma_wait3A_299 = tpu.memref_slice %dma_wait3A_296[%dma_wait3A_297, %dma_wait3A_298] : memref<10000x64xf32, #tpu.memory_space<hbm>> -> memref<10000x64xf32, #tpu.memory_space<hbm>>
      tpu.wait_indirect_dma semaphore(%arg19 : memref<!tpu.dma_semaphore, #tpu.memory_space<semaphore_mem>>) src(%dma_wait3A_299 : memref<10000x64xf32, #tpu.memory_space<hbm>>) dst(%arg12 : memref<128x64xf32, #tpu.memory_space<vmem>>)
      %add3A_300 = arith.constant 4 : i32
      %add3A_301 = arith.addi %mul3A_207, %add3A_300 : i32
      %dma_start3A_302 = arith.constant 0 : i32
      %dma_start3A_303 = tpu.memref_slice %arg7[%add3A_301, %dma_start3A_302] : memref<160x128xi32, #tpu.memory_space<vmem>> -> memref<1x128xi32, #tpu.memory_space<vmem>>
      %dma_start3A_304 = tpu.memref_squeeze %dma_start3A_303 : memref<1x128xi32, #tpu.memory_space<vmem>> -> memref<128xi32, #tpu.memory_space<vmem>>
      %dma_start3A_305 = arith.constant 0 : i32
      %dma_start3A_306 = arith.constant 0 : i32
      %dma_start3A_307 = tpu.memref_slice %arg14[%dma_start3A_305, %dma_start3A_306] : memref<10240x64xf32, #tpu.memory_space<vmem_shared>> -> memref<10240x64xf32, #tpu.memory_space<vmem_shared>>
      tpu.enqueue_indirect_dma source(%arg12 : memref<128x64xf32, #tpu.memory_space<vmem>>) target(%dma_start3A_307 : memref<10240x64xf32, #tpu.memory_space<vmem_shared>>) offsets(%dma_start3A_304 : memref<128xi32, #tpu.memory_space<vmem>>) semaphore(%arg24 : memref<!tpu.dma_semaphore, #tpu.memory_space<semaphore_mem>>) {add = true}
      %add3A_308 = arith.constant 0 : i32
      %add3A_309 = arith.addi %mul3A_207, %add3A_308 : i32
      %dma_wait3A_310 = arith.constant 0 : i32
      %dma_wait3A_311 = tpu.memref_slice %arg7[%add3A_309, %dma_wait3A_310] : memref<160x128xi32, #tpu.memory_space<vmem>> -> memref<1x128xi32, #tpu.memory_space<vmem>>
      %dma_wait3A_312 = tpu.memref_squeeze %dma_wait3A_311 : memref<1x128xi32, #tpu.memory_space<vmem>> -> memref<128xi32, #tpu.memory_space<vmem>>
      %dma_wait3A_313 = arith.constant 0 : i32
      %dma_wait3A_314 = arith.constant 0 : i32
      %dma_wait3A_315 = tpu.memref_slice %arg14[%dma_wait3A_313, %dma_wait3A_314] : memref<10240x64xf32, #tpu.memory_space<vmem_shared>> -> memref<10240x64xf32, #tpu.memory_space<vmem_shared>>
      tpu.wait_indirect_dma semaphore(%arg20 : memref<!tpu.dma_semaphore, #tpu.memory_space<semaphore_mem>>) src(%arg8 : memref<128x64xf32, #tpu.memory_space<vmem>>) dst(%dma_wait3A_315 : memref<10240x64xf32, #tpu.memory_space<vmem_shared>>)
      %add3A_316 = arith.constant 5 : i32
      %add3A_317 = arith.addi %mul3A_207, %add3A_316 : i32
      %add3A_318 = arith.constant 0 : i32
      %add3A_319 = arith.addi %add3A_317, %add3A_318 : i32
      %dma_start3A_320 = arith.constant 0 : i32
      %dma_start3A_321 = tpu.memref_slice %arg6[%add3A_319, %dma_start3A_320] : memref<160x128xi32, #tpu.memory_space<vmem>> -> memref<1x128xi32, #tpu.memory_space<vmem>>
      %dma_start3A_322 = tpu.memref_squeeze %dma_start3A_321 : memref<1x128xi32, #tpu.memory_space<vmem>> -> memref<128xi32, #tpu.memory_space<vmem>>
      %dma_start3A_323 = arith.constant 0 : i32
      %dma_start3A_324 = arith.constant 0 : i32
      %dma_start3A_325 = tpu.memref_slice %arg4[%arg0, %dma_start3A_323, %dma_start3A_324] : memref<2x10000x64xf32, #tpu.memory_space<hbm>> -> memref<1x10000x64xf32, #tpu.memory_space<hbm>>
      %dma_start3A_326 = tpu.memref_squeeze %dma_start3A_325 : memref<1x10000x64xf32, #tpu.memory_space<hbm>> -> memref<10000x64xf32, #tpu.memory_space<hbm>>
      %dma_start3A_327 = arith.constant 0 : i32
      %dma_start3A_328 = arith.constant 0 : i32
      %dma_start3A_329 = tpu.memref_slice %dma_start3A_326[%dma_start3A_327, %dma_start3A_328] : memref<10000x64xf32, #tpu.memory_space<hbm>> -> memref<10000x64xf32, #tpu.memory_space<hbm>>
      tpu.enqueue_indirect_dma source(%dma_start3A_329 : memref<10000x64xf32, #tpu.memory_space<hbm>>) target(%arg8 : memref<128x64xf32, #tpu.memory_space<vmem>>) offsets(%dma_start3A_322 : memref<128xi32, #tpu.memory_space<vmem>>) semaphore(%arg15 : memref<!tpu.dma_semaphore, #tpu.memory_space<semaphore_mem>>)
      %add3A_330 = arith.constant 1 : i32
      %add3A_331 = arith.addi %mul3A_207, %add3A_330 : i32
      %dma_wait3A_332 = arith.constant 0 : i32
      %dma_wait3A_333 = tpu.memref_slice %arg7[%add3A_331, %dma_wait3A_332] : memref<160x128xi32, #tpu.memory_space<vmem>> -> memref<1x128xi32, #tpu.memory_space<vmem>>
      %dma_wait3A_334 = tpu.memref_squeeze %dma_wait3A_333 : memref<1x128xi32, #tpu.memory_space<vmem>> -> memref<128xi32, #tpu.memory_space<vmem>>
      %dma_wait3A_335 = arith.constant 0 : i32
      %dma_wait3A_336 = arith.constant 0 : i32
      %dma_wait3A_337 = tpu.memref_slice %arg14[%dma_wait3A_335, %dma_wait3A_336] : memref<10240x64xf32, #tpu.memory_space<vmem_shared>> -> memref<10240x64xf32, #tpu.memory_space<vmem_shared>>
      tpu.wait_indirect_dma semaphore(%arg21 : memref<!tpu.dma_semaphore, #tpu.memory_space<semaphore_mem>>) src(%arg9 : memref<128x64xf32, #tpu.memory_space<vmem>>) dst(%dma_wait3A_337 : memref<10240x64xf32, #tpu.memory_space<vmem_shared>>)
      %add3A_338 = arith.constant 5 : i32
      %add3A_339 = arith.addi %mul3A_207, %add3A_338 : i32
      %add3A_340 = arith.constant 1 : i32
      %add3A_341 = arith.addi %add3A_339, %add3A_340 : i32
      %dma_start3A_342 = arith.constant 0 : i32
      %dma_start3A_343 = tpu.memref_slice %arg6[%add3A_341, %dma_start3A_342] : memref<160x128xi32, #tpu.memory_space<vmem>> -> memref<1x128xi32, #tpu.memory_space<vmem>>
      %dma_start3A_344 = tpu.memref_squeeze %dma_start3A_343 : memref<1x128xi32, #tpu.memory_space<vmem>> -> memref<128xi32, #tpu.memory_space<vmem>>
      %dma_start3A_345 = arith.constant 0 : i32
      %dma_start3A_346 = arith.constant 0 : i32
      %dma_start3A_347 = tpu.memref_slice %arg4[%arg0, %dma_start3A_345, %dma_start3A_346] : memref<2x10000x64xf32, #tpu.memory_space<hbm>> -> memref<1x10000x64xf32, #tpu.memory_space<hbm>>
      %dma_start3A_348 = tpu.memref_squeeze %dma_start3A_347 : memref<1x10000x64xf32, #tpu.memory_space<hbm>> -> memref<10000x64xf32, #tpu.memory_space<hbm>>
      %dma_start3A_349 = arith.constant 0 : i32
      %dma_start3A_350 = arith.constant 0 : i32
      %dma_start3A_351 = tpu.memref_slice %dma_start3A_348[%dma_start3A_349, %dma_start3A_350] : memref<10000x64xf32, #tpu.memory_space<hbm>> -> memref<10000x64xf32, #tpu.memory_space<hbm>>
      tpu.enqueue_indirect_dma source(%dma_start3A_351 : memref<10000x64xf32, #tpu.memory_space<hbm>>) target(%arg9 : memref<128x64xf32, #tpu.memory_space<vmem>>) offsets(%dma_start3A_344 : memref<128xi32, #tpu.memory_space<vmem>>) semaphore(%arg16 : memref<!tpu.dma_semaphore, #tpu.memory_space<semaphore_mem>>)
      %add3A_352 = arith.constant 2 : i32
      %add3A_353 = arith.addi %mul3A_207, %add3A_352 : i32
      %dma_wait3A_354 = arith.constant 0 : i32
      %dma_wait3A_355 = tpu.memref_slice %arg7[%add3A_353, %dma_wait3A_354] : memref<160x128xi32, #tpu.memory_space<vmem>> -> memref<1x128xi32, #tpu.memory_space<vmem>>
      %dma_wait3A_356 = tpu.memref_squeeze %dma_wait3A_355 : memref<1x128xi32, #tpu.memory_space<vmem>> -> memref<128xi32, #tpu.memory_space<vmem>>
      %dma_wait3A_357 = arith.constant 0 : i32
      %dma_wait3A_358 = arith.constant 0 : i32
      %dma_wait3A_359 = tpu.memref_slice %arg14[%dma_wait3A_357, %dma_wait3A_358] : memref<10240x64xf32, #tpu.memory_space<vmem_shared>> -> memref<10240x64xf32, #tpu.memory_space<vmem_shared>>
      tpu.wait_indirect_dma semaphore(%arg22 : memref<!tpu.dma_semaphore, #tpu.memory_space<semaphore_mem>>) src(%arg10 : memref<128x64xf32, #tpu.memory_space<vmem>>) dst(%dma_wait3A_359 : memref<10240x64xf32, #tpu.memory_space<vmem_shared>>)
      %add3A_360 = arith.constant 5 : i32
      %add3A_361 = arith.addi %mul3A_207, %add3A_360 : i32
      %add3A_362 = arith.constant 2 : i32
      %add3A_363 = arith.addi %add3A_361, %add3A_362 : i32
      %dma_start3A_364 = arith.constant 0 : i32
      %dma_start3A_365 = tpu.memref_slice %arg6[%add3A_363, %dma_start3A_364] : memref<160x128xi32, #tpu.memory_space<vmem>> -> memref<1x128xi32, #tpu.memory_space<vmem>>
      %dma_start3A_366 = tpu.memref_squeeze %dma_start3A_365 : memref<1x128xi32, #tpu.memory_space<vmem>> -> memref<128xi32, #tpu.memory_space<vmem>>
      %dma_start3A_367 = arith.constant 0 : i32
      %dma_start3A_368 = arith.constant 0 : i32
      %dma_start3A_369 = tpu.memref_slice %arg4[%arg0, %dma_start3A_367, %dma_start3A_368] : memref<2x10000x64xf32, #tpu.memory_space<hbm>> -> memref<1x10000x64xf32, #tpu.memory_space<hbm>>
      %dma_start3A_370 = tpu.memref_squeeze %dma_start3A_369 : memref<1x10000x64xf32, #tpu.memory_space<hbm>> -> memref<10000x64xf32, #tpu.memory_space<hbm>>
      %dma_start3A_371 = arith.constant 0 : i32
      %dma_start3A_372 = arith.constant 0 : i32
      %dma_start3A_373 = tpu.memref_slice %dma_start3A_370[%dma_start3A_371, %dma_start3A_372] : memref<10000x64xf32, #tpu.memory_space<hbm>> -> memref<10000x64xf32, #tpu.memory_space<hbm>>
      tpu.enqueue_indirect_dma source(%dma_start3A_373 : memref<10000x64xf32, #tpu.memory_space<hbm>>) target(%arg10 : memref<128x64xf32, #tpu.memory_space<vmem>>) offsets(%dma_start3A_366 : memref<128xi32, #tpu.memory_space<vmem>>) semaphore(%arg17 : memref<!tpu.dma_semaphore, #tpu.memory_space<semaphore_mem>>)
      %add3A_374 = arith.constant 3 : i32
      %add3A_375 = arith.addi %mul3A_207, %add3A_374 : i32
      %dma_wait3A_376 = arith.constant 0 : i32
      %dma_wait3A_377 = tpu.memref_slice %arg7[%add3A_375, %dma_wait3A_376] : memref<160x128xi32, #tpu.memory_space<vmem>> -> memref<1x128xi32, #tpu.memory_space<vmem>>
      %dma_wait3A_378 = tpu.memref_squeeze %dma_wait3A_377 : memref<1x128xi32, #tpu.memory_space<vmem>> -> memref<128xi32, #tpu.memory_space<vmem>>
      %dma_wait3A_379 = arith.constant 0 : i32
      %dma_wait3A_380 = arith.constant 0 : i32
      %dma_wait3A_381 = tpu.memref_slice %arg14[%dma_wait3A_379, %dma_wait3A_380] : memref<10240x64xf32, #tpu.memory_space<vmem_shared>> -> memref<10240x64xf32, #tpu.memory_space<vmem_shared>>
      tpu.wait_indirect_dma semaphore(%arg23 : memref<!tpu.dma_semaphore, #tpu.memory_space<semaphore_mem>>) src(%arg11 : memref<128x64xf32, #tpu.memory_space<vmem>>) dst(%dma_wait3A_381 : memref<10240x64xf32, #tpu.memory_space<vmem_shared>>)
      %add3A_382 = arith.constant 5 : i32
      %add3A_383 = arith.addi %mul3A_207, %add3A_382 : i32
      %add3A_384 = arith.constant 3 : i32
      %add3A_385 = arith.addi %add3A_383, %add3A_384 : i32
      %dma_start3A_386 = arith.constant 0 : i32
      %dma_start3A_387 = tpu.memref_slice %arg6[%add3A_385, %dma_start3A_386] : memref<160x128xi32, #tpu.memory_space<vmem>> -> memref<1x128xi32, #tpu.memory_space<vmem>>
      %dma_start3A_388 = tpu.memref_squeeze %dma_start3A_387 : memref<1x128xi32, #tpu.memory_space<vmem>> -> memref<128xi32, #tpu.memory_space<vmem>>
      %dma_start3A_389 = arith.constant 0 : i32
      %dma_start3A_390 = arith.constant 0 : i32
      %dma_start3A_391 = tpu.memref_slice %arg4[%arg0, %dma_start3A_389, %dma_start3A_390] : memref<2x10000x64xf32, #tpu.memory_space<hbm>> -> memref<1x10000x64xf32, #tpu.memory_space<hbm>>
      %dma_start3A_392 = tpu.memref_squeeze %dma_start3A_391 : memref<1x10000x64xf32, #tpu.memory_space<hbm>> -> memref<10000x64xf32, #tpu.memory_space<hbm>>
      %dma_start3A_393 = arith.constant 0 : i32
      %dma_start3A_394 = arith.constant 0 : i32
      %dma_start3A_395 = tpu.memref_slice %dma_start3A_392[%dma_start3A_393, %dma_start3A_394] : memref<10000x64xf32, #tpu.memory_space<hbm>> -> memref<10000x64xf32, #tpu.memory_space<hbm>>
      tpu.enqueue_indirect_dma source(%dma_start3A_395 : memref<10000x64xf32, #tpu.memory_space<hbm>>) target(%arg11 : memref<128x64xf32, #tpu.memory_space<vmem>>) offsets(%dma_start3A_388 : memref<128xi32, #tpu.memory_space<vmem>>) semaphore(%arg18 : memref<!tpu.dma_semaphore, #tpu.memory_space<semaphore_mem>>)
      %add3A_396 = arith.constant 4 : i32
      %add3A_397 = arith.addi %mul3A_207, %add3A_396 : i32
      %dma_wait3A_398 = arith.constant 0 : i32
      %dma_wait3A_399 = tpu.memref_slice %arg7[%add3A_397, %dma_wait3A_398] : memref<160x128xi32, #tpu.memory_space<vmem>> -> memref<1x128xi32, #tpu.memory_space<vmem>>
      %dma_wait3A_400 = tpu.memref_squeeze %dma_wait3A_399 : memref<1x128xi32, #tpu.memory_space<vmem>> -> memref<128xi32, #tpu.memory_space<vmem>>
      %dma_wait3A_401 = arith.constant 0 : i32
      %dma_wait3A_402 = arith.constant 0 : i32
      %dma_wait3A_403 = tpu.memref_slice %arg14[%dma_wait3A_401, %dma_wait3A_402] : memref<10240x64xf32, #tpu.memory_space<vmem_shared>> -> memref<10240x64xf32, #tpu.memory_space<vmem_shared>>
      tpu.wait_indirect_dma semaphore(%arg24 : memref<!tpu.dma_semaphore, #tpu.memory_space<semaphore_mem>>) src(%arg12 : memref<128x64xf32, #tpu.memory_space<vmem>>) dst(%dma_wait3A_403 : memref<10240x64xf32, #tpu.memory_space<vmem_shared>>)
      %add3A_404 = arith.constant 5 : i32
      %add3A_405 = arith.addi %mul3A_207, %add3A_404 : i32
      %add3A_406 = arith.constant 4 : i32
      %add3A_407 = arith.addi %add3A_405, %add3A_406 : i32
      %dma_start3A_408 = arith.constant 0 : i32
      %dma_start3A_409 = tpu.memref_slice %arg6[%add3A_407, %dma_start3A_408] : memref<160x128xi32, #tpu.memory_space<vmem>> -> memref<1x128xi32, #tpu.memory_space<vmem>>
      %dma_start3A_410 = tpu.memref_squeeze %dma_start3A_409 : memref<1x128xi32, #tpu.memory_space<vmem>> -> memref<128xi32, #tpu.memory_space<vmem>>
      %dma_start3A_411 = arith.constant 0 : i32
      %dma_start3A_412 = arith.constant 0 : i32
      %dma_start3A_413 = tpu.memref_slice %arg4[%arg0, %dma_start3A_411, %dma_start3A_412] : memref<2x10000x64xf32, #tpu.memory_space<hbm>> -> memref<1x10000x64xf32, #tpu.memory_space<hbm>>
      %dma_start3A_414 = tpu.memref_squeeze %dma_start3A_413 : memref<1x10000x64xf32, #tpu.memory_space<hbm>> -> memref<10000x64xf32, #tpu.memory_space<hbm>>
      %dma_start3A_415 = arith.constant 0 : i32
      %dma_start3A_416 = arith.constant 0 : i32
      %dma_start3A_417 = tpu.memref_slice %dma_start3A_414[%dma_start3A_415, %dma_start3A_416] : memref<10000x64xf32, #tpu.memory_space<hbm>> -> memref<10000x64xf32, #tpu.memory_space<hbm>>
      tpu.enqueue_indirect_dma source(%dma_start3A_417 : memref<10000x64xf32, #tpu.memory_space<hbm>>) target(%arg12 : memref<128x64xf32, #tpu.memory_space<vmem>>) offsets(%dma_start3A_410 : memref<128xi32, #tpu.memory_space<vmem>>) semaphore(%arg19 : memref<!tpu.dma_semaphore, #tpu.memory_space<semaphore_mem>>)
      %scan3A_418 = arith.constant 0 : i32
      scf.yield %scan3A_418 : i32
    }
    %scan3A_73 = arith.constant 31 : i32
    %dma_wait3A = arith.constant 155 : i32
    %dma_wait3A_74 = arith.constant 0 : i32
    %dma_wait3A_75 = tpu.memref_slice %arg6[%dma_wait3A, %dma_wait3A_74] : memref<160x128xi32, #tpu.memory_space<vmem>> -> memref<1x128xi32, #tpu.memory_space<vmem>>
    %dma_wait3A_76 = tpu.memref_squeeze %dma_wait3A_75 : memref<1x128xi32, #tpu.memory_space<vmem>> -> memref<128xi32, #tpu.memory_space<vmem>>
    %dma_wait3A_77 = arith.constant 0 : i32
    %dma_wait3A_78 = arith.constant 0 : i32
    %dma_wait3A_79 = tpu.memref_slice %arg4[%arg0, %dma_wait3A_77, %dma_wait3A_78] : memref<2x10000x64xf32, #tpu.memory_space<hbm>> -> memref<1x10000x64xf32, #tpu.memory_space<hbm>>
    %dma_wait3A_80 = tpu.memref_squeeze %dma_wait3A_79 : memref<1x10000x64xf32, #tpu.memory_space<hbm>> -> memref<10000x64xf32, #tpu.memory_space<hbm>>
    %dma_wait3A_81 = arith.constant 0 : i32
    %dma_wait3A_82 = arith.constant 0 : i32
    %dma_wait3A_83 = tpu.memref_slice %dma_wait3A_80[%dma_wait3A_81, %dma_wait3A_82] : memref<10000x64xf32, #tpu.memory_space<hbm>> -> memref<10000x64xf32, #tpu.memory_space<hbm>>
    tpu.wait_indirect_dma semaphore(%arg15 : memref<!tpu.dma_semaphore, #tpu.memory_space<semaphore_mem>>) src(%dma_wait3A_83 : memref<10000x64xf32, #tpu.memory_space<hbm>>) dst(%arg8 : memref<128x64xf32, #tpu.memory_space<vmem>>)
    %dma_start3A_84 = arith.constant 155 : i32
    %dma_start3A_85 = arith.constant 0 : i32
    %dma_start3A_86 = tpu.memref_slice %arg7[%dma_start3A_84, %dma_start3A_85] : memref<160x128xi32, #tpu.memory_space<vmem>> -> memref<1x128xi32, #tpu.memory_space<vmem>>
    %dma_start3A_87 = tpu.memref_squeeze %dma_start3A_86 : memref<1x128xi32, #tpu.memory_space<vmem>> -> memref<128xi32, #tpu.memory_space<vmem>>
    %dma_start3A_88 = arith.constant 0 : i32
    %dma_start3A_89 = arith.constant 0 : i32
    %dma_start3A_90 = tpu.memref_slice %arg14[%dma_start3A_88, %dma_start3A_89] : memref<10240x64xf32, #tpu.memory_space<vmem_shared>> -> memref<10240x64xf32, #tpu.memory_space<vmem_shared>>
    tpu.enqueue_indirect_dma source(%arg8 : memref<128x64xf32, #tpu.memory_space<vmem>>) target(%dma_start3A_90 : memref<10240x64xf32, #tpu.memory_space<vmem_shared>>) offsets(%dma_start3A_87 : memref<128xi32, #tpu.memory_space<vmem>>) semaphore(%arg20 : memref<!tpu.dma_semaphore, #tpu.memory_space<semaphore_mem>>) {add = true}
    %dma_wait3A_91 = arith.constant 156 : i32
    %dma_wait3A_92 = arith.constant 0 : i32
    %dma_wait3A_93 = tpu.memref_slice %arg6[%dma_wait3A_91, %dma_wait3A_92] : memref<160x128xi32, #tpu.memory_space<vmem>> -> memref<1x128xi32, #tpu.memory_space<vmem>>
    %dma_wait3A_94 = tpu.memref_squeeze %dma_wait3A_93 : memref<1x128xi32, #tpu.memory_space<vmem>> -> memref<128xi32, #tpu.memory_space<vmem>>
    %dma_wait3A_95 = arith.constant 0 : i32
    %dma_wait3A_96 = arith.constant 0 : i32
    %dma_wait3A_97 = tpu.memref_slice %arg4[%arg0, %dma_wait3A_95, %dma_wait3A_96] : memref<2x10000x64xf32, #tpu.memory_space<hbm>> -> memref<1x10000x64xf32, #tpu.memory_space<hbm>>
    %dma_wait3A_98 = tpu.memref_squeeze %dma_wait3A_97 : memref<1x10000x64xf32, #tpu.memory_space<hbm>> -> memref<10000x64xf32, #tpu.memory_space<hbm>>
    %dma_wait3A_99 = arith.constant 0 : i32
    %dma_wait3A_100 = arith.constant 0 : i32
    %dma_wait3A_101 = tpu.memref_slice %dma_wait3A_98[%dma_wait3A_99, %dma_wait3A_100] : memref<10000x64xf32, #tpu.memory_space<hbm>> -> memref<10000x64xf32, #tpu.memory_space<hbm>>
    tpu.wait_indirect_dma semaphore(%arg16 : memref<!tpu.dma_semaphore, #tpu.memory_space<semaphore_mem>>) src(%dma_wait3A_101 : memref<10000x64xf32, #tpu.memory_space<hbm>>) dst(%arg9 : memref<128x64xf32, #tpu.memory_space<vmem>>)
    %dma_start3A_102 = arith.constant 156 : i32
    %dma_start3A_103 = arith.constant 0 : i32
    %dma_start3A_104 = tpu.memref_slice %arg7[%dma_start3A_102, %dma_start3A_103] : memref<160x128xi32, #tpu.memory_space<vmem>> -> memref<1x128xi32, #tpu.memory_space<vmem>>
    %dma_start3A_105 = tpu.memref_squeeze %dma_start3A_104 : memref<1x128xi32, #tpu.memory_space<vmem>> -> memref<128xi32, #tpu.memory_space<vmem>>
    %dma_start3A_106 = arith.constant 0 : i32
    %dma_start3A_107 = arith.constant 0 : i32
    %dma_start3A_108 = tpu.memref_slice %arg14[%dma_start3A_106, %dma_start3A_107] : memref<10240x64xf32, #tpu.memory_space<vmem_shared>> -> memref<10240x64xf32, #tpu.memory_space<vmem_shared>>
    tpu.enqueue_indirect_dma source(%arg9 : memref<128x64xf32, #tpu.memory_space<vmem>>) target(%dma_start3A_108 : memref<10240x64xf32, #tpu.memory_space<vmem_shared>>) offsets(%dma_start3A_105 : memref<128xi32, #tpu.memory_space<vmem>>) semaphore(%arg21 : memref<!tpu.dma_semaphore, #tpu.memory_space<semaphore_mem>>) {add = true}
    %dma_wait3A_109 = arith.constant 157 : i32
    %dma_wait3A_110 = arith.constant 0 : i32
    %dma_wait3A_111 = tpu.memref_slice %arg6[%dma_wait3A_109, %dma_wait3A_110] : memref<160x128xi32, #tpu.memory_space<vmem>> -> memref<1x128xi32, #tpu.memory_space<vmem>>
    %dma_wait3A_112 = tpu.memref_squeeze %dma_wait3A_111 : memref<1x128xi32, #tpu.memory_space<vmem>> -> memref<128xi32, #tpu.memory_space<vmem>>
    %dma_wait3A_113 = arith.constant 0 : i32
    %dma_wait3A_114 = arith.constant 0 : i32
    %dma_wait3A_115 = tpu.memref_slice %arg4[%arg0, %dma_wait3A_113, %dma_wait3A_114] : memref<2x10000x64xf32, #tpu.memory_space<hbm>> -> memref<1x10000x64xf32, #tpu.memory_space<hbm>>
    %dma_wait3A_116 = tpu.memref_squeeze %dma_wait3A_115 : memref<1x10000x64xf32, #tpu.memory_space<hbm>> -> memref<10000x64xf32, #tpu.memory_space<hbm>>
    %dma_wait3A_117 = arith.constant 0 : i32
    %dma_wait3A_118 = arith.constant 0 : i32
    %dma_wait3A_119 = tpu.memref_slice %dma_wait3A_116[%dma_wait3A_117, %dma_wait3A_118] : memref<10000x64xf32, #tpu.memory_space<hbm>> -> memref<10000x64xf32, #tpu.memory_space<hbm>>
    tpu.wait_indirect_dma semaphore(%arg17 : memref<!tpu.dma_semaphore, #tpu.memory_space<semaphore_mem>>) src(%dma_wait3A_119 : memref<10000x64xf32, #tpu.memory_space<hbm>>) dst(%arg10 : memref<128x64xf32, #tpu.memory_space<vmem>>)
    %dma_start3A_120 = arith.constant 157 : i32
    %dma_start3A_121 = arith.constant 0 : i32
    %dma_start3A_122 = tpu.memref_slice %arg7[%dma_start3A_120, %dma_start3A_121] : memref<160x128xi32, #tpu.memory_space<vmem>> -> memref<1x128xi32, #tpu.memory_space<vmem>>
    %dma_start3A_123 = tpu.memref_squeeze %dma_start3A_122 : memref<1x128xi32, #tpu.memory_space<vmem>> -> memref<128xi32, #tpu.memory_space<vmem>>
    %dma_start3A_124 = arith.constant 0 : i32
    %dma_start3A_125 = arith.constant 0 : i32
    %dma_start3A_126 = tpu.memref_slice %arg14[%dma_start3A_124, %dma_start3A_125] : memref<10240x64xf32, #tpu.memory_space<vmem_shared>> -> memref<10240x64xf32, #tpu.memory_space<vmem_shared>>
    tpu.enqueue_indirect_dma source(%arg10 : memref<128x64xf32, #tpu.memory_space<vmem>>) target(%dma_start3A_126 : memref<10240x64xf32, #tpu.memory_space<vmem_shared>>) offsets(%dma_start3A_123 : memref<128xi32, #tpu.memory_space<vmem>>) semaphore(%arg22 : memref<!tpu.dma_semaphore, #tpu.memory_space<semaphore_mem>>) {add = true}
    %dma_wait3A_127 = arith.constant 158 : i32
    %dma_wait3A_128 = arith.constant 0 : i32
    %dma_wait3A_129 = tpu.memref_slice %arg6[%dma_wait3A_127, %dma_wait3A_128] : memref<160x128xi32, #tpu.memory_space<vmem>> -> memref<1x128xi32, #tpu.memory_space<vmem>>
    %dma_wait3A_130 = tpu.memref_squeeze %dma_wait3A_129 : memref<1x128xi32, #tpu.memory_space<vmem>> -> memref<128xi32, #tpu.memory_space<vmem>>
    %dma_wait3A_131 = arith.constant 0 : i32
    %dma_wait3A_132 = arith.constant 0 : i32
    %dma_wait3A_133 = tpu.memref_slice %arg4[%arg0, %dma_wait3A_131, %dma_wait3A_132] : memref<2x10000x64xf32, #tpu.memory_space<hbm>> -> memref<1x10000x64xf32, #tpu.memory_space<hbm>>
    %dma_wait3A_134 = tpu.memref_squeeze %dma_wait3A_133 : memref<1x10000x64xf32, #tpu.memory_space<hbm>> -> memref<10000x64xf32, #tpu.memory_space<hbm>>
    %dma_wait3A_135 = arith.constant 0 : i32
    %dma_wait3A_136 = arith.constant 0 : i32
    %dma_wait3A_137 = tpu.memref_slice %dma_wait3A_134[%dma_wait3A_135, %dma_wait3A_136] : memref<10000x64xf32, #tpu.memory_space<hbm>> -> memref<10000x64xf32, #tpu.memory_space<hbm>>
    tpu.wait_indirect_dma semaphore(%arg18 : memref<!tpu.dma_semaphore, #tpu.memory_space<semaphore_mem>>) src(%dma_wait3A_137 : memref<10000x64xf32, #tpu.memory_space<hbm>>) dst(%arg11 : memref<128x64xf32, #tpu.memory_space<vmem>>)
    %dma_start3A_138 = arith.constant 158 : i32
    %dma_start3A_139 = arith.constant 0 : i32
    %dma_start3A_140 = tpu.memref_slice %arg7[%dma_start3A_138, %dma_start3A_139] : memref<160x128xi32, #tpu.memory_space<vmem>> -> memref<1x128xi32, #tpu.memory_space<vmem>>
    %dma_start3A_141 = tpu.memref_squeeze %dma_start3A_140 : memref<1x128xi32, #tpu.memory_space<vmem>> -> memref<128xi32, #tpu.memory_space<vmem>>
    %dma_start3A_142 = arith.constant 0 : i32
    %dma_start3A_143 = arith.constant 0 : i32
    %dma_start3A_144 = tpu.memref_slice %arg14[%dma_start3A_142, %dma_start3A_143] : memref<10240x64xf32, #tpu.memory_space<vmem_shared>> -> memref<10240x64xf32, #tpu.memory_space<vmem_shared>>
    tpu.enqueue_indirect_dma source(%arg11 : memref<128x64xf32, #tpu.memory_space<vmem>>) target(%dma_start3A_144 : memref<10240x64xf32, #tpu.memory_space<vmem_shared>>) offsets(%dma_start3A_141 : memref<128xi32, #tpu.memory_space<vmem>>) semaphore(%arg23 : memref<!tpu.dma_semaphore, #tpu.memory_space<semaphore_mem>>) {add = true}
    %dma_wait3A_145 = arith.constant 159 : i32
    %dma_wait3A_146 = arith.constant 0 : i32
    %dma_wait3A_147 = tpu.memref_slice %arg6[%dma_wait3A_145, %dma_wait3A_146] : memref<160x128xi32, #tpu.memory_space<vmem>> -> memref<1x128xi32, #tpu.memory_space<vmem>>
    %dma_wait3A_148 = tpu.memref_squeeze %dma_wait3A_147 : memref<1x128xi32, #tpu.memory_space<vmem>> -> memref<128xi32, #tpu.memory_space<vmem>>
    %dma_wait3A_149 = arith.constant 0 : i32
    %dma_wait3A_150 = arith.constant 0 : i32
    %dma_wait3A_151 = tpu.memref_slice %arg4[%arg0, %dma_wait3A_149, %dma_wait3A_150] : memref<2x10000x64xf32, #tpu.memory_space<hbm>> -> memref<1x10000x64xf32, #tpu.memory_space<hbm>>
    %dma_wait3A_152 = tpu.memref_squeeze %dma_wait3A_151 : memref<1x10000x64xf32, #tpu.memory_space<hbm>> -> memref<10000x64xf32, #tpu.memory_space<hbm>>
    %dma_wait3A_153 = arith.constant 0 : i32
    %dma_wait3A_154 = arith.constant 0 : i32
    %dma_wait3A_155 = tpu.memref_slice %dma_wait3A_152[%dma_wait3A_153, %dma_wait3A_154] : memref<10000x64xf32, #tpu.memory_space<hbm>> -> memref<10000x64xf32, #tpu.memory_space<hbm>>
    tpu.wait_indirect_dma semaphore(%arg19 : memref<!tpu.dma_semaphore, #tpu.memory_space<semaphore_mem>>) src(%dma_wait3A_155 : memref<10000x64xf32, #tpu.memory_space<hbm>>) dst(%arg12 : memref<128x64xf32, #tpu.memory_space<vmem>>)
    %dma_start3A_156 = arith.constant 159 : i32
    %dma_start3A_157 = arith.constant 0 : i32
    %dma_start3A_158 = tpu.memref_slice %arg7[%dma_start3A_156, %dma_start3A_157] : memref<160x128xi32, #tpu.memory_space<vmem>> -> memref<1x128xi32, #tpu.memory_space<vmem>>
    %dma_start3A_159 = tpu.memref_squeeze %dma_start3A_158 : memref<1x128xi32, #tpu.memory_space<vmem>> -> memref<128xi32, #tpu.memory_space<vmem>>
    %dma_start3A_160 = arith.constant 0 : i32
    %dma_start3A_161 = arith.constant 0 : i32
    %dma_start3A_162 = tpu.memref_slice %arg14[%dma_start3A_160, %dma_start3A_161] : memref<10240x64xf32, #tpu.memory_space<vmem_shared>> -> memref<10240x64xf32, #tpu.memory_space<vmem_shared>>
    tpu.enqueue_indirect_dma source(%arg12 : memref<128x64xf32, #tpu.memory_space<vmem>>) target(%dma_start3A_162 : memref<10240x64xf32, #tpu.memory_space<vmem_shared>>) offsets(%dma_start3A_159 : memref<128xi32, #tpu.memory_space<vmem>>) semaphore(%arg24 : memref<!tpu.dma_semaphore, #tpu.memory_space<semaphore_mem>>) {add = true}
    %dma_wait3A_163 = arith.constant 155 : i32
    %dma_wait3A_164 = arith.constant 0 : i32
    %dma_wait3A_165 = tpu.memref_slice %arg7[%dma_wait3A_163, %dma_wait3A_164] : memref<160x128xi32, #tpu.memory_space<vmem>> -> memref<1x128xi32, #tpu.memory_space<vmem>>
    %dma_wait3A_166 = tpu.memref_squeeze %dma_wait3A_165 : memref<1x128xi32, #tpu.memory_space<vmem>> -> memref<128xi32, #tpu.memory_space<vmem>>
    %dma_wait3A_167 = arith.constant 0 : i32
    %dma_wait3A_168 = arith.constant 0 : i32
    %dma_wait3A_169 = tpu.memref_slice %arg14[%dma_wait3A_167, %dma_wait3A_168] : memref<10240x64xf32, #tpu.memory_space<vmem_shared>> -> memref<10240x64xf32, #tpu.memory_space<vmem_shared>>
    tpu.wait_indirect_dma semaphore(%arg20 : memref<!tpu.dma_semaphore, #tpu.memory_space<semaphore_mem>>) src(%arg8 : memref<128x64xf32, #tpu.memory_space<vmem>>) dst(%dma_wait3A_169 : memref<10240x64xf32, #tpu.memory_space<vmem_shared>>)
    %dma_wait3A_170 = arith.constant 156 : i32
    %dma_wait3A_171 = arith.constant 0 : i32
    %dma_wait3A_172 = tpu.memref_slice %arg7[%dma_wait3A_170, %dma_wait3A_171] : memref<160x128xi32, #tpu.memory_space<vmem>> -> memref<1x128xi32, #tpu.memory_space<vmem>>
    %dma_wait3A_173 = tpu.memref_squeeze %dma_wait3A_172 : memref<1x128xi32, #tpu.memory_space<vmem>> -> memref<128xi32, #tpu.memory_space<vmem>>
    %dma_wait3A_174 = arith.constant 0 : i32
    %dma_wait3A_175 = arith.constant 0 : i32
    %dma_wait3A_176 = tpu.memref_slice %arg14[%dma_wait3A_174, %dma_wait3A_175] : memref<10240x64xf32, #tpu.memory_space<vmem_shared>> -> memref<10240x64xf32, #tpu.memory_space<vmem_shared>>
    tpu.wait_indirect_dma semaphore(%arg21 : memref<!tpu.dma_semaphore, #tpu.memory_space<semaphore_mem>>) src(%arg9 : memref<128x64xf32, #tpu.memory_space<vmem>>) dst(%dma_wait3A_176 : memref<10240x64xf32, #tpu.memory_space<vmem_shared>>)
    %dma_wait3A_177 = arith.constant 157 : i32
    %dma_wait3A_178 = arith.constant 0 : i32
    %dma_wait3A_179 = tpu.memref_slice %arg7[%dma_wait3A_177, %dma_wait3A_178] : memref<160x128xi32, #tpu.memory_space<vmem>> -> memref<1x128xi32, #tpu.memory_space<vmem>>
    %dma_wait3A_180 = tpu.memref_squeeze %dma_wait3A_179 : memref<1x128xi32, #tpu.memory_space<vmem>> -> memref<128xi32, #tpu.memory_space<vmem>>
    %dma_wait3A_181 = arith.constant 0 : i32
    %dma_wait3A_182 = arith.constant 0 : i32
    %dma_wait3A_183 = tpu.memref_slice %arg14[%dma_wait3A_181, %dma_wait3A_182] : memref<10240x64xf32, #tpu.memory_space<vmem_shared>> -> memref<10240x64xf32, #tpu.memory_space<vmem_shared>>
    tpu.wait_indirect_dma semaphore(%arg22 : memref<!tpu.dma_semaphore, #tpu.memory_space<semaphore_mem>>) src(%arg10 : memref<128x64xf32, #tpu.memory_space<vmem>>) dst(%dma_wait3A_183 : memref<10240x64xf32, #tpu.memory_space<vmem_shared>>)
    %dma_wait3A_184 = arith.constant 158 : i32
    %dma_wait3A_185 = arith.constant 0 : i32
    %dma_wait3A_186 = tpu.memref_slice %arg7[%dma_wait3A_184, %dma_wait3A_185] : memref<160x128xi32, #tpu.memory_space<vmem>> -> memref<1x128xi32, #tpu.memory_space<vmem>>
    %dma_wait3A_187 = tpu.memref_squeeze %dma_wait3A_186 : memref<1x128xi32, #tpu.memory_space<vmem>> -> memref<128xi32, #tpu.memory_space<vmem>>
    %dma_wait3A_188 = arith.constant 0 : i32
    %dma_wait3A_189 = arith.constant 0 : i32
    %dma_wait3A_190 = tpu.memref_slice %arg14[%dma_wait3A_188, %dma_wait3A_189] : memref<10240x64xf32, #tpu.memory_space<vmem_shared>> -> memref<10240x64xf32, #tpu.memory_space<vmem_shared>>
    tpu.wait_indirect_dma semaphore(%arg23 : memref<!tpu.dma_semaphore, #tpu.memory_space<semaphore_mem>>) src(%arg11 : memref<128x64xf32, #tpu.memory_space<vmem>>) dst(%dma_wait3A_190 : memref<10240x64xf32, #tpu.memory_space<vmem_shared>>)
    %dma_wait3A_191 = arith.constant 159 : i32
    %dma_wait3A_192 = arith.constant 0 : i32
    %dma_wait3A_193 = tpu.memref_slice %arg7[%dma_wait3A_191, %dma_wait3A_192] : memref<160x128xi32, #tpu.memory_space<vmem>> -> memref<1x128xi32, #tpu.memory_space<vmem>>
    %dma_wait3A_194 = tpu.memref_squeeze %dma_wait3A_193 : memref<1x128xi32, #tpu.memory_space<vmem>> -> memref<128xi32, #tpu.memory_space<vmem>>
    %dma_wait3A_195 = arith.constant 0 : i32
    %dma_wait3A_196 = arith.constant 0 : i32
    %dma_wait3A_197 = tpu.memref_slice %arg14[%dma_wait3A_195, %dma_wait3A_196] : memref<10240x64xf32, #tpu.memory_space<vmem_shared>> -> memref<10240x64xf32, #tpu.memory_space<vmem_shared>>
    tpu.wait_indirect_dma semaphore(%arg24 : memref<!tpu.dma_semaphore, #tpu.memory_space<semaphore_mem>>) src(%arg12 : memref<128x64xf32, #tpu.memory_space<vmem>>) dst(%dma_wait3A_197 : memref<10240x64xf32, #tpu.memory_space<vmem_shared>>)
    %barrier3A_198 = arith.constant 0 : index
    tpu.barrier barrier_id(%barrier3A_198)
    %mul3A = arith.constant 640 : i32
    %mul3A_199 = arith.muli %arg1, %mul3A : i32
    %mul3A_200 = arith.constant 10240 : i32
    %mul3A_201 = arith.muli %arg0, %mul3A_200 : i32
    %mul3A_202 = arith.constant 640 : i32
    %mul3A_203 = arith.muli %arg1, %mul3A_202 : i32
    %add3A = arith.addi %mul3A_201, %mul3A_203 : i32
    "tpu.region"() ({
      %run_scoped3A = tpu.sem_alloc : memref<!tpu.dma_semaphore, #tpu.memory_space<semaphore_mem>>
      %dma_start3A_204 = arith.constant 0 : i32
      %dma_start3A_205 = tpu.memref_slice %arg5[%add3A, %dma_start3A_204] : memref<20480x64xf32, #tpu.memory_space<hbm>> -> memref<640x64xf32, #tpu.memory_space<hbm>>
      %dma_start3A_206 = arith.constant 0 : i32
      %dma_start3A_207 = tpu.memref_slice %arg14[%mul3A_199, %dma_start3A_206] : memref<10240x64xf32, #tpu.memory_space<vmem_shared>> -> memref<640x64xf32, #tpu.memory_space<vmem_shared>>
      tpu.enqueue_dma source(%dma_start3A_207 : memref<640x64xf32, #tpu.memory_space<vmem_shared>>) target(%dma_start3A_205 : memref<640x64xf32, #tpu.memory_space<hbm>>) target_semaphore(%run_scoped3A : memref<!tpu.dma_semaphore, #tpu.memory_space<semaphore_mem>>)
      %dma_wait3A_208 = arith.constant 0 : i32
      %dma_wait3A_209 = tpu.memref_slice %arg5[%add3A, %dma_wait3A_208] : memref<20480x64xf32, #tpu.memory_space<hbm>> -> memref<640x64xf32, #tpu.memory_space<hbm>>
      %dma_wait3A_210 = arith.constant 0 : i32
      %dma_wait3A_211 = tpu.memref_slice %arg14[%mul3A_199, %dma_wait3A_210] : memref<10240x64xf32, #tpu.memory_space<vmem_shared>> -> memref<640x64xf32, #tpu.memory_space<vmem_shared>>
      tpu.wait_dma2 semaphore(%run_scoped3A : memref<!tpu.dma_semaphore, #tpu.memory_space<semaphore_mem>>) src(%dma_wait3A_211 : memref<640x64xf32, #tpu.memory_space<vmem_shared>>) dst(%dma_wait3A_209 : memref<640x64xf32, #tpu.memory_space<hbm>>)
      tpu.yield
    }) : () -> ()
    return
  }
}

#map = affine_map<(d0, d1) -> (0, 0, 0)>
#map1 = affine_map<(d0, d1) -> (0, 0)>
module attributes {stable_mosaic.version = 14 : i64} {
  func.func @_edge_body(%arg0: i32, %arg1: i32, %arg2: memref<16x160x128xi32, #tpu.memory_space<hbm>>, %arg3: memref<16x160x128xi32, #tpu.memory_space<hbm>>, %arg4: memref<2x10000x64xf32, #tpu.memory_space<hbm>>, %arg5: memref<20480x64xf32, #tpu.memory_space<hbm>>, %arg6: memref<160x128xi32, #tpu.memory_space<vmem>>, %arg7: memref<160x128xi32, #tpu.memory_space<vmem>>, %arg8: memref<128x64xf32, #tpu.memory_space<vmem>>, %arg9: memref<128x64xf32, #tpu.memory_space<vmem>>, %arg10: memref<128x64xf32, #tpu.memory_space<vmem>>, %arg11: memref<128x64xf32, #tpu.memory_space<vmem>>, %arg12: memref<128x64xf32, #tpu.memory_space<vmem>>, %arg13: memref<128x64xf32, #tpu.memory_space<vmem>>, %arg14: memref<10240x64xf32, #tpu.memory_space<vmem_shared>>, %arg15: memref<!tpu.dma_semaphore, #tpu.memory_space<semaphore_mem>>, %arg16: memref<!tpu.dma_semaphore, #tpu.memory_space<semaphore_mem>>, %arg17: memref<!tpu.dma_semaphore, #tpu.memory_space<semaphore_mem>>, %arg18: memref<!tpu.dma_semaphore, #tpu.memory_space<semaphore_mem>>, %arg19: memref<!tpu.dma_semaphore, #tpu.memory_space<semaphore_mem>>, %arg20: memref<!tpu.dma_semaphore, #tpu.memory_space<semaphore_mem>>, %arg21: memref<!tpu.dma_semaphore, #tpu.memory_space<semaphore_mem>>, %arg22: memref<!tpu.dma_semaphore, #tpu.memory_space<semaphore_mem>>, %arg23: memref<!tpu.dma_semaphore, #tpu.memory_space<semaphore_mem>>, %arg24: memref<!tpu.dma_semaphore, #tpu.memory_space<semaphore_mem>>) attributes {dimension_semantics = [#tpu.dimension_semantics<core_parallel>, #tpu.dimension_semantics<subcore_parallel>], iteration_bounds = array<i64: 2, 16>, scalar_prefetch = 0 : i64, scratch_operands = 19 : i64, tpu.core_type = #tpu.core_type<sc_vector_subcore>, window_params = [{transform_indices = #map}, {transform_indices = #map}, {transform_indices = #map}, {transform_indices = #map1}]} {
    "tpu.region"() ({
      %run_scoped3A = tpu.sem_alloc : memref<!tpu.dma_semaphore, #tpu.memory_space<semaphore_mem>>
      %dma_start3A_204 = arith.constant 0 : i32
      %dma_start3A_205 = arith.constant 0 : i32
      %dma_start3A_206 = tpu.memref_slice %arg2[%arg1, %dma_start3A_204, %dma_start3A_205] : memref<16x160x128xi32, #tpu.memory_space<hbm>> -> memref<1x160x128xi32, #tpu.memory_space<hbm>>
      %dma_start3A_207 = tpu.memref_squeeze %dma_start3A_206 : memref<1x160x128xi32, #tpu.memory_space<hbm>> -> memref<160x128xi32, #tpu.memory_space<hbm>>
      %dma_start3A_208 = arith.constant 0 : i32
      %dma_start3A_209 = arith.constant 0 : i32
      %dma_start3A_210 = tpu.memref_slice %arg2[%arg1, %dma_start3A_208, %dma_start3A_209] : memref<16x160x128xi32, #tpu.memory_space<hbm>> -> memref<1x160x128xi32, #tpu.memory_space<hbm>>
      %dma_start3A_211 = tpu.memref_squeeze %dma_start3A_210 : memref<1x160x128xi32, #tpu.memory_space<hbm>> -> memref<160x128xi32, #tpu.memory_space<hbm>>
      tpu.enqueue_dma source(%dma_start3A_211 : memref<160x128xi32, #tpu.memory_space<hbm>>) target(%arg6 : memref<160x128xi32, #tpu.memory_space<vmem>>) target_semaphore(%run_scoped3A : memref<!tpu.dma_semaphore, #tpu.memory_space<semaphore_mem>>)
      %dma_wait3A_212 = arith.constant 0 : i32
      %dma_wait3A_213 = arith.constant 0 : i32
      %dma_wait3A_214 = tpu.memref_slice %arg2[%arg1, %dma_wait3A_212, %dma_wait3A_213] : memref<16x160x128xi32, #tpu.memory_space<hbm>> -> memref<1x160x128xi32, #tpu.memory_space<hbm>>
      %dma_wait3A_215 = tpu.memref_squeeze %dma_wait3A_214 : memref<1x160x128xi32, #tpu.memory_space<hbm>> -> memref<160x128xi32, #tpu.memory_space<hbm>>
      %dma_wait3A_216 = arith.constant 0 : i32
      %dma_wait3A_217 = arith.constant 0 : i32
      %dma_wait3A_218 = tpu.memref_slice %arg2[%arg1, %dma_wait3A_216, %dma_wait3A_217] : memref<16x160x128xi32, #tpu.memory_space<hbm>> -> memref<1x160x128xi32, #tpu.memory_space<hbm>>
      %dma_wait3A_219 = tpu.memref_squeeze %dma_wait3A_218 : memref<1x160x128xi32, #tpu.memory_space<hbm>> -> memref<160x128xi32, #tpu.memory_space<hbm>>
      tpu.wait_dma2 semaphore(%run_scoped3A : memref<!tpu.dma_semaphore, #tpu.memory_space<semaphore_mem>>) src(%dma_wait3A_219 : memref<160x128xi32, #tpu.memory_space<hbm>>) dst(%arg6 : memref<160x128xi32, #tpu.memory_space<vmem>>)
      tpu.yield
    }) : () -> ()
    "tpu.region"() ({
      %run_scoped3A = tpu.sem_alloc : memref<!tpu.dma_semaphore, #tpu.memory_space<semaphore_mem>>
      %dma_start3A_204 = arith.constant 0 : i32
      %dma_start3A_205 = arith.constant 0 : i32
      %dma_start3A_206 = tpu.memref_slice %arg3[%arg1, %dma_start3A_204, %dma_start3A_205] : memref<16x160x128xi32, #tpu.memory_space<hbm>> -> memref<1x160x128xi32, #tpu.memory_space<hbm>>
      %dma_start3A_207 = tpu.memref_squeeze %dma_start3A_206 : memref<1x160x128xi32, #tpu.memory_space<hbm>> -> memref<160x128xi32, #tpu.memory_space<hbm>>
      %dma_start3A_208 = arith.constant 0 : i32
      %dma_start3A_209 = arith.constant 0 : i32
      %dma_start3A_210 = tpu.memref_slice %arg3[%arg1, %dma_start3A_208, %dma_start3A_209] : memref<16x160x128xi32, #tpu.memory_space<hbm>> -> memref<1x160x128xi32, #tpu.memory_space<hbm>>
      %dma_start3A_211 = tpu.memref_squeeze %dma_start3A_210 : memref<1x160x128xi32, #tpu.memory_space<hbm>> -> memref<160x128xi32, #tpu.memory_space<hbm>>
      tpu.enqueue_dma source(%dma_start3A_211 : memref<160x128xi32, #tpu.memory_space<hbm>>) target(%arg7 : memref<160x128xi32, #tpu.memory_space<vmem>>) target_semaphore(%run_scoped3A : memref<!tpu.dma_semaphore, #tpu.memory_space<semaphore_mem>>)
      %dma_wait3A_212 = arith.constant 0 : i32
      %dma_wait3A_213 = arith.constant 0 : i32
      %dma_wait3A_214 = tpu.memref_slice %arg3[%arg1, %dma_wait3A_212, %dma_wait3A_213] : memref<16x160x128xi32, #tpu.memory_space<hbm>> -> memref<1x160x128xi32, #tpu.memory_space<hbm>>
      %dma_wait3A_215 = tpu.memref_squeeze %dma_wait3A_214 : memref<1x160x128xi32, #tpu.memory_space<hbm>> -> memref<160x128xi32, #tpu.memory_space<hbm>>
      %dma_wait3A_216 = arith.constant 0 : i32
      %dma_wait3A_217 = arith.constant 0 : i32
      %dma_wait3A_218 = tpu.memref_slice %arg3[%arg1, %dma_wait3A_216, %dma_wait3A_217] : memref<16x160x128xi32, #tpu.memory_space<hbm>> -> memref<1x160x128xi32, #tpu.memory_space<hbm>>
      %dma_wait3A_219 = tpu.memref_squeeze %dma_wait3A_218 : memref<1x160x128xi32, #tpu.memory_space<hbm>> -> memref<160x128xi32, #tpu.memory_space<hbm>>
      tpu.wait_dma2 semaphore(%run_scoped3A : memref<!tpu.dma_semaphore, #tpu.memory_space<semaphore_mem>>) src(%dma_wait3A_219 : memref<160x128xi32, #tpu.memory_space<hbm>>) dst(%arg7 : memref<160x128xi32, #tpu.memory_space<vmem>>)
      tpu.yield
    }) : () -> ()
    %broadcast_in_dim3A = arith.constant 0.000000e+00 : f32
    %broadcast_in_dim3A_0 = vector.broadcast %broadcast_in_dim3A : f32 to vector<16xf32>
    %scan3A = arith.constant 0 : i32
    %scan3A_1 = arith.constant 0 : i32
    %scan3A_2 = arith.constant 512 : i32
    %scan3A_3 = arith.addi %scan3A_1, %scan3A_2 : i32
    %scan3A_4 = arith.constant 1 : i32
    %scan3A_5 = scf.for %scan3A_204 = %scan3A_1 to %scan3A_3 step %scan3A_4 iter_args(%scan3A_205 = %scan3A) -> (i32)  : i32 {
      %jit3A = arith.constant 4 : i32
      %div3A = arith.divsi %scan3A_204, %jit3A : i32
      %sign3A = arith.constant 0 : i32
      %sign3A_206 = arith.cmpi sgt, %scan3A_204, %sign3A : i32
      %sign3A_207 = arith.extui %sign3A_206 : i1 to i32
      %sign3A_208 = arith.constant 0 : i32
      %sign3A_209 = arith.cmpi slt, %scan3A_204, %sign3A_208 : i32
      %sign3A_210 = arith.extui %sign3A_209 : i1 to i32
      %sign3A_211 = arith.subi %sign3A_207, %sign3A_210 : i32
      %sign3A_212 = arith.constant 0 : i32
      %sign3A_213 = arith.cmpi sgt, %jit3A, %sign3A_212 : i32
      %sign3A_214 = arith.extui %sign3A_213 : i1 to i32
      %sign3A_215 = arith.constant 0 : i32
      %sign3A_216 = arith.cmpi slt, %jit3A, %sign3A_215 : i32
      %sign3A_217 = arith.extui %sign3A_216 : i1 to i32
      %sign3A_218 = arith.subi %sign3A_214, %sign3A_217 : i32
      %ne3A = arith.cmpi ne, %sign3A_211, %sign3A_218 : i32
      %rem3A = arith.remsi %scan3A_204, %jit3A : i32
      %ne3A_219 = arith.constant 0 : i32
      %ne3A_220 = arith.cmpi ne, %rem3A, %ne3A_219 : i32
      %and3A = arith.andi %ne3A, %ne3A_220 : i1
      %sub3A = arith.constant 1 : i32
      %sub3A_221 = arith.subi %div3A, %sub3A : i32
      %select_n3A = arith.select %and3A, %sub3A_221, %div3A : i32
      %jit3A_222 = arith.constant 4 : i32
      %eq3A_223 = arith.constant 0 : i32
      %eq3A_224 = arith.cmpi eq, %jit3A_222, %eq3A_223 : i32
      %jit3A_225 = arith.constant 1 : i32
      %select_n3A_226 = arith.select %eq3A_224, %jit3A_225, %jit3A_222 : i32
      %rem3A_227 = arith.remsi %scan3A_204, %select_n3A_226 : i32
      %ne3A_228 = arith.constant 0 : i32
      %ne3A_229 = arith.cmpi ne, %rem3A_227, %ne3A_228 : i32
      %lt3A_230 = arith.constant 0 : i32
      %lt3A_231 = arith.cmpi slt, %rem3A_227, %lt3A_230 : i32
      %lt3A_232 = arith.constant 0 : i32
      %lt3A_233 = arith.cmpi slt, %select_n3A_226, %lt3A_232 : i32
      %ne3A_234 = arith.xori %lt3A_231, %lt3A_233 : i1
      %and3A_235 = arith.andi %ne3A_234, %ne3A_229 : i1
      %add3A_236 = arith.addi %rem3A_227, %select_n3A_226 : i32
      %select_n3A_237 = arith.select %and3A_235, %add3A_236, %rem3A_227 : i32
      %mul3A_238 = arith.constant 16 : i32
      %mul3A_239 = arith.muli %select_n3A_237, %mul3A_238 : i32
      %swap3A = arith.index_cast %select_n3A : i32 to index
      %swap3A_240 = arith.index_cast %mul3A_239 : i32 to index
      %swap3A_241 = tpu.vector_load %arg13[%swap3A, %swap3A_240] {strides = array<i32>} : memref<128x64xf32, #tpu.memory_space<vmem>>, vector<1x16xf32>,
      %swap3A_242 = vector.shape_cast %swap3A_241 : vector<1x16xf32> to vector<16xf32>
      %swap3A_243 = vector.shape_cast %broadcast_in_dim3A_0 : vector<16xf32> to vector<1x16xf32>
      tpu.vector_store %arg13[%swap3A, %swap3A_240], %swap3A_243 {strides = array<i32>} : memref<128x64xf32, #tpu.memory_space<vmem>>, vector<1x16xf32>,
      %scan3A_244 = arith.constant 0 : i32
      scf.yield %scan3A_244 : i32
    }
    %scan3A_6 = arith.constant 512 : i32
    %lt3A = arith.constant 15 : i32
    %lt3A_7 = arith.cmpi slt, %arg1, %lt3A : i32
    %convert_element_type3A = arith.extui %lt3A_7 : i1 to i32
    %cond3A = arith.constant 0 : i32
    %cond3A_8 = arith.cmpi ne, %convert_element_type3A, %cond3A : i32
    scf.if %cond3A_8 {
      %mul3A_204 = arith.constant 640 : i32
      %mul3A_205 = arith.muli %arg1, %mul3A_204 : i32
      %mul3A_206 = arith.constant 640 : i32
      %mul3A_207 = arith.muli %arg1, %mul3A_206 : i32
      "tpu.region"() ({
        %run_scoped3A = tpu.sem_alloc : memref<!tpu.dma_semaphore, #tpu.memory_space<semaphore_mem>>
        %dma_start3A_208 = arith.constant 0 : i32
        %dma_start3A_209 = tpu.memref_slice %arg14[%mul3A_207, %dma_start3A_208] : memref<10240x64xf32, #tpu.memory_space<vmem_shared>> -> memref<640x64xf32, #tpu.memory_space<vmem_shared>>
        %dma_start3A_210 = arith.constant 0 : i32
        %dma_start3A_211 = arith.constant 0 : i32
        %dma_start3A_212 = tpu.memref_slice %arg4[%arg0, %dma_start3A_210, %dma_start3A_211] : memref<2x10000x64xf32, #tpu.memory_space<hbm>> -> memref<1x10000x64xf32, #tpu.memory_space<hbm>>
        %dma_start3A_213 = tpu.memref_squeeze %dma_start3A_212 : memref<1x10000x64xf32, #tpu.memory_space<hbm>> -> memref<10000x64xf32, #tpu.memory_space<hbm>>
        %dma_start3A_214 = arith.constant 0 : i32
        %dma_start3A_215 = tpu.memref_slice %dma_start3A_213[%mul3A_205, %dma_start3A_214] : memref<10000x64xf32, #tpu.memory_space<hbm>> -> memref<640x64xf32, #tpu.memory_space<hbm>>
        tpu.enqueue_dma source(%dma_start3A_215 : memref<640x64xf32, #tpu.memory_space<hbm>>) target(%dma_start3A_209 : memref<640x64xf32, #tpu.memory_space<vmem_shared>>) target_semaphore(%run_scoped3A : memref<!tpu.dma_semaphore, #tpu.memory_space<semaphore_mem>>)
        %dma_wait3A_216 = arith.constant 0 : i32
        %dma_wait3A_217 = tpu.memref_slice %arg14[%mul3A_207, %dma_wait3A_216] : memref<10240x64xf32, #tpu.memory_space<vmem_shared>> -> memref<640x64xf32, #tpu.memory_space<vmem_shared>>
        %dma_wait3A_218 = arith.constant 0 : i32
        %dma_wait3A_219 = arith.constant 0 : i32
        %dma_wait3A_220 = tpu.memref_slice %arg4[%arg0, %dma_wait3A_218, %dma_wait3A_219] : memref<2x10000x64xf32, #tpu.memory_space<hbm>> -> memref<1x10000x64xf32, #tpu.memory_space<hbm>>
        %dma_wait3A_221 = tpu.memref_squeeze %dma_wait3A_220 : memref<1x10000x64xf32, #tpu.memory_space<hbm>> -> memref<10000x64xf32, #tpu.memory_space<hbm>>
        %dma_wait3A_222 = arith.constant 0 : i32
        %dma_wait3A_223 = tpu.memref_slice %dma_wait3A_221[%mul3A_205, %dma_wait3A_222] : memref<10000x64xf32, #tpu.memory_space<hbm>> -> memref<640x64xf32, #tpu.memory_space<hbm>>
        tpu.wait_dma2 semaphore(%run_scoped3A : memref<!tpu.dma_semaphore, #tpu.memory_space<semaphore_mem>>) src(%dma_wait3A_223 : memref<640x64xf32, #tpu.memory_space<hbm>>) dst(%dma_wait3A_217 : memref<640x64xf32, #tpu.memory_space<vmem_shared>>)
        tpu.yield
      }) : () -> ()
    } else {
    }
    %eq3A = arith.constant 15 : i32
    %eq3A_9 = arith.cmpi eq, %arg1, %eq3A : i32
    %convert_element_type3A_10 = arith.extui %eq3A_9 : i1 to i32
    %cond3A_11 = arith.constant 0 : i32
    %cond3A_12 = arith.cmpi ne, %convert_element_type3A_10, %cond3A_11 : i32
    scf.if %cond3A_12 {
      "tpu.region"() ({
        %run_scoped3A = tpu.sem_alloc : memref<!tpu.dma_semaphore, #tpu.memory_space<semaphore_mem>>
        %dma_start3A_204 = arith.constant 9600 : i32
        %dma_start3A_205 = arith.constant 0 : i32
        %dma_start3A_206 = tpu.memref_slice %arg14[%dma_start3A_204, %dma_start3A_205] : memref<10240x64xf32, #tpu.memory_space<vmem_shared>> -> memref<400x64xf32, #tpu.memory_space<vmem_shared>>
        %dma_start3A_207 = arith.constant 0 : i32
        %dma_start3A_208 = arith.constant 0 : i32
        %dma_start3A_209 = tpu.memref_slice %arg4[%arg0, %dma_start3A_207, %dma_start3A_208] : memref<2x10000x64xf32, #tpu.memory_space<hbm>> -> memref<1x10000x64xf32, #tpu.memory_space<hbm>>
        %dma_start3A_210 = tpu.memref_squeeze %dma_start3A_209 : memref<1x10000x64xf32, #tpu.memory_space<hbm>> -> memref<10000x64xf32, #tpu.memory_space<hbm>>
        %dma_start3A_211 = arith.constant 9600 : i32
        %dma_start3A_212 = arith.constant 0 : i32
        %dma_start3A_213 = tpu.memref_slice %dma_start3A_210[%dma_start3A_211, %dma_start3A_212] : memref<10000x64xf32, #tpu.memory_space<hbm>> -> memref<400x64xf32, #tpu.memory_space<hbm>>
        tpu.enqueue_dma source(%dma_start3A_213 : memref<400x64xf32, #tpu.memory_space<hbm>>) target(%dma_start3A_206 : memref<400x64xf32, #tpu.memory_space<vmem_shared>>) target_semaphore(%run_scoped3A : memref<!tpu.dma_semaphore, #tpu.memory_space<semaphore_mem>>)
        %dma_wait3A_214 = arith.constant 9600 : i32
        %dma_wait3A_215 = arith.constant 0 : i32
        %dma_wait3A_216 = tpu.memref_slice %arg14[%dma_wait3A_214, %dma_wait3A_215] : memref<10240x64xf32, #tpu.memory_space<vmem_shared>> -> memref<400x64xf32, #tpu.memory_space<vmem_shared>>
        %dma_wait3A_217 = arith.constant 0 : i32
        %dma_wait3A_218 = arith.constant 0 : i32
        %dma_wait3A_219 = tpu.memref_slice %arg4[%arg0, %dma_wait3A_217, %dma_wait3A_218] : memref<2x10000x64xf32, #tpu.memory_space<hbm>> -> memref<1x10000x64xf32, #tpu.memory_space<hbm>>
        %dma_wait3A_220 = tpu.memref_squeeze %dma_wait3A_219 : memref<1x10000x64xf32, #tpu.memory_space<hbm>> -> memref<10000x64xf32, #tpu.memory_space<hbm>>
        %dma_wait3A_221 = arith.constant 9600 : i32
        %dma_wait3A_222 = arith.constant 0 : i32
        %dma_wait3A_223 = tpu.memref_slice %dma_wait3A_220[%dma_wait3A_221, %dma_wait3A_222] : memref<10000x64xf32, #tpu.memory_space<hbm>> -> memref<400x64xf32, #tpu.memory_space<hbm>>
        tpu.wait_dma2 semaphore(%run_scoped3A : memref<!tpu.dma_semaphore, #tpu.memory_space<semaphore_mem>>) src(%dma_wait3A_223 : memref<400x64xf32, #tpu.memory_space<hbm>>) dst(%dma_wait3A_216 : memref<400x64xf32, #tpu.memory_space<vmem_shared>>)
        tpu.yield
      }) : () -> ()
      "tpu.region"() ({
        %run_scoped3A = tpu.sem_alloc : memref<!tpu.dma_semaphore, #tpu.memory_space<semaphore_mem>>
        %dma_start3A_204 = arith.constant 10000 : i32
        %dma_start3A_205 = arith.constant 0 : i32
        %dma_start3A_206 = tpu.memref_slice %arg14[%dma_start3A_204, %dma_start3A_205] : memref<10240x64xf32, #tpu.memory_space<vmem_shared>> -> memref<128x64xf32, #tpu.memory_space<vmem_shared>>
        %dma_start3A_207 = arith.constant 10000 : i32
        %dma_start3A_208 = arith.constant 0 : i32
        %dma_start3A_209 = tpu.memref_slice %arg14[%dma_start3A_207, %dma_start3A_208] : memref<10240x64xf32, #tpu.memory_space<vmem_shared>> -> memref<128x64xf32, #tpu.memory_space<vmem_shared>>
        tpu.enqueue_dma source(%arg13 : memref<128x64xf32, #tpu.memory_space<vmem>>) target(%dma_start3A_209 : memref<128x64xf32, #tpu.memory_space<vmem_shared>>) target_semaphore(%run_scoped3A : memref<!tpu.dma_semaphore, #tpu.memory_space<semaphore_mem>>)
        %dma_wait3A_210 = arith.constant 10000 : i32
        %dma_wait3A_211 = arith.constant 0 : i32
        %dma_wait3A_212 = tpu.memref_slice %arg14[%dma_wait3A_210, %dma_wait3A_211] : memref<10240x64xf32, #tpu.memory_space<vmem_shared>> -> memref<128x64xf32, #tpu.memory_space<vmem_shared>>
        %dma_wait3A_213 = arith.constant 10000 : i32
        %dma_wait3A_214 = arith.constant 0 : i32
        %dma_wait3A_215 = tpu.memref_slice %arg14[%dma_wait3A_213, %dma_wait3A_214] : memref<10240x64xf32, #tpu.memory_space<vmem_shared>> -> memref<128x64xf32, #tpu.memory_space<vmem_shared>>
        tpu.wait_dma2 semaphore(%run_scoped3A : memref<!tpu.dma_semaphore, #tpu.memory_space<semaphore_mem>>) src(%arg13 : memref<128x64xf32, #tpu.memory_space<vmem>>) dst(%dma_wait3A_215 : memref<128x64xf32, #tpu.memory_space<vmem_shared>>)
        tpu.yield
      }) : () -> ()
      "tpu.region"() ({
        %run_scoped3A = tpu.sem_alloc : memref<!tpu.dma_semaphore, #tpu.memory_space<semaphore_mem>>
        %dma_start3A_204 = arith.constant 0 : i32
        %dma_start3A_205 = arith.constant 0 : i32
        %dma_start3A_206 = tpu.memref_slice %arg13[%dma_start3A_204, %dma_start3A_205] : memref<128x64xf32, #tpu.memory_space<vmem>> -> memref<112x64xf32, #tpu.memory_space<vmem>>
        %dma_start3A_207 = arith.constant 10128 : i32
        %dma_start3A_208 = arith.constant 0 : i32
        %dma_start3A_209 = tpu.memref_slice %arg14[%dma_start3A_207, %dma_start3A_208] : memref<10240x64xf32, #tpu.memory_space<vmem_shared>> -> memref<112x64xf32, #tpu.memory_space<vmem_shared>>
        %dma_start3A_210 = arith.constant 10128 : i32
        %dma_start3A_211 = arith.constant 0 : i32
        %dma_start3A_212 = tpu.memref_slice %arg14[%dma_start3A_210, %dma_start3A_211] : memref<10240x64xf32, #tpu.memory_space<vmem_shared>> -> memref<112x64xf32, #tpu.memory_space<vmem_shared>>
        %dma_start3A_213 = arith.constant 0 : i32
        %dma_start3A_214 = arith.constant 0 : i32
        %dma_start3A_215 = tpu.memref_slice %arg13[%dma_start3A_213, %dma_start3A_214] : memref<128x64xf32, #tpu.memory_space<vmem>> -> memref<112x64xf32, #tpu.memory_space<vmem>>
        tpu.enqueue_dma source(%dma_start3A_215 : memref<112x64xf32, #tpu.memory_space<vmem>>) target(%dma_start3A_212 : memref<112x64xf32, #tpu.memory_space<vmem_shared>>) target_semaphore(%run_scoped3A : memref<!tpu.dma_semaphore, #tpu.memory_space<semaphore_mem>>)
        %dma_wait3A_216 = arith.constant 0 : i32
        %dma_wait3A_217 = arith.constant 0 : i32
        %dma_wait3A_218 = tpu.memref_slice %arg13[%dma_wait3A_216, %dma_wait3A_217] : memref<128x64xf32, #tpu.memory_space<vmem>> -> memref<112x64xf32, #tpu.memory_space<vmem>>
        %dma_wait3A_219 = arith.constant 10128 : i32
        %dma_wait3A_220 = arith.constant 0 : i32
        %dma_wait3A_221 = tpu.memref_slice %arg14[%dma_wait3A_219, %dma_wait3A_220] : memref<10240x64xf32, #tpu.memory_space<vmem_shared>> -> memref<112x64xf32, #tpu.memory_space<vmem_shared>>
        %dma_wait3A_222 = arith.constant 10128 : i32
        %dma_wait3A_223 = arith.constant 0 : i32
        %dma_wait3A_224 = tpu.memref_slice %arg14[%dma_wait3A_222, %dma_wait3A_223] : memref<10240x64xf32, #tpu.memory_space<vmem_shared>> -> memref<112x64xf32, #tpu.memory_space<vmem_shared>>
        %dma_wait3A_225 = arith.constant 0 : i32
        %dma_wait3A_226 = arith.constant 0 : i32
        %dma_wait3A_227 = tpu.memref_slice %arg13[%dma_wait3A_225, %dma_wait3A_226] : memref<128x64xf32, #tpu.memory_space<vmem>> -> memref<112x64xf32, #tpu.memory_space<vmem>>
        tpu.wait_dma2 semaphore(%run_scoped3A : memref<!tpu.dma_semaphore, #tpu.memory_space<semaphore_mem>>) src(%dma_wait3A_227 : memref<112x64xf32, #tpu.memory_space<vmem>>) dst(%dma_wait3A_224 : memref<112x64xf32, #tpu.memory_space<vmem_shared>>)
        tpu.yield
      }) : () -> ()
    } else {
    }
    %barrier3A = arith.constant 0 : index
    tpu.barrier barrier_id(%barrier3A)
    %dma_start3A = arith.constant 0 : i32
    %dma_start3A_13 = arith.constant 0 : i32
    %dma_start3A_14 = tpu.memref_slice %arg6[%dma_start3A, %dma_start3A_13] : memref<160x128xi32, #tpu.memory_space<vmem>> -> memref<1x128xi32, #tpu.memory_space<vmem>>
    %dma_start3A_15 = tpu.memref_squeeze %dma_start3A_14 : memref<1x128xi32, #tpu.memory_space<vmem>> -> memref<128xi32, #tpu.memory_space<vmem>>
    %dma_start3A_16 = arith.constant 0 : i32
    %dma_start3A_17 = arith.constant 0 : i32
    %dma_start3A_18 = tpu.memref_slice %arg4[%arg0, %dma_start3A_16, %dma_start3A_17] : memref<2x10000x64xf32, #tpu.memory_space<hbm>> -> memref<1x10000x64xf32, #tpu.memory_space<hbm>>
    %dma_start3A_19 = tpu.memref_squeeze %dma_start3A_18 : memref<1x10000x64xf32, #tpu.memory_space<hbm>> -> memref<10000x64xf32, #tpu.memory_space<hbm>>
    %dma_start3A_20 = arith.constant 0 : i32
    %dma_start3A_21 = arith.constant 0 : i32
    %dma_start3A_22 = tpu.memref_slice %dma_start3A_19[%dma_start3A_20, %dma_start3A_21] : memref<10000x64xf32, #tpu.memory_space<hbm>> -> memref<10000x64xf32, #tpu.memory_space<hbm>>
    tpu.enqueue_indirect_dma source(%dma_start3A_22 : memref<10000x64xf32, #tpu.memory_space<hbm>>) target(%arg8 : memref<128x64xf32, #tpu.memory_space<vmem>>) offsets(%dma_start3A_15 : memref<128xi32, #tpu.memory_space<vmem>>) semaphore(%arg15 : memref<!tpu.dma_semaphore, #tpu.memory_space<semaphore_mem>>)
    %dma_start3A_23 = arith.constant 1 : i32
    %dma_start3A_24 = arith.constant 0 : i32
    %dma_start3A_25 = tpu.memref_slice %arg6[%dma_start3A_23, %dma_start3A_24] : memref<160x128xi32, #tpu.memory_space<vmem>> -> memref<1x128xi32, #tpu.memory_space<vmem>>
    %dma_start3A_26 = tpu.memref_squeeze %dma_start3A_25 : memref<1x128xi32, #tpu.memory_space<vmem>> -> memref<128xi32, #tpu.memory_space<vmem>>
    %dma_start3A_27 = arith.constant 0 : i32
    %dma_start3A_28 = arith.constant 0 : i32
    %dma_start3A_29 = tpu.memref_slice %arg4[%arg0, %dma_start3A_27, %dma_start3A_28] : memref<2x10000x64xf32, #tpu.memory_space<hbm>> -> memref<1x10000x64xf32, #tpu.memory_space<hbm>>
    %dma_start3A_30 = tpu.memref_squeeze %dma_start3A_29 : memref<1x10000x64xf32, #tpu.memory_space<hbm>> -> memref<10000x64xf32, #tpu.memory_space<hbm>>
    %dma_start3A_31 = arith.constant 0 : i32
    %dma_start3A_32 = arith.constant 0 : i32
    %dma_start3A_33 = tpu.memref_slice %dma_start3A_30[%dma_start3A_31, %dma_start3A_32] : memref<10000x64xf32, #tpu.memory_space<hbm>> -> memref<10000x64xf32, #tpu.memory_space<hbm>>
    tpu.enqueue_indirect_dma source(%dma_start3A_33 : memref<10000x64xf32, #tpu.memory_space<hbm>>) target(%arg9 : memref<128x64xf32, #tpu.memory_space<vmem>>) offsets(%dma_start3A_26 : memref<128xi32, #tpu.memory_space<vmem>>) semaphore(%arg16 : memref<!tpu.dma_semaphore, #tpu.memory_space<semaphore_mem>>)
    %dma_start3A_34 = arith.constant 2 : i32
    %dma_start3A_35 = arith.constant 0 : i32
    %dma_start3A_36 = tpu.memref_slice %arg6[%dma_start3A_34, %dma_start3A_35] : memref<160x128xi32, #tpu.memory_space<vmem>> -> memref<1x128xi32, #tpu.memory_space<vmem>>
    %dma_start3A_37 = tpu.memref_squeeze %dma_start3A_36 : memref<1x128xi32, #tpu.memory_space<vmem>> -> memref<128xi32, #tpu.memory_space<vmem>>
    %dma_start3A_38 = arith.constant 0 : i32
    %dma_start3A_39 = arith.constant 0 : i32
    %dma_start3A_40 = tpu.memref_slice %arg4[%arg0, %dma_start3A_38, %dma_start3A_39] : memref<2x10000x64xf32, #tpu.memory_space<hbm>> -> memref<1x10000x64xf32, #tpu.memory_space<hbm>>
    %dma_start3A_41 = tpu.memref_squeeze %dma_start3A_40 : memref<1x10000x64xf32, #tpu.memory_space<hbm>> -> memref<10000x64xf32, #tpu.memory_space<hbm>>
    %dma_start3A_42 = arith.constant 0 : i32
    %dma_start3A_43 = arith.constant 0 : i32
    %dma_start3A_44 = tpu.memref_slice %dma_start3A_41[%dma_start3A_42, %dma_start3A_43] : memref<10000x64xf32, #tpu.memory_space<hbm>> -> memref<10000x64xf32, #tpu.memory_space<hbm>>
    tpu.enqueue_indirect_dma source(%dma_start3A_44 : memref<10000x64xf32, #tpu.memory_space<hbm>>) target(%arg10 : memref<128x64xf32, #tpu.memory_space<vmem>>) offsets(%dma_start3A_37 : memref<128xi32, #tpu.memory_space<vmem>>) semaphore(%arg17 : memref<!tpu.dma_semaphore, #tpu.memory_space<semaphore_mem>>)
    %dma_start3A_45 = arith.constant 3 : i32
    %dma_start3A_46 = arith.constant 0 : i32
    %dma_start3A_47 = tpu.memref_slice %arg6[%dma_start3A_45, %dma_start3A_46] : memref<160x128xi32, #tpu.memory_space<vmem>> -> memref<1x128xi32, #tpu.memory_space<vmem>>
    %dma_start3A_48 = tpu.memref_squeeze %dma_start3A_47 : memref<1x128xi32, #tpu.memory_space<vmem>> -> memref<128xi32, #tpu.memory_space<vmem>>
    %dma_start3A_49 = arith.constant 0 : i32
    %dma_start3A_50 = arith.constant 0 : i32
    %dma_start3A_51 = tpu.memref_slice %arg4[%arg0, %dma_start3A_49, %dma_start3A_50] : memref<2x10000x64xf32, #tpu.memory_space<hbm>> -> memref<1x10000x64xf32, #tpu.memory_space<hbm>>
    %dma_start3A_52 = tpu.memref_squeeze %dma_start3A_51 : memref<1x10000x64xf32, #tpu.memory_space<hbm>> -> memref<10000x64xf32, #tpu.memory_space<hbm>>
    %dma_start3A_53 = arith.constant 0 : i32
    %dma_start3A_54 = arith.constant 0 : i32
    %dma_start3A_55 = tpu.memref_slice %dma_start3A_52[%dma_start3A_53, %dma_start3A_54] : memref<10000x64xf32, #tpu.memory_space<hbm>> -> memref<10000x64xf32, #tpu.memory_space<hbm>>
    tpu.enqueue_indirect_dma source(%dma_start3A_55 : memref<10000x64xf32, #tpu.memory_space<hbm>>) target(%arg11 : memref<128x64xf32, #tpu.memory_space<vmem>>) offsets(%dma_start3A_48 : memref<128xi32, #tpu.memory_space<vmem>>) semaphore(%arg18 : memref<!tpu.dma_semaphore, #tpu.memory_space<semaphore_mem>>)
    %dma_start3A_56 = arith.constant 4 : i32
    %dma_start3A_57 = arith.constant 0 : i32
    %dma_start3A_58 = tpu.memref_slice %arg6[%dma_start3A_56, %dma_start3A_57] : memref<160x128xi32, #tpu.memory_space<vmem>> -> memref<1x128xi32, #tpu.memory_space<vmem>>
    %dma_start3A_59 = tpu.memref_squeeze %dma_start3A_58 : memref<1x128xi32, #tpu.memory_space<vmem>> -> memref<128xi32, #tpu.memory_space<vmem>>
    %dma_start3A_60 = arith.constant 0 : i32
    %dma_start3A_61 = arith.constant 0 : i32
    %dma_start3A_62 = tpu.memref_slice %arg4[%arg0, %dma_start3A_60, %dma_start3A_61] : memref<2x10000x64xf32, #tpu.memory_space<hbm>> -> memref<1x10000x64xf32, #tpu.memory_space<hbm>>
    %dma_start3A_63 = tpu.memref_squeeze %dma_start3A_62 : memref<1x10000x64xf32, #tpu.memory_space<hbm>> -> memref<10000x64xf32, #tpu.memory_space<hbm>>
    %dma_start3A_64 = arith.constant 0 : i32
    %dma_start3A_65 = arith.constant 0 : i32
    %dma_start3A_66 = tpu.memref_slice %dma_start3A_63[%dma_start3A_64, %dma_start3A_65] : memref<10000x64xf32, #tpu.memory_space<hbm>> -> memref<10000x64xf32, #tpu.memory_space<hbm>>
    tpu.enqueue_indirect_dma source(%dma_start3A_66 : memref<10000x64xf32, #tpu.memory_space<hbm>>) target(%arg12 : memref<128x64xf32, #tpu.memory_space<vmem>>) offsets(%dma_start3A_59 : memref<128xi32, #tpu.memory_space<vmem>>) semaphore(%arg19 : memref<!tpu.dma_semaphore, #tpu.memory_space<semaphore_mem>>)
    %scan3A_67 = arith.constant 0 : i32
    %scan3A_68 = arith.constant 0 : i32
    %scan3A_69 = arith.constant 31 : i32
    %scan3A_70 = arith.addi %scan3A_68, %scan3A_69 : i32
    %scan3A_71 = arith.constant 1 : i32
    %scan3A_72 = scf.for %scan3A_204 = %scan3A_68 to %scan3A_70 step %scan3A_71 iter_args(%scan3A_205 = %scan3A_67) -> (i32)  : i32 {
      %mul3A_206 = arith.constant 5 : i32
      %mul3A_207 = arith.muli %scan3A_204, %mul3A_206 : i32
      %add3A_208 = arith.constant 0 : i32
      %add3A_209 = arith.addi %mul3A_207, %add3A_208 : i32
      %dma_wait3A_210 = arith.constant 0 : i32
      %dma_wait3A_211 = tpu.memref_slice %arg6[%add3A_209, %dma_wait3A_210] : memref<160x128xi32, #tpu.memory_space<vmem>> -> memref<1x128xi32, #tpu.memory_space<vmem>>
      %dma_wait3A_212 = tpu.memref_squeeze %dma_wait3A_211 : memref<1x128xi32, #tpu.memory_space<vmem>> -> memref<128xi32, #tpu.memory_space<vmem>>
      %dma_wait3A_213 = arith.constant 0 : i32
      %dma_wait3A_214 = arith.constant 0 : i32
      %dma_wait3A_215 = tpu.memref_slice %arg4[%arg0, %dma_wait3A_213, %dma_wait3A_214] : memref<2x10000x64xf32, #tpu.memory_space<hbm>> -> memref<1x10000x64xf32, #tpu.memory_space<hbm>>
      %dma_wait3A_216 = tpu.memref_squeeze %dma_wait3A_215 : memref<1x10000x64xf32, #tpu.memory_space<hbm>> -> memref<10000x64xf32, #tpu.memory_space<hbm>>
      %dma_wait3A_217 = arith.constant 0 : i32
      %dma_wait3A_218 = arith.constant 0 : i32
      %dma_wait3A_219 = tpu.memref_slice %dma_wait3A_216[%dma_wait3A_217, %dma_wait3A_218] : memref<10000x64xf32, #tpu.memory_space<hbm>> -> memref<10000x64xf32, #tpu.memory_space<hbm>>
      tpu.wait_indirect_dma semaphore(%arg15 : memref<!tpu.dma_semaphore, #tpu.memory_space<semaphore_mem>>) src(%dma_wait3A_219 : memref<10000x64xf32, #tpu.memory_space<hbm>>) dst(%arg8 : memref<128x64xf32, #tpu.memory_space<vmem>>)
      %add3A_220 = arith.constant 0 : i32
      %add3A_221 = arith.addi %mul3A_207, %add3A_220 : i32
      %dma_start3A_222 = arith.constant 0 : i32
      %dma_start3A_223 = tpu.memref_slice %arg7[%add3A_221, %dma_start3A_222] : memref<160x128xi32, #tpu.memory_space<vmem>> -> memref<1x128xi32, #tpu.memory_space<vmem>>
      %dma_start3A_224 = tpu.memref_squeeze %dma_start3A_223 : memref<1x128xi32, #tpu.memory_space<vmem>> -> memref<128xi32, #tpu.memory_space<vmem>>
      %dma_start3A_225 = arith.constant 0 : i32
      %dma_start3A_226 = arith.constant 0 : i32
      %dma_start3A_227 = tpu.memref_slice %arg14[%dma_start3A_225, %dma_start3A_226] : memref<10240x64xf32, #tpu.memory_space<vmem_shared>> -> memref<10240x64xf32, #tpu.memory_space<vmem_shared>>
      tpu.enqueue_indirect_dma source(%arg8 : memref<128x64xf32, #tpu.memory_space<vmem>>) target(%dma_start3A_227 : memref<10240x64xf32, #tpu.memory_space<vmem_shared>>) offsets(%dma_start3A_224 : memref<128xi32, #tpu.memory_space<vmem>>) semaphore(%arg20 : memref<!tpu.dma_semaphore, #tpu.memory_space<semaphore_mem>>) {add = true}
      %add3A_228 = arith.constant 1 : i32
      %add3A_229 = arith.addi %mul3A_207, %add3A_228 : i32
      %dma_wait3A_230 = arith.constant 0 : i32
      %dma_wait3A_231 = tpu.memref_slice %arg6[%add3A_229, %dma_wait3A_230] : memref<160x128xi32, #tpu.memory_space<vmem>> -> memref<1x128xi32, #tpu.memory_space<vmem>>
      %dma_wait3A_232 = tpu.memref_squeeze %dma_wait3A_231 : memref<1x128xi32, #tpu.memory_space<vmem>> -> memref<128xi32, #tpu.memory_space<vmem>>
      %dma_wait3A_233 = arith.constant 0 : i32
      %dma_wait3A_234 = arith.constant 0 : i32
      %dma_wait3A_235 = tpu.memref_slice %arg4[%arg0, %dma_wait3A_233, %dma_wait3A_234] : memref<2x10000x64xf32, #tpu.memory_space<hbm>> -> memref<1x10000x64xf32, #tpu.memory_space<hbm>>
      %dma_wait3A_236 = tpu.memref_squeeze %dma_wait3A_235 : memref<1x10000x64xf32, #tpu.memory_space<hbm>> -> memref<10000x64xf32, #tpu.memory_space<hbm>>
      %dma_wait3A_237 = arith.constant 0 : i32
      %dma_wait3A_238 = arith.constant 0 : i32
      %dma_wait3A_239 = tpu.memref_slice %dma_wait3A_236[%dma_wait3A_237, %dma_wait3A_238] : memref<10000x64xf32, #tpu.memory_space<hbm>> -> memref<10000x64xf32, #tpu.memory_space<hbm>>
      tpu.wait_indirect_dma semaphore(%arg16 : memref<!tpu.dma_semaphore, #tpu.memory_space<semaphore_mem>>) src(%dma_wait3A_239 : memref<10000x64xf32, #tpu.memory_space<hbm>>) dst(%arg9 : memref<128x64xf32, #tpu.memory_space<vmem>>)
      %add3A_240 = arith.constant 1 : i32
      %add3A_241 = arith.addi %mul3A_207, %add3A_240 : i32
      %dma_start3A_242 = arith.constant 0 : i32
      %dma_start3A_243 = tpu.memref_slice %arg7[%add3A_241, %dma_start3A_242] : memref<160x128xi32, #tpu.memory_space<vmem>> -> memref<1x128xi32, #tpu.memory_space<vmem>>
      %dma_start3A_244 = tpu.memref_squeeze %dma_start3A_243 : memref<1x128xi32, #tpu.memory_space<vmem>> -> memref<128xi32, #tpu.memory_space<vmem>>
      %dma_start3A_245 = arith.constant 0 : i32
      %dma_start3A_246 = arith.constant 0 : i32
      %dma_start3A_247 = tpu.memref_slice %arg14[%dma_start3A_245, %dma_start3A_246] : memref<10240x64xf32, #tpu.memory_space<vmem_shared>> -> memref<10240x64xf32, #tpu.memory_space<vmem_shared>>
      tpu.enqueue_indirect_dma source(%arg9 : memref<128x64xf32, #tpu.memory_space<vmem>>) target(%dma_start3A_247 : memref<10240x64xf32, #tpu.memory_space<vmem_shared>>) offsets(%dma_start3A_244 : memref<128xi32, #tpu.memory_space<vmem>>) semaphore(%arg21 : memref<!tpu.dma_semaphore, #tpu.memory_space<semaphore_mem>>) {add = true}
      %add3A_248 = arith.constant 2 : i32
      %add3A_249 = arith.addi %mul3A_207, %add3A_248 : i32
      %dma_wait3A_250 = arith.constant 0 : i32
      %dma_wait3A_251 = tpu.memref_slice %arg6[%add3A_249, %dma_wait3A_250] : memref<160x128xi32, #tpu.memory_space<vmem>> -> memref<1x128xi32, #tpu.memory_space<vmem>>
      %dma_wait3A_252 = tpu.memref_squeeze %dma_wait3A_251 : memref<1x128xi32, #tpu.memory_space<vmem>> -> memref<128xi32, #tpu.memory_space<vmem>>
      %dma_wait3A_253 = arith.constant 0 : i32
      %dma_wait3A_254 = arith.constant 0 : i32
      %dma_wait3A_255 = tpu.memref_slice %arg4[%arg0, %dma_wait3A_253, %dma_wait3A_254] : memref<2x10000x64xf32, #tpu.memory_space<hbm>> -> memref<1x10000x64xf32, #tpu.memory_space<hbm>>
      %dma_wait3A_256 = tpu.memref_squeeze %dma_wait3A_255 : memref<1x10000x64xf32, #tpu.memory_space<hbm>> -> memref<10000x64xf32, #tpu.memory_space<hbm>>
      %dma_wait3A_257 = arith.constant 0 : i32
      %dma_wait3A_258 = arith.constant 0 : i32
      %dma_wait3A_259 = tpu.memref_slice %dma_wait3A_256[%dma_wait3A_257, %dma_wait3A_258] : memref<10000x64xf32, #tpu.memory_space<hbm>> -> memref<10000x64xf32, #tpu.memory_space<hbm>>
      tpu.wait_indirect_dma semaphore(%arg17 : memref<!tpu.dma_semaphore, #tpu.memory_space<semaphore_mem>>) src(%dma_wait3A_259 : memref<10000x64xf32, #tpu.memory_space<hbm>>) dst(%arg10 : memref<128x64xf32, #tpu.memory_space<vmem>>)
      %add3A_260 = arith.constant 2 : i32
      %add3A_261 = arith.addi %mul3A_207, %add3A_260 : i32
      %dma_start3A_262 = arith.constant 0 : i32
      %dma_start3A_263 = tpu.memref_slice %arg7[%add3A_261, %dma_start3A_262] : memref<160x128xi32, #tpu.memory_space<vmem>> -> memref<1x128xi32, #tpu.memory_space<vmem>>
      %dma_start3A_264 = tpu.memref_squeeze %dma_start3A_263 : memref<1x128xi32, #tpu.memory_space<vmem>> -> memref<128xi32, #tpu.memory_space<vmem>>
      %dma_start3A_265 = arith.constant 0 : i32
      %dma_start3A_266 = arith.constant 0 : i32
      %dma_start3A_267 = tpu.memref_slice %arg14[%dma_start3A_265, %dma_start3A_266] : memref<10240x64xf32, #tpu.memory_space<vmem_shared>> -> memref<10240x64xf32, #tpu.memory_space<vmem_shared>>
      tpu.enqueue_indirect_dma source(%arg10 : memref<128x64xf32, #tpu.memory_space<vmem>>) target(%dma_start3A_267 : memref<10240x64xf32, #tpu.memory_space<vmem_shared>>) offsets(%dma_start3A_264 : memref<128xi32, #tpu.memory_space<vmem>>) semaphore(%arg22 : memref<!tpu.dma_semaphore, #tpu.memory_space<semaphore_mem>>) {add = true}
      %add3A_268 = arith.constant 3 : i32
      %add3A_269 = arith.addi %mul3A_207, %add3A_268 : i32
      %dma_wait3A_270 = arith.constant 0 : i32
      %dma_wait3A_271 = tpu.memref_slice %arg6[%add3A_269, %dma_wait3A_270] : memref<160x128xi32, #tpu.memory_space<vmem>> -> memref<1x128xi32, #tpu.memory_space<vmem>>
      %dma_wait3A_272 = tpu.memref_squeeze %dma_wait3A_271 : memref<1x128xi32, #tpu.memory_space<vmem>> -> memref<128xi32, #tpu.memory_space<vmem>>
      %dma_wait3A_273 = arith.constant 0 : i32
      %dma_wait3A_274 = arith.constant 0 : i32
      %dma_wait3A_275 = tpu.memref_slice %arg4[%arg0, %dma_wait3A_273, %dma_wait3A_274] : memref<2x10000x64xf32, #tpu.memory_space<hbm>> -> memref<1x10000x64xf32, #tpu.memory_space<hbm>>
      %dma_wait3A_276 = tpu.memref_squeeze %dma_wait3A_275 : memref<1x10000x64xf32, #tpu.memory_space<hbm>> -> memref<10000x64xf32, #tpu.memory_space<hbm>>
      %dma_wait3A_277 = arith.constant 0 : i32
      %dma_wait3A_278 = arith.constant 0 : i32
      %dma_wait3A_279 = tpu.memref_slice %dma_wait3A_276[%dma_wait3A_277, %dma_wait3A_278] : memref<10000x64xf32, #tpu.memory_space<hbm>> -> memref<10000x64xf32, #tpu.memory_space<hbm>>
      tpu.wait_indirect_dma semaphore(%arg18 : memref<!tpu.dma_semaphore, #tpu.memory_space<semaphore_mem>>) src(%dma_wait3A_279 : memref<10000x64xf32, #tpu.memory_space<hbm>>) dst(%arg11 : memref<128x64xf32, #tpu.memory_space<vmem>>)
      %add3A_280 = arith.constant 3 : i32
      %add3A_281 = arith.addi %mul3A_207, %add3A_280 : i32
      %dma_start3A_282 = arith.constant 0 : i32
      %dma_start3A_283 = tpu.memref_slice %arg7[%add3A_281, %dma_start3A_282] : memref<160x128xi32, #tpu.memory_space<vmem>> -> memref<1x128xi32, #tpu.memory_space<vmem>>
      %dma_start3A_284 = tpu.memref_squeeze %dma_start3A_283 : memref<1x128xi32, #tpu.memory_space<vmem>> -> memref<128xi32, #tpu.memory_space<vmem>>
      %dma_start3A_285 = arith.constant 0 : i32
      %dma_start3A_286 = arith.constant 0 : i32
      %dma_start3A_287 = tpu.memref_slice %arg14[%dma_start3A_285, %dma_start3A_286] : memref<10240x64xf32, #tpu.memory_space<vmem_shared>> -> memref<10240x64xf32, #tpu.memory_space<vmem_shared>>
      tpu.enqueue_indirect_dma source(%arg11 : memref<128x64xf32, #tpu.memory_space<vmem>>) target(%dma_start3A_287 : memref<10240x64xf32, #tpu.memory_space<vmem_shared>>) offsets(%dma_start3A_284 : memref<128xi32, #tpu.memory_space<vmem>>) semaphore(%arg23 : memref<!tpu.dma_semaphore, #tpu.memory_space<semaphore_mem>>) {add = true}
      %add3A_288 = arith.constant 4 : i32
      %add3A_289 = arith.addi %mul3A_207, %add3A_288 : i32
      %dma_wait3A_290 = arith.constant 0 : i32
      %dma_wait3A_291 = tpu.memref_slice %arg6[%add3A_289, %dma_wait3A_290] : memref<160x128xi32, #tpu.memory_space<vmem>> -> memref<1x128xi32, #tpu.memory_space<vmem>>
      %dma_wait3A_292 = tpu.memref_squeeze %dma_wait3A_291 : memref<1x128xi32, #tpu.memory_space<vmem>> -> memref<128xi32, #tpu.memory_space<vmem>>
      %dma_wait3A_293 = arith.constant 0 : i32
      %dma_wait3A_294 = arith.constant 0 : i32
      %dma_wait3A_295 = tpu.memref_slice %arg4[%arg0, %dma_wait3A_293, %dma_wait3A_294] : memref<2x10000x64xf32, #tpu.memory_space<hbm>> -> memref<1x10000x64xf32, #tpu.memory_space<hbm>>
      %dma_wait3A_296 = tpu.memref_squeeze %dma_wait3A_295 : memref<1x10000x64xf32, #tpu.memory_space<hbm>> -> memref<10000x64xf32, #tpu.memory_space<hbm>>
      %dma_wait3A_297 = arith.constant 0 : i32
      %dma_wait3A_298 = arith.constant 0 : i32
      %dma_wait3A_299 = tpu.memref_slice %dma_wait3A_296[%dma_wait3A_297, %dma_wait3A_298] : memref<10000x64xf32, #tpu.memory_space<hbm>> -> memref<10000x64xf32, #tpu.memory_space<hbm>>
      tpu.wait_indirect_dma semaphore(%arg19 : memref<!tpu.dma_semaphore, #tpu.memory_space<semaphore_mem>>) src(%dma_wait3A_299 : memref<10000x64xf32, #tpu.memory_space<hbm>>) dst(%arg12 : memref<128x64xf32, #tpu.memory_space<vmem>>)
      %add3A_300 = arith.constant 4 : i32
      %add3A_301 = arith.addi %mul3A_207, %add3A_300 : i32
      %dma_start3A_302 = arith.constant 0 : i32
      %dma_start3A_303 = tpu.memref_slice %arg7[%add3A_301, %dma_start3A_302] : memref<160x128xi32, #tpu.memory_space<vmem>> -> memref<1x128xi32, #tpu.memory_space<vmem>>
      %dma_start3A_304 = tpu.memref_squeeze %dma_start3A_303 : memref<1x128xi32, #tpu.memory_space<vmem>> -> memref<128xi32, #tpu.memory_space<vmem>>
      %dma_start3A_305 = arith.constant 0 : i32
      %dma_start3A_306 = arith.constant 0 : i32
      %dma_start3A_307 = tpu.memref_slice %arg14[%dma_start3A_305, %dma_start3A_306] : memref<10240x64xf32, #tpu.memory_space<vmem_shared>> -> memref<10240x64xf32, #tpu.memory_space<vmem_shared>>
      tpu.enqueue_indirect_dma source(%arg12 : memref<128x64xf32, #tpu.memory_space<vmem>>) target(%dma_start3A_307 : memref<10240x64xf32, #tpu.memory_space<vmem_shared>>) offsets(%dma_start3A_304 : memref<128xi32, #tpu.memory_space<vmem>>) semaphore(%arg24 : memref<!tpu.dma_semaphore, #tpu.memory_space<semaphore_mem>>) {add = true}
      %add3A_308 = arith.constant 0 : i32
      %add3A_309 = arith.addi %mul3A_207, %add3A_308 : i32
      %dma_wait3A_310 = arith.constant 0 : i32
      %dma_wait3A_311 = tpu.memref_slice %arg7[%add3A_309, %dma_wait3A_310] : memref<160x128xi32, #tpu.memory_space<vmem>> -> memref<1x128xi32, #tpu.memory_space<vmem>>
      %dma_wait3A_312 = tpu.memref_squeeze %dma_wait3A_311 : memref<1x128xi32, #tpu.memory_space<vmem>> -> memref<128xi32, #tpu.memory_space<vmem>>
      %dma_wait3A_313 = arith.constant 0 : i32
      %dma_wait3A_314 = arith.constant 0 : i32
      %dma_wait3A_315 = tpu.memref_slice %arg14[%dma_wait3A_313, %dma_wait3A_314] : memref<10240x64xf32, #tpu.memory_space<vmem_shared>> -> memref<10240x64xf32, #tpu.memory_space<vmem_shared>>
      tpu.wait_indirect_dma semaphore(%arg20 : memref<!tpu.dma_semaphore, #tpu.memory_space<semaphore_mem>>) src(%arg8 : memref<128x64xf32, #tpu.memory_space<vmem>>) dst(%dma_wait3A_315 : memref<10240x64xf32, #tpu.memory_space<vmem_shared>>)
      %add3A_316 = arith.constant 5 : i32
      %add3A_317 = arith.addi %mul3A_207, %add3A_316 : i32
      %add3A_318 = arith.constant 0 : i32
      %add3A_319 = arith.addi %add3A_317, %add3A_318 : i32
      %dma_start3A_320 = arith.constant 0 : i32
      %dma_start3A_321 = tpu.memref_slice %arg6[%add3A_319, %dma_start3A_320] : memref<160x128xi32, #tpu.memory_space<vmem>> -> memref<1x128xi32, #tpu.memory_space<vmem>>
      %dma_start3A_322 = tpu.memref_squeeze %dma_start3A_321 : memref<1x128xi32, #tpu.memory_space<vmem>> -> memref<128xi32, #tpu.memory_space<vmem>>
      %dma_start3A_323 = arith.constant 0 : i32
      %dma_start3A_324 = arith.constant 0 : i32
      %dma_start3A_325 = tpu.memref_slice %arg4[%arg0, %dma_start3A_323, %dma_start3A_324] : memref<2x10000x64xf32, #tpu.memory_space<hbm>> -> memref<1x10000x64xf32, #tpu.memory_space<hbm>>
      %dma_start3A_326 = tpu.memref_squeeze %dma_start3A_325 : memref<1x10000x64xf32, #tpu.memory_space<hbm>> -> memref<10000x64xf32, #tpu.memory_space<hbm>>
      %dma_start3A_327 = arith.constant 0 : i32
      %dma_start3A_328 = arith.constant 0 : i32
      %dma_start3A_329 = tpu.memref_slice %dma_start3A_326[%dma_start3A_327, %dma_start3A_328] : memref<10000x64xf32, #tpu.memory_space<hbm>> -> memref<10000x64xf32, #tpu.memory_space<hbm>>
      tpu.enqueue_indirect_dma source(%dma_start3A_329 : memref<10000x64xf32, #tpu.memory_space<hbm>>) target(%arg8 : memref<128x64xf32, #tpu.memory_space<vmem>>) offsets(%dma_start3A_322 : memref<128xi32, #tpu.memory_space<vmem>>) semaphore(%arg15 : memref<!tpu.dma_semaphore, #tpu.memory_space<semaphore_mem>>)
      %add3A_330 = arith.constant 1 : i32
      %add3A_331 = arith.addi %mul3A_207, %add3A_330 : i32
      %dma_wait3A_332 = arith.constant 0 : i32
      %dma_wait3A_333 = tpu.memref_slice %arg7[%add3A_331, %dma_wait3A_332] : memref<160x128xi32, #tpu.memory_space<vmem>> -> memref<1x128xi32, #tpu.memory_space<vmem>>
      %dma_wait3A_334 = tpu.memref_squeeze %dma_wait3A_333 : memref<1x128xi32, #tpu.memory_space<vmem>> -> memref<128xi32, #tpu.memory_space<vmem>>
      %dma_wait3A_335 = arith.constant 0 : i32
      %dma_wait3A_336 = arith.constant 0 : i32
      %dma_wait3A_337 = tpu.memref_slice %arg14[%dma_wait3A_335, %dma_wait3A_336] : memref<10240x64xf32, #tpu.memory_space<vmem_shared>> -> memref<10240x64xf32, #tpu.memory_space<vmem_shared>>
      tpu.wait_indirect_dma semaphore(%arg21 : memref<!tpu.dma_semaphore, #tpu.memory_space<semaphore_mem>>) src(%arg9 : memref<128x64xf32, #tpu.memory_space<vmem>>) dst(%dma_wait3A_337 : memref<10240x64xf32, #tpu.memory_space<vmem_shared>>)
      %add3A_338 = arith.constant 5 : i32
      %add3A_339 = arith.addi %mul3A_207, %add3A_338 : i32
      %add3A_340 = arith.constant 1 : i32
      %add3A_341 = arith.addi %add3A_339, %add3A_340 : i32
      %dma_start3A_342 = arith.constant 0 : i32
      %dma_start3A_343 = tpu.memref_slice %arg6[%add3A_341, %dma_start3A_342] : memref<160x128xi32, #tpu.memory_space<vmem>> -> memref<1x128xi32, #tpu.memory_space<vmem>>
      %dma_start3A_344 = tpu.memref_squeeze %dma_start3A_343 : memref<1x128xi32, #tpu.memory_space<vmem>> -> memref<128xi32, #tpu.memory_space<vmem>>
      %dma_start3A_345 = arith.constant 0 : i32
      %dma_start3A_346 = arith.constant 0 : i32
      %dma_start3A_347 = tpu.memref_slice %arg4[%arg0, %dma_start3A_345, %dma_start3A_346] : memref<2x10000x64xf32, #tpu.memory_space<hbm>> -> memref<1x10000x64xf32, #tpu.memory_space<hbm>>
      %dma_start3A_348 = tpu.memref_squeeze %dma_start3A_347 : memref<1x10000x64xf32, #tpu.memory_space<hbm>> -> memref<10000x64xf32, #tpu.memory_space<hbm>>
      %dma_start3A_349 = arith.constant 0 : i32
      %dma_start3A_350 = arith.constant 0 : i32
      %dma_start3A_351 = tpu.memref_slice %dma_start3A_348[%dma_start3A_349, %dma_start3A_350] : memref<10000x64xf32, #tpu.memory_space<hbm>> -> memref<10000x64xf32, #tpu.memory_space<hbm>>
      tpu.enqueue_indirect_dma source(%dma_start3A_351 : memref<10000x64xf32, #tpu.memory_space<hbm>>) target(%arg9 : memref<128x64xf32, #tpu.memory_space<vmem>>) offsets(%dma_start3A_344 : memref<128xi32, #tpu.memory_space<vmem>>) semaphore(%arg16 : memref<!tpu.dma_semaphore, #tpu.memory_space<semaphore_mem>>)
      %add3A_352 = arith.constant 2 : i32
      %add3A_353 = arith.addi %mul3A_207, %add3A_352 : i32
      %dma_wait3A_354 = arith.constant 0 : i32
      %dma_wait3A_355 = tpu.memref_slice %arg7[%add3A_353, %dma_wait3A_354] : memref<160x128xi32, #tpu.memory_space<vmem>> -> memref<1x128xi32, #tpu.memory_space<vmem>>
      %dma_wait3A_356 = tpu.memref_squeeze %dma_wait3A_355 : memref<1x128xi32, #tpu.memory_space<vmem>> -> memref<128xi32, #tpu.memory_space<vmem>>
      %dma_wait3A_357 = arith.constant 0 : i32
      %dma_wait3A_358 = arith.constant 0 : i32
      %dma_wait3A_359 = tpu.memref_slice %arg14[%dma_wait3A_357, %dma_wait3A_358] : memref<10240x64xf32, #tpu.memory_space<vmem_shared>> -> memref<10240x64xf32, #tpu.memory_space<vmem_shared>>
      tpu.wait_indirect_dma semaphore(%arg22 : memref<!tpu.dma_semaphore, #tpu.memory_space<semaphore_mem>>) src(%arg10 : memref<128x64xf32, #tpu.memory_space<vmem>>) dst(%dma_wait3A_359 : memref<10240x64xf32, #tpu.memory_space<vmem_shared>>)
      %add3A_360 = arith.constant 5 : i32
      %add3A_361 = arith.addi %mul3A_207, %add3A_360 : i32
      %add3A_362 = arith.constant 2 : i32
      %add3A_363 = arith.addi %add3A_361, %add3A_362 : i32
      %dma_start3A_364 = arith.constant 0 : i32
      %dma_start3A_365 = tpu.memref_slice %arg6[%add3A_363, %dma_start3A_364] : memref<160x128xi32, #tpu.memory_space<vmem>> -> memref<1x128xi32, #tpu.memory_space<vmem>>
      %dma_start3A_366 = tpu.memref_squeeze %dma_start3A_365 : memref<1x128xi32, #tpu.memory_space<vmem>> -> memref<128xi32, #tpu.memory_space<vmem>>
      %dma_start3A_367 = arith.constant 0 : i32
      %dma_start3A_368 = arith.constant 0 : i32
      %dma_start3A_369 = tpu.memref_slice %arg4[%arg0, %dma_start3A_367, %dma_start3A_368] : memref<2x10000x64xf32, #tpu.memory_space<hbm>> -> memref<1x10000x64xf32, #tpu.memory_space<hbm>>
      %dma_start3A_370 = tpu.memref_squeeze %dma_start3A_369 : memref<1x10000x64xf32, #tpu.memory_space<hbm>> -> memref<10000x64xf32, #tpu.memory_space<hbm>>
      %dma_start3A_371 = arith.constant 0 : i32
      %dma_start3A_372 = arith.constant 0 : i32
      %dma_start3A_373 = tpu.memref_slice %dma_start3A_370[%dma_start3A_371, %dma_start3A_372] : memref<10000x64xf32, #tpu.memory_space<hbm>> -> memref<10000x64xf32, #tpu.memory_space<hbm>>
      tpu.enqueue_indirect_dma source(%dma_start3A_373 : memref<10000x64xf32, #tpu.memory_space<hbm>>) target(%arg10 : memref<128x64xf32, #tpu.memory_space<vmem>>) offsets(%dma_start3A_366 : memref<128xi32, #tpu.memory_space<vmem>>) semaphore(%arg17 : memref<!tpu.dma_semaphore, #tpu.memory_space<semaphore_mem>>)
      %add3A_374 = arith.constant 3 : i32
      %add3A_375 = arith.addi %mul3A_207, %add3A_374 : i32
      %dma_wait3A_376 = arith.constant 0 : i32
      %dma_wait3A_377 = tpu.memref_slice %arg7[%add3A_375, %dma_wait3A_376] : memref<160x128xi32, #tpu.memory_space<vmem>> -> memref<1x128xi32, #tpu.memory_space<vmem>>
      %dma_wait3A_378 = tpu.memref_squeeze %dma_wait3A_377 : memref<1x128xi32, #tpu.memory_space<vmem>> -> memref<128xi32, #tpu.memory_space<vmem>>
      %dma_wait3A_379 = arith.constant 0 : i32
      %dma_wait3A_380 = arith.constant 0 : i32
      %dma_wait3A_381 = tpu.memref_slice %arg14[%dma_wait3A_379, %dma_wait3A_380] : memref<10240x64xf32, #tpu.memory_space<vmem_shared>> -> memref<10240x64xf32, #tpu.memory_space<vmem_shared>>
      tpu.wait_indirect_dma semaphore(%arg23 : memref<!tpu.dma_semaphore, #tpu.memory_space<semaphore_mem>>) src(%arg11 : memref<128x64xf32, #tpu.memory_space<vmem>>) dst(%dma_wait3A_381 : memref<10240x64xf32, #tpu.memory_space<vmem_shared>>)
      %add3A_382 = arith.constant 5 : i32
      %add3A_383 = arith.addi %mul3A_207, %add3A_382 : i32
      %add3A_384 = arith.constant 3 : i32
      %add3A_385 = arith.addi %add3A_383, %add3A_384 : i32
      %dma_start3A_386 = arith.constant 0 : i32
      %dma_start3A_387 = tpu.memref_slice %arg6[%add3A_385, %dma_start3A_386] : memref<160x128xi32, #tpu.memory_space<vmem>> -> memref<1x128xi32, #tpu.memory_space<vmem>>
      %dma_start3A_388 = tpu.memref_squeeze %dma_start3A_387 : memref<1x128xi32, #tpu.memory_space<vmem>> -> memref<128xi32, #tpu.memory_space<vmem>>
      %dma_start3A_389 = arith.constant 0 : i32
      %dma_start3A_390 = arith.constant 0 : i32
      %dma_start3A_391 = tpu.memref_slice %arg4[%arg0, %dma_start3A_389, %dma_start3A_390] : memref<2x10000x64xf32, #tpu.memory_space<hbm>> -> memref<1x10000x64xf32, #tpu.memory_space<hbm>>
      %dma_start3A_392 = tpu.memref_squeeze %dma_start3A_391 : memref<1x10000x64xf32, #tpu.memory_space<hbm>> -> memref<10000x64xf32, #tpu.memory_space<hbm>>
      %dma_start3A_393 = arith.constant 0 : i32
      %dma_start3A_394 = arith.constant 0 : i32
      %dma_start3A_395 = tpu.memref_slice %dma_start3A_392[%dma_start3A_393, %dma_start3A_394] : memref<10000x64xf32, #tpu.memory_space<hbm>> -> memref<10000x64xf32, #tpu.memory_space<hbm>>
      tpu.enqueue_indirect_dma source(%dma_start3A_395 : memref<10000x64xf32, #tpu.memory_space<hbm>>) target(%arg11 : memref<128x64xf32, #tpu.memory_space<vmem>>) offsets(%dma_start3A_388 : memref<128xi32, #tpu.memory_space<vmem>>) semaphore(%arg18 : memref<!tpu.dma_semaphore, #tpu.memory_space<semaphore_mem>>)
      %add3A_396 = arith.constant 4 : i32
      %add3A_397 = arith.addi %mul3A_207, %add3A_396 : i32
      %dma_wait3A_398 = arith.constant 0 : i32
      %dma_wait3A_399 = tpu.memref_slice %arg7[%add3A_397, %dma_wait3A_398] : memref<160x128xi32, #tpu.memory_space<vmem>> -> memref<1x128xi32, #tpu.memory_space<vmem>>
      %dma_wait3A_400 = tpu.memref_squeeze %dma_wait3A_399 : memref<1x128xi32, #tpu.memory_space<vmem>> -> memref<128xi32, #tpu.memory_space<vmem>>
      %dma_wait3A_401 = arith.constant 0 : i32
      %dma_wait3A_402 = arith.constant 0 : i32
      %dma_wait3A_403 = tpu.memref_slice %arg14[%dma_wait3A_401, %dma_wait3A_402] : memref<10240x64xf32, #tpu.memory_space<vmem_shared>> -> memref<10240x64xf32, #tpu.memory_space<vmem_shared>>
      tpu.wait_indirect_dma semaphore(%arg24 : memref<!tpu.dma_semaphore, #tpu.memory_space<semaphore_mem>>) src(%arg12 : memref<128x64xf32, #tpu.memory_space<vmem>>) dst(%dma_wait3A_403 : memref<10240x64xf32, #tpu.memory_space<vmem_shared>>)
      %add3A_404 = arith.constant 5 : i32
      %add3A_405 = arith.addi %mul3A_207, %add3A_404 : i32
      %add3A_406 = arith.constant 4 : i32
      %add3A_407 = arith.addi %add3A_405, %add3A_406 : i32
      %dma_start3A_408 = arith.constant 0 : i32
      %dma_start3A_409 = tpu.memref_slice %arg6[%add3A_407, %dma_start3A_408] : memref<160x128xi32, #tpu.memory_space<vmem>> -> memref<1x128xi32, #tpu.memory_space<vmem>>
      %dma_start3A_410 = tpu.memref_squeeze %dma_start3A_409 : memref<1x128xi32, #tpu.memory_space<vmem>> -> memref<128xi32, #tpu.memory_space<vmem>>
      %dma_start3A_411 = arith.constant 0 : i32
      %dma_start3A_412 = arith.constant 0 : i32
      %dma_start3A_413 = tpu.memref_slice %arg4[%arg0, %dma_start3A_411, %dma_start3A_412] : memref<2x10000x64xf32, #tpu.memory_space<hbm>> -> memref<1x10000x64xf32, #tpu.memory_space<hbm>>
      %dma_start3A_414 = tpu.memref_squeeze %dma_start3A_413 : memref<1x10000x64xf32, #tpu.memory_space<hbm>> -> memref<10000x64xf32, #tpu.memory_space<hbm>>
      %dma_start3A_415 = arith.constant 0 : i32
      %dma_start3A_416 = arith.constant 0 : i32
      %dma_start3A_417 = tpu.memref_slice %dma_start3A_414[%dma_start3A_415, %dma_start3A_416] : memref<10000x64xf32, #tpu.memory_space<hbm>> -> memref<10000x64xf32, #tpu.memory_space<hbm>>
      tpu.enqueue_indirect_dma source(%dma_start3A_417 : memref<10000x64xf32, #tpu.memory_space<hbm>>) target(%arg12 : memref<128x64xf32, #tpu.memory_space<vmem>>) offsets(%dma_start3A_410 : memref<128xi32, #tpu.memory_space<vmem>>) semaphore(%arg19 : memref<!tpu.dma_semaphore, #tpu.memory_space<semaphore_mem>>)
      %scan3A_418 = arith.constant 0 : i32
      scf.yield %scan3A_418 : i32
    }
    %scan3A_73 = arith.constant 31 : i32
    %dma_wait3A = arith.constant 155 : i32
    %dma_wait3A_74 = arith.constant 0 : i32
    %dma_wait3A_75 = tpu.memref_slice %arg6[%dma_wait3A, %dma_wait3A_74] : memref<160x128xi32, #tpu.memory_space<vmem>> -> memref<1x128xi32, #tpu.memory_space<vmem>>
    %dma_wait3A_76 = tpu.memref_squeeze %dma_wait3A_75 : memref<1x128xi32, #tpu.memory_space<vmem>> -> memref<128xi32, #tpu.memory_space<vmem>>
    %dma_wait3A_77 = arith.constant 0 : i32
    %dma_wait3A_78 = arith.constant 0 : i32
    %dma_wait3A_79 = tpu.memref_slice %arg4[%arg0, %dma_wait3A_77, %dma_wait3A_78] : memref<2x10000x64xf32, #tpu.memory_space<hbm>> -> memref<1x10000x64xf32, #tpu.memory_space<hbm>>
    %dma_wait3A_80 = tpu.memref_squeeze %dma_wait3A_79 : memref<1x10000x64xf32, #tpu.memory_space<hbm>> -> memref<10000x64xf32, #tpu.memory_space<hbm>>
    %dma_wait3A_81 = arith.constant 0 : i32
    %dma_wait3A_82 = arith.constant 0 : i32
    %dma_wait3A_83 = tpu.memref_slice %dma_wait3A_80[%dma_wait3A_81, %dma_wait3A_82] : memref<10000x64xf32, #tpu.memory_space<hbm>> -> memref<10000x64xf32, #tpu.memory_space<hbm>>
    tpu.wait_indirect_dma semaphore(%arg15 : memref<!tpu.dma_semaphore, #tpu.memory_space<semaphore_mem>>) src(%dma_wait3A_83 : memref<10000x64xf32, #tpu.memory_space<hbm>>) dst(%arg8 : memref<128x64xf32, #tpu.memory_space<vmem>>)
    %dma_start3A_84 = arith.constant 155 : i32
    %dma_start3A_85 = arith.constant 0 : i32
    %dma_start3A_86 = tpu.memref_slice %arg7[%dma_start3A_84, %dma_start3A_85] : memref<160x128xi32, #tpu.memory_space<vmem>> -> memref<1x128xi32, #tpu.memory_space<vmem>>
    %dma_start3A_87 = tpu.memref_squeeze %dma_start3A_86 : memref<1x128xi32, #tpu.memory_space<vmem>> -> memref<128xi32, #tpu.memory_space<vmem>>
    %dma_start3A_88 = arith.constant 0 : i32
    %dma_start3A_89 = arith.constant 0 : i32
    %dma_start3A_90 = tpu.memref_slice %arg14[%dma_start3A_88, %dma_start3A_89] : memref<10240x64xf32, #tpu.memory_space<vmem_shared>> -> memref<10240x64xf32, #tpu.memory_space<vmem_shared>>
    tpu.enqueue_indirect_dma source(%arg8 : memref<128x64xf32, #tpu.memory_space<vmem>>) target(%dma_start3A_90 : memref<10240x64xf32, #tpu.memory_space<vmem_shared>>) offsets(%dma_start3A_87 : memref<128xi32, #tpu.memory_space<vmem>>) semaphore(%arg20 : memref<!tpu.dma_semaphore, #tpu.memory_space<semaphore_mem>>) {add = true}
    %dma_wait3A_91 = arith.constant 156 : i32
    %dma_wait3A_92 = arith.constant 0 : i32
    %dma_wait3A_93 = tpu.memref_slice %arg6[%dma_wait3A_91, %dma_wait3A_92] : memref<160x128xi32, #tpu.memory_space<vmem>> -> memref<1x128xi32, #tpu.memory_space<vmem>>
    %dma_wait3A_94 = tpu.memref_squeeze %dma_wait3A_93 : memref<1x128xi32, #tpu.memory_space<vmem>> -> memref<128xi32, #tpu.memory_space<vmem>>
    %dma_wait3A_95 = arith.constant 0 : i32
    %dma_wait3A_96 = arith.constant 0 : i32
    %dma_wait3A_97 = tpu.memref_slice %arg4[%arg0, %dma_wait3A_95, %dma_wait3A_96] : memref<2x10000x64xf32, #tpu.memory_space<hbm>> -> memref<1x10000x64xf32, #tpu.memory_space<hbm>>
    %dma_wait3A_98 = tpu.memref_squeeze %dma_wait3A_97 : memref<1x10000x64xf32, #tpu.memory_space<hbm>> -> memref<10000x64xf32, #tpu.memory_space<hbm>>
    %dma_wait3A_99 = arith.constant 0 : i32
    %dma_wait3A_100 = arith.constant 0 : i32
    %dma_wait3A_101 = tpu.memref_slice %dma_wait3A_98[%dma_wait3A_99, %dma_wait3A_100] : memref<10000x64xf32, #tpu.memory_space<hbm>> -> memref<10000x64xf32, #tpu.memory_space<hbm>>
    tpu.wait_indirect_dma semaphore(%arg16 : memref<!tpu.dma_semaphore, #tpu.memory_space<semaphore_mem>>) src(%dma_wait3A_101 : memref<10000x64xf32, #tpu.memory_space<hbm>>) dst(%arg9 : memref<128x64xf32, #tpu.memory_space<vmem>>)
    %dma_start3A_102 = arith.constant 156 : i32
    %dma_start3A_103 = arith.constant 0 : i32
    %dma_start3A_104 = tpu.memref_slice %arg7[%dma_start3A_102, %dma_start3A_103] : memref<160x128xi32, #tpu.memory_space<vmem>> -> memref<1x128xi32, #tpu.memory_space<vmem>>
    %dma_start3A_105 = tpu.memref_squeeze %dma_start3A_104 : memref<1x128xi32, #tpu.memory_space<vmem>> -> memref<128xi32, #tpu.memory_space<vmem>>
    %dma_start3A_106 = arith.constant 0 : i32
    %dma_start3A_107 = arith.constant 0 : i32
    %dma_start3A_108 = tpu.memref_slice %arg14[%dma_start3A_106, %dma_start3A_107] : memref<10240x64xf32, #tpu.memory_space<vmem_shared>> -> memref<10240x64xf32, #tpu.memory_space<vmem_shared>>
    tpu.enqueue_indirect_dma source(%arg9 : memref<128x64xf32, #tpu.memory_space<vmem>>) target(%dma_start3A_108 : memref<10240x64xf32, #tpu.memory_space<vmem_shared>>) offsets(%dma_start3A_105 : memref<128xi32, #tpu.memory_space<vmem>>) semaphore(%arg21 : memref<!tpu.dma_semaphore, #tpu.memory_space<semaphore_mem>>) {add = true}
    %dma_wait3A_109 = arith.constant 157 : i32
    %dma_wait3A_110 = arith.constant 0 : i32
    %dma_wait3A_111 = tpu.memref_slice %arg6[%dma_wait3A_109, %dma_wait3A_110] : memref<160x128xi32, #tpu.memory_space<vmem>> -> memref<1x128xi32, #tpu.memory_space<vmem>>
    %dma_wait3A_112 = tpu.memref_squeeze %dma_wait3A_111 : memref<1x128xi32, #tpu.memory_space<vmem>> -> memref<128xi32, #tpu.memory_space<vmem>>
    %dma_wait3A_113 = arith.constant 0 : i32
    %dma_wait3A_114 = arith.constant 0 : i32
    %dma_wait3A_115 = tpu.memref_slice %arg4[%arg0, %dma_wait3A_113, %dma_wait3A_114] : memref<2x10000x64xf32, #tpu.memory_space<hbm>> -> memref<1x10000x64xf32, #tpu.memory_space<hbm>>
    %dma_wait3A_116 = tpu.memref_squeeze %dma_wait3A_115 : memref<1x10000x64xf32, #tpu.memory_space<hbm>> -> memref<10000x64xf32, #tpu.memory_space<hbm>>
    %dma_wait3A_117 = arith.constant 0 : i32
    %dma_wait3A_118 = arith.constant 0 : i32
    %dma_wait3A_119 = tpu.memref_slice %dma_wait3A_116[%dma_wait3A_117, %dma_wait3A_118] : memref<10000x64xf32, #tpu.memory_space<hbm>> -> memref<10000x64xf32, #tpu.memory_space<hbm>>
    tpu.wait_indirect_dma semaphore(%arg17 : memref<!tpu.dma_semaphore, #tpu.memory_space<semaphore_mem>>) src(%dma_wait3A_119 : memref<10000x64xf32, #tpu.memory_space<hbm>>) dst(%arg10 : memref<128x64xf32, #tpu.memory_space<vmem>>)
    %dma_start3A_120 = arith.constant 157 : i32
    %dma_start3A_121 = arith.constant 0 : i32
    %dma_start3A_122 = tpu.memref_slice %arg7[%dma_start3A_120, %dma_start3A_121] : memref<160x128xi32, #tpu.memory_space<vmem>> -> memref<1x128xi32, #tpu.memory_space<vmem>>
    %dma_start3A_123 = tpu.memref_squeeze %dma_start3A_122 : memref<1x128xi32, #tpu.memory_space<vmem>> -> memref<128xi32, #tpu.memory_space<vmem>>
    %dma_start3A_124 = arith.constant 0 : i32
    %dma_start3A_125 = arith.constant 0 : i32
    %dma_start3A_126 = tpu.memref_slice %arg14[%dma_start3A_124, %dma_start3A_125] : memref<10240x64xf32, #tpu.memory_space<vmem_shared>> -> memref<10240x64xf32, #tpu.memory_space<vmem_shared>>
    tpu.enqueue_indirect_dma source(%arg10 : memref<128x64xf32, #tpu.memory_space<vmem>>) target(%dma_start3A_126 : memref<10240x64xf32, #tpu.memory_space<vmem_shared>>) offsets(%dma_start3A_123 : memref<128xi32, #tpu.memory_space<vmem>>) semaphore(%arg22 : memref<!tpu.dma_semaphore, #tpu.memory_space<semaphore_mem>>) {add = true}
    %dma_wait3A_127 = arith.constant 158 : i32
    %dma_wait3A_128 = arith.constant 0 : i32
    %dma_wait3A_129 = tpu.memref_slice %arg6[%dma_wait3A_127, %dma_wait3A_128] : memref<160x128xi32, #tpu.memory_space<vmem>> -> memref<1x128xi32, #tpu.memory_space<vmem>>
    %dma_wait3A_130 = tpu.memref_squeeze %dma_wait3A_129 : memref<1x128xi32, #tpu.memory_space<vmem>> -> memref<128xi32, #tpu.memory_space<vmem>>
    %dma_wait3A_131 = arith.constant 0 : i32
    %dma_wait3A_132 = arith.constant 0 : i32
    %dma_wait3A_133 = tpu.memref_slice %arg4[%arg0, %dma_wait3A_131, %dma_wait3A_132] : memref<2x10000x64xf32, #tpu.memory_space<hbm>> -> memref<1x10000x64xf32, #tpu.memory_space<hbm>>
    %dma_wait3A_134 = tpu.memref_squeeze %dma_wait3A_133 : memref<1x10000x64xf32, #tpu.memory_space<hbm>> -> memref<10000x64xf32, #tpu.memory_space<hbm>>
    %dma_wait3A_135 = arith.constant 0 : i32
    %dma_wait3A_136 = arith.constant 0 : i32
    %dma_wait3A_137 = tpu.memref_slice %dma_wait3A_134[%dma_wait3A_135, %dma_wait3A_136] : memref<10000x64xf32, #tpu.memory_space<hbm>> -> memref<10000x64xf32, #tpu.memory_space<hbm>>
    tpu.wait_indirect_dma semaphore(%arg18 : memref<!tpu.dma_semaphore, #tpu.memory_space<semaphore_mem>>) src(%dma_wait3A_137 : memref<10000x64xf32, #tpu.memory_space<hbm>>) dst(%arg11 : memref<128x64xf32, #tpu.memory_space<vmem>>)
    %dma_start3A_138 = arith.constant 158 : i32
    %dma_start3A_139 = arith.constant 0 : i32
    %dma_start3A_140 = tpu.memref_slice %arg7[%dma_start3A_138, %dma_start3A_139] : memref<160x128xi32, #tpu.memory_space<vmem>> -> memref<1x128xi32, #tpu.memory_space<vmem>>
    %dma_start3A_141 = tpu.memref_squeeze %dma_start3A_140 : memref<1x128xi32, #tpu.memory_space<vmem>> -> memref<128xi32, #tpu.memory_space<vmem>>
    %dma_start3A_142 = arith.constant 0 : i32
    %dma_start3A_143 = arith.constant 0 : i32
    %dma_start3A_144 = tpu.memref_slice %arg14[%dma_start3A_142, %dma_start3A_143] : memref<10240x64xf32, #tpu.memory_space<vmem_shared>> -> memref<10240x64xf32, #tpu.memory_space<vmem_shared>>
    tpu.enqueue_indirect_dma source(%arg11 : memref<128x64xf32, #tpu.memory_space<vmem>>) target(%dma_start3A_144 : memref<10240x64xf32, #tpu.memory_space<vmem_shared>>) offsets(%dma_start3A_141 : memref<128xi32, #tpu.memory_space<vmem>>) semaphore(%arg23 : memref<!tpu.dma_semaphore, #tpu.memory_space<semaphore_mem>>) {add = true}
    %dma_wait3A_145 = arith.constant 159 : i32
    %dma_wait3A_146 = arith.constant 0 : i32
    %dma_wait3A_147 = tpu.memref_slice %arg6[%dma_wait3A_145, %dma_wait3A_146] : memref<160x128xi32, #tpu.memory_space<vmem>> -> memref<1x128xi32, #tpu.memory_space<vmem>>
    %dma_wait3A_148 = tpu.memref_squeeze %dma_wait3A_147 : memref<1x128xi32, #tpu.memory_space<vmem>> -> memref<128xi32, #tpu.memory_space<vmem>>
    %dma_wait3A_149 = arith.constant 0 : i32
    %dma_wait3A_150 = arith.constant 0 : i32
    %dma_wait3A_151 = tpu.memref_slice %arg4[%arg0, %dma_wait3A_149, %dma_wait3A_150] : memref<2x10000x64xf32, #tpu.memory_space<hbm>> -> memref<1x10000x64xf32, #tpu.memory_space<hbm>>
    %dma_wait3A_152 = tpu.memref_squeeze %dma_wait3A_151 : memref<1x10000x64xf32, #tpu.memory_space<hbm>> -> memref<10000x64xf32, #tpu.memory_space<hbm>>
    %dma_wait3A_153 = arith.constant 0 : i32
    %dma_wait3A_154 = arith.constant 0 : i32
    %dma_wait3A_155 = tpu.memref_slice %dma_wait3A_152[%dma_wait3A_153, %dma_wait3A_154] : memref<10000x64xf32, #tpu.memory_space<hbm>> -> memref<10000x64xf32, #tpu.memory_space<hbm>>
    tpu.wait_indirect_dma semaphore(%arg19 : memref<!tpu.dma_semaphore, #tpu.memory_space<semaphore_mem>>) src(%dma_wait3A_155 : memref<10000x64xf32, #tpu.memory_space<hbm>>) dst(%arg12 : memref<128x64xf32, #tpu.memory_space<vmem>>)
    %dma_start3A_156 = arith.constant 159 : i32
    %dma_start3A_157 = arith.constant 0 : i32
    %dma_start3A_158 = tpu.memref_slice %arg7[%dma_start3A_156, %dma_start3A_157] : memref<160x128xi32, #tpu.memory_space<vmem>> -> memref<1x128xi32, #tpu.memory_space<vmem>>
    %dma_start3A_159 = tpu.memref_squeeze %dma_start3A_158 : memref<1x128xi32, #tpu.memory_space<vmem>> -> memref<128xi32, #tpu.memory_space<vmem>>
    %dma_start3A_160 = arith.constant 0 : i32
    %dma_start3A_161 = arith.constant 0 : i32
    %dma_start3A_162 = tpu.memref_slice %arg14[%dma_start3A_160, %dma_start3A_161] : memref<10240x64xf32, #tpu.memory_space<vmem_shared>> -> memref<10240x64xf32, #tpu.memory_space<vmem_shared>>
    tpu.enqueue_indirect_dma source(%arg12 : memref<128x64xf32, #tpu.memory_space<vmem>>) target(%dma_start3A_162 : memref<10240x64xf32, #tpu.memory_space<vmem_shared>>) offsets(%dma_start3A_159 : memref<128xi32, #tpu.memory_space<vmem>>) semaphore(%arg24 : memref<!tpu.dma_semaphore, #tpu.memory_space<semaphore_mem>>) {add = true}
    %dma_wait3A_163 = arith.constant 155 : i32
    %dma_wait3A_164 = arith.constant 0 : i32
    %dma_wait3A_165 = tpu.memref_slice %arg7[%dma_wait3A_163, %dma_wait3A_164] : memref<160x128xi32, #tpu.memory_space<vmem>> -> memref<1x128xi32, #tpu.memory_space<vmem>>
    %dma_wait3A_166 = tpu.memref_squeeze %dma_wait3A_165 : memref<1x128xi32, #tpu.memory_space<vmem>> -> memref<128xi32, #tpu.memory_space<vmem>>
    %dma_wait3A_167 = arith.constant 0 : i32
    %dma_wait3A_168 = arith.constant 0 : i32
    %dma_wait3A_169 = tpu.memref_slice %arg14[%dma_wait3A_167, %dma_wait3A_168] : memref<10240x64xf32, #tpu.memory_space<vmem_shared>> -> memref<10240x64xf32, #tpu.memory_space<vmem_shared>>
    tpu.wait_indirect_dma semaphore(%arg20 : memref<!tpu.dma_semaphore, #tpu.memory_space<semaphore_mem>>) src(%arg8 : memref<128x64xf32, #tpu.memory_space<vmem>>) dst(%dma_wait3A_169 : memref<10240x64xf32, #tpu.memory_space<vmem_shared>>)
    %dma_wait3A_170 = arith.constant 156 : i32
    %dma_wait3A_171 = arith.constant 0 : i32
    %dma_wait3A_172 = tpu.memref_slice %arg7[%dma_wait3A_170, %dma_wait3A_171] : memref<160x128xi32, #tpu.memory_space<vmem>> -> memref<1x128xi32, #tpu.memory_space<vmem>>
    %dma_wait3A_173 = tpu.memref_squeeze %dma_wait3A_172 : memref<1x128xi32, #tpu.memory_space<vmem>> -> memref<128xi32, #tpu.memory_space<vmem>>
    %dma_wait3A_174 = arith.constant 0 : i32
    %dma_wait3A_175 = arith.constant 0 : i32
    %dma_wait3A_176 = tpu.memref_slice %arg14[%dma_wait3A_174, %dma_wait3A_175] : memref<10240x64xf32, #tpu.memory_space<vmem_shared>> -> memref<10240x64xf32, #tpu.memory_space<vmem_shared>>
    tpu.wait_indirect_dma semaphore(%arg21 : memref<!tpu.dma_semaphore, #tpu.memory_space<semaphore_mem>>) src(%arg9 : memref<128x64xf32, #tpu.memory_space<vmem>>) dst(%dma_wait3A_176 : memref<10240x64xf32, #tpu.memory_space<vmem_shared>>)
    %dma_wait3A_177 = arith.constant 157 : i32
    %dma_wait3A_178 = arith.constant 0 : i32
    %dma_wait3A_179 = tpu.memref_slice %arg7[%dma_wait3A_177, %dma_wait3A_178] : memref<160x128xi32, #tpu.memory_space<vmem>> -> memref<1x128xi32, #tpu.memory_space<vmem>>
    %dma_wait3A_180 = tpu.memref_squeeze %dma_wait3A_179 : memref<1x128xi32, #tpu.memory_space<vmem>> -> memref<128xi32, #tpu.memory_space<vmem>>
    %dma_wait3A_181 = arith.constant 0 : i32
    %dma_wait3A_182 = arith.constant 0 : i32
    %dma_wait3A_183 = tpu.memref_slice %arg14[%dma_wait3A_181, %dma_wait3A_182] : memref<10240x64xf32, #tpu.memory_space<vmem_shared>> -> memref<10240x64xf32, #tpu.memory_space<vmem_shared>>
    tpu.wait_indirect_dma semaphore(%arg22 : memref<!tpu.dma_semaphore, #tpu.memory_space<semaphore_mem>>) src(%arg10 : memref<128x64xf32, #tpu.memory_space<vmem>>) dst(%dma_wait3A_183 : memref<10240x64xf32, #tpu.memory_space<vmem_shared>>)
    %dma_wait3A_184 = arith.constant 158 : i32
    %dma_wait3A_185 = arith.constant 0 : i32
    %dma_wait3A_186 = tpu.memref_slice %arg7[%dma_wait3A_184, %dma_wait3A_185] : memref<160x128xi32, #tpu.memory_space<vmem>> -> memref<1x128xi32, #tpu.memory_space<vmem>>
    %dma_wait3A_187 = tpu.memref_squeeze %dma_wait3A_186 : memref<1x128xi32, #tpu.memory_space<vmem>> -> memref<128xi32, #tpu.memory_space<vmem>>
    %dma_wait3A_188 = arith.constant 0 : i32
    %dma_wait3A_189 = arith.constant 0 : i32
    %dma_wait3A_190 = tpu.memref_slice %arg14[%dma_wait3A_188, %dma_wait3A_189] : memref<10240x64xf32, #tpu.memory_space<vmem_shared>> -> memref<10240x64xf32, #tpu.memory_space<vmem_shared>>
    tpu.wait_indirect_dma semaphore(%arg23 : memref<!tpu.dma_semaphore, #tpu.memory_space<semaphore_mem>>) src(%arg11 : memref<128x64xf32, #tpu.memory_space<vmem>>) dst(%dma_wait3A_190 : memref<10240x64xf32, #tpu.memory_space<vmem_shared>>)
    %dma_wait3A_191 = arith.constant 159 : i32
    %dma_wait3A_192 = arith.constant 0 : i32
    %dma_wait3A_193 = tpu.memref_slice %arg7[%dma_wait3A_191, %dma_wait3A_192] : memref<160x128xi32, #tpu.memory_space<vmem>> -> memref<1x128xi32, #tpu.memory_space<vmem>>
    %dma_wait3A_194 = tpu.memref_squeeze %dma_wait3A_193 : memref<1x128xi32, #tpu.memory_space<vmem>> -> memref<128xi32, #tpu.memory_space<vmem>>
    %dma_wait3A_195 = arith.constant 0 : i32
    %dma_wait3A_196 = arith.constant 0 : i32
    %dma_wait3A_197 = tpu.memref_slice %arg14[%dma_wait3A_195, %dma_wait3A_196] : memref<10240x64xf32, #tpu.memory_space<vmem_shared>> -> memref<10240x64xf32, #tpu.memory_space<vmem_shared>>
    tpu.wait_indirect_dma semaphore(%arg24 : memref<!tpu.dma_semaphore, #tpu.memory_space<semaphore_mem>>) src(%arg12 : memref<128x64xf32, #tpu.memory_space<vmem>>) dst(%dma_wait3A_197 : memref<10240x64xf32, #tpu.memory_space<vmem_shared>>)
    %barrier3A_198 = arith.constant 0 : index
    tpu.barrier barrier_id(%barrier3A_198)
    %mul3A = arith.constant 640 : i32
    %mul3A_199 = arith.muli %arg1, %mul3A : i32
    %mul3A_200 = arith.constant 10240 : i32
    %mul3A_201 = arith.muli %arg0, %mul3A_200 : i32
    %mul3A_202 = arith.constant 640 : i32
    %mul3A_203 = arith.muli %arg1, %mul3A_202 : i32
    %add3A = arith.addi %mul3A_201, %mul3A_203 : i32
    "tpu.region"() ({
      %run_scoped3A = tpu.sem_alloc : memref<!tpu.dma_semaphore, #tpu.memory_space<semaphore_mem>>
      %dma_start3A_204 = arith.constant 0 : i32
      %dma_start3A_205 = tpu.memref_slice %arg5[%add3A, %dma_start3A_204] : memref<20480x64xf32, #tpu.memory_space<hbm>> -> memref<640x64xf32, #tpu.memory_space<hbm>>
      %dma_start3A_206 = arith.constant 0 : i32
      %dma_start3A_207 = tpu.memref_slice %arg14[%mul3A_199, %dma_start3A_206] : memref<10240x64xf32, #tpu.memory_space<vmem_shared>> -> memref<640x64xf32, #tpu.memory_space<vmem_shared>>
      tpu.enqueue_dma source(%dma_start3A_207 : memref<640x64xf32, #tpu.memory_space<vmem_shared>>) target(%dma_start3A_205 : memref<640x64xf32, #tpu.memory_space<hbm>>) target_semaphore(%run_scoped3A : memref<!tpu.dma_semaphore, #tpu.memory_space<semaphore_mem>>)
      %dma_wait3A_208 = arith.constant 0 : i32
      %dma_wait3A_209 = tpu.memref_slice %arg5[%add3A, %dma_wait3A_208] : memref<20480x64xf32, #tpu.memory_space<hbm>> -> memref<640x64xf32, #tpu.memory_space<hbm>>
      %dma_wait3A_210 = arith.constant 0 : i32
      %dma_wait3A_211 = tpu.memref_slice %arg14[%mul3A_199, %dma_wait3A_210] : memref<10240x64xf32, #tpu.memory_space<vmem_shared>> -> memref<640x64xf32, #tpu.memory_space<vmem_shared>>
      tpu.wait_dma2 semaphore(%run_scoped3A : memref<!tpu.dma_semaphore, #tpu.memory_space<semaphore_mem>>) src(%dma_wait3A_211 : memref<640x64xf32, #tpu.memory_space<vmem_shared>>) dst(%dma_wait3A_209 : memref<640x64xf32, #tpu.memory_space<hbm>>)
      tpu.yield
    }) : () -> ()
    return
  }
}

module attributes {stable_mosaic.version = 14 : i64} {
  func.func @_h0_body(%arg0: i32, %arg1: memref<2048x128xf32, #tpu.memory_space<vmem>>, %arg2: memref<128x128xf32, #tpu.memory_space<vmem>>, %arg3: memref<1x128xf32, #tpu.memory_space<vmem>>, %arg4: memref<2048x128xf32, #tpu.memory_space<vmem>>) attributes {dimension_semantics = [#tpu.dimension_semantics<arbitrary>], iteration_bounds = array<i64: 5>, scalar_prefetch = 0 : i64, scratch_operands = 0 : i64, tpu.core_type = #tpu.core_type<tc>, window_params = [{transform_indices = @transform_0, window_bounds = array<i64: 2048, 128>}, {pipeline_mode = #tpu.pipeline_mode<synchronous>, transform_indices = @transform_1, window_bounds = array<i64: 128, 128>}, {pipeline_mode = #tpu.pipeline_mode<synchronous>, transform_indices = @transform_2, window_bounds = array<i64: 1, 128>}, {transform_indices = @transform_3, window_bounds = array<i64: 2048, 128>}]} {
    %get3A = arith.constant 0 : index
    %get3A_0 = arith.constant 0 : index
    %get3A_1 = vector.load %arg1[%get3A, %get3A_0] : memref<2048x128xf32, #tpu.memory_space<vmem>>, vector<2048x128xf32>
    %get3A_2 = arith.constant 0 : index
    %get3A_3 = arith.constant 0 : index
    %get3A_4 = vector.load %arg2[%get3A_2, %get3A_3] : memref<128x128xf32, #tpu.memory_space<vmem>>, vector<128x128xf32>
    %dot_general3A = arith.constant dense<0.000000e+00> : vector<2048x128xf32>
    %dot_general3A_5 = tpu.matmul %get3A_1, %get3A_4, %dot_general3A {dimension_numbers = #tpu.dot_dimension_numbers<[1], [0], [0], [1], [0, 0, 1, 1], [], []>, transpose_lhs_hint = false} : vector<2048x128xf32>, vector<128x128xf32>, vector<2048x128xf32> -> vector<2048x128xf32>
    %get3A_6 = arith.constant 0 : index
    %get3A_7 = arith.constant 0 : index
    %get3A_8 = vector.load %arg3[%get3A_6, %get3A_7] : memref<1x128xf32, #tpu.memory_space<vmem>>, vector<1x128xf32>
    %add3A = vector.broadcast %get3A_8 : vector<1x128xf32> to vector<2048x128xf32>
    %add3A_9 = arith.addf %dot_general3A_5, %add3A : vector<2048x128xf32>
    %swap3A = arith.constant 0 : index
    %swap3A_10 = arith.constant 0 : index
    %swap3A_11 = vector.load %arg4[%swap3A, %swap3A_10] : memref<2048x128xf32, #tpu.memory_space<vmem>>, vector<2048x128xf32>
    tpu.vector_store %arg4[%swap3A, %swap3A_10], %add3A_9 {strides = array<i32>} : memref<2048x128xf32, #tpu.memory_space<vmem>>, vector<2048x128xf32>,
    return
  }
  func.func @transform_0(%arg0: i32) -> (i32, i32) {
    %c0_i32 = arith.constant 0 : i32
    %c0_i32_0 = arith.constant 0 : i32
    return %arg0, %c0_i32 : i32, i32
  }
  func.func @transform_1(%arg0: i32) -> (i32, i32) {
    %c0_i32 = arith.constant 0 : i32
    %c0_i32_0 = arith.constant 0 : i32
    %c0_i32_1 = arith.constant 0 : i32
    return %c0_i32, %c0_i32_0 : i32, i32
  }
  func.func @transform_2(%arg0: i32) -> (i32, i32) {
    %c0_i32 = arith.constant 0 : i32
    %c0_i32_0 = arith.constant 0 : i32
    %c0_i32_1 = arith.constant 0 : i32
    return %c0_i32, %c0_i32_0 : i32, i32
  }
  func.func @transform_3(%arg0: i32) -> (i32, i32) {
    %c0_i32 = arith.constant 0 : i32
    %c0_i32_0 = arith.constant 0 : i32
    return %arg0, %c0_i32 : i32, i32
  }
}

module attributes {stable_mosaic.version = 14 : i64} {
  func.func @_z0_body(%arg0: i32, %arg1: memref<2x2048x1xf32, #tpu.memory_space<vmem>>, %arg2: memref<2048x128xf32, #tpu.memory_space<vmem>>, %arg3: memref<128x128xf32, #tpu.memory_space<vmem>>, %arg4: memref<2x2048x64xf32, #tpu.memory_space<vmem>>, %arg5: memref<2048x1xf32, #tpu.memory_space<vmem>>) attributes {dimension_semantics = [#tpu.dimension_semantics<arbitrary>], iteration_bounds = array<i64: 5>, scalar_prefetch = 0 : i64, scratch_operands = 0 : i64, tpu.core_type = #tpu.core_type<tc>, window_params = [{transform_indices = @transform_0, window_bounds = array<i64: 2, 2048, 1>}, {transform_indices = @transform_1, window_bounds = array<i64: 2048, 128>}, {pipeline_mode = #tpu.pipeline_mode<synchronous>, transform_indices = @transform_2, window_bounds = array<i64: 128, 128>}, {transform_indices = @transform_3, window_bounds = array<i64: 2, 2048, 64>}, {transform_indices = @transform_4, window_bounds = array<i64: 2048, 1>}]} {
    %get3A = arith.constant 0 : index
    %get3A_0 = arith.constant 0 : index
    %get3A_1 = arith.constant 0 : index
    %get3A_2 = vector.load %arg1[%get3A, %get3A_0, %get3A_1] : memref<2x2048x1xf32, #tpu.memory_space<vmem>>, vector<1x2048x1xf32>
    %get3A_3 = vector.shape_cast %get3A_2 : vector<1x2048x1xf32> to vector<2048x1xf32>
    %get3A_4 = arith.constant 1 : index
    %get3A_5 = arith.constant 0 : index
    %get3A_6 = arith.constant 0 : index
    %get3A_7 = vector.load %arg1[%get3A_4, %get3A_5, %get3A_6] : memref<2x2048x1xf32, #tpu.memory_space<vmem>>, vector<1x2048x1xf32>
    %get3A_8 = vector.shape_cast %get3A_7 : vector<1x2048x1xf32> to vector<2048x1xf32>
    %add3A = arith.addf %get3A_3, %get3A_8 : vector<2048x1xf32>
    %add3A_9 = arith.constant 1.000000e+00 : f32
    %add3A_10 = vector.broadcast %add3A_9 : f32 to vector<2048x1xf32>
    %add3A_11 = arith.addf %add3A, %add3A_10 : vector<2048x1xf32>
    %rsqrt3A = math.rsqrt %add3A_11 : vector<2048x1xf32>
    %swap3A = arith.constant 0 : index
    %swap3A_12 = arith.constant 0 : index
    %swap3A_13 = vector.load %arg5[%swap3A, %swap3A_12] : memref<2048x1xf32, #tpu.memory_space<vmem>>, vector<2048x1xf32>
    tpu.vector_store %arg5[%swap3A, %swap3A_12], %rsqrt3A {strides = array<i32>} : memref<2048x1xf32, #tpu.memory_space<vmem>>, vector<2048x1xf32>,
    %get3A_14 = arith.constant 0 : index
    %get3A_15 = arith.constant 0 : index
    %get3A_16 = vector.load %arg2[%get3A_14, %get3A_15] : memref<2048x128xf32, #tpu.memory_space<vmem>>, vector<2048x128xf32>
    %get3A_17 = arith.constant 0 : index
    %get3A_18 = arith.constant 0 : index
    %get3A_19 = vector.load %arg3[%get3A_17, %get3A_18] : memref<128x128xf32, #tpu.memory_space<vmem>>, vector<128x128xf32>
    %dot_general3A = arith.constant dense<0.000000e+00> : vector<2048x128xf32>
    %dot_general3A_20 = tpu.matmul %get3A_16, %get3A_19, %dot_general3A {dimension_numbers = #tpu.dot_dimension_numbers<[1], [0], [0], [1], [0, 0, 1, 1], [], []>, transpose_lhs_hint = false} : vector<2048x128xf32>, vector<128x128xf32>, vector<2048x128xf32> -> vector<2048x128xf32>
    %mul3A = vector.broadcast %rsqrt3A : vector<2048x1xf32> to vector<2048x128xf32>
    %mul3A_21 = arith.mulf %mul3A, %dot_general3A_20 : vector<2048x128xf32>
    %slice3A = vector.extract_strided_slice %mul3A_21 {offsets = [0, 0], sizes = [2048, 64], strides = [1, 1]} : vector<2048x128xf32> to vector<2048x64xf32>
    %swap3A_22 = arith.constant 0 : index
    %swap3A_23 = arith.constant 0 : index
    %swap3A_24 = arith.constant 0 : index
    %swap3A_25 = vector.load %arg4[%swap3A_22, %swap3A_23, %swap3A_24] : memref<2x2048x64xf32, #tpu.memory_space<vmem>>, vector<1x2048x64xf32>
    %swap3A_26 = vector.shape_cast %swap3A_25 : vector<1x2048x64xf32> to vector<2048x64xf32>
    %swap3A_27 = vector.shape_cast %slice3A : vector<2048x64xf32> to vector<1x2048x64xf32>
    tpu.vector_store %arg4[%swap3A_22, %swap3A_23, %swap3A_24], %swap3A_27 {strides = array<i32>} : memref<2x2048x64xf32, #tpu.memory_space<vmem>>, vector<1x2048x64xf32>,
    %slice3A_28 = vector.extract_strided_slice %mul3A_21 {offsets = [0, 64], sizes = [2048, 64], strides = [1, 1]} : vector<2048x128xf32> to vector<2048x64xf32>
    %swap3A_29 = arith.constant 1 : index
    %swap3A_30 = arith.constant 0 : index
    %swap3A_31 = arith.constant 0 : index
    %swap3A_32 = vector.load %arg4[%swap3A_29, %swap3A_30, %swap3A_31] : memref<2x2048x64xf32, #tpu.memory_space<vmem>>, vector<1x2048x64xf32>
    %swap3A_33 = vector.shape_cast %swap3A_32 : vector<1x2048x64xf32> to vector<2048x64xf32>
    %swap3A_34 = vector.shape_cast %slice3A_28 : vector<2048x64xf32> to vector<1x2048x64xf32>
    tpu.vector_store %arg4[%swap3A_29, %swap3A_30, %swap3A_31], %swap3A_34 {strides = array<i32>} : memref<2x2048x64xf32, #tpu.memory_space<vmem>>, vector<1x2048x64xf32>,
    return
  }
  func.func @transform_0(%arg0: i32) -> (i32, i32, i32) {
    %c0_i32 = arith.constant 0 : i32
    %c0_i32_0 = arith.constant 0 : i32
    %c0_i32_1 = arith.constant 0 : i32
    return %c0_i32, %arg0, %c0_i32_0 : i32, i32, i32
  }
  func.func @transform_1(%arg0: i32) -> (i32, i32) {
    %c0_i32 = arith.constant 0 : i32
    %c0_i32_0 = arith.constant 0 : i32
    return %arg0, %c0_i32 : i32, i32
  }
  func.func @transform_2(%arg0: i32) -> (i32, i32) {
    %c0_i32 = arith.constant 0 : i32
    %c0_i32_0 = arith.constant 0 : i32
    %c0_i32_1 = arith.constant 0 : i32
    return %c0_i32, %c0_i32_0 : i32, i32
  }
  func.func @transform_3(%arg0: i32) -> (i32, i32, i32) {
    %c0_i32 = arith.constant 0 : i32
    %c0_i32_0 = arith.constant 0 : i32
    %c0_i32_1 = arith.constant 0 : i32
    return %c0_i32, %arg0, %c0_i32_0 : i32, i32, i32
  }
  func.func @transform_4(%arg0: i32) -> (i32, i32) {
    %c0_i32 = arith.constant 0 : i32
    %c0_i32_0 = arith.constant 0 : i32
    return %arg0, %c0_i32 : i32, i32
  }
}

module attributes {stable_mosaic.version = 14 : i64} {
  func.func @_mid_body(%arg0: i32, %arg1: memref<2x2048x64xf32, #tpu.memory_space<vmem>>, %arg2: memref<2048x128xf32, #tpu.memory_space<vmem>>, %arg3: memref<2048x1xf32, #tpu.memory_space<vmem>>, %arg4: memref<1x128xf32, #tpu.memory_space<vmem>>, %arg5: memref<1x128xf32, #tpu.memory_space<vmem>>, %arg6: memref<1x128xf32, #tpu.memory_space<vmem>>, %arg7: memref<128x128xf32, #tpu.memory_space<vmem>>, %arg8: memref<2048x128xf32, #tpu.memory_space<vmem>>, %arg9: memref<2x2048x64xf32, #tpu.memory_space<vmem>>) attributes {dimension_semantics = [#tpu.dimension_semantics<arbitrary>], iteration_bounds = array<i64: 5>, scalar_prefetch = 0 : i64, scratch_operands = 0 : i64, tpu.core_type = #tpu.core_type<tc>, window_params = [{transform_indices = @transform_0, window_bounds = array<i64: 2, 2048, 64>}, {transform_indices = @transform_1, window_bounds = array<i64: 2048, 128>}, {transform_indices = @transform_2, window_bounds = array<i64: 2048, 1>}, {pipeline_mode = #tpu.pipeline_mode<synchronous>, transform_indices = @transform_3, window_bounds = array<i64: 1, 128>}, {pipeline_mode = #tpu.pipeline_mode<synchronous>, transform_indices = @transform_4, window_bounds = array<i64: 1, 128>}, {pipeline_mode = #tpu.pipeline_mode<synchronous>, transform_indices = @transform_5, window_bounds = array<i64: 1, 128>}, {pipeline_mode = #tpu.pipeline_mode<synchronous>, transform_indices = @transform_6, window_bounds = array<i64: 128, 128>}, {transform_indices = @transform_7, window_bounds = array<i64: 2048, 128>}, {transform_indices = @transform_8, window_bounds = array<i64: 2, 2048, 64>}]} {
    %get3A = arith.constant 0 : index
    %get3A_0 = arith.constant 0 : index
    %get3A_1 = arith.constant 0 : index
    %get3A_2 = vector.load %arg1[%get3A, %get3A_0, %get3A_1] : memref<2x2048x64xf32, #tpu.memory_space<vmem>>, vector<1x2048x64xf32>
    %get3A_3 = vector.shape_cast %get3A_2 : vector<1x2048x64xf32> to vector<2048x64xf32>
    %get3A_4 = arith.constant 1 : index
    %get3A_5 = arith.constant 0 : index
    %get3A_6 = arith.constant 0 : index
    %get3A_7 = vector.load %arg1[%get3A_4, %get3A_5, %get3A_6] : memref<2x2048x64xf32, #tpu.memory_space<vmem>>, vector<1x2048x64xf32>
    %get3A_8 = vector.shape_cast %get3A_7 : vector<1x2048x64xf32> to vector<2048x64xf32>
    %concatenate3A = tpu.concatenate %get3A_3, %get3A_8 in 1 : vector<2048x64xf32>, vector<2048x64xf32> -> vector<2048x128xf32>
    %get3A_9 = arith.constant 0 : index
    %get3A_10 = arith.constant 0 : index
    %get3A_11 = vector.load %arg3[%get3A_9, %get3A_10] : memref<2048x1xf32, #tpu.memory_space<vmem>>, vector<2048x1xf32>
    %mul3A = vector.broadcast %get3A_11 : vector<2048x1xf32> to vector<2048x128xf32>
    %mul3A_12 = arith.mulf %mul3A, %concatenate3A : vector<2048x128xf32>
    %get3A_13 = arith.constant 0 : index
    %get3A_14 = arith.constant 0 : index
    %get3A_15 = vector.load %arg4[%get3A_13, %get3A_14] : memref<1x128xf32, #tpu.memory_space<vmem>>, vector<1x128xf32>
    %add3A = vector.broadcast %get3A_15 : vector<1x128xf32> to vector<2048x128xf32>
    %add3A_16 = arith.addf %mul3A_12, %add3A : vector<2048x128xf32>
    %reduce_sum3A = arith.constant dense<0.000000e+00> : vector<2048xf32>
    %reduce_sum3A_17 = vector.multi_reduction <add>, %add3A_16, %reduce_sum3A [1] : vector<2048x128xf32> to vector<2048xf32>
    %broadcast_in_dim3A = vector.shape_cast %reduce_sum3A_17 : vector<2048xf32> to vector<2048x1xf32>
    %div3A = arith.constant 1.280000e+02 : f32
    %div3A_18 = vector.broadcast %div3A : f32 to vector<2048x1xf32>
    %div3A_19 = arith.divf %broadcast_in_dim3A, %div3A_18 : vector<2048x1xf32>
    %sub3A = vector.broadcast %div3A_19 : vector<2048x1xf32> to vector<2048x128xf32>
    %sub3A_20 = arith.subf %add3A_16, %sub3A : vector<2048x128xf32>
    %mul3A_21 = arith.mulf %sub3A_20, %sub3A_20 : vector<2048x128xf32>
    %reduce_sum3A_22 = arith.constant dense<0.000000e+00> : vector<2048xf32>
    %reduce_sum3A_23 = vector.multi_reduction <add>, %mul3A_21, %reduce_sum3A_22 [1] : vector<2048x128xf32> to vector<2048xf32>
    %broadcast_in_dim3A_24 = vector.shape_cast %reduce_sum3A_23 : vector<2048xf32> to vector<2048x1xf32>
    %div3A_25 = arith.constant 1.280000e+02 : f32
    %div3A_26 = vector.broadcast %div3A_25 : f32 to vector<2048x1xf32>
    %div3A_27 = arith.divf %broadcast_in_dim3A_24, %div3A_26 : vector<2048x1xf32>
    %add3A_28 = arith.constant 9.99999974E-6 : f32
    %add3A_29 = vector.broadcast %add3A_28 : f32 to vector<2048x1xf32>
    %add3A_30 = arith.addf %div3A_27, %add3A_29 : vector<2048x1xf32>
    %rsqrt3A = math.rsqrt %add3A_30 : vector<2048x1xf32>
    %mul3A_31 = vector.broadcast %rsqrt3A : vector<2048x1xf32> to vector<2048x128xf32>
    %mul3A_32 = arith.mulf %sub3A_20, %mul3A_31 : vector<2048x128xf32>
    %get3A_33 = arith.constant 0 : index
    %get3A_34 = arith.constant 0 : index
    %get3A_35 = vector.load %arg5[%get3A_33, %get3A_34] : memref<1x128xf32, #tpu.memory_space<vmem>>, vector<1x128xf32>
    %mul3A_36 = vector.broadcast %get3A_35 : vector<1x128xf32> to vector<2048x128xf32>
    %mul3A_37 = arith.mulf %mul3A_32, %mul3A_36 : vector<2048x128xf32>
    %get3A_38 = arith.constant 0 : index
    %get3A_39 = arith.constant 0 : index
    %get3A_40 = vector.load %arg6[%get3A_38, %get3A_39] : memref<1x128xf32, #tpu.memory_space<vmem>>, vector<1x128xf32>
    %add3A_41 = vector.broadcast %get3A_40 : vector<1x128xf32> to vector<2048x128xf32>
    %add3A_42 = arith.addf %mul3A_37, %add3A_41 : vector<2048x128xf32>
    %get3A_43 = arith.constant 0 : index
    %get3A_44 = arith.constant 0 : index
    %get3A_45 = vector.load %arg2[%get3A_43, %get3A_44] : memref<2048x128xf32, #tpu.memory_space<vmem>>, vector<2048x128xf32>
    %max3A = arith.constant 0.000000e+00 : f32
    %max3A_46 = vector.broadcast %max3A : f32 to vector<2048x128xf32>
    %max3A_47 = arith.maximumf %add3A_42, %max3A_46 : vector<2048x128xf32>
    %add3A_48 = arith.addf %get3A_45, %max3A_47 : vector<2048x128xf32>
    %swap3A = arith.constant 0 : index
    %swap3A_49 = arith.constant 0 : index
    %swap3A_50 = vector.load %arg8[%swap3A, %swap3A_49] : memref<2048x128xf32, #tpu.memory_space<vmem>>, vector<2048x128xf32>
    tpu.vector_store %arg8[%swap3A, %swap3A_49], %add3A_48 {strides = array<i32>} : memref<2048x128xf32, #tpu.memory_space<vmem>>, vector<2048x128xf32>,
    %get3A_51 = arith.constant 0 : index
    %get3A_52 = arith.constant 0 : index
    %get3A_53 = vector.load %arg3[%get3A_51, %get3A_52] : memref<2048x1xf32, #tpu.memory_space<vmem>>, vector<2048x1xf32>
    %get3A_54 = arith.constant 0 : index
    %get3A_55 = arith.constant 0 : index
    %get3A_56 = vector.load %arg7[%get3A_54, %get3A_55] : memref<128x128xf32, #tpu.memory_space<vmem>>, vector<128x128xf32>
    %dot_general3A = arith.constant dense<0.000000e+00> : vector<2048x128xf32>
    %dot_general3A_57 = tpu.matmul %add3A_48, %get3A_56, %dot_general3A {dimension_numbers = #tpu.dot_dimension_numbers<[1], [0], [0], [1], [0, 0, 1, 1], [], []>, transpose_lhs_hint = false} : vector<2048x128xf32>, vector<128x128xf32>, vector<2048x128xf32> -> vector<2048x128xf32>
    %mul3A_58 = vector.broadcast %get3A_53 : vector<2048x1xf32> to vector<2048x128xf32>
    %mul3A_59 = arith.mulf %mul3A_58, %dot_general3A_57 : vector<2048x128xf32>
    %slice3A = vector.extract_strided_slice %mul3A_59 {offsets = [0, 0], sizes = [2048, 64], strides = [1, 1]} : vector<2048x128xf32> to vector<2048x64xf32>
    %swap3A_60 = arith.constant 0 : index
    %swap3A_61 = arith.constant 0 : index
    %swap3A_62 = arith.constant 0 : index
    %swap3A_63 = vector.load %arg9[%swap3A_60, %swap3A_61, %swap3A_62] : memref<2x2048x64xf32, #tpu.memory_space<vmem>>, vector<1x2048x64xf32>
    %swap3A_64 = vector.shape_cast %swap3A_63 : vector<1x2048x64xf32> to vector<2048x64xf32>
    %swap3A_65 = vector.shape_cast %slice3A : vector<2048x64xf32> to vector<1x2048x64xf32>
    tpu.vector_store %arg9[%swap3A_60, %swap3A_61, %swap3A_62], %swap3A_65 {strides = array<i32>} : memref<2x2048x64xf32, #tpu.memory_space<vmem>>, vector<1x2048x64xf32>,
    %slice3A_66 = vector.extract_strided_slice %mul3A_59 {offsets = [0, 64], sizes = [2048, 64], strides = [1, 1]} : vector<2048x128xf32> to vector<2048x64xf32>
    %swap3A_67 = arith.constant 1 : index
    %swap3A_68 = arith.constant 0 : index
    %swap3A_69 = arith.constant 0 : index
    %swap3A_70 = vector.load %arg9[%swap3A_67, %swap3A_68, %swap3A_69] : memref<2x2048x64xf32, #tpu.memory_space<vmem>>, vector<1x2048x64xf32>
    %swap3A_71 = vector.shape_cast %swap3A_70 : vector<1x2048x64xf32> to vector<2048x64xf32>
    %swap3A_72 = vector.shape_cast %slice3A_66 : vector<2048x64xf32> to vector<1x2048x64xf32>
    tpu.vector_store %arg9[%swap3A_67, %swap3A_68, %swap3A_69], %swap3A_72 {strides = array<i32>} : memref<2x2048x64xf32, #tpu.memory_space<vmem>>, vector<1x2048x64xf32>,
    return
  }
  func.func @transform_0(%arg0: i32) -> (i32, i32, i32) {
    %c0_i32 = arith.constant 0 : i32
    %c0_i32_0 = arith.constant 0 : i32
    %c0_i32_1 = arith.constant 0 : i32
    return %c0_i32, %arg0, %c0_i32_0 : i32, i32, i32
  }
  func.func @transform_1(%arg0: i32) -> (i32, i32) {
    %c0_i32 = arith.constant 0 : i32
    %c0_i32_0 = arith.constant 0 : i32
    return %arg0, %c0_i32 : i32, i32
  }
  func.func @transform_2(%arg0: i32) -> (i32, i32) {
    %c0_i32 = arith.constant 0 : i32
    %c0_i32_0 = arith.constant 0 : i32
    return %arg0, %c0_i32 : i32, i32
  }
  func.func @transform_3(%arg0: i32) -> (i32, i32) {
    %c0_i32 = arith.constant 0 : i32
    %c0_i32_0 = arith.constant 0 : i32
    %c0_i32_1 = arith.constant 0 : i32
    return %c0_i32, %c0_i32_0 : i32, i32
  }
  func.func @transform_4(%arg0: i32) -> (i32, i32) {
    %c0_i32 = arith.constant 0 : i32
    %c0_i32_0 = arith.constant 0 : i32
    %c0_i32_1 = arith.constant 0 : i32
    return %c0_i32, %c0_i32_0 : i32, i32
  }
  func.func @transform_5(%arg0: i32) -> (i32, i32) {
    %c0_i32 = arith.constant 0 : i32
    %c0_i32_0 = arith.constant 0 : i32
    %c0_i32_1 = arith.constant 0 : i32
    return %c0_i32, %c0_i32_0 : i32, i32
  }
  func.func @transform_6(%arg0: i32) -> (i32, i32) {
    %c0_i32 = arith.constant 0 : i32
    %c0_i32_0 = arith.constant 0 : i32
    %c0_i32_1 = arith.constant 0 : i32
    return %c0_i32, %c0_i32_0 : i32, i32
  }
  func.func @transform_7(%arg0: i32) -> (i32, i32) {
    %c0_i32 = arith.constant 0 : i32
    %c0_i32_0 = arith.constant 0 : i32
    return %arg0, %c0_i32 : i32, i32
  }
  func.func @transform_8(%arg0: i32) -> (i32, i32, i32) {
    %c0_i32 = arith.constant 0 : i32
    %c0_i32_0 = arith.constant 0 : i32
    %c0_i32_1 = arith.constant 0 : i32
    return %c0_i32, %arg0, %c0_i32_0 : i32, i32, i32
  }
}

module attributes {stable_mosaic.version = 14 : i64} {
  func.func @_final_body(%arg0: i32, %arg1: memref<2x2048x64xf32, #tpu.memory_space<vmem>>, %arg2: memref<2048x128xf32, #tpu.memory_space<vmem>>, %arg3: memref<2048x1xf32, #tpu.memory_space<vmem>>, %arg4: memref<1x128xf32, #tpu.memory_space<vmem>>, %arg5: memref<1x128xf32, #tpu.memory_space<vmem>>, %arg6: memref<1x128xf32, #tpu.memory_space<vmem>>, %arg7: memref<128x128xf32, #tpu.memory_space<vmem>>, %arg8: memref<1x128xf32, #tpu.memory_space<vmem>>, %arg9: memref<2048x128xf32, #tpu.memory_space<vmem>>) attributes {dimension_semantics = [#tpu.dimension_semantics<arbitrary>], iteration_bounds = array<i64: 5>, scalar_prefetch = 0 : i64, scratch_operands = 0 : i64, tpu.core_type = #tpu.core_type<tc>, window_params = [{transform_indices = @transform_0, window_bounds = array<i64: 2, 2048, 64>}, {transform_indices = @transform_1, window_bounds = array<i64: 2048, 128>}, {transform_indices = @transform_2, window_bounds = array<i64: 2048, 1>}, {pipeline_mode = #tpu.pipeline_mode<synchronous>, transform_indices = @transform_3, window_bounds = array<i64: 1, 128>}, {pipeline_mode = #tpu.pipeline_mode<synchronous>, transform_indices = @transform_4, window_bounds = array<i64: 1, 128>}, {pipeline_mode = #tpu.pipeline_mode<synchronous>, transform_indices = @transform_5, window_bounds = array<i64: 1, 128>}, {pipeline_mode = #tpu.pipeline_mode<synchronous>, transform_indices = @transform_6, window_bounds = array<i64: 128, 128>}, {pipeline_mode = #tpu.pipeline_mode<synchronous>, transform_indices = @transform_7, window_bounds = array<i64: 1, 128>}, {transform_indices = @transform_8, window_bounds = array<i64: 2048, 128>}]} {
    %get3A = arith.constant 0 : index
    %get3A_0 = arith.constant 0 : index
    %get3A_1 = arith.constant 0 : index
    %get3A_2 = vector.load %arg1[%get3A, %get3A_0, %get3A_1] : memref<2x2048x64xf32, #tpu.memory_space<vmem>>, vector<1x2048x64xf32>
    %get3A_3 = vector.shape_cast %get3A_2 : vector<1x2048x64xf32> to vector<2048x64xf32>
    %get3A_4 = arith.constant 1 : index
    %get3A_5 = arith.constant 0 : index
    %get3A_6 = arith.constant 0 : index
    %get3A_7 = vector.load %arg1[%get3A_4, %get3A_5, %get3A_6] : memref<2x2048x64xf32, #tpu.memory_space<vmem>>, vector<1x2048x64xf32>
    %get3A_8 = vector.shape_cast %get3A_7 : vector<1x2048x64xf32> to vector<2048x64xf32>
    %concatenate3A = tpu.concatenate %get3A_3, %get3A_8 in 1 : vector<2048x64xf32>, vector<2048x64xf32> -> vector<2048x128xf32>
    %get3A_9 = arith.constant 0 : index
    %get3A_10 = arith.constant 0 : index
    %get3A_11 = vector.load %arg3[%get3A_9, %get3A_10] : memref<2048x1xf32, #tpu.memory_space<vmem>>, vector<2048x1xf32>
    %mul3A = vector.broadcast %get3A_11 : vector<2048x1xf32> to vector<2048x128xf32>
    %mul3A_12 = arith.mulf %mul3A, %concatenate3A : vector<2048x128xf32>
    %get3A_13 = arith.constant 0 : index
    %get3A_14 = arith.constant 0 : index
    %get3A_15 = vector.load %arg4[%get3A_13, %get3A_14] : memref<1x128xf32, #tpu.memory_space<vmem>>, vector<1x128xf32>
    %add3A = vector.broadcast %get3A_15 : vector<1x128xf32> to vector<2048x128xf32>
    %add3A_16 = arith.addf %mul3A_12, %add3A : vector<2048x128xf32>
    %reduce_sum3A = arith.constant dense<0.000000e+00> : vector<2048xf32>
    %reduce_sum3A_17 = vector.multi_reduction <add>, %add3A_16, %reduce_sum3A [1] : vector<2048x128xf32> to vector<2048xf32>
    %broadcast_in_dim3A = vector.shape_cast %reduce_sum3A_17 : vector<2048xf32> to vector<2048x1xf32>
    %div3A = arith.constant 1.280000e+02 : f32
    %div3A_18 = vector.broadcast %div3A : f32 to vector<2048x1xf32>
    %div3A_19 = arith.divf %broadcast_in_dim3A, %div3A_18 : vector<2048x1xf32>
    %sub3A = vector.broadcast %div3A_19 : vector<2048x1xf32> to vector<2048x128xf32>
    %sub3A_20 = arith.subf %add3A_16, %sub3A : vector<2048x128xf32>
    %mul3A_21 = arith.mulf %sub3A_20, %sub3A_20 : vector<2048x128xf32>
    %reduce_sum3A_22 = arith.constant dense<0.000000e+00> : vector<2048xf32>
    %reduce_sum3A_23 = vector.multi_reduction <add>, %mul3A_21, %reduce_sum3A_22 [1] : vector<2048x128xf32> to vector<2048xf32>
    %broadcast_in_dim3A_24 = vector.shape_cast %reduce_sum3A_23 : vector<2048xf32> to vector<2048x1xf32>
    %div3A_25 = arith.constant 1.280000e+02 : f32
    %div3A_26 = vector.broadcast %div3A_25 : f32 to vector<2048x1xf32>
    %div3A_27 = arith.divf %broadcast_in_dim3A_24, %div3A_26 : vector<2048x1xf32>
    %add3A_28 = arith.constant 9.99999974E-6 : f32
    %add3A_29 = vector.broadcast %add3A_28 : f32 to vector<2048x1xf32>
    %add3A_30 = arith.addf %div3A_27, %add3A_29 : vector<2048x1xf32>
    %rsqrt3A = math.rsqrt %add3A_30 : vector<2048x1xf32>
    %mul3A_31 = vector.broadcast %rsqrt3A : vector<2048x1xf32> to vector<2048x128xf32>
    %mul3A_32 = arith.mulf %sub3A_20, %mul3A_31 : vector<2048x128xf32>
    %get3A_33 = arith.constant 0 : index
    %get3A_34 = arith.constant 0 : index
    %get3A_35 = vector.load %arg5[%get3A_33, %get3A_34] : memref<1x128xf32, #tpu.memory_space<vmem>>, vector<1x128xf32>
    %mul3A_36 = vector.broadcast %get3A_35 : vector<1x128xf32> to vector<2048x128xf32>
    %mul3A_37 = arith.mulf %mul3A_32, %mul3A_36 : vector<2048x128xf32>
    %get3A_38 = arith.constant 0 : index
    %get3A_39 = arith.constant 0 : index
    %get3A_40 = vector.load %arg6[%get3A_38, %get3A_39] : memref<1x128xf32, #tpu.memory_space<vmem>>, vector<1x128xf32>
    %add3A_41 = vector.broadcast %get3A_40 : vector<1x128xf32> to vector<2048x128xf32>
    %add3A_42 = arith.addf %mul3A_37, %add3A_41 : vector<2048x128xf32>
    %get3A_43 = arith.constant 0 : index
    %get3A_44 = arith.constant 0 : index
    %get3A_45 = vector.load %arg2[%get3A_43, %get3A_44] : memref<2048x128xf32, #tpu.memory_space<vmem>>, vector<2048x128xf32>
    %max3A = arith.constant 0.000000e+00 : f32
    %max3A_46 = vector.broadcast %max3A : f32 to vector<2048x128xf32>
    %max3A_47 = arith.maximumf %add3A_42, %max3A_46 : vector<2048x128xf32>
    %add3A_48 = arith.addf %get3A_45, %max3A_47 : vector<2048x128xf32>
    %get3A_49 = arith.constant 0 : index
    %get3A_50 = arith.constant 0 : index
    %get3A_51 = vector.load %arg7[%get3A_49, %get3A_50] : memref<128x128xf32, #tpu.memory_space<vmem>>, vector<128x128xf32>
    %dot_general3A = arith.constant dense<0.000000e+00> : vector<2048x128xf32>
    %dot_general3A_52 = tpu.matmul %add3A_48, %get3A_51, %dot_general3A {dimension_numbers = #tpu.dot_dimension_numbers<[1], [0], [0], [1], [0, 0, 1, 1], [], []>, transpose_lhs_hint = false} : vector<2048x128xf32>, vector<128x128xf32>, vector<2048x128xf32> -> vector<2048x128xf32>
    %get3A_53 = arith.constant 0 : index
    %get3A_54 = arith.constant 0 : index
    %get3A_55 = vector.load %arg8[%get3A_53, %get3A_54] : memref<1x128xf32, #tpu.memory_space<vmem>>, vector<1x128xf32>
    %add3A_56 = vector.broadcast %get3A_55 : vector<1x128xf32> to vector<2048x128xf32>
    %add3A_57 = arith.addf %dot_general3A_52, %add3A_56 : vector<2048x128xf32>
    %swap3A = arith.constant 0 : index
    %swap3A_58 = arith.constant 0 : index
    %swap3A_59 = vector.load %arg9[%swap3A, %swap3A_58] : memref<2048x128xf32, #tpu.memory_space<vmem>>, vector<2048x128xf32>
    tpu.vector_store %arg9[%swap3A, %swap3A_58], %add3A_57 {strides = array<i32>} : memref<2048x128xf32, #tpu.memory_space<vmem>>, vector<2048x128xf32>,
    return
  }
  func.func @transform_0(%arg0: i32) -> (i32, i32, i32) {
    %c0_i32 = arith.constant 0 : i32
    %c0_i32_0 = arith.constant 0 : i32
    %c0_i32_1 = arith.constant 0 : i32
    return %c0_i32, %arg0, %c0_i32_0 : i32, i32, i32
  }
  func.func @transform_1(%arg0: i32) -> (i32, i32) {
    %c0_i32 = arith.constant 0 : i32
    %c0_i32_0 = arith.constant 0 : i32
    return %arg0, %c0_i32 : i32, i32
  }
  func.func @transform_2(%arg0: i32) -> (i32, i32) {
    %c0_i32 = arith.constant 0 : i32
    %c0_i32_0 = arith.constant 0 : i32
    return %arg0, %c0_i32 : i32, i32
  }
  func.func @transform_3(%arg0: i32) -> (i32, i32) {
    %c0_i32 = arith.constant 0 : i32
    %c0_i32_0 = arith.constant 0 : i32
    %c0_i32_1 = arith.constant 0 : i32
    return %c0_i32, %c0_i32_0 : i32, i32
  }
  func.func @transform_4(%arg0: i32) -> (i32, i32) {
    %c0_i32 = arith.constant 0 : i32
    %c0_i32_0 = arith.constant 0 : i32
    %c0_i32_1 = arith.constant 0 : i32
    return %c0_i32, %c0_i32_0 : i32, i32
  }
  func.func @transform_5(%arg0: i32) -> (i32, i32) {
    %c0_i32 = arith.constant 0 : i32
    %c0_i32_0 = arith.constant 0 : i32
    %c0_i32_1 = arith.constant 0 : i32
    return %c0_i32, %c0_i32_0 : i32, i32
  }
  func.func @transform_6(%arg0: i32) -> (i32, i32) {
    %c0_i32 = arith.constant 0 : i32
    %c0_i32_0 = arith.constant 0 : i32
    %c0_i32_1 = arith.constant 0 : i32
    return %c0_i32, %c0_i32_0 : i32, i32
  }
  func.func @transform_7(%arg0: i32) -> (i32, i32) {
    %c0_i32 = arith.constant 0 : i32
    %c0_i32_0 = arith.constant 0 : i32
    %c0_i32_1 = arith.constant 0 : i32
    return %c0_i32, %c0_i32_0 : i32, i32
  }
  func.func @transform_8(%arg0: i32) -> (i32, i32) {
    %c0_i32 = arith.constant 0 : i32
    %c0_i32_0 = arith.constant 0 : i32
    return %arg0, %c0_i32 : i32, i32
  }
}

</mosaic_0001>

<sc_bundles>
// kernel: kernel.11.cloned.1.call-start
scs
__scs_entry_jumppad:
0x0: {  	(pc) =	sbr.rel $0x88, $3  }
0x1: {  	(tag) =	ssettag $0x0;
	lr =	simm.s32 $0x1  }
0x2: {  	[smem:$0x3F8F] =	sst lr;
	_ =	strace $0xD0000000  }
0x3: {  	_ = 	snop  }
0x4: {  	_ = 	snop  }
0x5: {  	_ = 	snop  }
0x6: {  	_ = 	snop  }
0x7: {  	_ = 	snop  }
__scs_overlays_trampoline_lowered:
0x8: {  	[smem:$0x3F9E] =	sst s0  }
0x9: {  	[smem:$0x3F9F] =	sst s1  }
0xa: {  	[smem:$0x3FA0] =	sst s2  }
0xb: {  	[smem:$0x3FA1] =	sst s3  }
0xc: {  	[smem:$0x3FA2] =	sst s4  }
0xd: {  	[smem:$0x3FA3] =	sst s5  }
0xe: {  	[smem:$0x3FA4] =	sst s6  }
0xf: {  	[smem:$0x3FA5] =	sst s7  }
0x10: {  	[smem:$0x3FA6] =	sst s8  }
0x11: {  	[smem:$0x3FA7] =	sst s9;
	s0 =	simm.s32 @!p0 $0x0  }
0x12: {  	s1 =	sld [smem:$0x3F8D];
	s0 =	simm.s32 @p0 $0x1  }
0x13: {  	[smem:$0x3FA8] =	sst s0;
	s0 =	simm.s32 @!p1 $0x0  }
0x14: {  	s2 =	sld [smem:$0x3F8C];
	s0 =	simm.s32 @p1 $0x1  }
0x15: {  	[smem:$0x3FA9] =	sst s0;
	s0 =	simm.s32 @!p2 $0x0  }
0x16: {  	s3 =	sld [smem:$0x3FDB];
	s0 =	simm.s32 @p2 $0x1  }
0x17: {  	s4 =	simm.s32 $0x1BF5;
	[smem:$0x3FAB] =	sst s0  }
0x18: {  	s0 =	sld [smem:$0x3F8E];
	_ =	swait.ge [sflag:s4], $0x0  }
0x19: {  	s7 =	sld [smem:$0x3F8F]  }
0x1a: {  	s8 =	sadd.s32 $0xFFFFE003, lr  }
0x1b: {  	s9 =	sadd.s32 $0xFFFFFEF7, lr;
	s5 =	simm.s32 $0xFFFFFFFF;
	p2 =	slt.u32 s8, $0xFFFFF086  }
0x1c: {  	p1 =	slt.u32 s9, $0xF7A;
	s5 =	simm.s32 @!p2 $0x0  }
0x1d: {  	s5 =	simm.s32 @p1 $0x1;
	p0 =	seq.s32 s7, s2  }
0x1e: {  	s7 =	smul.u32 @!p0 $0xF7A, s2;
	p2 =	seq.s32 @!p0 s5, $0x0  }
0x1f: {  	s9 =	smul.u32 $0xF7A, s1;
	s8 =	simm.s32 @!p0 $0x1BF5;
	p2 =	por !p2, p0  }
0x20: {  	[sflag:s8] =	ssyncset.s32 @!p0 $0xFFFFF086;
	s6 =	sadd.s32 @!p0 s3, s7;
	s7 =	simm.s32 @!p0 $0x108  }
0x21: {  	s3 =	sadd.s32 s3, s9;
	s6 =	sadd.s32 @!p0 $0x88, s6;
	s7 =	simm.s32 @p2 $0x1082  }
0x22: {  	[simem:s7], [sflag:s8] =	dma.local @!p0 [hbm:s6], $0xF7A  }
0x23: {  	s9 =	sor.u32 $0xD0000000, s2;
	s6 =	simm.s32 $0x108;
	_ =	swait.ge @!p0 [sflag:s8], $0x0  }
0x24: {  	s3 =	sadd.s32 $0x88, s3;
	s6 =	simm.s32 @!p1 $0x1082;
	[sflag:s4] =	ssyncset.s32 $0xFFFFF086  }
0x25: {  	[simem:s6], [sflag:s4] =	dma.local [hbm:s3], $0xF7A  }
0x26: {  	[smem:$0x3F8F] =	sst s1;
	(tag) =	ssettag s2;
	_ =	strace s9  }
0x27: {  	s1 =	sld [smem:$0x3F9F]  }
0x28: {  	s2 =	sld [smem:$0x3FA0]  }
0x29: {  	s4 =	sld [smem:$0x3FA2]  }
0x2a: {  	p0 =	seq.s32 s5, $0x0;
	s5 =	sld [smem:$0x3FA3]  }
0x2b: {  	s6 =	sld [smem:$0x3FA4]  }
0x2c: {  	s7 =	sld [smem:$0x3FA5]  }
0x2d: {  	s3 =	simm.s32 $0x108;
	s8 =	sld [smem:$0x3FA6]  }
0x2e: {  	s3 =	simm.s32 @!p0 $0x1082;
	s9 =	sld [smem:$0x3FA7]  }
0x2f: {  	lr =	sadd.s32 s0, s3;
	s0 =	sld [smem:$0x3F9E]  }
0x30: {  	s3 =	sld [smem:$0x3FA1]  }
0x31: {  	[smem:$0x3FAA] =	sst s10  }
0x32: {  	s10 =	sld [smem:$0x3FA8];
	_ =	sdelay $0x3  }
0x33: {  	p0 =	seq.s32 s10, $0x1;
	s10 =	sld [smem:$0x3FAA];
	_ =	sdelay $0x3  }
0x34: {  	[smem:$0x3FAA] =	sst s10  }
0x35: {  	s10 =	sld [smem:$0x3FA9];
	_ =	sdelay $0x3  }
0x36: {  	p1 =	seq.s32 s10, $0x1;
	s10 =	sld [smem:$0x3FAA];
	_ =	sdelay $0x3  }
0x37: {  	[smem:$0x3FAA] =	sst s10  }
0x38: {  	s10 =	sld [smem:$0x3FAB]  }
0x39: {  	_ = 	snop;
	(pc) =	sbr.ind lr, $3  }
0x3a: {  	_ = 	snop  }
0x3b: {  	_ = 	snop  }
0x3c: {  	p2 =	seq.s32 s10, $0x1;
	s10 =	sld [smem:$0x3FAA]  }
0x3d: {  	_ =	shalt  }
0x3e: {  	_ =	shalt  }
0x3f: {  	_ =	shalt  }
0x40: {  	_ =	shalt  }
0x41: {  	_ =	shalt  }
0x42: {  	_ =	shalt  }
0x43: {  	_ =	shalt  }
0x44: {  	_ =	shalt  }
0x45: {  	_ =	shalt  }
0x46: {  	_ =	shalt  }
0x47: {  	_ =	shalt  }
0x48: {  	_ =	shalt  }
0x49: {  	_ =	shalt  }
0x4a: {  	_ =	shalt  }
0x4b: {  	_ =	shalt  }
0x4c: {  	_ =	shalt  }
0x4d: {  	_ =	shalt  }
0x4e: {  	_ =	shalt  }
0x4f: {  	_ =	shalt  }
0x50: {  	_ =	shalt  }
0x51: {  	_ =	shalt  }
0x52: {  	_ =	shalt  }
0x53: {  	_ =	shalt  }
0x54: {  	_ =	shalt  }
0x55: {  	_ =	shalt  }
0x56: {  	_ =	shalt  }
0x57: {  	_ =	shalt  }
0x58: {  	_ =	shalt  }
0x59: {  	_ =	shalt  }
0x5a: {  	_ =	shalt  }
0x5b: {  	_ =	shalt  }
0x5c: {  	_ =	shalt  }
0x5d: {  	_ =	shalt  }
0x5e: {  	_ =	shalt  }
0x5f: {  	_ =	shalt  }
0x60: {  	_ =	shalt  }
0x61: {  	_ =	shalt  }
0x62: {  	_ =	shalt  }
0x63: {  	_ =	shalt  }
0x64: {  	_ =	shalt  }
0x65: {  	_ =	shalt  }
0x66: {  	_ =	shalt  }
0x67: {  	_ =	shalt  }
0x68: {  	_ =	shalt  }
0x69: {  	_ =	shalt  }
0x6a: {  	_ =	shalt  }
0x6b: {  	_ =	shalt  }
0x6c: {  	_ =	shalt  }
0x6d: {  	_ =	shalt  }
0x6e: {  	_ =	shalt  }
0x6f: {  	_ =	shalt  }
0x70: {  	_ =	shalt  }
0x71: {  	_ =	shalt  }
0x72: {  	_ =	shalt  }
0x73: {  	_ =	shalt  }
0x74: {  	_ =	shalt  }
0x75: {  	_ =	shalt  }
0x76: {  	_ =	shalt  }
0x77: {  	_ =	shalt  }
0x78: {  	_ =	shalt  }
0x79: {  	_ =	shalt  }
0x7a: {  	_ =	shalt  }
0x7b: {  	_ =	shalt  }
0x7c: {  	_ =	shalt  }
0x7d: {  	_ =	shalt  }
0x7e: {  	_ =	shalt  }
0x7f: {  	_ =	shalt  }
0x80: {  	_ =	shalt  }
0x81: {  	_ =	shalt  }
0x82: {  	_ =	shalt  }
0x83: {  	_ =	shalt  }
0x84: {  	_ =	shalt  }
0x85: {  	_ =	shalt  }
0x86: {  	_ =	shalt  }
0x87: {  	_ =	shalt  }
.Lfunc_end0:
.L_simem_size_0:
called_computation_lowered:
.L_overlay_start_0:
0x88: {  	s2 =	sld [smem:$0x3FD9]  }
0x89: {  	s3 =	sld [smem:$0x3FFE];
	_ =	sdelay $0x1  }
0x8a: {  	s1 =	srdreg.scid  }
0x8b: {  	s0 =	sand.u32 $0x1, s1  }
0x8c: {  	s17 =	sshll.u32 s0, $0xA;
	s2 =	sadd.s32 s3, s2  }
0x8d: {  	s2 =	sadd.s32 s2, s17  }
0x8e: {  	[smem:$0x3FB6] =	sst s2  }
0x8f: {  	_ = 	snop  }
0x90: {  	s2 =	sld [smem:$0x3FD0];
	(tm) =	ssettm $0x1  }
0x91: {  	s18 =	sld [smem:$0x3FFB];
	_ =	sdelay $0x3  }
0x92: {  	_ =	strace s18  }
0x93: {  	s3 =	sld [smem:$0x3FFC];
	_ =	sdelay $0x3  }
0x94: {  	_ =	strace s3  }
0x95: {  	s3 =	sld [smem:$0x3FFD];
	_ =	sdelay $0x3  }
0x96: {  	_ =	strace s3  }
0x97: {  	_ =	strace $0x8FFFFFFF  }
0x98: {  	s19 =	sld [smem:$0x3FDB];
	_ =	sdelay $0x1  }
0x99: {  	s4 =	simm.s32 $_scs_section_size  }
0x9a: {  	s5 =	simm.s32 $_size__tile_overlayer_lowered;
	s6 =	simm.s32 $_tile_overlayer_lowered  }
0x9b: {  	s22 =	simm.s32 $0x1BFF;
	s21 =	sshll.u32 s6, $0x1;
	s3 =	sadd.s32 s4, s19  }
0x9c: {  	s7 =	simm.s32 $0x0;
	s20 =	sshll.u32 s5, $0x1;
	s5 =	sadd.s32 s21, s3  }
0x9d: {  	[timem:s7], [sflag:s22] =	dma.local [hbm:s5], s20  }
0x9e: {  	_ =	swait.ge [sflag:s22], s20  }
0x9f: {  	s4 =	ssub.s32 $0x0, s20;
	[sflag:s22] =	ssyncset.done $0x0  }
0xa0: {  	[sflag:s22] =	ssyncadd.s32 s4;
	_ =	sdelay $0x1  }
0xa1: {  	s23 =	simm.s32 $0x1B8B  }
0xa2: {  	_ =	swait.ge [sflag:s23], $0x1  }
0xa3: {  	[sflag:s23] =	ssyncset.done $0x0  }
0xa4: {  	s25 =	simm.s32 $0x1B8E;
	s24 =	sld [smem:$0x3FFE];
	[sflag:s23] =	ssyncadd.s32 $0xFFFFFFFF  }
0xa5: {  	s26 =	simm.s32 $execute0_lowered;
	[smem:$0x3FD2] =	sst s25  }
0xa6: {  	s5 =	sshll.u32 s26, $0x1;
	_ =	strace $0x80000046;
	[dreg:$0x1] =	wrdreg $0xFFFFFFFF  }
0xa7: {  	s28 =	simm.s32 $_size_execute0_lowered;
	s3 =	sadd.s32 s3, s5;
	[dreg:$0x0] =	wrdreg $0x0  }
0xa8: {  	s5 =	sshll.u32 s28, $0x1;
	[dreg:$0x2] =	wrdreg s3  }
0xa9: {  	[dreg:$0x3] =	wrdreg s5  }
0xaa: {  	[dreg:$0x4] =	wrdreg $0xC0  }
0xab: {  	_ =	task [dreg:s7], $0x5FFFF  }
0xac: {  	[dreg:$0x1] =	wrdreg $0xFFFFFFFF  }
0xad: {  	[dreg:$0x0] =	wrdreg $0x60  }
0xae: {  	[dreg:$0x2] =	wrdreg s24  }
0xaf: {  	[dreg:$0x3] =	wrdreg s2  }
0xb0: {  	[dreg:$0x4] =	wrdreg $0x53000  }
0xb1: {  	[dreg:$0x5] =	wrdreg $0x9  }
0xb2: {  	_ =	task.clear_ibuf [dreg:s7], $0x6FFFF;
	_ =	strace $0x90000046  }
0xb3: {  	s29 =	simm.s32 $0x9;
	_ =	strace $0x80000048  }
0xb4: {  	_ =	swait.ge [sflag:s29], $0x1  }
0xb5: {  	[sflag:s29] =	ssyncadd.s32 $0xFFFFFFFF  }
0xb6: {  	_ =	strace $0x90000048  }
0xb7: {  	_ =	sfence  }
0xb8: {  	s30 =	sld [smem:$0x0];
	_ =	sdelay $0x2  }
0xb9: {  	s31 =	sshll.u32 s1, $0xD;
	s1 =	sshrl.u32 s1, $0x2  }
0xba: {  	s3 =	sand.u32 $0x4000, s31;
	s1 =	sadd.s32 s1, s30  }
0xbb: {  	s0 =	sor.u32 s3, s0;
	s1 =	sshll.u32 s1, $0x11  }
0xbc: {  	s0 =	sor.u32 s1, s0  }
0xbd: {  	s0 =	sadd.s32 $0x8F2B, s0  }
0xbe: {  	[sflag:s0] =	ssyncadd.remote.s32 $0x1  }
0xbf: {  	_ =	sfence.sel $0xFFFF  }
0xc0: {  	[dreg:$0x0] =	wrdreg $0xFFFFFFFF;
	(pc) =	sbr.abs _section_cstart, $3  }
0xc1: {  	[dreg:$0x1] =	wrdreg $0xFFFFFFFF  }
0xc2: {  	_ =	task.clear_ibuf [dreg:s7], $0x2FFFF;
	_ =	strace $0x9FFFFFFF  }
0xc3: {  	(tm) =	ssettm $0x7FFFFFFF  }
tec
execute0_lowered:
.L_overlay_start_1:
0x0: {  	(tag) =	ssettag $0x1  }
0x1: {  	s4 =	rddreg [dreg:$0x0]  }
0x2: {  	s6 =	rddreg [dreg:$0x1]  }
0x3: {  	s2 =	rddreg [dreg:$0x2]  }
0x4: {  	s0 =	rddreg [dreg:$0x3]  }
0x5: {  	s1 =	stileid.u32;
	s7 =	srdreg.scid  }
0x6: {  	s3 =	simm.s32 $0x0;
	s12 =	simm.s32 $0x5000;
	s5 =	smul.u32 $0xA00, s1  }
0x7: {  	s15 =	simm.s32 $0x0;
	s7 =	sand.u32 $0x1, s7;
	s8 =	smul.u32 $0x280, s1  }
0x8: {  	[smem:$0x7FF] =	sst s3;
	s13 =	sshll.u32 s1, $0x6;
	s10 =	smul.u32 $0x2800, s7  }
0x9: {  	s9 =	ssub.s32 $0x2, s7;
	_ =	strace $0x80000047;
	s31 =	smul.u32 $0xA000, s7  }
0xa: {  	s13 =	sor.u32 $0x1C01, s13;
	s11 =	sshrl.u32 s9, $0x1;
	s4 =	sadd.s32 s5, s4  }
0xb: {  	s5 =	sadd.s32 s8, s2;
	s9 =	ssub.s32 s9, s11;
	s30 =	sadd.s32 s8, s10  }
0xc: {  	s4 =	sadd.s32 $0xD800, s4;
	s8 =	sshrl.u32 s31, $0x2;
	s11 =	simm.s32 $0x80  }
0xd: {  	s14 =	sshrl.u32 s5, $0x3;
	s10 =	sshrl.u32 s30, $0x3;
	s7 =	smax.u32 s9, $0x1  }
0xe: {  	v0 =	vimm.f32 $1.000000000e+00;
	v1 =	vimm.f32 $0.0e+00;
	s9 =	simm.s32 $0x1;
	s6 =	sadd.s32 s6, s10;
	s10 =	simm.s32 $0x5080  }
.LBB2_1:
0xf: {  	[tilespmem:s3], [sflag:$0x1] =	stream.linear.gather [hbm4b:s4+s3], $0x5000, $0x38;
	[tilespmem:$0x5580] =	vst v63  }
0x10: {  	_ =	swait.ge [sflag:s9], $0x5000  }
0x11: {  	[sflag:s9] =	ssyncset.done $0x0  }
0x12: {  	[sflag:s9] =	ssyncadd.s32 $0xFFFFB000  }
0x13: {  	[tilespmem:$0x5000] =	vst v0  }
0x14: {  	[tilespmem:$0x5010] =	vst v0  }
0x15: {  	[tilespmem:$0x5020] =	vst v0  }
0x16: {  	[tilespmem:$0x5030] =	vst v0  }
0x17: {  	[tilespmem:$0x5040] =	vst v0  }
0x18: {  	[tilespmem:$0x5050] =	vst v0  }
0x19: {  	[tilespmem:$0x5060] =	vst v0  }
0x1a: {  	[tilespmem:$0x5070] =	vst v0  }
0x1b: {  	[tilespmem:$0x5080] =	vst v1  }
0x1c: {  	[tilespmem:$0x5090] =	vst v1  }
0x1d: {  	[tilespmem:$0x50A0] =	vst v1  }
0x1e: {  	[tilespmem:$0x50B0] =	vst v1  }
0x1f: {  	[tilespmem:$0x50C0] =	vst v1  }
0x20: {  	[tilespmem:$0x50D0] =	vst v1  }
0x21: {  	[tilespmem:$0x50E0] =	vst v1  }
0x22: {  	[tilespmem:$0x50F0] =	vst v1  }
0x23: {  	[tilespmem:$0x5100] =	vst v1  }
0x24: {  	[tilespmem:$0x5110] =	vst v1  }
0x25: {  	[tilespmem:$0x5120] =	vst v1  }
0x26: {  	[tilespmem:$0x5130] =	vst v1  }
0x27: {  	[tilespmem:$0x5140] =	vst v1  }
0x28: {  	[tilespmem:$0x5150] =	vst v1  }
0x29: {  	[tilespmem:$0x5160] =	vst v1  }
0x2a: {  	[tilespmem:$0x5170] =	vst v1  }
0x2b: {  	[tilespmem:$0x5180] =	vst v1  }
0x2c: {  	[tilespmem:$0x5190] =	vst v1  }
0x2d: {  	[tilespmem:$0x51A0] =	vst v1  }
0x2e: {  	[tilespmem:$0x51B0] =	vst v1  }
0x2f: {  	[tilespmem:$0x51C0] =	vst v1  }
0x30: {  	[tilespmem:$0x51D0] =	vst v1  }
0x31: {  	[tilespmem:$0x51E0] =	vst v1  }
0x32: {  	[tilespmem:$0x51F0] =	vst v1  }
0x33: {  	[tilespmem:$0x5200] =	vst v1  }
0x34: {  	[tilespmem:$0x5210] =	vst v1  }
0x35: {  	[tilespmem:$0x5220] =	vst v1  }
0x36: {  	[tilespmem:$0x5230] =	vst v1  }
0x37: {  	[tilespmem:$0x5240] =	vst v1  }
0x38: {  	[tilespmem:$0x5250] =	vst v1  }
0x39: {  	[tilespmem:$0x5260] =	vst v1  }
0x3a: {  	[tilespmem:$0x5270] =	vst v1  }
0x3b: {  	[tilespmem:$0x5280] =	vst v1  }
0x3c: {  	[tilespmem:$0x5290] =	vst v1  }
0x3d: {  	[tilespmem:$0x52A0] =	vst v1  }
0x3e: {  	[tilespmem:$0x52B0] =	vst v1  }
0x3f: {  	[tilespmem:$0x52C0] =	vst v1  }
0x40: {  	[tilespmem:$0x52D0] =	vst v1  }
0x41: {  	[tilespmem:$0x52E0] =	vst v1  }
0x42: {  	[tilespmem:$0x52F0] =	vst v1  }
0x43: {  	[spmem:s5] =	stream.linear.scatter [tilespmem:s10], [sflag:$0x1], $0x280, $0x38;
	[tilespmem:$0x5580] =	vst v63  }
0x44: {  	_ =	swait.ge [sflag:s9], $0x280  }
0x45: {  	[sflag:s9] =	ssyncset.done $0x0  }
0x46: {  	[sflag:s9] =	ssyncadd.s32 $0xFFFFFD80  }
0x47: {  	s16 =	sadd.s32 $0x0, s8;
	[bflag:$0x0] =	sbarrier.arrive $0xFFFF  }
0x48: {  	[spmem:s2] =	stream.indirect.scatter.add.f32 [tilespmem:s12], [sflag:$0x1], $0x1, s16, s11, $0xb8;
	[tilespmem:$0x5580] =	vst v63  }
0x49: {  	s16 =	simm.s32 $0x200;
	_ =	swait.ge [sflag:s9], $0x80  }
.LBB2_2:
0x4a: {  	s17 =	sshra.s32 s16, $0x2;
	[sflag:s9] =	ssyncset.done $0x0;
	p0 =	sne.s32 s16, $0x9E00  }
.Ltmp0:
0x4b: {  	s17 =	sadd.s32 s17, s8;
	[sflag:s9] =	ssyncadd.s32 $0xFFFFFF80;
	(pc) =	sbr.rel @p0 .LBB2_2-.Ltmp0, $3  }
0x4c: {  	[spmem:s2] =	stream.indirect.scatter.add.f32 [tilespmem:s12], [sflag:$0x1], $0x1, s17, s11, $0xb8;
	[tilespmem:$0x5580] =	vst v63  }
0x4d: {  	s16 =	sadd.s32 $0x200, s16;
	_ =	sdelay $0x1  }
0x4e: {  	_ =	swait.ge [sflag:s9], $0x80  }
0x4f: {  	[sflag:s9] =	ssyncset.done $0x0;
	s15 =	sadd.s32 $0x1, s15  }
0x50: {  	[sflag:s9] =	ssyncadd.s32 $0xFFFFFF80;
	p0 =	sne.s32 s15, s7  }
.Ltmp1:
0x51: {  	[bflag:$0x0] =	sbarrier.arrive $0xFFFF;
	(pc) =	sbr.rel @p0 .LBB2_1-.Ltmp1, $4  }
0x52: {  	[hbm:s6], [sflag:s13] =	dma.local [spmem:s14], $0x50  }
0x53: {  	_ =	swait.ge [sflag:s9], $0x50  }
0x54: {  	[sflag:s9] =	ssyncset.done $0x0  }
0x55: {  	[sflag:s9] =	ssyncadd.s32 $0xFFFFFFB0  }
0x56: {  	_ =	sfence.sel $0x180000  }
0x57: {  	[bflag:$0x0] =	sbarrier.arrive $0xFFFF  }
0x58: {  	p0 =	sne.s32 s1, $0x0;
	_ =	strace $0x90000047  }
0x59: {  	s0 =	sadd.s32 @!p0 $0x100000, s0;
	[bflag:$0x2] =	sbarrier.arrive $0xFFFF  }
0x5a: {  	[sflag:s0] =	ssyncadd.tile.s32 @!p0 $0x1;
	_ =	shalt  }
.Lfunc_end2:
_tile_overlayer_lowered:
.L_overlay_start_2:
0x5b: {  	(tag) =	ssettag $0x2  }
0x5c: {  	s0 =	rddreg [dreg:$0x0];
	s2 =	stileid.u32  }
0x5d: {  	s1 =	rddreg [dreg:$0x1];
	p0 =	sne.s32 s2, $0x0  }
0x5e: {  	s3 =	rddreg [dreg:$0x2];
	[bflag:$0x3] =	sbarrier.arrive $0xFFFF;
	s2 =	simm.s32 @!p0 $0x1C01  }
0x5f: {  	[timem:s3], [sflag:s2] =	dma.local @!p0 [hbm:s0], s1  }
0x60: {  	s0 =	simm.s32 @!p0 $0x1  }
0x61: {  	_ =	swait.ge @!p0 [sflag:s0], s1  }
0x62: {  	s1 =	ssub.s32 @!p0 $0x0, s1;
	[sflag:s0] =	ssyncset.done @!p0 $0x0  }
0x63: {  	[sflag:s0] =	ssyncadd.s32 @!p0 s1  }
0x64: {  	[bflag:$0x3] =	sbarrier.arrive $0xFFFF  }
0x65: {  	_ =	shalt  }

// kernel: kernel.14.cloned.1.call-start
scs
__scs_entry_jumppad:
0x0: {  	(pc) =	sbr.rel $0x88, $3  }
0x1: {  	(tag) =	ssettag $0x0;
	lr =	simm.s32 $0x1  }
0x2: {  	[smem:$0x3F8F] =	sst lr;
	_ =	strace $0xD0000000  }
0x3: {  	_ = 	snop  }
0x4: {  	_ = 	snop  }
0x5: {  	_ = 	snop  }
0x6: {  	_ = 	snop  }
0x7: {  	_ = 	snop  }
__scs_overlays_trampoline_lowered:
0x8: {  	[smem:$0x3F9E] =	sst s0  }
0x9: {  	[smem:$0x3F9F] =	sst s1  }
0xa: {  	[smem:$0x3FA0] =	sst s2  }
0xb: {  	[smem:$0x3FA1] =	sst s3  }
0xc: {  	[smem:$0x3FA2] =	sst s4  }
0xd: {  	[smem:$0x3FA3] =	sst s5  }
0xe: {  	[smem:$0x3FA4] =	sst s6  }
0xf: {  	[smem:$0x3FA5] =	sst s7  }
0x10: {  	[smem:$0x3FA6] =	sst s8  }
0x11: {  	[smem:$0x3FA7] =	sst s9;
	s0 =	simm.s32 @!p0 $0x0  }
0x12: {  	s1 =	sld [smem:$0x3F8D];
	s0 =	simm.s32 @p0 $0x1  }
0x13: {  	[smem:$0x3FA8] =	sst s0;
	s0 =	simm.s32 @!p1 $0x0  }
0x14: {  	s2 =	sld [smem:$0x3F8C];
	s0 =	simm.s32 @p1 $0x1  }
0x15: {  	[smem:$0x3FA9] =	sst s0;
	s0 =	simm.s32 @!p2 $0x0  }
0x16: {  	s3 =	sld [smem:$0x3FDB];
	s0 =	simm.s32 @p2 $0x1  }
0x17: {  	s4 =	simm.s32 $0x1BF5;
	[smem:$0x3FAB] =	sst s0  }
0x18: {  	s0 =	sld [smem:$0x3F8E];
	_ =	swait.ge [sflag:s4], $0x0  }
0x19: {  	s7 =	sld [smem:$0x3F8F]  }
0x1a: {  	s8 =	sadd.s32 $0xFFFFE003, lr  }
0x1b: {  	s9 =	sadd.s32 $0xFFFFFEF7, lr;
	s5 =	simm.s32 $0xFFFFFFFF;
	p2 =	slt.u32 s8, $0xFFFFF086  }
0x1c: {  	p1 =	slt.u32 s9, $0xF7A;
	s5 =	simm.s32 @!p2 $0x0  }
0x1d: {  	s5 =	simm.s32 @p1 $0x1;
	p0 =	seq.s32 s7, s2  }
0x1e: {  	s7 =	smul.u32 @!p0 $0xF7A, s2;
	p2 =	seq.s32 @!p0 s5, $0x0  }
0x1f: {  	s9 =	smul.u32 $0xF7A, s1;
	s8 =	simm.s32 @!p0 $0x1BF5;
	p2 =	por !p2, p0  }
0x20: {  	[sflag:s8] =	ssyncset.s32 @!p0 $0xFFFFF086;
	s6 =	sadd.s32 @!p0 s3, s7;
	s7 =	simm.s32 @!p0 $0x108  }
0x21: {  	s3 =	sadd.s32 s3, s9;
	s6 =	sadd.s32 @!p0 $0x88, s6;
	s7 =	simm.s32 @p2 $0x1082  }
0x22: {  	[simem:s7], [sflag:s8] =	dma.local @!p0 [hbm:s6], $0xF7A  }
0x23: {  	s9 =	sor.u32 $0xD0000000, s2;
	s6 =	simm.s32 $0x108;
	_ =	swait.ge @!p0 [sflag:s8], $0x0  }
0x24: {  	s3 =	sadd.s32 $0x88, s3;
	s6 =	simm.s32 @!p1 $0x1082;
	[sflag:s4] =	ssyncset.s32 $0xFFFFF086  }
0x25: {  	[simem:s6], [sflag:s4] =	dma.local [hbm:s3], $0xF7A  }
0x26: {  	[smem:$0x3F8F] =	sst s1;
	(tag) =	ssettag s2;
	_ =	strace s9  }
0x27: {  	s1 =	sld [smem:$0x3F9F]  }
0x28: {  	s2 =	sld [smem:$0x3FA0]  }
0x29: {  	s4 =	sld [smem:$0x3FA2]  }
0x2a: {  	p0 =	seq.s32 s5, $0x0;
	s5 =	sld [smem:$0x3FA3]  }
0x2b: {  	s6 =	sld [smem:$0x3FA4]  }
0x2c: {  	s7 =	sld [smem:$0x3FA5]  }
0x2d: {  	s3 =	simm.s32 $0x108;
	s8 =	sld [smem:$0x3FA6]  }
0x2e: {  	s3 =	simm.s32 @!p0 $0x1082;
	s9 =	sld [smem:$0x3FA7]  }
0x2f: {  	lr =	sadd.s32 s0, s3;
	s0 =	sld [smem:$0x3F9E]  }
0x30: {  	s3 =	sld [smem:$0x3FA1]  }
0x31: {  	[smem:$0x3FAA] =	sst s10  }
0x32: {  	s10 =	sld [smem:$0x3FA8];
	_ =	sdelay $0x3  }
0x33: {  	p0 =	seq.s32 s10, $0x1;
	s10 =	sld [smem:$0x3FAA];
	_ =	sdelay $0x3  }
0x34: {  	[smem:$0x3FAA] =	sst s10  }
0x35: {  	s10 =	sld [smem:$0x3FA9];
	_ =	sdelay $0x3  }
0x36: {  	p1 =	seq.s32 s10, $0x1;
	s10 =	sld [smem:$0x3FAA];
	_ =	sdelay $0x3  }
0x37: {  	[smem:$0x3FAA] =	sst s10  }
0x38: {  	s10 =	sld [smem:$0x3FAB]  }
0x39: {  	_ = 	snop;
	(pc) =	sbr.ind lr, $3  }
0x3a: {  	_ = 	snop  }
0x3b: {  	_ = 	snop  }
0x3c: {  	p2 =	seq.s32 s10, $0x1;
	s10 =	sld [smem:$0x3FAA]  }
0x3d: {  	_ =	shalt  }
0x3e: {  	_ =	shalt  }
0x3f: {  	_ =	shalt  }
0x40: {  	_ =	shalt  }
0x41: {  	_ =	shalt  }
0x42: {  	_ =	shalt  }
0x43: {  	_ =	shalt  }
0x44: {  	_ =	shalt  }
0x45: {  	_ =	shalt  }
0x46: {  	_ =	shalt  }
0x47: {  	_ =	shalt  }
0x48: {  	_ =	shalt  }
0x49: {  	_ =	shalt  }
0x4a: {  	_ =	shalt  }
0x4b: {  	_ =	shalt  }
0x4c: {  	_ =	shalt  }
0x4d: {  	_ =	shalt  }
0x4e: {  	_ =	shalt  }
0x4f: {  	_ =	shalt  }
0x50: {  	_ =	shalt  }
0x51: {  	_ =	shalt  }
0x52: {  	_ =	shalt  }
0x53: {  	_ =	shalt  }
0x54: {  	_ =	shalt  }
0x55: {  	_ =	shalt  }
0x56: {  	_ =	shalt  }
0x57: {  	_ =	shalt  }
0x58: {  	_ =	shalt  }
0x59: {  	_ =	shalt  }
0x5a: {  	_ =	shalt  }
0x5b: {  	_ =	shalt  }
0x5c: {  	_ =	shalt  }
0x5d: {  	_ =	shalt  }
0x5e: {  	_ =	shalt  }
0x5f: {  	_ =	shalt  }
0x60: {  	_ =	shalt  }
0x61: {  	_ =	shalt  }
0x62: {  	_ =	shalt  }
0x63: {  	_ =	shalt  }
0x64: {  	_ =	shalt  }
0x65: {  	_ =	shalt  }
0x66: {  	_ =	shalt  }
0x67: {  	_ =	shalt  }
0x68: {  	_ =	shalt  }
0x69: {  	_ =	shalt  }
0x6a: {  	_ =	shalt  }
0x6b: {  	_ =	shalt  }
0x6c: {  	_ =	shalt  }
0x6d: {  	_ =	shalt  }
0x6e: {  	_ =	shalt  }
0x6f: {  	_ =	shalt  }
0x70: {  	_ =	shalt  }
0x71: {  	_ =	shalt  }
0x72: {  	_ =	shalt  }
0x73: {  	_ =	shalt  }
0x74: {  	_ =	shalt  }
0x75: {  	_ =	shalt  }
0x76: {  	_ =	shalt  }
0x77: {  	_ =	shalt  }
0x78: {  	_ =	shalt  }
0x79: {  	_ =	shalt  }
0x7a: {  	_ =	shalt  }
0x7b: {  	_ =	shalt  }
0x7c: {  	_ =	shalt  }
0x7d: {  	_ =	shalt  }
0x7e: {  	_ =	shalt  }
0x7f: {  	_ =	shalt  }
0x80: {  	_ =	shalt  }
0x81: {  	_ =	shalt  }
0x82: {  	_ =	shalt  }
0x83: {  	_ =	shalt  }
0x84: {  	_ =	shalt  }
0x85: {  	_ =	shalt  }
0x86: {  	_ =	shalt  }
0x87: {  	_ =	shalt  }
.Lfunc_end0:
.L_simem_size_0:
called_computation.1_lowered:
.L_overlay_start_0:
0x88: {  	s2 =	sld [smem:$0x3FD9]  }
0x89: {  	s3 =	sld [smem:$0x3FFE];
	_ =	sdelay $0x1  }
0x8a: {  	s1 =	srdreg.scid  }
0x8b: {  	s0 =	sand.u32 $0x1, s1  }
0x8c: {  	s17 =	sshll.u32 s0, $0xA;
	s2 =	sadd.s32 s3, s2  }
0x8d: {  	s2 =	sadd.s32 s2, s17  }
0x8e: {  	[smem:$0x3FB6] =	sst s2  }
0x8f: {  	_ = 	snop  }
0x90: {  	s2 =	sld [smem:$0x3FD0];
	(tm) =	ssettm $0x1  }
0x91: {  	s18 =	sld [smem:$0x3FFB];
	_ =	sdelay $0x3  }
0x92: {  	_ =	strace s18  }
0x93: {  	s3 =	sld [smem:$0x3FFC];
	_ =	sdelay $0x3  }
0x94: {  	_ =	strace s3  }
0x95: {  	s3 =	sld [smem:$0x3FFD];
	_ =	sdelay $0x3  }
0x96: {  	_ =	strace s3  }
0x97: {  	_ =	strace $0x8FFFFFFF  }
0x98: {  	s19 =	sld [smem:$0x3FDB];
	_ =	sdelay $0x1  }
0x99: {  	s4 =	simm.s32 $_scs_section_size  }
0x9a: {  	s5 =	simm.s32 $_size__tile_overlayer_lowered;
	s6 =	simm.s32 $_tile_overlayer_lowered  }
0x9b: {  	s22 =	simm.s32 $0x1BFF;
	s21 =	sshll.u32 s6, $0x1;
	s3 =	sadd.s32 s4, s19  }
0x9c: {  	s7 =	simm.s32 $0x0;
	s20 =	sshll.u32 s5, $0x1;
	s5 =	sadd.s32 s21, s3  }
0x9d: {  	[timem:s7], [sflag:s22] =	dma.local [hbm:s5], s20  }
0x9e: {  	_ =	swait.ge [sflag:s22], s20  }
0x9f: {  	s4 =	ssub.s32 $0x0, s20;
	[sflag:s22] =	ssyncset.done $0x0  }
0xa0: {  	[sflag:s22] =	ssyncadd.s32 s4;
	_ =	sdelay $0x1  }
0xa1: {  	s23 =	simm.s32 $0x1B8B  }
0xa2: {  	_ =	swait.ge [sflag:s23], $0x1  }
0xa3: {  	[sflag:s23] =	ssyncset.done $0x0  }
0xa4: {  	s25 =	simm.s32 $0x1B8E;
	s24 =	sld [smem:$0x3FFE];
	[sflag:s23] =	ssyncadd.s32 $0xFFFFFFFF  }
0xa5: {  	s26 =	simm.s32 $execute0_lowered;
	[smem:$0x3FD2] =	sst s25  }
0xa6: {  	s5 =	sshll.u32 s26, $0x1;
	_ =	strace $0x80000049;
	[dreg:$0x1] =	wrdreg $0xFFFFFFFF  }
0xa7: {  	s28 =	simm.s32 $_size_execute0_lowered;
	s3 =	sadd.s32 s3, s5;
	[dreg:$0x0] =	wrdreg $0x0  }
0xa8: {  	s5 =	sshll.u32 s28, $0x1;
	[dreg:$0x2] =	wrdreg s3  }
0xa9: {  	[dreg:$0x3] =	wrdreg s5  }
0xaa: {  	[dreg:$0x4] =	wrdreg $0xC0  }
0xab: {  	_ =	task [dreg:s7], $0x5FFFF  }
0xac: {  	[dreg:$0x1] =	wrdreg $0xFFFFFFFF  }
0xad: {  	[dreg:$0x0] =	wrdreg $0x60  }
0xae: {  	[dreg:$0x2] =	wrdreg s24  }
0xaf: {  	[dreg:$0x3] =	wrdreg s2  }
0xb0: {  	[dreg:$0x4] =	wrdreg $0x160000  }
0xb1: {  	[dreg:$0x5] =	wrdreg $0x9  }
0xb2: {  	_ =	task.clear_ibuf [dreg:s7], $0x6FFFF;
	_ =	strace $0x90000049  }
0xb3: {  	s29 =	simm.s32 $0x9;
	_ =	strace $0x8000004B  }
0xb4: {  	_ =	swait.ge [sflag:s29], $0x1  }
0xb5: {  	[sflag:s29] =	ssyncadd.s32 $0xFFFFFFFF  }
0xb6: {  	_ =	strace $0x9000004B  }
0xb7: {  	_ =	sfence  }
0xb8: {  	s30 =	sld [smem:$0x0];
	_ =	sdelay $0x2  }
0xb9: {  	s31 =	sshll.u32 s1, $0xD;
	s1 =	sshrl.u32 s1, $0x2  }
0xba: {  	s3 =	sand.u32 $0x4000, s31;
	s1 =	sadd.s32 s1, s30  }
0xbb: {  	s0 =	sor.u32 s3, s0;
	s1 =	sshll.u32 s1, $0x11  }
0xbc: {  	s0 =	sor.u32 s1, s0  }
0xbd: {  	s0 =	sadd.s32 $0x8F2B, s0  }
0xbe: {  	[sflag:s0] =	ssyncadd.remote.s32 $0x1  }
0xbf: {  	_ =	sfence.sel $0xFFFF  }
0xc0: {  	[dreg:$0x0] =	wrdreg $0xFFFFFFFF;
	(pc) =	sbr.abs _section_cstart, $3  }
0xc1: {  	[dreg:$0x1] =	wrdreg $0xFFFFFFFF  }
0xc2: {  	_ =	task.clear_ibuf [dreg:s7], $0x2FFFF;
	_ =	strace $0x9FFFFFFF  }
0xc3: {  	(tm) =	ssettm $0x7FFFFFFF  }
tec
execute0_lowered:
.L_overlay_start_1:
0x0: {  	(tag) =	ssettag $0x1  }
0x1: {  	s0 =	rddreg [dreg:$0x0]  }
0x2: {  	s1 =	rddreg [dreg:$0x1];
	s10 =	stileid.u32  }
0x3: {  	s3 =	srdreg.scid;
	s2 =	rddreg [dreg:$0x2]  }
0x4: {  	s11 =	simm.s32 $0xB;
	s18 =	simm.s32 $0x80;
	s19 =	simm.s32 $0xA000  }
0x5: {  	s28 =	simm.s32 $0x12000;
	s29 =	simm.s32 $0x1;
	s4 =	smul.u32 $0xA00, s10  }
0x6: {  	s30 =	simm.s32 $0x2;
	s31 =	simm.s32 $0x3;
	s7 =	smul.u32 $0x1400, s10  }
0x7: {  	s12 =	simm.s32 $0x5;
	s5 =	sand.u32 $0x1, s3;
	s9 =	smul.u32 $0xA000, s10  }
0x8: {  	s3 =	simm.s32 $0x0;
	s22 =	smul.u32 $0x28000, s10;
	s23 =	sadd.s32 $0x9C400, s2  }
0x9: {  	s24 =	sadd.s32 $0x9E400, s2;
	p0 =	seq.s32 s10, $0xF;
	s6 =	smul.u32 $0x14000, s5  }
0xa: {  	[smem:$0x7FF] =	sst s3;
	s8 =	ssub.s32 $0x2, s5;
	s5 =	smul.u32 $0x13880, s5  }
0xb: {  	_ =	strace $0x8000004A;
	s4 =	sadd.s32 s4, s0;
	[dreg:$0x6] =	wrdreg s23  }
0xc: {  	s20 =	sshrl.u32 s8, $0x1;
	[dreg:$0x7] =	wrdreg s24;
	s24 =	simm.s32 $0x10000  }
0xd: {  	s23 =	simm.s32 $0x7;
	s6 =	sadd.s32 s7, s6;
	s7 =	ssub.s32 s8, s20  }
0xe: {  	s21 =	sadd.s32 $0x3800, s4;
	s4 =	sadd.s32 $0xD800, s4;
	s8 =	sadd.s32 s9, s2  }
0xf: {  	s20 =	simm.s32 $0xC000;
	s0 =	sadd.s32 s6, s0;
	[dreg:$0x4] =	wrdreg s21  }
0x10: {  	[dreg:$0x5] =	wrdreg s4;
	s6 =	sadd.s32 s1, s5;
	s1 =	sshrl.u32 s9, $0x3  }
0x11: {  	s5 =	sadd.s32 $0x96000, s2;
	s4 =	sshrl.u32 s22, $0x2;
	s26 =	smax.u32 s7, $0x1  }
0x12: {  	s17 =	sshrl.u32 @!p0 s8, $0x3;
	s22 =	simm.s32 $0xE000;
	s21 =	simm.s32 $0x6  }
0x13: {  	s0 =	sadd.s32 $0x17800, s0;
	s25 =	sadd.s32 s4, s2;
	[dreg:$0x9] =	wrdreg s26  }
0x14: {  	s13 =	sadd.s32 @p0 $0x12C00, s6;
	s4 =	sshll.u32 @!p0 s10, $0x6;
	s14 =	sshrl.u32 @p0 s5, $0x3  }
0x15: {  	s15 =	sadd.s32 @!p0 s1, s6;
	s1 =	simm.s32 $0x4;
	s26 =	simm.s32 $0x8  }
0x16: {  	s5 =	simm.s32 $0x0;
	[dreg:$0x8] =	wrdreg s0;
	s16 =	sor.u32 @!p0 $0x1C0B, s4  }
0x17: {  	v0 =	vimm.f32 $0.0e+00;
	s25 =	sshrl.u32 s25, $0x3;
	s0 =	simm.s32 $0x9;
	s4 =	simm.s32 $0xA  }
.LBB2_1:
0x18: {  	s7 =	rddreg [dreg:$0x4]  }
0x19: {  	[tilespmem:s3], [sflag:$0xB] =	stream.linear.gather [hbm4b:s7+s3], $0x5000, $0x38;
	v63 =	vld [tilespmem:$0x0]  }
0x1a: {  	_ =	swait.ge [sflag:s11], $0x5000  }
0x1b: {  	s8 =	simm.s32 $0x5000;
	[sflag:s11] =	ssyncset.done $0x0  }
0x1c: {  	s9 =	sand.u32 $0x7F00, s3;
	s10 =	rddreg [dreg:$0x5];
	[sflag:s11] =	ssyncadd.s32 $0xFFFFB000  }
0x1d: {  	[tilespmem:s8], [sflag:$0xB] =	stream.linear.gather [hbm4b:s10+s3], $0x5000, $0x38;
	v63 =	vld [tilespmem:$0x0]  }
0x1e: {  	s9 =	sshrl.u32 s9, $0x2;
	_ =	swait.ge [sflag:s11], $0x5000  }
0x1f: {  	s7 =	simm.s32 $0x40;
	s10 =	sand.u32 $0x30, s3;
	[sflag:s11] =	ssyncset.done $0x0  }
0x20: {  	s8 =	simm.s32 $0x0;
	s9 =	sor.u32 s10, s9;
	[sflag:s11] =	ssyncadd.s32 $0xFFFFB000  }
.LBB2_2:
0x21: {  	p1 =	sne.s32 s7, $0x7FC0  }
0x22: {  	[tilespmem:s9+$0x14000] =	vst v0;
	s8 =	sadd.s32 $0x10, s8;
	s9 =	smov.u32 s7;
	s7 =	sadd.s32 $0x40, s7  }
.Ltmp0:
0x23: {  	(pc) =	sbr.rel @p1 .LBB2_2-.Ltmp0, $4  }
0x24: {  	_ = 	snop  }
0x25: {  	s9 =	sand.u32 $0x7F00, s9  }
0x26: {  	s10 =	sand.u32 $0x30, s8;
	s9 =	sshrl.u32 s9, $0x2  }
0x27: {  	s9 =	sor.u32 s10, s9  }
0x28: {  	[tilespmem:s9+$0x14000] =	vst v0;
	s7 =	simm.s32 @p0 $0x1FCB  }
0x29: {  	[spmem:s14], [sflag:s7] =	dma.local @p0 [hbm:s13], $0xC80  }
0x2a: {  	s7 =	simm.s32 @p0 $0xB  }
0x2b: {  	_ =	swait.ge @p0 [sflag:s7], $0xC80  }
0x2c: {  	[sflag:s7] =	ssyncset.done @p0 $0x0  }
0x2d: {  	s8 =	simm.s32 @p0 $0x14000;
	s9 =	rddreg [dreg:$0x6];
	[sflag:s7] =	ssyncadd.s32 @p0 $0xFFFFF380  }
0x2e: {  	[spmem:s9] =	stream.linear.scatter @p0 [tilespmem:s8], [sflag:$0xB], $0x2000, $0x38;
	v63 =	vld [tilespmem:$0x0]  }
0x2f: {  	_ =	swait.ge @p0 [sflag:s7], $0x2000  }
0x30: {  	[sflag:s7] =	ssyncset.done @p0 $0x0  }
0x31: {  	s9 =	rddreg [dreg:$0x7];
	[sflag:s7] =	ssyncadd.s32 @p0 $0xFFFFE000  }
0x32: {  	[spmem:s9] =	stream.linear.scatter @p0 [tilespmem:s8], [sflag:$0xB], $0x1C00, $0x38;
	v63 =	vld [tilespmem:$0x0]  }
0x33: {  	_ =	swait.ge @p0 [sflag:s7], $0x1C00  }
0x34: {  	[sflag:s7] =	ssyncset.done @p0 $0x0  }
0x35: {  	[sflag:s7] =	ssyncadd.s32 @p0 $0xFFFFE400;
	s7 =	simm.s32 @!p0 $0xB  }
0x36: {  	[spmem:s17], [sflag:s16] =	dma.local @!p0 [hbm:s15], $0x1400  }
0x37: {  	_ =	swait.ge @!p0 [sflag:s7], $0x1400  }
0x38: {  	[sflag:s7] =	ssyncset.done @!p0 $0x0  }
0x39: {  	[sflag:s7] =	ssyncadd.s32 @!p0 $0xFFFFEC00  }
0x3a: {  	s10 =	simm.s32 $0x0;
	[bflag:$0x0] =	sbarrier.arrive $0xFFFF  }
0x3b: {  	[tilespmem:s19], [sflag:$0x1] =	stream.indirect.gather [hbm4b:s6+s18], $0x40, s10, s18, $0xb8;
	v63 =	vld [tilespmem:$0x0]  }
0x3c: {  	_ = 	snop  }
0x3d: {  	[tilespmem:s20], [sflag:$0x2] =	stream.indirect.gather [hbm4b:s6+s18], $0x40, s18, s18, $0xb8;
	v63 =	vld [tilespmem:$0x0]  }
0x3e: {  	s8 =	simm.s32 $0x100  }
0x3f: {  	[tilespmem:s22], [sflag:$0x3] =	stream.indirect.gather [hbm4b:s6+s18], $0x40, s8, s18, $0xb8;
	v63 =	vld [tilespmem:$0x0]  }
0x40: {  	s9 =	simm.s32 $0x180  }
0x41: {  	[tilespmem:s24], [sflag:$0x4] =	stream.indirect.gather [hbm4b:s6+s18], $0x40, s9, s18, $0xb8;
	v63 =	vld [tilespmem:$0x0]  }
0x42: {  	s10 =	simm.s32 $0x200  }
0x43: {  	[tilespmem:s28], [sflag:$0x5] =	stream.indirect.gather [hbm4b:s6+s18], $0x40, s10, s18, $0xb8;
	v63 =	vld [tilespmem:$0x0]  }
0x44: {  	_ =	swait.ge [sflag:s29], $0x2000  }
0x45: {  	[sflag:s29] =	ssyncset.done $0x0  }
0x46: {  	s8 =	simm.s32 $0x5000;
	[sflag:s29] =	ssyncadd.s32 $0xFFFFE000  }
0x47: {  	[spmem:s2] =	stream.indirect.scatter.add.f32 [tilespmem:s19], [sflag:$0x6], $0x40, s8, s18, $0xb8;
	v63 =	vld [tilespmem:$0x0]  }
0x48: {  	_ =	swait.ge [sflag:s30], $0x2000  }
0x49: {  	[sflag:s30] =	ssyncset.done $0x0  }
0x4a: {  	s9 =	simm.s32 $0x5080;
	[sflag:s30] =	ssyncadd.s32 $0xFFFFE000  }
0x4b: {  	[spmem:s2] =	stream.indirect.scatter.add.f32 [tilespmem:s20], [sflag:$0x7], $0x40, s9, s18, $0xb8;
	v63 =	vld [tilespmem:$0x0]  }
0x4c: {  	_ =	swait.ge [sflag:s31], $0x2000  }
0x4d: {  	[sflag:s31] =	ssyncset.done $0x0  }
0x4e: {  	s10 =	simm.s32 $0x5100;
	[sflag:s31] =	ssyncadd.s32 $0xFFFFE000  }
0x4f: {  	[spmem:s2] =	stream.indirect.scatter.add.f32 [tilespmem:s22], [sflag:$0x8], $0x40, s10, s18, $0xb8;
	v63 =	vld [tilespmem:$0x0]  }
0x50: {  	_ =	swait.ge [sflag:s1], $0x2000  }
0x51: {  	[sflag:s1] =	ssyncset.done $0x0  }
0x52: {  	s8 =	simm.s32 $0x5180;
	[sflag:s1] =	ssyncadd.s32 $0xFFFFE000  }
0x53: {  	[spmem:s2] =	stream.indirect.scatter.add.f32 [tilespmem:s24], [sflag:$0x9], $0x40, s8, s18, $0xb8;
	v63 =	vld [tilespmem:$0x0]  }
0x54: {  	_ =	swait.ge [sflag:s12], $0x2000  }
0x55: {  	[sflag:s12] =	ssyncset.done $0x0  }
0x56: {  	s9 =	simm.s32 $0x5200;
	[sflag:s12] =	ssyncadd.s32 $0xFFFFE000  }
0x57: {  	[spmem:s2] =	stream.indirect.scatter.add.f32 [tilespmem:s28], [sflag:$0xA], $0x40, s9, s18, $0xb8;
	v63 =	vld [tilespmem:$0x0]  }
0x58: {  	_ =	swait.ge [sflag:s21], $0x2000  }
0x59: {  	[sflag:s21] =	ssyncset.done $0x0  }
0x5a: {  	s10 =	simm.s32 $0x280;
	[sflag:s21] =	ssyncadd.s32 $0xFFFFE000  }
0x5b: {  	[tilespmem:s19], [sflag:$0x1] =	stream.indirect.gather [hbm4b:s6+s18], $0x40, s10, s18, $0xb8;
	v63 =	vld [tilespmem:$0x0]  }
0x5c: {  	_ =	swait.ge [sflag:s23], $0x2000  }
0x5d: {  	[sflag:s23] =	ssyncset.done $0x0  }
0x5e: {  	s8 =	simm.s32 $0x300;
	[sflag:s23] =	ssyncadd.s32 $0xFFFFE000  }
0x5f: {  	[tilespmem:s20], [sflag:$0x2] =	stream.indirect.gather [hbm4b:s6+s18], $0x40, s8, s18, $0xb8;
	v63 =	vld [tilespmem:$0x0]  }
0x60: {  	_ =	swait.ge [sflag:s26], $0x2000  }
0x61: {  	[sflag:s26] =	ssyncset.done $0x0  }
0x62: {  	s9 =	simm.s32 $0x380;
	[sflag:s26] =	ssyncadd.s32 $0xFFFFE000  }
0x63: {  	[tilespmem:s22], [sflag:$0x3] =	stream.indirect.gather [hbm4b:s6+s18], $0x40, s9, s18, $0xb8;
	v63 =	vld [tilespmem:$0x0]  }
0x64: {  	_ =	swait.ge [sflag:s0], $0x2000  }
0x65: {  	[sflag:s0] =	ssyncset.done $0x0  }
0x66: {  	s10 =	simm.s32 $0x400;
	[sflag:s0] =	ssyncadd.s32 $0xFFFFE000  }
0x67: {  	[tilespmem:s24], [sflag:$0x4] =	stream.indirect.gather [hbm4b:s6+s18], $0x40, s10, s18, $0xb8;
	v63 =	vld [tilespmem:$0x0]  }
0x68: {  	_ =	swait.ge [sflag:s4], $0x2000  }
0x69: {  	[sflag:s4] =	ssyncset.done $0x0  }
0x6a: {  	s7 =	simm.s32 $0xA00;
	s8 =	simm.s32 $0x480;
	[sflag:s4] =	ssyncadd.s32 $0xFFFFE000  }
.LBB2_4:
0x6b: {  	[tilespmem:s28], [sflag:$0x5] =	stream.indirect.gather [hbm4b:s6+s18], $0x40, s8, s18, $0xb8;
	v63 =	vld [tilespmem:$0x0]  }
0x6c: {  	s8 =	smov.u32 s7  }
0x6d: {  	p1 =	sne.s32 s7, $0x12C00;
	s7 =	sadd.s32 $0xA00, s7;
	_ =	swait.ge [sflag:s29], $0x2000  }
0x6e: {  	s8 =	sshra.s32 s8, $0x2;
	[sflag:s29] =	ssyncset.done $0x0  }
0x6f: {  	s9 =	sadd.s32 $0x5000, s8;
	[sflag:s29] =	ssyncadd.s32 $0xFFFFE000  }
0x70: {  	[spmem:s2] =	stream.indirect.scatter.add.f32 [tilespmem:s19], [sflag:$0x6], $0x40, s9, s18, $0xb8;
	v63 =	vld [tilespmem:$0x0]  }
0x71: {  	_ =	swait.ge [sflag:s30], $0x2000  }
0x72: {  	[sflag:s30] =	ssyncset.done $0x0  }
0x73: {  	s9 =	sadd.s32 $0x5080, s8;
	[sflag:s30] =	ssyncadd.s32 $0xFFFFE000  }
0x74: {  	[spmem:s2] =	stream.indirect.scatter.add.f32 [tilespmem:s20], [sflag:$0x7], $0x40, s9, s18, $0xb8;
	v63 =	vld [tilespmem:$0x0]  }
0x75: {  	_ =	swait.ge [sflag:s31], $0x2000  }
0x76: {  	[sflag:s31] =	ssyncset.done $0x0  }
0x77: {  	s9 =	sadd.s32 $0x5100, s8;
	[sflag:s31] =	ssyncadd.s32 $0xFFFFE000  }
0x78: {  	[spmem:s2] =	stream.indirect.scatter.add.f32 [tilespmem:s22], [sflag:$0x8], $0x40, s9, s18, $0xb8;
	v63 =	vld [tilespmem:$0x0]  }
0x79: {  	_ =	swait.ge [sflag:s1], $0x2000  }
0x7a: {  	[sflag:s1] =	ssyncset.done $0x0  }
0x7b: {  	s9 =	sadd.s32 $0x5180, s8;
	[sflag:s1] =	ssyncadd.s32 $0xFFFFE000  }
0x7c: {  	[spmem:s2] =	stream.indirect.scatter.add.f32 [tilespmem:s24], [sflag:$0x9], $0x40, s9, s18, $0xb8;
	v63 =	vld [tilespmem:$0x0]  }
0x7d: {  	_ =	swait.ge [sflag:s12], $0x2000  }
0x7e: {  	[sflag:s12] =	ssyncset.done $0x0  }
0x7f: {  	s9 =	sadd.s32 $0x5200, s8;
	[sflag:s12] =	ssyncadd.s32 $0xFFFFE000  }
0x80: {  	[spmem:s2] =	stream.indirect.scatter.add.f32 [tilespmem:s28], [sflag:$0xA], $0x40, s9, s18, $0xb8;
	v63 =	vld [tilespmem:$0x0]  }
0x81: {  	_ =	swait.ge [sflag:s21], $0x2000  }
0x82: {  	[sflag:s21] =	ssyncset.done $0x0  }
0x83: {  	s9 =	sadd.s32 $0x280, s8;
	[sflag:s21] =	ssyncadd.s32 $0xFFFFE000  }
0x84: {  	[tilespmem:s19], [sflag:$0x1] =	stream.indirect.gather [hbm4b:s6+s18], $0x40, s9, s18, $0xb8;
	v63 =	vld [tilespmem:$0x0]  }
0x85: {  	_ =	swait.ge [sflag:s23], $0x2000  }
0x86: {  	[sflag:s23] =	ssyncset.done $0x0  }
0x87: {  	s9 =	sadd.s32 $0x300, s8;
	[sflag:s23] =	ssyncadd.s32 $0xFFFFE000  }
0x88: {  	[tilespmem:s20], [sflag:$0x2] =	stream.indirect.gather [hbm4b:s6+s18], $0x40, s9, s18, $0xb8;
	v63 =	vld [tilespmem:$0x0]  }
0x89: {  	_ =	swait.ge [sflag:s26], $0x2000  }
0x8a: {  	[sflag:s26] =	ssyncset.done $0x0  }
0x8b: {  	s9 =	sadd.s32 $0x380, s8;
	[sflag:s26] =	ssyncadd.s32 $0xFFFFE000  }
0x8c: {  	[tilespmem:s22], [sflag:$0x3] =	stream.indirect.gather [hbm4b:s6+s18], $0x40, s9, s18, $0xb8;
	v63 =	vld [tilespmem:$0x0]  }
0x8d: {  	_ =	swait.ge [sflag:s0], $0x2000  }
0x8e: {  	[sflag:s0] =	ssyncset.done $0x0  }
.Ltmp1:
0x8f: {  	s9 =	sadd.s32 $0x400, s8;
	[sflag:s0] =	ssyncadd.s32 $0xFFFFE000;
	(pc) =	sbr.rel @p1 .LBB2_4-.Ltmp1, $4  }
0x90: {  	[tilespmem:s24], [sflag:$0x4] =	stream.indirect.gather [hbm4b:s6+s18], $0x40, s9, s18, $0xb8;
	v63 =	vld [tilespmem:$0x0]  }
0x91: {  	_ =	swait.ge [sflag:s4], $0x2000  }
0x92: {  	[sflag:s4] =	ssyncset.done $0x0  }
0x93: {  	s8 =	sadd.s32 $0x480, s8;
	[sflag:s4] =	ssyncadd.s32 $0xFFFFE000  }
0x94: {  	[tilespmem:s28], [sflag:$0x5] =	stream.indirect.gather [hbm4b:s6+s18], $0x40, s8, s18, $0xb8;
	v63 =	vld [tilespmem:$0x0]  }
0x95: {  	_ =	swait.ge [sflag:s29], $0x2000  }
0x96: {  	[sflag:s29] =	ssyncset.done $0x0  }
0x97: {  	s7 =	simm.s32 $0x9D80;
	[sflag:s29] =	ssyncadd.s32 $0xFFFFE000  }
0x98: {  	[spmem:s2] =	stream.indirect.scatter.add.f32 [tilespmem:s19], [sflag:$0x6], $0x40, s7, s18, $0xb8;
	v63 =	vld [tilespmem:$0x0]  }
0x99: {  	_ =	swait.ge [sflag:s30], $0x2000  }
0x9a: {  	[sflag:s30] =	ssyncset.done $0x0  }
0x9b: {  	s10 =	simm.s32 $0x9E00;
	[sflag:s30] =	ssyncadd.s32 $0xFFFFE000  }
0x9c: {  	[spmem:s2] =	stream.indirect.scatter.add.f32 [tilespmem:s20], [sflag:$0x7], $0x40, s10, s18, $0xb8;
	v63 =	vld [tilespmem:$0x0]  }
0x9d: {  	_ =	swait.ge [sflag:s31], $0x2000  }
0x9e: {  	[sflag:s31] =	ssyncset.done $0x0  }
0x9f: {  	s8 =	simm.s32 $0x9E80;
	[sflag:s31] =	ssyncadd.s32 $0xFFFFE000  }
0xa0: {  	[spmem:s2] =	stream.indirect.scatter.add.f32 [tilespmem:s22], [sflag:$0x8], $0x40, s8, s18, $0xb8;
	v63 =	vld [tilespmem:$0x0]  }
0xa1: {  	_ =	swait.ge [sflag:s1], $0x2000  }
0xa2: {  	[sflag:s1] =	ssyncset.done $0x0  }
0xa3: {  	s9 =	simm.s32 $0x9F00;
	[sflag:s1] =	ssyncadd.s32 $0xFFFFE000  }
0xa4: {  	[spmem:s2] =	stream.indirect.scatter.add.f32 [tilespmem:s24], [sflag:$0x9], $0x40, s9, s18, $0xb8;
	v63 =	vld [tilespmem:$0x0]  }
0xa5: {  	_ =	swait.ge [sflag:s12], $0x2000  }
0xa6: {  	[sflag:s12] =	ssyncset.done $0x0  }
0xa7: {  	s10 =	simm.s32 $0x9F80;
	[sflag:s12] =	ssyncadd.s32 $0xFFFFE000  }
0xa8: {  	[spmem:s2] =	stream.indirect.scatter.add.f32 [tilespmem:s28], [sflag:$0xA], $0x40, s10, s18, $0xb8;
	v63 =	vld [tilespmem:$0x0]  }
0xa9: {  	_ =	swait.ge [sflag:s21], $0x2000  }
0xaa: {  	[sflag:s21] =	ssyncset.done $0x0  }
0xab: {  	[sflag:s21] =	ssyncadd.s32 $0xFFFFE000  }
0xac: {  	_ =	swait.ge [sflag:s23], $0x2000  }
0xad: {  	[sflag:s23] =	ssyncset.done $0x0  }
0xae: {  	[sflag:s23] =	ssyncadd.s32 $0xFFFFE000  }
0xaf: {  	_ =	swait.ge [sflag:s26], $0x2000  }
0xb0: {  	[sflag:s26] =	ssyncset.done $0x0  }
0xb1: {  	[sflag:s26] =	ssyncadd.s32 $0xFFFFE000  }
0xb2: {  	_ =	swait.ge [sflag:s0], $0x2000  }
0xb3: {  	[sflag:s0] =	ssyncset.done $0x0  }
0xb4: {  	[sflag:s0] =	ssyncadd.s32 $0xFFFFE000  }
0xb5: {  	_ =	swait.ge [sflag:s4], $0x2000  }
0xb6: {  	[sflag:s4] =	ssyncset.done $0x0  }
0xb7: {  	s8 =	stileid.u32;
	[sflag:s4] =	ssyncadd.s32 $0xFFFFE000  }
0xb8: {  	s7 =	sshll.u32 s8, $0x6;
	[bflag:$0x0] =	sbarrier.arrive $0xFFFF  }
0xb9: {  	s7 =	sor.u32 $0x1C0B, s7;
	s9 =	rddreg [dreg:$0x8]  }
0xba: {  	[hbm:s9], [sflag:s7] =	dma.local [spmem:s25], $0x1400  }
0xbb: {  	_ =	swait.ge [sflag:s11], $0x1400  }
0xbc: {  	s5 =	sadd.s32 $0x1, s5;
	s10 =	rddreg [dreg:$0x9]  }
0xbd: {  	p1 =	sne.s32 s5, s10  }
.Ltmp2:
0xbe: {  	_ = 	snop;
	(pc) =	sbr.rel @p1 .LBB2_1-.Ltmp2, $3  }
0xbf: {  	_ =	sdelay $0x1  }
0xc0: {  	[sflag:s11] =	ssyncset.done $0x0  }
0xc1: {  	[sflag:s11] =	ssyncadd.s32 $0xFFFFEC00  }
0xc2: {  	_ =	sfence.sel $0x180000  }
0xc3: {  	[bflag:$0x0] =	sbarrier.arrive $0xFFFF  }
0xc4: {  	_ =	strace $0x9000004A  }
0xc5: {  	s0 =	stileid.u32;
	[bflag:$0x2] =	sbarrier.arrive $0xFFFF  }
0xc6: {  	p0 =	sne.s32 s0, $0x0;
	s0 =	rddreg [dreg:$0x3]  }
0xc7: {  	s0 =	sadd.s32 @!p0 $0x100000, s0  }
0xc8: {  	[sflag:s0] =	ssyncadd.tile.s32 @!p0 $0x1;
	_ =	shalt  }
.Lfunc_end2:
_tile_overlayer_lowered:
.L_overlay_start_2:
0xc9: {  	(tag) =	ssettag $0x2  }
0xca: {  	s0 =	rddreg [dreg:$0x0];
	s2 =	stileid.u32  }
0xcb: {  	s1 =	rddreg [dreg:$0x1];
	p0 =	sne.s32 s2, $0x0  }
0xcc: {  	s3 =	rddreg [dreg:$0x2];
	[bflag:$0x3] =	sbarrier.arrive $0xFFFF;
	s2 =	simm.s32 @!p0 $0x1C0B  }
0xcd: {  	[timem:s3], [sflag:s2] =	dma.local @!p0 [hbm:s0], s1  }
0xce: {  	s0 =	simm.s32 @!p0 $0xB  }
0xcf: {  	_ =	swait.ge @!p0 [sflag:s0], s1  }
0xd0: {  	s1 =	ssub.s32 @!p0 $0x0, s1;
	[sflag:s0] =	ssyncset.done @!p0 $0x0  }
0xd1: {  	[sflag:s0] =	ssyncadd.s32 @!p0 s1  }
0xd2: {  	[bflag:$0x3] =	sbarrier.arrive $0xFFFF  }
0xd3: {  	_ =	shalt  }

// kernel: kernel.17.cloned.1.call-start
scs
__scs_entry_jumppad:
0x0: {  	(pc) =	sbr.rel $0x88, $3  }
0x1: {  	(tag) =	ssettag $0x0;
	lr =	simm.s32 $0x1  }
0x2: {  	[smem:$0x3F8F] =	sst lr;
	_ =	strace $0xD0000000  }
0x3: {  	_ = 	snop  }
0x4: {  	_ = 	snop  }
0x5: {  	_ = 	snop  }
0x6: {  	_ = 	snop  }
0x7: {  	_ = 	snop  }
__scs_overlays_trampoline_lowered:
0x8: {  	[smem:$0x3F9E] =	sst s0  }
0x9: {  	[smem:$0x3F9F] =	sst s1  }
0xa: {  	[smem:$0x3FA0] =	sst s2  }
0xb: {  	[smem:$0x3FA1] =	sst s3  }
0xc: {  	[smem:$0x3FA2] =	sst s4  }
0xd: {  	[smem:$0x3FA3] =	sst s5  }
0xe: {  	[smem:$0x3FA4] =	sst s6  }
0xf: {  	[smem:$0x3FA5] =	sst s7  }
0x10: {  	[smem:$0x3FA6] =	sst s8  }
0x11: {  	[smem:$0x3FA7] =	sst s9;
	s0 =	simm.s32 @!p0 $0x0  }
0x12: {  	s1 =	sld [smem:$0x3F8D];
	s0 =	simm.s32 @p0 $0x1  }
0x13: {  	[smem:$0x3FA8] =	sst s0;
	s0 =	simm.s32 @!p1 $0x0  }
0x14: {  	s2 =	sld [smem:$0x3F8C];
	s0 =	simm.s32 @p1 $0x1  }
0x15: {  	[smem:$0x3FA9] =	sst s0;
	s0 =	simm.s32 @!p2 $0x0  }
0x16: {  	s3 =	sld [smem:$0x3FDB];
	s0 =	simm.s32 @p2 $0x1  }
0x17: {  	s4 =	simm.s32 $0x1BF5;
	[smem:$0x3FAB] =	sst s0  }
0x18: {  	s0 =	sld [smem:$0x3F8E];
	_ =	swait.ge [sflag:s4], $0x0  }
0x19: {  	s7 =	sld [smem:$0x3F8F]  }
0x1a: {  	s8 =	sadd.s32 $0xFFFFE003, lr  }
0x1b: {  	s9 =	sadd.s32 $0xFFFFFEF7, lr;
	s5 =	simm.s32 $0xFFFFFFFF;
	p2 =	slt.u32 s8, $0xFFFFF086  }
0x1c: {  	p1 =	slt.u32 s9, $0xF7A;
	s5 =	simm.s32 @!p2 $0x0  }
0x1d: {  	s5 =	simm.s32 @p1 $0x1;
	p0 =	seq.s32 s7, s2  }
0x1e: {  	s7 =	smul.u32 @!p0 $0xF7A, s2;
	p2 =	seq.s32 @!p0 s5, $0x0  }
0x1f: {  	s9 =	smul.u32 $0xF7A, s1;
	s8 =	simm.s32 @!p0 $0x1BF5;
	p2 =	por !p2, p0  }
0x20: {  	[sflag:s8] =	ssyncset.s32 @!p0 $0xFFFFF086;
	s6 =	sadd.s32 @!p0 s3, s7;
	s7 =	simm.s32 @!p0 $0x108  }
0x21: {  	s3 =	sadd.s32 s3, s9;
	s6 =	sadd.s32 @!p0 $0x88, s6;
	s7 =	simm.s32 @p2 $0x1082  }
0x22: {  	[simem:s7], [sflag:s8] =	dma.local @!p0 [hbm:s6], $0xF7A  }
0x23: {  	s9 =	sor.u32 $0xD0000000, s2;
	s6 =	simm.s32 $0x108;
	_ =	swait.ge @!p0 [sflag:s8], $0x0  }
0x24: {  	s3 =	sadd.s32 $0x88, s3;
	s6 =	simm.s32 @!p1 $0x1082;
	[sflag:s4] =	ssyncset.s32 $0xFFFFF086  }
0x25: {  	[simem:s6], [sflag:s4] =	dma.local [hbm:s3], $0xF7A  }
0x26: {  	[smem:$0x3F8F] =	sst s1;
	(tag) =	ssettag s2;
	_ =	strace s9  }
0x27: {  	s1 =	sld [smem:$0x3F9F]  }
0x28: {  	s2 =	sld [smem:$0x3FA0]  }
0x29: {  	s4 =	sld [smem:$0x3FA2]  }
0x2a: {  	p0 =	seq.s32 s5, $0x0;
	s5 =	sld [smem:$0x3FA3]  }
0x2b: {  	s6 =	sld [smem:$0x3FA4]  }
0x2c: {  	s7 =	sld [smem:$0x3FA5]  }
0x2d: {  	s3 =	simm.s32 $0x108;
	s8 =	sld [smem:$0x3FA6]  }
0x2e: {  	s3 =	simm.s32 @!p0 $0x1082;
	s9 =	sld [smem:$0x3FA7]  }
0x2f: {  	lr =	sadd.s32 s0, s3;
	s0 =	sld [smem:$0x3F9E]  }
0x30: {  	s3 =	sld [smem:$0x3FA1]  }
0x31: {  	[smem:$0x3FAA] =	sst s10  }
0x32: {  	s10 =	sld [smem:$0x3FA8];
	_ =	sdelay $0x3  }
0x33: {  	p0 =	seq.s32 s10, $0x1;
	s10 =	sld [smem:$0x3FAA];
	_ =	sdelay $0x3  }
0x34: {  	[smem:$0x3FAA] =	sst s10  }
0x35: {  	s10 =	sld [smem:$0x3FA9];
	_ =	sdelay $0x3  }
0x36: {  	p1 =	seq.s32 s10, $0x1;
	s10 =	sld [smem:$0x3FAA];
	_ =	sdelay $0x3  }
0x37: {  	[smem:$0x3FAA] =	sst s10  }
0x38: {  	s10 =	sld [smem:$0x3FAB]  }
0x39: {  	_ = 	snop;
	(pc) =	sbr.ind lr, $3  }
0x3a: {  	_ = 	snop  }
0x3b: {  	_ = 	snop  }
0x3c: {  	p2 =	seq.s32 s10, $0x1;
	s10 =	sld [smem:$0x3FAA]  }
0x3d: {  	_ =	shalt  }
0x3e: {  	_ =	shalt  }
0x3f: {  	_ =	shalt  }
0x40: {  	_ =	shalt  }
0x41: {  	_ =	shalt  }
0x42: {  	_ =	shalt  }
0x43: {  	_ =	shalt  }
0x44: {  	_ =	shalt  }
0x45: {  	_ =	shalt  }
0x46: {  	_ =	shalt  }
0x47: {  	_ =	shalt  }
0x48: {  	_ =	shalt  }
0x49: {  	_ =	shalt  }
0x4a: {  	_ =	shalt  }
0x4b: {  	_ =	shalt  }
0x4c: {  	_ =	shalt  }
0x4d: {  	_ =	shalt  }
0x4e: {  	_ =	shalt  }
0x4f: {  	_ =	shalt  }
0x50: {  	_ =	shalt  }
0x51: {  	_ =	shalt  }
0x52: {  	_ =	shalt  }
0x53: {  	_ =	shalt  }
0x54: {  	_ =	shalt  }
0x55: {  	_ =	shalt  }
0x56: {  	_ =	shalt  }
0x57: {  	_ =	shalt  }
0x58: {  	_ =	shalt  }
0x59: {  	_ =	shalt  }
0x5a: {  	_ =	shalt  }
0x5b: {  	_ =	shalt  }
0x5c: {  	_ =	shalt  }
0x5d: {  	_ =	shalt  }
0x5e: {  	_ =	shalt  }
0x5f: {  	_ =	shalt  }
0x60: {  	_ =	shalt  }
0x61: {  	_ =	shalt  }
0x62: {  	_ =	shalt  }
0x63: {  	_ =	shalt  }
0x64: {  	_ =	shalt  }
0x65: {  	_ =	shalt  }
0x66: {  	_ =	shalt  }
0x67: {  	_ =	shalt  }
0x68: {  	_ =	shalt  }
0x69: {  	_ =	shalt  }
0x6a: {  	_ =	shalt  }
0x6b: {  	_ =	shalt  }
0x6c: {  	_ =	shalt  }
0x6d: {  	_ =	shalt  }
0x6e: {  	_ =	shalt  }
0x6f: {  	_ =	shalt  }
0x70: {  	_ =	shalt  }
0x71: {  	_ =	shalt  }
0x72: {  	_ =	shalt  }
0x73: {  	_ =	shalt  }
0x74: {  	_ =	shalt  }
0x75: {  	_ =	shalt  }
0x76: {  	_ =	shalt  }
0x77: {  	_ =	shalt  }
0x78: {  	_ =	shalt  }
0x79: {  	_ =	shalt  }
0x7a: {  	_ =	shalt  }
0x7b: {  	_ =	shalt  }
0x7c: {  	_ =	shalt  }
0x7d: {  	_ =	shalt  }
0x7e: {  	_ =	shalt  }
0x7f: {  	_ =	shalt  }
0x80: {  	_ =	shalt  }
0x81: {  	_ =	shalt  }
0x82: {  	_ =	shalt  }
0x83: {  	_ =	shalt  }
0x84: {  	_ =	shalt  }
0x85: {  	_ =	shalt  }
0x86: {  	_ =	shalt  }
0x87: {  	_ =	shalt  }
.Lfunc_end0:
.L_simem_size_0:
called_computation.2_lowered:
.L_overlay_start_0:
0x88: {  	s2 =	sld [smem:$0x3FD9]  }
0x89: {  	s3 =	sld [smem:$0x3FFE];
	_ =	sdelay $0x1  }
0x8a: {  	s1 =	srdreg.scid  }
0x8b: {  	s0 =	sand.u32 $0x1, s1  }
0x8c: {  	s17 =	sshll.u32 s0, $0xA;
	s2 =	sadd.s32 s3, s2  }
0x8d: {  	s2 =	sadd.s32 s2, s17  }
0x8e: {  	[smem:$0x3FB6] =	sst s2  }
0x8f: {  	_ = 	snop  }
0x90: {  	s2 =	sld [smem:$0x3FD0];
	(tm) =	ssettm $0x1  }
0x91: {  	s18 =	sld [smem:$0x3FFB];
	_ =	sdelay $0x3  }
0x92: {  	_ =	strace s18  }
0x93: {  	s3 =	sld [smem:$0x3FFC];
	_ =	sdelay $0x3  }
0x94: {  	_ =	strace s3  }
0x95: {  	s3 =	sld [smem:$0x3FFD];
	_ =	sdelay $0x3  }
0x96: {  	_ =	strace s3  }
0x97: {  	_ =	strace $0x8FFFFFFF  }
0x98: {  	s19 =	sld [smem:$0x3FDB];
	_ =	sdelay $0x1  }
0x99: {  	s4 =	simm.s32 $_scs_section_size  }
0x9a: {  	s5 =	simm.s32 $_size__tile_overlayer_lowered;
	s6 =	simm.s32 $_tile_overlayer_lowered  }
0x9b: {  	s22 =	simm.s32 $0x1BFF;
	s21 =	sshll.u32 s6, $0x1;
	s3 =	sadd.s32 s4, s19  }
0x9c: {  	s7 =	simm.s32 $0x0;
	s20 =	sshll.u32 s5, $0x1;
	s5 =	sadd.s32 s21, s3  }
0x9d: {  	[timem:s7], [sflag:s22] =	dma.local [hbm:s5], s20  }
0x9e: {  	_ =	swait.ge [sflag:s22], s20  }
0x9f: {  	s4 =	ssub.s32 $0x0, s20;
	[sflag:s22] =	ssyncset.done $0x0  }
0xa0: {  	[sflag:s22] =	ssyncadd.s32 s4;
	_ =	sdelay $0x1  }
0xa1: {  	s23 =	simm.s32 $0x1B8B  }
0xa2: {  	_ =	swait.ge [sflag:s23], $0x1  }
0xa3: {  	[sflag:s23] =	ssyncset.done $0x0  }
0xa4: {  	s25 =	simm.s32 $0x1B8E;
	s24 =	sld [smem:$0x3FFE];
	[sflag:s23] =	ssyncadd.s32 $0xFFFFFFFF  }
0xa5: {  	s26 =	simm.s32 $execute0_lowered;
	[smem:$0x3FD2] =	sst s25  }
0xa6: {  	s5 =	sshll.u32 s26, $0x1;
	_ =	strace $0x8000004C;
	[dreg:$0x1] =	wrdreg $0xFFFFFFFF  }
0xa7: {  	s28 =	simm.s32 $_size_execute0_lowered;
	s3 =	sadd.s32 s3, s5;
	[dreg:$0x0] =	wrdreg $0x0  }
0xa8: {  	s5 =	sshll.u32 s28, $0x1;
	[dreg:$0x2] =	wrdreg s3  }
0xa9: {  	[dreg:$0x3] =	wrdreg s5  }
0xaa: {  	[dreg:$0x4] =	wrdreg $0xC0  }
0xab: {  	_ =	task [dreg:s7], $0x5FFFF  }
0xac: {  	[dreg:$0x1] =	wrdreg $0xFFFFFFFF  }
0xad: {  	[dreg:$0x0] =	wrdreg $0x60  }
0xae: {  	[dreg:$0x2] =	wrdreg s24  }
0xaf: {  	[dreg:$0x3] =	wrdreg s2  }
0xb0: {  	[dreg:$0x4] =	wrdreg $0x160000  }
0xb1: {  	[dreg:$0x5] =	wrdreg $0x9  }
0xb2: {  	_ =	task.clear_ibuf [dreg:s7], $0x6FFFF;
	_ =	strace $0x9000004C  }
0xb3: {  	s29 =	simm.s32 $0x9;
	_ =	strace $0x8000004E  }
0xb4: {  	_ =	swait.ge [sflag:s29], $0x1  }
0xb5: {  	[sflag:s29] =	ssyncadd.s32 $0xFFFFFFFF  }
0xb6: {  	_ =	strace $0x9000004E  }
0xb7: {  	_ =	sfence  }
0xb8: {  	s30 =	sld [smem:$0x0];
	_ =	sdelay $0x2  }
0xb9: {  	s31 =	sshll.u32 s1, $0xD;
	s1 =	sshrl.u32 s1, $0x2  }
0xba: {  	s3 =	sand.u32 $0x4000, s31;
	s1 =	sadd.s32 s1, s30  }
0xbb: {  	s0 =	sor.u32 s3, s0;
	s1 =	sshll.u32 s1, $0x11  }
0xbc: {  	s0 =	sor.u32 s1, s0  }
0xbd: {  	s0 =	sadd.s32 $0x8F2B, s0  }
0xbe: {  	[sflag:s0] =	ssyncadd.remote.s32 $0x1  }
0xbf: {  	_ =	sfence.sel $0xFFFF  }
0xc0: {  	[dreg:$0x0] =	wrdreg $0xFFFFFFFF;
	(pc) =	sbr.abs _section_cstart, $3  }
0xc1: {  	[dreg:$0x1] =	wrdreg $0xFFFFFFFF  }
0xc2: {  	_ =	task.clear_ibuf [dreg:s7], $0x2FFFF;
	_ =	strace $0x9FFFFFFF  }
0xc3: {  	(tm) =	ssettm $0x7FFFFFFF  }
tec
execute0_lowered:
.L_overlay_start_1:
0x0: {  	(tag) =	ssettag $0x1  }
0x1: {  	s0 =	rddreg [dreg:$0x0]  }
0x2: {  	s1 =	rddreg [dreg:$0x1];
	s10 =	stileid.u32  }
0x3: {  	s3 =	srdreg.scid;
	s2 =	rddreg [dreg:$0x2]  }
0x4: {  	s11 =	simm.s32 $0xB;
	s18 =	simm.s32 $0x80;
	s19 =	simm.s32 $0xA000  }
0x5: {  	s28 =	simm.s32 $0x12000;
	s29 =	simm.s32 $0x1;
	s4 =	smul.u32 $0xA00, s10  }
0x6: {  	s30 =	simm.s32 $0x2;
	s31 =	simm.s32 $0x3;
	s7 =	smul.u32 $0x1400, s10  }
0x7: {  	s12 =	simm.s32 $0x5;
	s5 =	sand.u32 $0x1, s3;
	s9 =	smul.u32 $0xA000, s10  }
0x8: {  	s3 =	simm.s32 $0x0;
	s22 =	smul.u32 $0x28000, s10;
	s23 =	sadd.s32 $0x9C400, s2  }
0x9: {  	s24 =	sadd.s32 $0x9E400, s2;
	p0 =	seq.s32 s10, $0xF;
	s6 =	smul.u32 $0x14000, s5  }
0xa: {  	[smem:$0x7FF] =	sst s3;
	s8 =	ssub.s32 $0x2, s5;
	s5 =	smul.u32 $0x13880, s5  }
0xb: {  	_ =	strace $0x8000004D;
	s4 =	sadd.s32 s4, s0;
	[dreg:$0x6] =	wrdreg s23  }
0xc: {  	s20 =	sshrl.u32 s8, $0x1;
	[dreg:$0x7] =	wrdreg s24;
	s24 =	simm.s32 $0x10000  }
0xd: {  	s23 =	simm.s32 $0x7;
	s6 =	sadd.s32 s7, s6;
	s7 =	ssub.s32 s8, s20  }
0xe: {  	s21 =	sadd.s32 $0x3800, s4;
	s4 =	sadd.s32 $0xD800, s4;
	s8 =	sadd.s32 s9, s2  }
0xf: {  	s20 =	simm.s32 $0xC000;
	s0 =	sadd.s32 s6, s0;
	[dreg:$0x4] =	wrdreg s21  }
0x10: {  	[dreg:$0x5] =	wrdreg s4;
	s6 =	sadd.s32 s1, s5;
	s1 =	sshrl.u32 s9, $0x3  }
0x11: {  	s5 =	sadd.s32 $0x96000, s2;
	s4 =	sshrl.u32 s22, $0x2;
	s26 =	smax.u32 s7, $0x1  }
0x12: {  	s17 =	sshrl.u32 @!p0 s8, $0x3;
	s22 =	simm.s32 $0xE000;
	s21 =	simm.s32 $0x6  }
0x13: {  	s0 =	sadd.s32 $0x17800, s0;
	s25 =	sadd.s32 s4, s2;
	[dreg:$0x9] =	wrdreg s26  }
0x14: {  	s13 =	sadd.s32 @p0 $0x12C00, s6;
	s4 =	sshll.u32 @!p0 s10, $0x6;
	s14 =	sshrl.u32 @p0 s5, $0x3  }
0x15: {  	s15 =	sadd.s32 @!p0 s1, s6;
	s1 =	simm.s32 $0x4;
	s26 =	simm.s32 $0x8  }
0x16: {  	s5 =	simm.s32 $0x0;
	[dreg:$0x8] =	wrdreg s0;
	s16 =	sor.u32 @!p0 $0x1C0B, s4  }
0x17: {  	v0 =	vimm.f32 $0.0e+00;
	s25 =	sshrl.u32 s25, $0x3;
	s0 =	simm.s32 $0x9;
	s4 =	simm.s32 $0xA  }
.LBB2_1:
0x18: {  	s7 =	rddreg [dreg:$0x4]  }
0x19: {  	[tilespmem:s3], [sflag:$0xB] =	stream.linear.gather [hbm4b:s7+s3], $0x5000, $0x38;
	v63 =	vld [tilespmem:$0x0]  }
0x1a: {  	_ =	swait.ge [sflag:s11], $0x5000  }
0x1b: {  	s8 =	simm.s32 $0x5000;
	[sflag:s11] =	ssyncset.done $0x0  }
0x1c: {  	s9 =	sand.u32 $0x7F00, s3;
	s10 =	rddreg [dreg:$0x5];
	[sflag:s11] =	ssyncadd.s32 $0xFFFFB000  }
0x1d: {  	[tilespmem:s8], [sflag:$0xB] =	stream.linear.gather [hbm4b:s10+s3], $0x5000, $0x38;
	v63 =	vld [tilespmem:$0x0]  }
0x1e: {  	s9 =	sshrl.u32 s9, $0x2;
	_ =	swait.ge [sflag:s11], $0x5000  }
0x1f: {  	s7 =	simm.s32 $0x40;
	s10 =	sand.u32 $0x30, s3;
	[sflag:s11] =	ssyncset.done $0x0  }
0x20: {  	s8 =	simm.s32 $0x0;
	s9 =	sor.u32 s10, s9;
	[sflag:s11] =	ssyncadd.s32 $0xFFFFB000  }
.LBB2_2:
0x21: {  	p1 =	sne.s32 s7, $0x7FC0  }
0x22: {  	[tilespmem:s9+$0x14000] =	vst v0;
	s8 =	sadd.s32 $0x10, s8;
	s9 =	smov.u32 s7;
	s7 =	sadd.s32 $0x40, s7  }
.Ltmp0:
0x23: {  	(pc) =	sbr.rel @p1 .LBB2_2-.Ltmp0, $4  }
0x24: {  	_ = 	snop  }
0x25: {  	s9 =	sand.u32 $0x7F00, s9  }
0x26: {  	s10 =	sand.u32 $0x30, s8;
	s9 =	sshrl.u32 s9, $0x2  }
0x27: {  	s9 =	sor.u32 s10, s9  }
0x28: {  	[tilespmem:s9+$0x14000] =	vst v0;
	s7 =	simm.s32 @p0 $0x1FCB  }
0x29: {  	[spmem:s14], [sflag:s7] =	dma.local @p0 [hbm:s13], $0xC80  }
0x2a: {  	s7 =	simm.s32 @p0 $0xB  }
0x2b: {  	_ =	swait.ge @p0 [sflag:s7], $0xC80  }
0x2c: {  	[sflag:s7] =	ssyncset.done @p0 $0x0  }
0x2d: {  	s8 =	simm.s32 @p0 $0x14000;
	s9 =	rddreg [dreg:$0x6];
	[sflag:s7] =	ssyncadd.s32 @p0 $0xFFFFF380  }
0x2e: {  	[spmem:s9] =	stream.linear.scatter @p0 [tilespmem:s8], [sflag:$0xB], $0x2000, $0x38;
	v63 =	vld [tilespmem:$0x0]  }
0x2f: {  	_ =	swait.ge @p0 [sflag:s7], $0x2000  }
0x30: {  	[sflag:s7] =	ssyncset.done @p0 $0x0  }
0x31: {  	s9 =	rddreg [dreg:$0x7];
	[sflag:s7] =	ssyncadd.s32 @p0 $0xFFFFE000  }
0x32: {  	[spmem:s9] =	stream.linear.scatter @p0 [tilespmem:s8], [sflag:$0xB], $0x1C00, $0x38;
	v63 =	vld [tilespmem:$0x0]  }
0x33: {  	_ =	swait.ge @p0 [sflag:s7], $0x1C00  }
0x34: {  	[sflag:s7] =	ssyncset.done @p0 $0x0  }
0x35: {  	[sflag:s7] =	ssyncadd.s32 @p0 $0xFFFFE400;
	s7 =	simm.s32 @!p0 $0xB  }
0x36: {  	[spmem:s17], [sflag:s16] =	dma.local @!p0 [hbm:s15], $0x1400  }
0x37: {  	_ =	swait.ge @!p0 [sflag:s7], $0x1400  }
0x38: {  	[sflag:s7] =	ssyncset.done @!p0 $0x0  }
0x39: {  	[sflag:s7] =	ssyncadd.s32 @!p0 $0xFFFFEC00  }
0x3a: {  	s10 =	simm.s32 $0x0;
	[bflag:$0x0] =	sbarrier.arrive $0xFFFF  }
0x3b: {  	[tilespmem:s19], [sflag:$0x1] =	stream.indirect.gather [hbm4b:s6+s18], $0x40, s10, s18, $0xb8;
	v63 =	vld [tilespmem:$0x0]  }
0x3c: {  	_ = 	snop  }
0x3d: {  	[tilespmem:s20], [sflag:$0x2] =	stream.indirect.gather [hbm4b:s6+s18], $0x40, s18, s18, $0xb8;
	v63 =	vld [tilespmem:$0x0]  }
0x3e: {  	s8 =	simm.s32 $0x100  }
0x3f: {  	[tilespmem:s22], [sflag:$0x3] =	stream.indirect.gather [hbm4b:s6+s18], $0x40, s8, s18, $0xb8;
	v63 =	vld [tilespmem:$0x0]  }
0x40: {  	s9 =	simm.s32 $0x180  }
0x41: {  	[tilespmem:s24], [sflag:$0x4] =	stream.indirect.gather [hbm4b:s6+s18], $0x40, s9, s18, $0xb8;
	v63 =	vld [tilespmem:$0x0]  }
0x42: {  	s10 =	simm.s32 $0x200  }
0x43: {  	[tilespmem:s28], [sflag:$0x5] =	stream.indirect.gather [hbm4b:s6+s18], $0x40, s10, s18, $0xb8;
	v63 =	vld [tilespmem:$0x0]  }
0x44: {  	_ =	swait.ge [sflag:s29], $0x2000  }
0x45: {  	[sflag:s29] =	ssyncset.done $0x0  }
0x46: {  	s8 =	simm.s32 $0x5000;
	[sflag:s29] =	ssyncadd.s32 $0xFFFFE000  }
0x47: {  	[spmem:s2] =	stream.indirect.scatter.add.f32 [tilespmem:s19], [sflag:$0x6], $0x40, s8, s18, $0xb8;
	v63 =	vld [tilespmem:$0x0]  }
0x48: {  	_ =	swait.ge [sflag:s30], $0x2000  }
0x49: {  	[sflag:s30] =	ssyncset.done $0x0  }
0x4a: {  	s9 =	simm.s32 $0x5080;
	[sflag:s30] =	ssyncadd.s32 $0xFFFFE000  }
0x4b: {  	[spmem:s2] =	stream.indirect.scatter.add.f32 [tilespmem:s20], [sflag:$0x7], $0x40, s9, s18, $0xb8;
	v63 =	vld [tilespmem:$0x0]  }
0x4c: {  	_ =	swait.ge [sflag:s31], $0x2000  }
0x4d: {  	[sflag:s31] =	ssyncset.done $0x0  }
0x4e: {  	s10 =	simm.s32 $0x5100;
	[sflag:s31] =	ssyncadd.s32 $0xFFFFE000  }
0x4f: {  	[spmem:s2] =	stream.indirect.scatter.add.f32 [tilespmem:s22], [sflag:$0x8], $0x40, s10, s18, $0xb8;
	v63 =	vld [tilespmem:$0x0]  }
0x50: {  	_ =	swait.ge [sflag:s1], $0x2000  }
0x51: {  	[sflag:s1] =	ssyncset.done $0x0  }
0x52: {  	s8 =	simm.s32 $0x5180;
	[sflag:s1] =	ssyncadd.s32 $0xFFFFE000  }
0x53: {  	[spmem:s2] =	stream.indirect.scatter.add.f32 [tilespmem:s24], [sflag:$0x9], $0x40, s8, s18, $0xb8;
	v63 =	vld [tilespmem:$0x0]  }
0x54: {  	_ =	swait.ge [sflag:s12], $0x2000  }
0x55: {  	[sflag:s12] =	ssyncset.done $0x0  }
0x56: {  	s9 =	simm.s32 $0x5200;
	[sflag:s12] =	ssyncadd.s32 $0xFFFFE000  }
0x57: {  	[spmem:s2] =	stream.indirect.scatter.add.f32 [tilespmem:s28], [sflag:$0xA], $0x40, s9, s18, $0xb8;
	v63 =	vld [tilespmem:$0x0]  }
0x58: {  	_ =	swait.ge [sflag:s21], $0x2000  }
0x59: {  	[sflag:s21] =	ssyncset.done $0x0  }
0x5a: {  	s10 =	simm.s32 $0x280;
	[sflag:s21] =	ssyncadd.s32 $0xFFFFE000  }
0x5b: {  	[tilespmem:s19], [sflag:$0x1] =	stream.indirect.gather [hbm4b:s6+s18], $0x40, s10, s18, $0xb8;
	v63 =	vld [tilespmem:$0x0]  }
0x5c: {  	_ =	swait.ge [sflag:s23], $0x2000  }
0x5d: {  	[sflag:s23] =	ssyncset.done $0x0  }
0x5e: {  	s8 =	simm.s32 $0x300;
	[sflag:s23] =	ssyncadd.s32 $0xFFFFE000  }
0x5f: {  	[tilespmem:s20], [sflag:$0x2] =	stream.indirect.gather [hbm4b:s6+s18], $0x40, s8, s18, $0xb8;
	v63 =	vld [tilespmem:$0x0]  }
0x60: {  	_ =	swait.ge [sflag:s26], $0x2000  }
0x61: {  	[sflag:s26] =	ssyncset.done $0x0  }
0x62: {  	s9 =	simm.s32 $0x380;
	[sflag:s26] =	ssyncadd.s32 $0xFFFFE000  }
0x63: {  	[tilespmem:s22], [sflag:$0x3] =	stream.indirect.gather [hbm4b:s6+s18], $0x40, s9, s18, $0xb8;
	v63 =	vld [tilespmem:$0x0]  }
0x64: {  	_ =	swait.ge [sflag:s0], $0x2000  }
0x65: {  	[sflag:s0] =	ssyncset.done $0x0  }
0x66: {  	s10 =	simm.s32 $0x400;
	[sflag:s0] =	ssyncadd.s32 $0xFFFFE000  }
0x67: {  	[tilespmem:s24], [sflag:$0x4] =	stream.indirect.gather [hbm4b:s6+s18], $0x40, s10, s18, $0xb8;
	v63 =	vld [tilespmem:$0x0]  }
0x68: {  	_ =	swait.ge [sflag:s4], $0x2000  }
0x69: {  	[sflag:s4] =	ssyncset.done $0x0  }
0x6a: {  	s7 =	simm.s32 $0xA00;
	s8 =	simm.s32 $0x480;
	[sflag:s4] =	ssyncadd.s32 $0xFFFFE000  }
.LBB2_4:
0x6b: {  	[tilespmem:s28], [sflag:$0x5] =	stream.indirect.gather [hbm4b:s6+s18], $0x40, s8, s18, $0xb8;
	v63 =	vld [tilespmem:$0x0]  }
0x6c: {  	s8 =	smov.u32 s7  }
0x6d: {  	p1 =	sne.s32 s7, $0x12C00;
	s7 =	sadd.s32 $0xA00, s7;
	_ =	swait.ge [sflag:s29], $0x2000  }
0x6e: {  	s8 =	sshra.s32 s8, $0x2;
	[sflag:s29] =	ssyncset.done $0x0  }
0x6f: {  	s9 =	sadd.s32 $0x5000, s8;
	[sflag:s29] =	ssyncadd.s32 $0xFFFFE000  }
0x70: {  	[spmem:s2] =	stream.indirect.scatter.add.f32 [tilespmem:s19], [sflag:$0x6], $0x40, s9, s18, $0xb8;
	v63 =	vld [tilespmem:$0x0]  }
0x71: {  	_ =	swait.ge [sflag:s30], $0x2000  }
0x72: {  	[sflag:s30] =	ssyncset.done $0x0  }
0x73: {  	s9 =	sadd.s32 $0x5080, s8;
	[sflag:s30] =	ssyncadd.s32 $0xFFFFE000  }
0x74: {  	[spmem:s2] =	stream.indirect.scatter.add.f32 [tilespmem:s20], [sflag:$0x7], $0x40, s9, s18, $0xb8;
	v63 =	vld [tilespmem:$0x0]  }
0x75: {  	_ =	swait.ge [sflag:s31], $0x2000  }
0x76: {  	[sflag:s31] =	ssyncset.done $0x0  }
0x77: {  	s9 =	sadd.s32 $0x5100, s8;
	[sflag:s31] =	ssyncadd.s32 $0xFFFFE000  }
0x78: {  	[spmem:s2] =	stream.indirect.scatter.add.f32 [tilespmem:s22], [sflag:$0x8], $0x40, s9, s18, $0xb8;
	v63 =	vld [tilespmem:$0x0]  }
0x79: {  	_ =	swait.ge [sflag:s1], $0x2000  }
0x7a: {  	[sflag:s1] =	ssyncset.done $0x0  }
0x7b: {  	s9 =	sadd.s32 $0x5180, s8;
	[sflag:s1] =	ssyncadd.s32 $0xFFFFE000  }
0x7c: {  	[spmem:s2] =	stream.indirect.scatter.add.f32 [tilespmem:s24], [sflag:$0x9], $0x40, s9, s18, $0xb8;
	v63 =	vld [tilespmem:$0x0]  }
0x7d: {  	_ =	swait.ge [sflag:s12], $0x2000  }
0x7e: {  	[sflag:s12] =	ssyncset.done $0x0  }
0x7f: {  	s9 =	sadd.s32 $0x5200, s8;
	[sflag:s12] =	ssyncadd.s32 $0xFFFFE000  }
0x80: {  	[spmem:s2] =	stream.indirect.scatter.add.f32 [tilespmem:s28], [sflag:$0xA], $0x40, s9, s18, $0xb8;
	v63 =	vld [tilespmem:$0x0]  }
0x81: {  	_ =	swait.ge [sflag:s21], $0x2000  }
0x82: {  	[sflag:s21] =	ssyncset.done $0x0  }
0x83: {  	s9 =	sadd.s32 $0x280, s8;
	[sflag:s21] =	ssyncadd.s32 $0xFFFFE000  }
0x84: {  	[tilespmem:s19], [sflag:$0x1] =	stream.indirect.gather [hbm4b:s6+s18], $0x40, s9, s18, $0xb8;
	v63 =	vld [tilespmem:$0x0]  }
0x85: {  	_ =	swait.ge [sflag:s23], $0x2000  }
0x86: {  	[sflag:s23] =	ssyncset.done $0x0  }
0x87: {  	s9 =	sadd.s32 $0x300, s8;
	[sflag:s23] =	ssyncadd.s32 $0xFFFFE000  }
0x88: {  	[tilespmem:s20], [sflag:$0x2] =	stream.indirect.gather [hbm4b:s6+s18], $0x40, s9, s18, $0xb8;
	v63 =	vld [tilespmem:$0x0]  }
0x89: {  	_ =	swait.ge [sflag:s26], $0x2000  }
0x8a: {  	[sflag:s26] =	ssyncset.done $0x0  }
0x8b: {  	s9 =	sadd.s32 $0x380, s8;
	[sflag:s26] =	ssyncadd.s32 $0xFFFFE000  }
0x8c: {  	[tilespmem:s22], [sflag:$0x3] =	stream.indirect.gather [hbm4b:s6+s18], $0x40, s9, s18, $0xb8;
	v63 =	vld [tilespmem:$0x0]  }
0x8d: {  	_ =	swait.ge [sflag:s0], $0x2000  }
0x8e: {  	[sflag:s0] =	ssyncset.done $0x0  }
.Ltmp1:
0x8f: {  	s9 =	sadd.s32 $0x400, s8;
	[sflag:s0] =	ssyncadd.s32 $0xFFFFE000;
	(pc) =	sbr.rel @p1 .LBB2_4-.Ltmp1, $4  }
0x90: {  	[tilespmem:s24], [sflag:$0x4] =	stream.indirect.gather [hbm4b:s6+s18], $0x40, s9, s18, $0xb8;
	v63 =	vld [tilespmem:$0x0]  }
0x91: {  	_ =	swait.ge [sflag:s4], $0x2000  }
0x92: {  	[sflag:s4] =	ssyncset.done $0x0  }
0x93: {  	s8 =	sadd.s32 $0x480, s8;
	[sflag:s4] =	ssyncadd.s32 $0xFFFFE000  }
0x94: {  	[tilespmem:s28], [sflag:$0x5] =	stream.indirect.gather [hbm4b:s6+s18], $0x40, s8, s18, $0xb8;
	v63 =	vld [tilespmem:$0x0]  }
0x95: {  	_ =	swait.ge [sflag:s29], $0x2000  }
0x96: {  	[sflag:s29] =	ssyncset.done $0x0  }
0x97: {  	s7 =	simm.s32 $0x9D80;
	[sflag:s29] =	ssyncadd.s32 $0xFFFFE000  }
0x98: {  	[spmem:s2] =	stream.indirect.scatter.add.f32 [tilespmem:s19], [sflag:$0x6], $0x40, s7, s18, $0xb8;
	v63 =	vld [tilespmem:$0x0]  }
0x99: {  	_ =	swait.ge [sflag:s30], $0x2000  }
0x9a: {  	[sflag:s30] =	ssyncset.done $0x0  }
0x9b: {  	s10 =	simm.s32 $0x9E00;
	[sflag:s30] =	ssyncadd.s32 $0xFFFFE000  }
0x9c: {  	[spmem:s2] =	stream.indirect.scatter.add.f32 [tilespmem:s20], [sflag:$0x7], $0x40, s10, s18, $0xb8;
	v63 =	vld [tilespmem:$0x0]  }
0x9d: {  	_ =	swait.ge [sflag:s31], $0x2000  }
0x9e: {  	[sflag:s31] =	ssyncset.done $0x0  }
0x9f: {  	s8 =	simm.s32 $0x9E80;
	[sflag:s31] =	ssyncadd.s32 $0xFFFFE000  }
0xa0: {  	[spmem:s2] =	stream.indirect.scatter.add.f32 [tilespmem:s22], [sflag:$0x8], $0x40, s8, s18, $0xb8;
	v63 =	vld [tilespmem:$0x0]  }
0xa1: {  	_ =	swait.ge [sflag:s1], $0x2000  }
0xa2: {  	[sflag:s1] =	ssyncset.done $0x0  }
0xa3: {  	s9 =	simm.s32 $0x9F00;
	[sflag:s1] =	ssyncadd.s32 $0xFFFFE000  }
0xa4: {  	[spmem:s2] =	stream.indirect.scatter.add.f32 [tilespmem:s24], [sflag:$0x9], $0x40, s9, s18, $0xb8;
	v63 =	vld [tilespmem:$0x0]  }
0xa5: {  	_ =	swait.ge [sflag:s12], $0x2000  }
0xa6: {  	[sflag:s12] =	ssyncset.done $0x0  }
0xa7: {  	s10 =	simm.s32 $0x9F80;
	[sflag:s12] =	ssyncadd.s32 $0xFFFFE000  }
0xa8: {  	[spmem:s2] =	stream.indirect.scatter.add.f32 [tilespmem:s28], [sflag:$0xA], $0x40, s10, s18, $0xb8;
	v63 =	vld [tilespmem:$0x0]  }
0xa9: {  	_ =	swait.ge [sflag:s21], $0x2000  }
0xaa: {  	[sflag:s21] =	ssyncset.done $0x0  }
0xab: {  	[sflag:s21] =	ssyncadd.s32 $0xFFFFE000  }
0xac: {  	_ =	swait.ge [sflag:s23], $0x2000  }
0xad: {  	[sflag:s23] =	ssyncset.done $0x0  }
0xae: {  	[sflag:s23] =	ssyncadd.s32 $0xFFFFE000  }
0xaf: {  	_ =	swait.ge [sflag:s26], $0x2000  }
0xb0: {  	[sflag:s26] =	ssyncset.done $0x0  }
0xb1: {  	[sflag:s26] =	ssyncadd.s32 $0xFFFFE000  }
0xb2: {  	_ =	swait.ge [sflag:s0], $0x2000  }
0xb3: {  	[sflag:s0] =	ssyncset.done $0x0  }
0xb4: {  	[sflag:s0] =	ssyncadd.s32 $0xFFFFE000  }
0xb5: {  	_ =	swait.ge [sflag:s4], $0x2000  }
0xb6: {  	[sflag:s4] =	ssyncset.done $0x0  }
0xb7: {  	s8 =	stileid.u32;
	[sflag:s4] =	ssyncadd.s32 $0xFFFFE000  }
0xb8: {  	s7 =	sshll.u32 s8, $0x6;
	[bflag:$0x0] =	sbarrier.arrive $0xFFFF  }
0xb9: {  	s7 =	sor.u32 $0x1C0B, s7;
	s9 =	rddreg [dreg:$0x8]  }
0xba: {  	[hbm:s9], [sflag:s7] =	dma.local [spmem:s25], $0x1400  }
0xbb: {  	_ =	swait.ge [sflag:s11], $0x1400  }
0xbc: {  	s5 =	sadd.s32 $0x1, s5;
	s10 =	rddreg [dreg:$0x9]  }
0xbd: {  	p1 =	sne.s32 s5, s10  }
.Ltmp2:
0xbe: {  	_ = 	snop;
	(pc) =	sbr.rel @p1 .LBB2_1-.Ltmp2, $3  }
0xbf: {  	_ =	sdelay $0x1  }
0xc0: {  	[sflag:s11] =	ssyncset.done $0x0  }
0xc1: {  	[sflag:s11] =	ssyncadd.s32 $0xFFFFEC00  }
0xc2: {  	_ =	sfence.sel $0x180000  }
0xc3: {  	[bflag:$0x0] =	sbarrier.arrive $0xFFFF  }
0xc4: {  	_ =	strace $0x9000004D  }
0xc5: {  	s0 =	stileid.u32;
	[bflag:$0x2] =	sbarrier.arrive $0xFFFF  }
0xc6: {  	p0 =	sne.s32 s0, $0x0;
	s0 =	rddreg [dreg:$0x3]  }
0xc7: {  	s0 =	sadd.s32 @!p0 $0x100000, s0  }
0xc8: {  	[sflag:s0] =	ssyncadd.tile.s32 @!p0 $0x1;
	_ =	shalt  }
.Lfunc_end2:
_tile_overlayer_lowered:
.L_overlay_start_2:
0xc9: {  	(tag) =	ssettag $0x2  }
0xca: {  	s0 =	rddreg [dreg:$0x0];
	s2 =	stileid.u32  }
0xcb: {  	s1 =	rddreg [dreg:$0x1];
	p0 =	sne.s32 s2, $0x0  }
0xcc: {  	s3 =	rddreg [dreg:$0x2];
	[bflag:$0x3] =	sbarrier.arrive $0xFFFF;
	s2 =	simm.s32 @!p0 $0x1C0B  }
0xcd: {  	[timem:s3], [sflag:s2] =	dma.local @!p0 [hbm:s0], s1  }
0xce: {  	s0 =	simm.s32 @!p0 $0xB  }
0xcf: {  	_ =	swait.ge @!p0 [sflag:s0], s1  }
0xd0: {  	s1 =	ssub.s32 @!p0 $0x0, s1;
	[sflag:s0] =	ssyncset.done @!p0 $0x0  }
0xd1: {  	[sflag:s0] =	ssyncadd.s32 @!p0 s1  }
0xd2: {  	[bflag:$0x3] =	sbarrier.arrive $0xFFFF  }
0xd3: {  	_ =	shalt  }

// kernel: kernel.20.cloned.1.call-start
scs
__scs_entry_jumppad:
0x0: {  	(pc) =	sbr.rel $0x88, $3  }
0x1: {  	(tag) =	ssettag $0x0;
	lr =	simm.s32 $0x1  }
0x2: {  	[smem:$0x3F8F] =	sst lr;
	_ =	strace $0xD0000000  }
0x3: {  	_ = 	snop  }
0x4: {  	_ = 	snop  }
0x5: {  	_ = 	snop  }
0x6: {  	_ = 	snop  }
0x7: {  	_ = 	snop  }
__scs_overlays_trampoline_lowered:
0x8: {  	[smem:$0x3F9E] =	sst s0  }
0x9: {  	[smem:$0x3F9F] =	sst s1  }
0xa: {  	[smem:$0x3FA0] =	sst s2  }
0xb: {  	[smem:$0x3FA1] =	sst s3  }
0xc: {  	[smem:$0x3FA2] =	sst s4  }
0xd: {  	[smem:$0x3FA3] =	sst s5  }
0xe: {  	[smem:$0x3FA4] =	sst s6  }
0xf: {  	[smem:$0x3FA5] =	sst s7  }
0x10: {  	[smem:$0x3FA6] =	sst s8  }
0x11: {  	[smem:$0x3FA7] =	sst s9;
	s0 =	simm.s32 @!p0 $0x0  }
0x12: {  	s1 =	sld [smem:$0x3F8D];
	s0 =	simm.s32 @p0 $0x1  }
0x13: {  	[smem:$0x3FA8] =	sst s0;
	s0 =	simm.s32 @!p1 $0x0  }
0x14: {  	s2 =	sld [smem:$0x3F8C];
	s0 =	simm.s32 @p1 $0x1  }
0x15: {  	[smem:$0x3FA9] =	sst s0;
	s0 =	simm.s32 @!p2 $0x0  }
0x16: {  	s3 =	sld [smem:$0x3FDB];
	s0 =	simm.s32 @p2 $0x1  }
0x17: {  	s4 =	simm.s32 $0x1BF5;
	[smem:$0x3FAB] =	sst s0  }
0x18: {  	s0 =	sld [smem:$0x3F8E];
	_ =	swait.ge [sflag:s4], $0x0  }
0x19: {  	s7 =	sld [smem:$0x3F8F]  }
0x1a: {  	s8 =	sadd.s32 $0xFFFFE003, lr  }
0x1b: {  	s9 =	sadd.s32 $0xFFFFFEF7, lr;
	s5 =	simm.s32 $0xFFFFFFFF;
	p2 =	slt.u32 s8, $0xFFFFF086  }
0x1c: {  	p1 =	slt.u32 s9, $0xF7A;
	s5 =	simm.s32 @!p2 $0x0  }
0x1d: {  	s5 =	simm.s32 @p1 $0x1;
	p0 =	seq.s32 s7, s2  }
0x1e: {  	s7 =	smul.u32 @!p0 $0xF7A, s2;
	p2 =	seq.s32 @!p0 s5, $0x0  }
0x1f: {  	s9 =	smul.u32 $0xF7A, s1;
	s8 =	simm.s32 @!p0 $0x1BF5;
	p2 =	por !p2, p0  }
0x20: {  	[sflag:s8] =	ssyncset.s32 @!p0 $0xFFFFF086;
	s6 =	sadd.s32 @!p0 s3, s7;
	s7 =	simm.s32 @!p0 $0x108  }
0x21: {  	s3 =	sadd.s32 s3, s9;
	s6 =	sadd.s32 @!p0 $0x88, s6;
	s7 =	simm.s32 @p2 $0x1082  }
0x22: {  	[simem:s7], [sflag:s8] =	dma.local @!p0 [hbm:s6], $0xF7A  }
0x23: {  	s9 =	sor.u32 $0xD0000000, s2;
	s6 =	simm.s32 $0x108;
	_ =	swait.ge @!p0 [sflag:s8], $0x0  }
0x24: {  	s3 =	sadd.s32 $0x88, s3;
	s6 =	simm.s32 @!p1 $0x1082;
	[sflag:s4] =	ssyncset.s32 $0xFFFFF086  }
0x25: {  	[simem:s6], [sflag:s4] =	dma.local [hbm:s3], $0xF7A  }
0x26: {  	[smem:$0x3F8F] =	sst s1;
	(tag) =	ssettag s2;
	_ =	strace s9  }
0x27: {  	s1 =	sld [smem:$0x3F9F]  }
0x28: {  	s2 =	sld [smem:$0x3FA0]  }
0x29: {  	s4 =	sld [smem:$0x3FA2]  }
0x2a: {  	p0 =	seq.s32 s5, $0x0;
	s5 =	sld [smem:$0x3FA3]  }
0x2b: {  	s6 =	sld [smem:$0x3FA4]  }
0x2c: {  	s7 =	sld [smem:$0x3FA5]  }
0x2d: {  	s3 =	simm.s32 $0x108;
	s8 =	sld [smem:$0x3FA6]  }
0x2e: {  	s3 =	simm.s32 @!p0 $0x1082;
	s9 =	sld [smem:$0x3FA7]  }
0x2f: {  	lr =	sadd.s32 s0, s3;
	s0 =	sld [smem:$0x3F9E]  }
0x30: {  	s3 =	sld [smem:$0x3FA1]  }
0x31: {  	[smem:$0x3FAA] =	sst s10  }
0x32: {  	s10 =	sld [smem:$0x3FA8];
	_ =	sdelay $0x3  }
0x33: {  	p0 =	seq.s32 s10, $0x1;
	s10 =	sld [smem:$0x3FAA];
	_ =	sdelay $0x3  }
0x34: {  	[smem:$0x3FAA] =	sst s10  }
0x35: {  	s10 =	sld [smem:$0x3FA9];
	_ =	sdelay $0x3  }
0x36: {  	p1 =	seq.s32 s10, $0x1;
	s10 =	sld [smem:$0x3FAA];
	_ =	sdelay $0x3  }
0x37: {  	[smem:$0x3FAA] =	sst s10  }
0x38: {  	s10 =	sld [smem:$0x3FAB]  }
0x39: {  	_ = 	snop;
	(pc) =	sbr.ind lr, $3  }
0x3a: {  	_ = 	snop  }
0x3b: {  	_ = 	snop  }
0x3c: {  	p2 =	seq.s32 s10, $0x1;
	s10 =	sld [smem:$0x3FAA]  }
0x3d: {  	_ =	shalt  }
0x3e: {  	_ =	shalt  }
0x3f: {  	_ =	shalt  }
0x40: {  	_ =	shalt  }
0x41: {  	_ =	shalt  }
0x42: {  	_ =	shalt  }
0x43: {  	_ =	shalt  }
0x44: {  	_ =	shalt  }
0x45: {  	_ =	shalt  }
0x46: {  	_ =	shalt  }
0x47: {  	_ =	shalt  }
0x48: {  	_ =	shalt  }
0x49: {  	_ =	shalt  }
0x4a: {  	_ =	shalt  }
0x4b: {  	_ =	shalt  }
0x4c: {  	_ =	shalt  }
0x4d: {  	_ =	shalt  }
0x4e: {  	_ =	shalt  }
0x4f: {  	_ =	shalt  }
0x50: {  	_ =	shalt  }
0x51: {  	_ =	shalt  }
0x52: {  	_ =	shalt  }
0x53: {  	_ =	shalt  }
0x54: {  	_ =	shalt  }
0x55: {  	_ =	shalt  }
0x56: {  	_ =	shalt  }
0x57: {  	_ =	shalt  }
0x58: {  	_ =	shalt  }
0x59: {  	_ =	shalt  }
0x5a: {  	_ =	shalt  }
0x5b: {  	_ =	shalt  }
0x5c: {  	_ =	shalt  }
0x5d: {  	_ =	shalt  }
0x5e: {  	_ =	shalt  }
0x5f: {  	_ =	shalt  }
0x60: {  	_ =	shalt  }
0x61: {  	_ =	shalt  }
0x62: {  	_ =	shalt  }
0x63: {  	_ =	shalt  }
0x64: {  	_ =	shalt  }
0x65: {  	_ =	shalt  }
0x66: {  	_ =	shalt  }
0x67: {  	_ =	shalt  }
0x68: {  	_ =	shalt  }
0x69: {  	_ =	shalt  }
0x6a: {  	_ =	shalt  }
0x6b: {  	_ =	shalt  }
0x6c: {  	_ =	shalt  }
0x6d: {  	_ =	shalt  }
0x6e: {  	_ =	shalt  }
0x6f: {  	_ =	shalt  }
0x70: {  	_ =	shalt  }
0x71: {  	_ =	shalt  }
0x72: {  	_ =	shalt  }
0x73: {  	_ =	shalt  }
0x74: {  	_ =	shalt  }
0x75: {  	_ =	shalt  }
0x76: {  	_ =	shalt  }
0x77: {  	_ =	shalt  }
0x78: {  	_ =	shalt  }
0x79: {  	_ =	shalt  }
0x7a: {  	_ =	shalt  }
0x7b: {  	_ =	shalt  }
0x7c: {  	_ =	shalt  }
0x7d: {  	_ =	shalt  }
0x7e: {  	_ =	shalt  }
0x7f: {  	_ =	shalt  }
0x80: {  	_ =	shalt  }
0x81: {  	_ =	shalt  }
0x82: {  	_ =	shalt  }
0x83: {  	_ =	shalt  }
0x84: {  	_ =	shalt  }
0x85: {  	_ =	shalt  }
0x86: {  	_ =	shalt  }
0x87: {  	_ =	shalt  }
.Lfunc_end0:
.L_simem_size_0:
called_computation.3_lowered:
.L_overlay_start_0:
0x88: {  	s2 =	sld [smem:$0x3FD9]  }
0x89: {  	s3 =	sld [smem:$0x3FFE];
	_ =	sdelay $0x1  }
0x8a: {  	s1 =	srdreg.scid  }
0x8b: {  	s0 =	sand.u32 $0x1, s1  }
0x8c: {  	s17 =	sshll.u32 s0, $0xA;
	s2 =	sadd.s32 s3, s2  }
0x8d: {  	s2 =	sadd.s32 s2, s17  }
0x8e: {  	[smem:$0x3FB6] =	sst s2  }
0x8f: {  	_ = 	snop  }
0x90: {  	s2 =	sld [smem:$0x3FD0];
	(tm) =	ssettm $0x1  }
0x91: {  	s18 =	sld [smem:$0x3FFB];
	_ =	sdelay $0x3  }
0x92: {  	_ =	strace s18  }
0x93: {  	s3 =	sld [smem:$0x3FFC];
	_ =	sdelay $0x3  }
0x94: {  	_ =	strace s3  }
0x95: {  	s3 =	sld [smem:$0x3FFD];
	_ =	sdelay $0x3  }
0x96: {  	_ =	strace s3  }
0x97: {  	_ =	strace $0x8FFFFFFF  }
0x98: {  	s19 =	sld [smem:$0x3FDB];
	_ =	sdelay $0x1  }
0x99: {  	s4 =	simm.s32 $_scs_section_size  }
0x9a: {  	s5 =	simm.s32 $_size__tile_overlayer_lowered;
	s6 =	simm.s32 $_tile_overlayer_lowered  }
0x9b: {  	s22 =	simm.s32 $0x1BFF;
	s21 =	sshll.u32 s6, $0x1;
	s3 =	sadd.s32 s4, s19  }
0x9c: {  	s7 =	simm.s32 $0x0;
	s20 =	sshll.u32 s5, $0x1;
	s5 =	sadd.s32 s21, s3  }
0x9d: {  	[timem:s7], [sflag:s22] =	dma.local [hbm:s5], s20  }
0x9e: {  	_ =	swait.ge [sflag:s22], s20  }
0x9f: {  	s4 =	ssub.s32 $0x0, s20;
	[sflag:s22] =	ssyncset.done $0x0  }
0xa0: {  	[sflag:s22] =	ssyncadd.s32 s4;
	_ =	sdelay $0x1  }
0xa1: {  	s23 =	simm.s32 $0x1B8B  }
0xa2: {  	_ =	swait.ge [sflag:s23], $0x1  }
0xa3: {  	[sflag:s23] =	ssyncset.done $0x0  }
0xa4: {  	s25 =	simm.s32 $0x1B8E;
	s24 =	sld [smem:$0x3FFE];
	[sflag:s23] =	ssyncadd.s32 $0xFFFFFFFF  }
0xa5: {  	s26 =	simm.s32 $execute0_lowered;
	[smem:$0x3FD2] =	sst s25  }
0xa6: {  	s5 =	sshll.u32 s26, $0x1;
	_ =	strace $0x8000004F;
	[dreg:$0x1] =	wrdreg $0xFFFFFFFF  }
0xa7: {  	s28 =	simm.s32 $_size_execute0_lowered;
	s3 =	sadd.s32 s3, s5;
	[dreg:$0x0] =	wrdreg $0x0  }
0xa8: {  	s5 =	sshll.u32 s28, $0x1;
	[dreg:$0x2] =	wrdreg s3  }
0xa9: {  	[dreg:$0x3] =	wrdreg s5  }
0xaa: {  	[dreg:$0x4] =	wrdreg $0xC0  }
0xab: {  	_ =	task [dreg:s7], $0x5FFFF  }
0xac: {  	[dreg:$0x1] =	wrdreg $0xFFFFFFFF  }
0xad: {  	[dreg:$0x0] =	wrdreg $0x60  }
0xae: {  	[dreg:$0x2] =	wrdreg s24  }
0xaf: {  	[dreg:$0x3] =	wrdreg s2  }
0xb0: {  	[dreg:$0x4] =	wrdreg $0x160000  }
0xb1: {  	[dreg:$0x5] =	wrdreg $0x9  }
0xb2: {  	_ =	task.clear_ibuf [dreg:s7], $0x6FFFF;
	_ =	strace $0x9000004F  }
0xb3: {  	s29 =	simm.s32 $0x9;
	_ =	strace $0x80000051  }
0xb4: {  	_ =	swait.ge [sflag:s29], $0x1  }
0xb5: {  	[sflag:s29] =	ssyncadd.s32 $0xFFFFFFFF  }
0xb6: {  	_ =	strace $0x90000051  }
0xb7: {  	_ =	sfence  }
0xb8: {  	s30 =	sld [smem:$0x0];
	_ =	sdelay $0x2  }
0xb9: {  	s31 =	sshll.u32 s1, $0xD;
	s1 =	sshrl.u32 s1, $0x2  }
0xba: {  	s3 =	sand.u32 $0x4000, s31;
	s1 =	sadd.s32 s1, s30  }
0xbb: {  	s0 =	sor.u32 s3, s0;
	s1 =	sshll.u32 s1, $0x11  }
0xbc: {  	s0 =	sor.u32 s1, s0  }
0xbd: {  	s0 =	sadd.s32 $0x8F2B, s0  }
0xbe: {  	[sflag:s0] =	ssyncadd.remote.s32 $0x1  }
0xbf: {  	_ =	sfence.sel $0xFFFF  }
0xc0: {  	[dreg:$0x0] =	wrdreg $0xFFFFFFFF;
	(pc) =	sbr.abs _section_cstart, $3  }
0xc1: {  	[dreg:$0x1] =	wrdreg $0xFFFFFFFF  }
0xc2: {  	_ =	task.clear_ibuf [dreg:s7], $0x2FFFF;
	_ =	strace $0x9FFFFFFF  }
0xc3: {  	(tm) =	ssettm $0x7FFFFFFF  }
tec
execute0_lowered:
.L_overlay_start_1:
0x0: {  	(tag) =	ssettag $0x1  }
0x1: {  	s0 =	rddreg [dreg:$0x0]  }
0x2: {  	s1 =	rddreg [dreg:$0x1];
	s10 =	stileid.u32  }
0x3: {  	s3 =	srdreg.scid;
	s2 =	rddreg [dreg:$0x2]  }
0x4: {  	s11 =	simm.s32 $0xB;
	s18 =	simm.s32 $0x80;
	s19 =	simm.s32 $0xA000  }
0x5: {  	s28 =	simm.s32 $0x12000;
	s29 =	simm.s32 $0x1;
	s4 =	smul.u32 $0xA00, s10  }
0x6: {  	s30 =	simm.s32 $0x2;
	s31 =	simm.s32 $0x3;
	s7 =	smul.u32 $0x1400, s10  }
0x7: {  	s12 =	simm.s32 $0x5;
	s5 =	sand.u32 $0x1, s3;
	s9 =	smul.u32 $0xA000, s10  }
0x8: {  	s3 =	simm.s32 $0x0;
	s22 =	smul.u32 $0x28000, s10;
	s23 =	sadd.s32 $0x9C400, s2  }
0x9: {  	s24 =	sadd.s32 $0x9E400, s2;
	p0 =	seq.s32 s10, $0xF;
	s6 =	smul.u32 $0x14000, s5  }
0xa: {  	[smem:$0x7FF] =	sst s3;
	s8 =	ssub.s32 $0x2, s5;
	s5 =	smul.u32 $0x13880, s5  }
0xb: {  	_ =	strace $0x80000050;
	s4 =	sadd.s32 s4, s0;
	[dreg:$0x6] =	wrdreg s23  }
0xc: {  	s20 =	sshrl.u32 s8, $0x1;
	[dreg:$0x7] =	wrdreg s24;
	s24 =	simm.s32 $0x10000  }
0xd: {  	s23 =	simm.s32 $0x7;
	s6 =	sadd.s32 s7, s6;
	s7 =	ssub.s32 s8, s20  }
0xe: {  	s21 =	sadd.s32 $0x3800, s4;
	s4 =	sadd.s32 $0xD800, s4;
	s8 =	sadd.s32 s9, s2  }
0xf: {  	s20 =	simm.s32 $0xC000;
	s0 =	sadd.s32 s6, s0;
	[dreg:$0x4] =	wrdreg s21  }
0x10: {  	[dreg:$0x5] =	wrdreg s4;
	s6 =	sadd.s32 s1, s5;
	s1 =	sshrl.u32 s9, $0x3  }
0x11: {  	s5 =	sadd.s32 $0x96000, s2;
	s4 =	sshrl.u32 s22, $0x2;
	s26 =	smax.u32 s7, $0x1  }
0x12: {  	s17 =	sshrl.u32 @!p0 s8, $0x3;
	s22 =	simm.s32 $0xE000;
	s21 =	simm.s32 $0x6  }
0x13: {  	s0 =	sadd.s32 $0x17800, s0;
	s25 =	sadd.s32 s4, s2;
	[dreg:$0x9] =	wrdreg s26  }
0x14: {  	s13 =	sadd.s32 @p0 $0x12C00, s6;
	s4 =	sshll.u32 @!p0 s10, $0x6;
	s14 =	sshrl.u32 @p0 s5, $0x3  }
0x15: {  	s15 =	sadd.s32 @!p0 s1, s6;
	s1 =	simm.s32 $0x4;
	s26 =	simm.s32 $0x8  }
0x16: {  	s5 =	simm.s32 $0x0;
	[dreg:$0x8] =	wrdreg s0;
	s16 =	sor.u32 @!p0 $0x1C0B, s4  }
0x17: {  	v0 =	vimm.f32 $0.0e+00;
	s25 =	sshrl.u32 s25, $0x3;
	s0 =	simm.s32 $0x9;
	s4 =	simm.s32 $0xA  }
.LBB2_1:
0x18: {  	s7 =	rddreg [dreg:$0x4]  }
0x19: {  	[tilespmem:s3], [sflag:$0xB] =	stream.linear.gather [hbm4b:s7+s3], $0x5000, $0x38;
	v63 =	vld [tilespmem:$0x0]  }
0x1a: {  	_ =	swait.ge [sflag:s11], $0x5000  }
0x1b: {  	s8 =	simm.s32 $0x5000;
	[sflag:s11] =	ssyncset.done $0x0  }
0x1c: {  	s9 =	sand.u32 $0x7F00, s3;
	s10 =	rddreg [dreg:$0x5];
	[sflag:s11] =	ssyncadd.s32 $0xFFFFB000  }
0x1d: {  	[tilespmem:s8], [sflag:$0xB] =	stream.linear.gather [hbm4b:s10+s3], $0x5000, $0x38;
	v63 =	vld [tilespmem:$0x0]  }
0x1e: {  	s9 =	sshrl.u32 s9, $0x2;
	_ =	swait.ge [sflag:s11], $0x5000  }
0x1f: {  	s7 =	simm.s32 $0x40;
	s10 =	sand.u32 $0x30, s3;
	[sflag:s11] =	ssyncset.done $0x0  }
0x20: {  	s8 =	simm.s32 $0x0;
	s9 =	sor.u32 s10, s9;
	[sflag:s11] =	ssyncadd.s32 $0xFFFFB000  }
.LBB2_2:
0x21: {  	p1 =	sne.s32 s7, $0x7FC0  }
0x22: {  	[tilespmem:s9+$0x14000] =	vst v0;
	s8 =	sadd.s32 $0x10, s8;
	s9 =	smov.u32 s7;
	s7 =	sadd.s32 $0x40, s7  }
.Ltmp0:
0x23: {  	(pc) =	sbr.rel @p1 .LBB2_2-.Ltmp0, $4  }
0x24: {  	_ = 	snop  }
0x25: {  	s9 =	sand.u32 $0x7F00, s9  }
0x26: {  	s10 =	sand.u32 $0x30, s8;
	s9 =	sshrl.u32 s9, $0x2  }
0x27: {  	s9 =	sor.u32 s10, s9  }
0x28: {  	[tilespmem:s9+$0x14000] =	vst v0;
	s7 =	simm.s32 @p0 $0x1FCB  }
0x29: {  	[spmem:s14], [sflag:s7] =	dma.local @p0 [hbm:s13], $0xC80  }
0x2a: {  	s7 =	simm.s32 @p0 $0xB  }
0x2b: {  	_ =	swait.ge @p0 [sflag:s7], $0xC80  }
0x2c: {  	[sflag:s7] =	ssyncset.done @p0 $0x0  }
0x2d: {  	s8 =	simm.s32 @p0 $0x14000;
	s9 =	rddreg [dreg:$0x6];
	[sflag:s7] =	ssyncadd.s32 @p0 $0xFFFFF380  }
0x2e: {  	[spmem:s9] =	stream.linear.scatter @p0 [tilespmem:s8], [sflag:$0xB], $0x2000, $0x38;
	v63 =	vld [tilespmem:$0x0]  }
0x2f: {  	_ =	swait.ge @p0 [sflag:s7], $0x2000  }
0x30: {  	[sflag:s7] =	ssyncset.done @p0 $0x0  }
0x31: {  	s9 =	rddreg [dreg:$0x7];
	[sflag:s7] =	ssyncadd.s32 @p0 $0xFFFFE000  }
0x32: {  	[spmem:s9] =	stream.linear.scatter @p0 [tilespmem:s8], [sflag:$0xB], $0x1C00, $0x38;
	v63 =	vld [tilespmem:$0x0]  }
0x33: {  	_ =	swait.ge @p0 [sflag:s7], $0x1C00  }
0x34: {  	[sflag:s7] =	ssyncset.done @p0 $0x0  }
0x35: {  	[sflag:s7] =	ssyncadd.s32 @p0 $0xFFFFE400;
	s7 =	simm.s32 @!p0 $0xB  }
0x36: {  	[spmem:s17], [sflag:s16] =	dma.local @!p0 [hbm:s15], $0x1400  }
0x37: {  	_ =	swait.ge @!p0 [sflag:s7], $0x1400  }
0x38: {  	[sflag:s7] =	ssyncset.done @!p0 $0x0  }
0x39: {  	[sflag:s7] =	ssyncadd.s32 @!p0 $0xFFFFEC00  }
0x3a: {  	s10 =	simm.s32 $0x0;
	[bflag:$0x0] =	sbarrier.arrive $0xFFFF  }
0x3b: {  	[tilespmem:s19], [sflag:$0x1] =	stream.indirect.gather [hbm4b:s6+s18], $0x40, s10, s18, $0xb8;
	v63 =	vld [tilespmem:$0x0]  }
0x3c: {  	_ = 	snop  }
0x3d: {  	[tilespmem:s20], [sflag:$0x2] =	stream.indirect.gather [hbm4b:s6+s18], $0x40, s18, s18, $0xb8;
	v63 =	vld [tilespmem:$0x0]  }
0x3e: {  	s8 =	simm.s32 $0x100  }
0x3f: {  	[tilespmem:s22], [sflag:$0x3] =	stream.indirect.gather [hbm4b:s6+s18], $0x40, s8, s18, $0xb8;
	v63 =	vld [tilespmem:$0x0]  }
0x40: {  	s9 =	simm.s32 $0x180  }
0x41: {  	[tilespmem:s24], [sflag:$0x4] =	stream.indirect.gather [hbm4b:s6+s18], $0x40, s9, s18, $0xb8;
	v63 =	vld [tilespmem:$0x0]  }
0x42: {  	s10 =	simm.s32 $0x200  }
0x43: {  	[tilespmem:s28], [sflag:$0x5] =	stream.indirect.gather [hbm4b:s6+s18], $0x40, s10, s18, $0xb8;
	v63 =	vld [tilespmem:$0x0]  }
0x44: {  	_ =	swait.ge [sflag:s29], $0x2000  }
0x45: {  	[sflag:s29] =	ssyncset.done $0x0  }
0x46: {  	s8 =	simm.s32 $0x5000;
	[sflag:s29] =	ssyncadd.s32 $0xFFFFE000  }
0x47: {  	[spmem:s2] =	stream.indirect.scatter.add.f32 [tilespmem:s19], [sflag:$0x6], $0x40, s8, s18, $0xb8;
	v63 =	vld [tilespmem:$0x0]  }
0x48: {  	_ =	swait.ge [sflag:s30], $0x2000  }
0x49: {  	[sflag:s30] =	ssyncset.done $0x0  }
0x4a: {  	s9 =	simm.s32 $0x5080;
	[sflag:s30] =	ssyncadd.s32 $0xFFFFE000  }
0x4b: {  	[spmem:s2] =	stream.indirect.scatter.add.f32 [tilespmem:s20], [sflag:$0x7], $0x40, s9, s18, $0xb8;
	v63 =	vld [tilespmem:$0x0]  }
0x4c: {  	_ =	swait.ge [sflag:s31], $0x2000  }
0x4d: {  	[sflag:s31] =	ssyncset.done $0x0  }
0x4e: {  	s10 =	simm.s32 $0x5100;
	[sflag:s31] =	ssyncadd.s32 $0xFFFFE000  }
0x4f: {  	[spmem:s2] =	stream.indirect.scatter.add.f32 [tilespmem:s22], [sflag:$0x8], $0x40, s10, s18, $0xb8;
	v63 =	vld [tilespmem:$0x0]  }
0x50: {  	_ =	swait.ge [sflag:s1], $0x2000  }
0x51: {  	[sflag:s1] =	ssyncset.done $0x0  }
0x52: {  	s8 =	simm.s32 $0x5180;
	[sflag:s1] =	ssyncadd.s32 $0xFFFFE000  }
0x53: {  	[spmem:s2] =	stream.indirect.scatter.add.f32 [tilespmem:s24], [sflag:$0x9], $0x40, s8, s18, $0xb8;
	v63 =	vld [tilespmem:$0x0]  }
0x54: {  	_ =	swait.ge [sflag:s12], $0x2000  }
0x55: {  	[sflag:s12] =	ssyncset.done $0x0  }
0x56: {  	s9 =	simm.s32 $0x5200;
	[sflag:s12] =	ssyncadd.s32 $0xFFFFE000  }
0x57: {  	[spmem:s2] =	stream.indirect.scatter.add.f32 [tilespmem:s28], [sflag:$0xA], $0x40, s9, s18, $0xb8;
	v63 =	vld [tilespmem:$0x0]  }
0x58: {  	_ =	swait.ge [sflag:s21], $0x2000  }
0x59: {  	[sflag:s21] =	ssyncset.done $0x0  }
0x5a: {  	s10 =	simm.s32 $0x280;
	[sflag:s21] =	ssyncadd.s32 $0xFFFFE000  }
0x5b: {  	[tilespmem:s19], [sflag:$0x1] =	stream.indirect.gather [hbm4b:s6+s18], $0x40, s10, s18, $0xb8;
	v63 =	vld [tilespmem:$0x0]  }
0x5c: {  	_ =	swait.ge [sflag:s23], $0x2000  }
0x5d: {  	[sflag:s23] =	ssyncset.done $0x0  }
0x5e: {  	s8 =	simm.s32 $0x300;
	[sflag:s23] =	ssyncadd.s32 $0xFFFFE000  }
0x5f: {  	[tilespmem:s20], [sflag:$0x2] =	stream.indirect.gather [hbm4b:s6+s18], $0x40, s8, s18, $0xb8;
	v63 =	vld [tilespmem:$0x0]  }
0x60: {  	_ =	swait.ge [sflag:s26], $0x2000  }
0x61: {  	[sflag:s26] =	ssyncset.done $0x0  }
0x62: {  	s9 =	simm.s32 $0x380;
	[sflag:s26] =	ssyncadd.s32 $0xFFFFE000  }
0x63: {  	[tilespmem:s22], [sflag:$0x3] =	stream.indirect.gather [hbm4b:s6+s18], $0x40, s9, s18, $0xb8;
	v63 =	vld [tilespmem:$0x0]  }
0x64: {  	_ =	swait.ge [sflag:s0], $0x2000  }
0x65: {  	[sflag:s0] =	ssyncset.done $0x0  }
0x66: {  	s10 =	simm.s32 $0x400;
	[sflag:s0] =	ssyncadd.s32 $0xFFFFE000  }
0x67: {  	[tilespmem:s24], [sflag:$0x4] =	stream.indirect.gather [hbm4b:s6+s18], $0x40, s10, s18, $0xb8;
	v63 =	vld [tilespmem:$0x0]  }
0x68: {  	_ =	swait.ge [sflag:s4], $0x2000  }
0x69: {  	[sflag:s4] =	ssyncset.done $0x0  }
0x6a: {  	s7 =	simm.s32 $0xA00;
	s8 =	simm.s32 $0x480;
	[sflag:s4] =	ssyncadd.s32 $0xFFFFE000  }
.LBB2_4:
0x6b: {  	[tilespmem:s28], [sflag:$0x5] =	stream.indirect.gather [hbm4b:s6+s18], $0x40, s8, s18, $0xb8;
	v63 =	vld [tilespmem:$0x0]  }
0x6c: {  	s8 =	smov.u32 s7  }
0x6d: {  	p1 =	sne.s32 s7, $0x12C00;
	s7 =	sadd.s32 $0xA00, s7;
	_ =	swait.ge [sflag:s29], $0x2000  }
0x6e: {  	s8 =	sshra.s32 s8, $0x2;
	[sflag:s29] =	ssyncset.done $0x0  }
0x6f: {  	s9 =	sadd.s32 $0x5000, s8;
	[sflag:s29] =	ssyncadd.s32 $0xFFFFE000  }
0x70: {  	[spmem:s2] =	stream.indirect.scatter.add.f32 [tilespmem:s19], [sflag:$0x6], $0x40, s9, s18, $0xb8;
	v63 =	vld [tilespmem:$0x0]  }
0x71: {  	_ =	swait.ge [sflag:s30], $0x2000  }
0x72: {  	[sflag:s30] =	ssyncset.done $0x0  }
0x73: {  	s9 =	sadd.s32 $0x5080, s8;
	[sflag:s30] =	ssyncadd.s32 $0xFFFFE000  }
0x74: {  	[spmem:s2] =	stream.indirect.scatter.add.f32 [tilespmem:s20], [sflag:$0x7], $0x40, s9, s18, $0xb8;
	v63 =	vld [tilespmem:$0x0]  }
0x75: {  	_ =	swait.ge [sflag:s31], $0x2000  }
0x76: {  	[sflag:s31] =	ssyncset.done $0x0  }
0x77: {  	s9 =	sadd.s32 $0x5100, s8;
	[sflag:s31] =	ssyncadd.s32 $0xFFFFE000  }
0x78: {  	[spmem:s2] =	stream.indirect.scatter.add.f32 [tilespmem:s22], [sflag:$0x8], $0x40, s9, s18, $0xb8;
	v63 =	vld [tilespmem:$0x0]  }
0x79: {  	_ =	swait.ge [sflag:s1], $0x2000  }
0x7a: {  	[sflag:s1] =	ssyncset.done $0x0  }
0x7b: {  	s9 =	sadd.s32 $0x5180, s8;
	[sflag:s1] =	ssyncadd.s32 $0xFFFFE000  }
0x7c: {  	[spmem:s2] =	stream.indirect.scatter.add.f32 [tilespmem:s24], [sflag:$0x9], $0x40, s9, s18, $0xb8;
	v63 =	vld [tilespmem:$0x0]  }
0x7d: {  	_ =	swait.ge [sflag:s12], $0x2000  }
0x7e: {  	[sflag:s12] =	ssyncset.done $0x0  }
0x7f: {  	s9 =	sadd.s32 $0x5200, s8;
	[sflag:s12] =	ssyncadd.s32 $0xFFFFE000  }
0x80: {  	[spmem:s2] =	stream.indirect.scatter.add.f32 [tilespmem:s28], [sflag:$0xA], $0x40, s9, s18, $0xb8;
	v63 =	vld [tilespmem:$0x0]  }
0x81: {  	_ =	swait.ge [sflag:s21], $0x2000  }
0x82: {  	[sflag:s21] =	ssyncset.done $0x0  }
0x83: {  	s9 =	sadd.s32 $0x280, s8;
	[sflag:s21] =	ssyncadd.s32 $0xFFFFE000  }
0x84: {  	[tilespmem:s19], [sflag:$0x1] =	stream.indirect.gather [hbm4b:s6+s18], $0x40, s9, s18, $0xb8;
	v63 =	vld [tilespmem:$0x0]  }
0x85: {  	_ =	swait.ge [sflag:s23], $0x2000  }
0x86: {  	[sflag:s23] =	ssyncset.done $0x0  }
0x87: {  	s9 =	sadd.s32 $0x300, s8;
	[sflag:s23] =	ssyncadd.s32 $0xFFFFE000  }
0x88: {  	[tilespmem:s20], [sflag:$0x2] =	stream.indirect.gather [hbm4b:s6+s18], $0x40, s9, s18, $0xb8;
	v63 =	vld [tilespmem:$0x0]  }
0x89: {  	_ =	swait.ge [sflag:s26], $0x2000  }
0x8a: {  	[sflag:s26] =	ssyncset.done $0x0  }
0x8b: {  	s9 =	sadd.s32 $0x380, s8;
	[sflag:s26] =	ssyncadd.s32 $0xFFFFE000  }
0x8c: {  	[tilespmem:s22], [sflag:$0x3] =	stream.indirect.gather [hbm4b:s6+s18], $0x40, s9, s18, $0xb8;
	v63 =	vld [tilespmem:$0x0]  }
0x8d: {  	_ =	swait.ge [sflag:s0], $0x2000  }
0x8e: {  	[sflag:s0] =	ssyncset.done $0x0  }
.Ltmp1:
0x8f: {  	s9 =	sadd.s32 $0x400, s8;
	[sflag:s0] =	ssyncadd.s32 $0xFFFFE000;
	(pc) =	sbr.rel @p1 .LBB2_4-.Ltmp1, $4  }
0x90: {  	[tilespmem:s24], [sflag:$0x4] =	stream.indirect.gather [hbm4b:s6+s18], $0x40, s9, s18, $0xb8;
	v63 =	vld [tilespmem:$0x0]  }
0x91: {  	_ =	swait.ge [sflag:s4], $0x2000  }
0x92: {  	[sflag:s4] =	ssyncset.done $0x0  }
0x93: {  	s8 =	sadd.s32 $0x480, s8;
	[sflag:s4] =	ssyncadd.s32 $0xFFFFE000  }
0x94: {  	[tilespmem:s28], [sflag:$0x5] =	stream.indirect.gather [hbm4b:s6+s18], $0x40, s8, s18, $0xb8;
	v63 =	vld [tilespmem:$0x0]  }
0x95: {  	_ =	swait.ge [sflag:s29], $0x2000  }
0x96: {  	[sflag:s29] =	ssyncset.done $0x0  }
0x97: {  	s7 =	simm.s32 $0x9D80;
	[sflag:s29] =	ssyncadd.s32 $0xFFFFE000  }
0x98: {  	[spmem:s2] =	stream.indirect.scatter.add.f32 [tilespmem:s19], [sflag:$0x6], $0x40, s7, s18, $0xb8;
	v63 =	vld [tilespmem:$0x0]  }
0x99: {  	_ =	swait.ge [sflag:s30], $0x2000  }
0x9a: {  	[sflag:s30] =	ssyncset.done $0x0  }
0x9b: {  	s10 =	simm.s32 $0x9E00;
	[sflag:s30] =	ssyncadd.s32 $0xFFFFE000  }
0x9c: {  	[spmem:s2] =	stream.indirect.scatter.add.f32 [tilespmem:s20], [sflag:$0x7], $0x40, s10, s18, $0xb8;
	v63 =	vld [tilespmem:$0x0]  }
0x9d: {  	_ =	swait.ge [sflag:s31], $0x2000  }
0x9e: {  	[sflag:s31] =	ssyncset.done $0x0  }
0x9f: {  	s8 =	simm.s32 $0x9E80;
	[sflag:s31] =	ssyncadd.s32 $0xFFFFE000  }
0xa0: {  	[spmem:s2] =	stream.indirect.scatter.add.f32 [tilespmem:s22], [sflag:$0x8], $0x40, s8, s18, $0xb8;
	v63 =	vld [tilespmem:$0x0]  }
0xa1: {  	_ =	swait.ge [sflag:s1], $0x2000  }
0xa2: {  	[sflag:s1] =	ssyncset.done $0x0  }
0xa3: {  	s9 =	simm.s32 $0x9F00;
	[sflag:s1] =	ssyncadd.s32 $0xFFFFE000  }
0xa4: {  	[spmem:s2] =	stream.indirect.scatter.add.f32 [tilespmem:s24], [sflag:$0x9], $0x40, s9, s18, $0xb8;
	v63 =	vld [tilespmem:$0x0]  }
0xa5: {  	_ =	swait.ge [sflag:s12], $0x2000  }
0xa6: {  	[sflag:s12] =	ssyncset.done $0x0  }
0xa7: {  	s10 =	simm.s32 $0x9F80;
	[sflag:s12] =	ssyncadd.s32 $0xFFFFE000  }
0xa8: {  	[spmem:s2] =	stream.indirect.scatter.add.f32 [tilespmem:s28], [sflag:$0xA], $0x40, s10, s18, $0xb8;
	v63 =	vld [tilespmem:$0x0]  }
0xa9: {  	_ =	swait.ge [sflag:s21], $0x2000  }
0xaa: {  	[sflag:s21] =	ssyncset.done $0x0  }
0xab: {  	[sflag:s21] =	ssyncadd.s32 $0xFFFFE000  }
0xac: {  	_ =	swait.ge [sflag:s23], $0x2000  }
0xad: {  	[sflag:s23] =	ssyncset.done $0x0  }
0xae: {  	[sflag:s23] =	ssyncadd.s32 $0xFFFFE000  }
0xaf: {  	_ =	swait.ge [sflag:s26], $0x2000  }
0xb0: {  	[sflag:s26] =	ssyncset.done $0x0  }
0xb1: {  	[sflag:s26] =	ssyncadd.s32 $0xFFFFE000  }
0xb2: {  	_ =	swait.ge [sflag:s0], $0x2000  }
0xb3: {  	[sflag:s0] =	ssyncset.done $0x0  }
0xb4: {  	[sflag:s0] =	ssyncadd.s32 $0xFFFFE000  }
0xb5: {  	_ =	swait.ge [sflag:s4], $0x2000  }
0xb6: {  	[sflag:s4] =	ssyncset.done $0x0  }
0xb7: {  	s8 =	stileid.u32;
	[sflag:s4] =	ssyncadd.s32 $0xFFFFE000  }
0xb8: {  	s7 =	sshll.u32 s8, $0x6;
	[bflag:$0x0] =	sbarrier.arrive $0xFFFF  }
0xb9: {  	s7 =	sor.u32 $0x1C0B, s7;
	s9 =	rddreg [dreg:$0x8]  }
0xba: {  	[hbm:s9], [sflag:s7] =	dma.local [spmem:s25], $0x1400  }
0xbb: {  	_ =	swait.ge [sflag:s11], $0x1400  }
0xbc: {  	s5 =	sadd.s32 $0x1, s5;
	s10 =	rddreg [dreg:$0x9]  }
0xbd: {  	p1 =	sne.s32 s5, s10  }
.Ltmp2:
0xbe: {  	_ = 	snop;
	(pc) =	sbr.rel @p1 .LBB2_1-.Ltmp2, $3  }
0xbf: {  	_ =	sdelay $0x1  }
0xc0: {  	[sflag:s11] =	ssyncset.done $0x0  }
0xc1: {  	[sflag:s11] =	ssyncadd.s32 $0xFFFFEC00  }
0xc2: {  	_ =	sfence.sel $0x180000  }
0xc3: {  	[bflag:$0x0] =	sbarrier.arrive $0xFFFF  }
0xc4: {  	_ =	strace $0x90000050  }
0xc5: {  	s0 =	stileid.u32;
	[bflag:$0x2] =	sbarrier.arrive $0xFFFF  }
0xc6: {  	p0 =	sne.s32 s0, $0x0;
	s0 =	rddreg [dreg:$0x3]  }
0xc7: {  	s0 =	sadd.s32 @!p0 $0x100000, s0  }
0xc8: {  	[sflag:s0] =	ssyncadd.tile.s32 @!p0 $0x1;
	_ =	shalt  }
.Lfunc_end2:
_tile_overlayer_lowered:
.L_overlay_start_2:
0xc9: {  	(tag) =	ssettag $0x2  }
0xca: {  	s0 =	rddreg [dreg:$0x0];
	s2 =	stileid.u32  }
0xcb: {  	s1 =	rddreg [dreg:$0x1];
	p0 =	sne.s32 s2, $0x0  }
0xcc: {  	s3 =	rddreg [dreg:$0x2];
	[bflag:$0x3] =	sbarrier.arrive $0xFFFF;
	s2 =	simm.s32 @!p0 $0x1C0B  }
0xcd: {  	[timem:s3], [sflag:s2] =	dma.local @!p0 [hbm:s0], s1  }
0xce: {  	s0 =	simm.s32 @!p0 $0xB  }
0xcf: {  	_ =	swait.ge @!p0 [sflag:s0], s1  }
0xd0: {  	s1 =	ssub.s32 @!p0 $0x0, s1;
	[sflag:s0] =	ssyncset.done @!p0 $0x0  }
0xd1: {  	[sflag:s0] =	ssyncadd.s32 @!p0 s1  }
0xd2: {  	[bflag:$0x3] =	sbarrier.arrive $0xFFFF  }
0xd3: {  	_ =	shalt  }

</sc_bundles>
